<compile_context>
chip_gen: v7x
topology: tpu7x:2x2x1
jax: 0.10.2.dev20260603
libtpu: 0.0.44.dev20260713+nightly
codegen_flags: <defaults>
</compile_context>

<pallas_src>
import functools

import jax
import jax.numpy as jnp
from jax import lax
from jax.experimental import pallas as pl
from jax.experimental.pallas import tpu as pltpu
from jax.experimental.pallas import tpu_sc as plsc

_N = 10000
_E = 320000
_H = 128
_G = 64

_NC = 2
_NS = 16
_NW = _NC * _NS
_EPW = _E // _NW
_CH = 40
_NCHUNK = _EPW // _CH
_NB = 7
_NP = 10240
_RPT = _NP // _NS

_mesh = plsc.VectorSubcoreMesh(
    core_axis_name="c", subcore_axis_name="s", num_cores=_NC, num_subcores=_NS
)


def _deg_body(eflat_hbm, out_hbm, dst_v, deg_v):
    c = lax.axis_index("c")
    s = lax.axis_index("s")
    wid = c * _NS + s
    base = _E + wid * _EPW
    pltpu.sync_copy(eflat_hbm.at[pl.ds(base, _EPW)], dst_v)

    zero = jnp.zeros((16,), jnp.float32)

    def zb(i, carry):
        deg_v[pl.ds(i * 16, 16)] = zero
        return carry

    lax.fori_loop(0, _N // 16, zb, 0)

    ones = jnp.ones((16,), jnp.float32)

    def body(i, carry):
        idx = dst_v[pl.ds(i * 16, 16)]
        plsc.addupdate_scatter(deg_v, [idx], ones)
        return carry

    lax.fori_loop(0, _EPW // 16, body, 0)
    pltpu.sync_copy(deg_v, out_hbm.at[wid])


_deg_call = functools.partial(
    pl.kernel,
    out_type=jax.ShapeDtypeStruct((_NW, _N), jnp.float32),
    mesh=_mesh,
    scratch_types=[
        pltpu.VMEM((_EPW,), jnp.int32),
        pltpu.VMEM((_N,), jnp.float32),
    ],
    compiler_params=pltpu.CompilerParams(needs_layout_passes=False),
)(_deg_body)


def _scat_body(hp_hbm, eflat_hbm, out_hbm, sidx_v, didx_v,
               rows0, rows1, rows2, rows3, rows4, rows5, rows6, acc_sh,
               gsem0, gsem1, gsem2, gsem3, gsem4, gsem5, gsem6,
               ssem0, ssem1, ssem2, ssem3, ssem4, ssem5, ssem6,
               isem0, isem1, isem2, isem3, isem4, isem5, isem6):
    c = lax.axis_index("c")
    s = lax.axis_index("s")
    wid = c * _NS + s
    base = wid * _EPW

    pltpu.sync_copy(eflat_hbm.at[pl.ds(base, _EPW)], sidx_v)

    rows = (rows0, rows1, rows2, rows3, rows4, rows5, rows6)
    gsem = (gsem0, gsem1, gsem2, gsem3, gsem4, gsem5, gsem6)
    ssem = (ssem0, ssem1, ssem2, ssem3, ssem4, ssem5, ssem6)
    isem = (isem0, isem1, isem2, isem3, isem4, isem5, isem6)

    def gather(k, b):
        pltpu.async_copy(hp_hbm.at[sidx_v.at[pl.ds(k * _CH, _CH)]],
                         rows[b], gsem[b])

    def dfetch(k, b):
        pltpu.async_copy(
            eflat_hbm.at[pl.ds(_E + base + k * _CH, _CH)],
            didx_v.at[b], isem[b])

    zero = jnp.zeros((16,), jnp.float32)

    def zb(i, carry):
        for j in range(8):
            rows0[i, pl.ds(j * 16, 16)] = zero
            rows1[i, pl.ds(j * 16, 16)] = zero
        return carry

    lax.fori_loop(0, _CH, zb, 0)
    row0 = s * _RPT
    for k in range(_RPT // (2 * _CH)):
        pltpu.sync_copy(rows0, acc_sh.at[pl.ds(row0 + 2 * k * _CH, _CH)])
        pltpu.sync_copy(rows1, acc_sh.at[pl.ds(row0 + (2 * k + 1) * _CH, _CH)])

    for b in range(_NB):
        gather(b, b)
        dfetch(b, b)
    plsc.subcore_barrier()

    def step(k, b):
        pb = (b - 1) % _NB
        pltpu.make_async_copy(hp_hbm.at[sidx_v.at[pl.ds(0, _CH)]],
                              rows[b], gsem[b]).wait()
        pltpu.make_async_copy(eflat_hbm.at[pl.ds(0, _CH)],
                              didx_v.at[b], isem[b]).wait()
        pltpu.async_copy(rows[b], acc_sh.at[didx_v.at[b]], ssem[b], add=True)

        @pl.when(k >= 1)
        def _():
            pltpu.make_async_copy(rows[pb], acc_sh.at[didx_v.at[pb]],
                                  ssem[pb]).wait()

            @pl.when(k - 1 + _NB < _NCHUNK)
            def _():
                gather(k - 1 + _NB, pb)
                dfetch(k - 1 + _NB, pb)

    def hexstep(j, carry):
        for b in range(_NB):
            step(_NB * j + b, b)
        return carry

    lax.fori_loop(0, _NCHUNK // _NB, hexstep, 0)
    for t in range(_NCHUNK - _NCHUNK % _NB, _NCHUNK):
        step(t, t % _NB)
    lb = (_NCHUNK - 1) % _NB
    pltpu.make_async_copy(rows[lb], acc_sh.at[didx_v.at[lb]], ssem[lb]).wait()
    plsc.subcore_barrier()

    pltpu.sync_copy(
        acc_sh.at[pl.ds(row0, _RPT)], out_hbm.at[c, pl.ds(row0, _RPT)]
    )


_scat_call = functools.partial(
    pl.kernel,
    out_type=jax.ShapeDtypeStruct((_NC, _NP, _H), jnp.float32),
    mesh=_mesh,
    scratch_types=[
        pltpu.VMEM((_EPW,), jnp.int32),
        pltpu.VMEM((_NB, _CH), jnp.int32),
        pltpu.VMEM((_CH, _H), jnp.float32),
        pltpu.VMEM((_CH, _H), jnp.float32),
        pltpu.VMEM((_CH, _H), jnp.float32),
        pltpu.VMEM((_CH, _H), jnp.float32),
        pltpu.VMEM((_CH, _H), jnp.float32),
        pltpu.VMEM((_CH, _H), jnp.float32),
        pltpu.VMEM((_CH, _H), jnp.float32),
        pltpu.VMEM_SHARED((_NP, _H), jnp.float32),
    ] + [pltpu.SemaphoreType.DMA] * 21,
)(_scat_body)


_BR = 1000
_GRID = _N // _BR

_PREC = jax.lax.Precision.HIGHEST


def _mm1_body(x_ref, w_ref, disb_ref, o_ref):
    h = jnp.dot(x_ref[...], w_ref[...], precision=_PREC,
                preferred_element_type=jnp.float32)
    o_ref[...] = disb_ref[...] * h


def _mm1_call(x, W1, disb):
    return pl.pallas_call(
        _mm1_body,
        grid=(_GRID,),
        in_specs=[
            pl.BlockSpec((_BR, _H), lambda i: (i, 0)),
            pl.BlockSpec((_H, _H), lambda i: (0, 0)),
            pl.BlockSpec((_BR, _H), lambda i: (i, 0)),
        ],
        out_specs=pl.BlockSpec((_BR, _H), lambda i: (i, 0)),
        out_shape=jax.ShapeDtypeStruct((_N, _H), jnp.float32),
    )(x, W1, disb)


def _mm2_body(p_ref, hp_ref, disb_ref, b_ref, w_ref, o_ref):
    disb = disb_ref[...]
    z = disb * (p_ref[0] + p_ref[1] + hp_ref[...]) + b_ref[...]
    z = jnp.maximum(z, 0.0)
    h = jnp.dot(z, w_ref[...], precision=_PREC,
                preferred_element_type=jnp.float32)
    o_ref[...] = disb * h


def _mm2_call(p, hp, disb, b, W):
    blk = pl.BlockSpec((_BR, _H), lambda i: (i, 0))
    return pl.pallas_call(
        _mm2_body,
        grid=(_GRID,),
        in_specs=[
            pl.BlockSpec((_NC, _BR, _H), lambda i: (0, i, 0)),
            blk, blk,
            pl.BlockSpec((1, _H), lambda i: (0, 0)),
            pl.BlockSpec((_H, _H), lambda i: (0, 0)),
        ],
        out_specs=blk,
        out_shape=jax.ShapeDtypeStruct((_N, _H), jnp.float32),
    )(p, hp, disb, b, W)


def _mm3_body(q_ref, hp_ref, disb_ref, b_ref, batch_ref, wp_ref,
              bp_ref, o_ref, acc, cnt):
    i = pl.program_id(0)

    @pl.when(i == 0)
    def _():
        acc[...] = jnp.zeros_like(acc)
        cnt[...] = jnp.zeros_like(cnt)

    z = disb_ref[...] * (q_ref[0] + q_ref[1] + hp_ref[...]) + b_ref[...]
    z = jnp.maximum(z, 0.0)

    bvec = batch_ref[0]
    gids = lax.broadcasted_iota(jnp.int32, (_G, 1), 0)
    onehot_t = (bvec == gids).astype(jnp.float32)
    acc[...] += jnp.dot(onehot_t, z, precision=_PREC,
                        preferred_element_type=jnp.float32)
    cnt[...] += jnp.dot(onehot_t, jnp.ones((_BR, _H), jnp.float32),
                        precision=_PREC, preferred_element_type=jnp.float32)

    @pl.when(i == _GRID - 1)
    def _():
        pooled = acc[...] / jnp.maximum(cnt[...], 1.0)
        o_ref[...] = jnp.dot(pooled, wp_ref[...], precision=_PREC,
                             preferred_element_type=jnp.float32) + bp_ref[...]


def _mm3_call(q, hp, disb, b, batch3, Wp, bp):
    blk = pl.BlockSpec((_BR, _H), lambda i: (i, 0))
    row = pl.BlockSpec((1, _H), lambda i: (0, 0))
    return pl.pallas_call(
        _mm3_body,
        grid=(_GRID,),
        in_specs=[
            pl.BlockSpec((_NC, _BR, _H), lambda i: (0, i, 0)),
            blk, blk, row,
            pl.BlockSpec((1, 1, _BR), lambda i: (i, 0, 0)),
            pl.BlockSpec((_H, _H), lambda i: (0, 0)),
            row,
        ],
        out_specs=pl.BlockSpec((_G, _H), lambda i: (0, 0)),
        out_shape=jax.ShapeDtypeStruct((_G, _H), jnp.float32),
        scratch_shapes=[
            pltpu.VMEM((_G, _H), jnp.float32),
            pltpu.VMEM((_G, _H), jnp.float32),
        ],
    )(q, hp, disb, b, batch3, Wp, bp)


def kernel(x, edge_index, batch, W1, b1, W2, b2, Wp, bp):
    eflat = edge_index.reshape(2 * _E)
    degp = _deg_call(eflat)
    deg = jnp.sum(degp, axis=0) + 1.0
    disb = jnp.broadcast_to(lax.rsqrt(deg)[:, None], (_N, _H))

    h1p = _mm1_call(x, W1, disb)
    p = _scat_call(h1p, eflat)
    h2p = _mm2_call(p, h1p, disb, b1.reshape(1, _H), W2)
    q = _scat_call(h2p, eflat)
    out = _mm3_call(q, h2p, disb, b2.reshape(1, _H),
                    batch.reshape(_GRID, 1, _BR), Wp, bp.reshape(1, _H))
    return out

# --- scband reference (transcript-rebuilt; emitter-appended) ---
"""Pipeline reference for scband-gnnencoder-80530636800004 (READ-ONLY COPY).

The authoritative reference and input builder live on the scoring server;
editing this copy changes nothing except your own understanding.
"""

import jax, jax.numpy as jnp
import numpy as np

N = 10000
E = 320000
D = 128
H = 128
EMB = 128
G = 64

def gcn_layer(x, src, dst, W, b, n):
    # PyG GCNConv: h = x @ W; add self-loops; symmetric normalization; scatter-add; + bias
    loop = jnp.arange(n, dtype=src.dtype)
    s = jnp.concatenate([src, loop])
    d = jnp.concatenate([dst, loop])
    deg = jnp.zeros((n,), dtype=x.dtype).at[d].add(1.0)
    dis = jnp.where(deg > 0, jax.lax.rsqrt(jnp.maximum(deg, 1e-12)), 0.0)
    norm = dis[s] * dis[d]
    h = x @ W
    msg = h[s] * norm[:, None]
    out = jnp.zeros((n, W.shape[1]), dtype=x.dtype).at[d].add(msg)
    return out + b

def setup_inputs(seed: int = 0):
    key = jax.random.key(seed)
    ks = jax.random.split(key, 8)
    x = jax.random.normal(ks[0], (N, D), dtype=jnp.float32)
    edge_index = jax.random.randint(ks[1], (2, E), 0, N, dtype=jnp.int32)
    batch = jnp.sort(jax.random.randint(ks[2], (N,), 0, G, dtype=jnp.int32))
    W1 = jax.random.normal(ks[3], (D, H), dtype=jnp.float32) * 0.05
    b1 = jnp.zeros((H,), dtype=jnp.float32)
    W2 = jax.random.normal(ks[4], (H, H), dtype=jnp.float32) * 0.05
    b2 = jnp.zeros((H,), dtype=jnp.float32)
    Wp = jax.random.normal(ks[5], (H, EMB), dtype=jnp.float32) * 0.05
    bp = jnp.zeros((EMB,), dtype=jnp.float32)
    return {"x": x, "edge_index": edge_index, "batch": batch,
            "W1": W1, "b1": b1, "W2": W2, "b2": b2, "Wp": Wp, "bp": bp}

def reference(x, edge_index, batch, W1, b1, W2, b2, Wp, bp):
    src, dst = edge_index[0], edge_index[1]
    h = gcn_layer(x, src, dst, W1, b1, N)
    h = jax.nn.relu(h)
    # dropout p=0.2 is identity in eval mode
    h = gcn_layer(h, src, dst, W2, b2, N)
    h = jax.nn.relu(h)
    seg_sum = jax.ops.segment_sum(h, batch, num_segments=G)
    cnt = jax.ops.segment_sum(jnp.ones((N,), dtype=h.dtype), batch, num_segments=G)
    pooled = seg_sum / jnp.maximum(cnt, 1.0)[:, None]
    return pooled @ Wp + bp

if __name__ == "__main__":
    import jax
    _d = setup_inputs()
    print(jax.jit(kernel)(*tuple(_d.values())))

</pallas_src>

<mosaic_0001>
#map = affine_map<(d0, d1) -> (0)>
#map1 = affine_map<(d0, d1) -> (0, 0)>
module attributes {stable_mosaic.version = 14 : i64} {
  func.func @_deg_body(%arg0: i32, %arg1: i32, %arg2: memref<640000xi32, #tpu.memory_space<hbm>>, %arg3: memref<32x10000xf32, #tpu.memory_space<hbm>>, %arg4: memref<10000xi32, #tpu.memory_space<vmem>>, %arg5: memref<10000xf32, #tpu.memory_space<vmem>>) attributes {dimension_semantics = [#tpu.dimension_semantics<core_parallel>, #tpu.dimension_semantics<subcore_parallel>], iteration_bounds = array<i64: 2, 16>, scalar_prefetch = 0 : i64, scratch_operands = 2 : i64, tpu.core_type = #tpu.core_type<sc_vector_subcore>, window_params = [{transform_indices = #map}, {transform_indices = #map1}]} {
    %mul3A = arith.constant 16 : i32
    %mul3A_0 = arith.muli %arg0, %mul3A : i32
    %add3A = arith.addi %mul3A_0, %arg1 : i32
    %mul3A_1 = arith.constant 10000 : i32
    %mul3A_2 = arith.muli %add3A, %mul3A_1 : i32
    %add3A_3 = arith.constant 320000 : i32
    %add3A_4 = arith.addi %add3A_3, %mul3A_2 : i32
    "tpu.region"() ({
      %run_scoped3A = tpu.sem_alloc : memref<!tpu.dma_semaphore, #tpu.memory_space<semaphore_mem>>
      %dma_start3A = tpu.memref_slice %arg2[%add3A_4] : memref<640000xi32, #tpu.memory_space<hbm>> -> memref<10000xi32, #tpu.memory_space<hbm>>
      %dma_start3A_19 = tpu.memref_slice %arg2[%add3A_4] : memref<640000xi32, #tpu.memory_space<hbm>> -> memref<10000xi32, #tpu.memory_space<hbm>>
      tpu.enqueue_dma source(%dma_start3A_19 : memref<10000xi32, #tpu.memory_space<hbm>>) target(%arg4 : memref<10000xi32, #tpu.memory_space<vmem>>) target_semaphore(%run_scoped3A : memref<!tpu.dma_semaphore, #tpu.memory_space<semaphore_mem>>)
      %dma_wait3A = tpu.memref_slice %arg2[%add3A_4] : memref<640000xi32, #tpu.memory_space<hbm>> -> memref<10000xi32, #tpu.memory_space<hbm>>
      %dma_wait3A_20 = tpu.memref_slice %arg2[%add3A_4] : memref<640000xi32, #tpu.memory_space<hbm>> -> memref<10000xi32, #tpu.memory_space<hbm>>
      tpu.wait_dma2 semaphore(%run_scoped3A : memref<!tpu.dma_semaphore, #tpu.memory_space<semaphore_mem>>) src(%dma_wait3A_20 : memref<10000xi32, #tpu.memory_space<hbm>>) dst(%arg4 : memref<10000xi32, #tpu.memory_space<vmem>>)
      tpu.yield
    }) : () -> ()
    %broadcast_in_dim3A = arith.constant 0.000000e+00 : f32
    %broadcast_in_dim3A_5 = vector.broadcast %broadcast_in_dim3A : f32 to vector<16xf32>
    %scan3A = arith.constant 0 : i32
    %scan3A_6 = arith.constant 0 : i32
    %scan3A_7 = arith.constant 625 : i32
    %scan3A_8 = arith.addi %scan3A_6, %scan3A_7 : i32
    %scan3A_9 = arith.constant 1 : i32
    scf.for %scan3A_19 = %scan3A_6 to %scan3A_8 step %scan3A_9  : i32 {
      %mul3A_20 = arith.constant 16 : i32
      %mul3A_21 = arith.muli %scan3A_19, %mul3A_20 : i32
      %swap3A = arith.index_cast %mul3A_21 : i32 to index
      %swap3A_22 = tpu.vector_load %arg5[%swap3A] {strides = array<i32>} : memref<10000xf32, #tpu.memory_space<vmem>>, vector<16xf32>,
      tpu.vector_store %arg5[%swap3A], %broadcast_in_dim3A_5 {strides = array<i32>} : memref<10000xf32, #tpu.memory_space<vmem>>, vector<16xf32>,
    }
    %scan3A_10 = arith.constant 625 : i32
    %broadcast_in_dim3A_11 = arith.constant 1.000000e+00 : f32
    %broadcast_in_dim3A_12 = vector.broadcast %broadcast_in_dim3A_11 : f32 to vector<16xf32>
    %scan3A_13 = arith.constant 0 : i32
    %scan3A_14 = arith.constant 0 : i32
    %scan3A_15 = arith.constant 625 : i32
    %scan3A_16 = arith.addi %scan3A_14, %scan3A_15 : i32
    %scan3A_17 = arith.constant 1 : i32
    scf.for %scan3A_19 = %scan3A_14 to %scan3A_16 step %scan3A_17  : i32 {
      %mul3A_20 = arith.constant 16 : i32
      %mul3A_21 = arith.muli %scan3A_19, %mul3A_20 : i32
      %get3A = arith.index_cast %mul3A_21 : i32 to index
      %get3A_22 = tpu.vector_load %arg4[%get3A] {strides = array<i32>} : memref<10000xi32, #tpu.memory_space<vmem>>, vector<16xi32>,
      tpu.vector_store_idx %arg5[%get3A_22], %broadcast_in_dim3A_12 {add = true} : memref<10000xf32, #tpu.memory_space<vmem>>[vector<16xi32>], vector<16xf32>,
    }
    %scan3A_18 = arith.constant 625 : i32
    "tpu.region"() ({
      %run_scoped3A = tpu.sem_alloc : memref<!tpu.dma_semaphore, #tpu.memory_space<semaphore_mem>>
      %dma_start3A = arith.constant 0 : i32
      %dma_start3A_19 = tpu.memref_slice %arg3[%add3A, %dma_start3A] : memref<32x10000xf32, #tpu.memory_space<hbm>> -> memref<1x10000xf32, #tpu.memory_space<hbm>>
      %dma_start3A_20 = tpu.memref_squeeze %dma_start3A_19 : memref<1x10000xf32, #tpu.memory_space<hbm>> -> memref<10000xf32, #tpu.memory_space<hbm>>
      %dma_start3A_21 = arith.constant 0 : i32
      %dma_start3A_22 = tpu.memref_slice %arg3[%add3A, %dma_start3A_21] : memref<32x10000xf32, #tpu.memory_space<hbm>> -> memref<1x10000xf32, #tpu.memory_space<hbm>>
      %dma_start3A_23 = tpu.memref_squeeze %dma_start3A_22 : memref<1x10000xf32, #tpu.memory_space<hbm>> -> memref<10000xf32, #tpu.memory_space<hbm>>
      tpu.enqueue_dma source(%arg5 : memref<10000xf32, #tpu.memory_space<vmem>>) target(%dma_start3A_23 : memref<10000xf32, #tpu.memory_space<hbm>>) target_semaphore(%run_scoped3A : memref<!tpu.dma_semaphore, #tpu.memory_space<semaphore_mem>>)
      %dma_wait3A = arith.constant 0 : i32
      %dma_wait3A_24 = tpu.memref_slice %arg3[%add3A, %dma_wait3A] : memref<32x10000xf32, #tpu.memory_space<hbm>> -> memref<1x10000xf32, #tpu.memory_space<hbm>>
      %dma_wait3A_25 = tpu.memref_squeeze %dma_wait3A_24 : memref<1x10000xf32, #tpu.memory_space<hbm>> -> memref<10000xf32, #tpu.memory_space<hbm>>
      %dma_wait3A_26 = arith.constant 0 : i32
      %dma_wait3A_27 = tpu.memref_slice %arg3[%add3A, %dma_wait3A_26] : memref<32x10000xf32, #tpu.memory_space<hbm>> -> memref<1x10000xf32, #tpu.memory_space<hbm>>
      %dma_wait3A_28 = tpu.memref_squeeze %dma_wait3A_27 : memref<1x10000xf32, #tpu.memory_space<hbm>> -> memref<10000xf32, #tpu.memory_space<hbm>>
      tpu.wait_dma2 semaphore(%run_scoped3A : memref<!tpu.dma_semaphore, #tpu.memory_space<semaphore_mem>>) src(%arg5 : memref<10000xf32, #tpu.memory_space<vmem>>) dst(%dma_wait3A_28 : memref<10000xf32, #tpu.memory_space<hbm>>)
      tpu.yield
    }) : () -> ()
    return
  }
}

#map = affine_map<(d0, d1) -> (0, 0)>
#map1 = affine_map<(d0, d1) -> (0)>
#map2 = affine_map<(d0, d1) -> (0, 0, 0)>
module attributes {stable_mosaic.version = 14 : i64} {
  func.func @_scat_body(%arg0: i32, %arg1: i32, %arg2: memref<10000x128xf32, #tpu.memory_space<hbm>>, %arg3: memref<640000xi32, #tpu.memory_space<hbm>>, %arg4: memref<2x10240x128xf32, #tpu.memory_space<hbm>>, %arg5: memref<10000xi32, #tpu.memory_space<vmem>>, %arg6: memref<7x40xi32, #tpu.memory_space<vmem>>, %arg7: memref<40x128xf32, #tpu.memory_space<vmem>>, %arg8: memref<40x128xf32, #tpu.memory_space<vmem>>, %arg9: memref<40x128xf32, #tpu.memory_space<vmem>>, %arg10: memref<40x128xf32, #tpu.memory_space<vmem>>, %arg11: memref<40x128xf32, #tpu.memory_space<vmem>>, %arg12: memref<40x128xf32, #tpu.memory_space<vmem>>, %arg13: memref<40x128xf32, #tpu.memory_space<vmem>>, %arg14: memref<10240x128xf32, #tpu.memory_space<vmem_shared>>, %arg15: memref<!tpu.dma_semaphore, #tpu.memory_space<semaphore_mem>>, %arg16: memref<!tpu.dma_semaphore, #tpu.memory_space<semaphore_mem>>, %arg17: memref<!tpu.dma_semaphore, #tpu.memory_space<semaphore_mem>>, %arg18: memref<!tpu.dma_semaphore, #tpu.memory_space<semaphore_mem>>, %arg19: memref<!tpu.dma_semaphore, #tpu.memory_space<semaphore_mem>>, %arg20: memref<!tpu.dma_semaphore, #tpu.memory_space<semaphore_mem>>, %arg21: memref<!tpu.dma_semaphore, #tpu.memory_space<semaphore_mem>>, %arg22: memref<!tpu.dma_semaphore, #tpu.memory_space<semaphore_mem>>, %arg23: memref<!tpu.dma_semaphore, #tpu.memory_space<semaphore_mem>>, %arg24: memref<!tpu.dma_semaphore, #tpu.memory_space<semaphore_mem>>, %arg25: memref<!tpu.dma_semaphore, #tpu.memory_space<semaphore_mem>>, %arg26: memref<!tpu.dma_semaphore, #tpu.memory_space<semaphore_mem>>, %arg27: memref<!tpu.dma_semaphore, #tpu.memory_space<semaphore_mem>>, %arg28: memref<!tpu.dma_semaphore, #tpu.memory_space<semaphore_mem>>, %arg29: memref<!tpu.dma_semaphore, #tpu.memory_space<semaphore_mem>>, %arg30: memref<!tpu.dma_semaphore, #tpu.memory_space<semaphore_mem>>, %arg31: memref<!tpu.dma_semaphore, #tpu.memory_space<semaphore_mem>>, %arg32: memref<!tpu.dma_semaphore, #tpu.memory_space<semaphore_mem>>, %arg33: memref<!tpu.dma_semaphore, #tpu.memory_space<semaphore_mem>>, %arg34: memref<!tpu.dma_semaphore, #tpu.memory_space<semaphore_mem>>, %arg35: memref<!tpu.dma_semaphore, #tpu.memory_space<semaphore_mem>>) attributes {dimension_semantics = [#tpu.dimension_semantics<core_parallel>, #tpu.dimension_semantics<subcore_parallel>], iteration_bounds = array<i64: 2, 16>, scalar_prefetch = 0 : i64, scratch_operands = 31 : i64, tpu.core_type = #tpu.core_type<sc_vector_subcore>, window_params = [{transform_indices = #map}, {transform_indices = #map1}, {transform_indices = #map2}]} {
    %mul3A = arith.constant 16 : i32
    %mul3A_0 = arith.muli %arg0, %mul3A : i32
    %add3A = arith.addi %mul3A_0, %arg1 : i32
    %mul3A_1 = arith.constant 10000 : i32
    %mul3A_2 = arith.muli %add3A, %mul3A_1 : i32
    "tpu.region"() ({
      %run_scoped3A = tpu.sem_alloc : memref<!tpu.dma_semaphore, #tpu.memory_space<semaphore_mem>>
      %dma_start3A_331 = tpu.memref_slice %arg3[%mul3A_2] : memref<640000xi32, #tpu.memory_space<hbm>> -> memref<10000xi32, #tpu.memory_space<hbm>>
      %dma_start3A_332 = tpu.memref_slice %arg3[%mul3A_2] : memref<640000xi32, #tpu.memory_space<hbm>> -> memref<10000xi32, #tpu.memory_space<hbm>>
      tpu.enqueue_dma source(%dma_start3A_332 : memref<10000xi32, #tpu.memory_space<hbm>>) target(%arg5 : memref<10000xi32, #tpu.memory_space<vmem>>) target_semaphore(%run_scoped3A : memref<!tpu.dma_semaphore, #tpu.memory_space<semaphore_mem>>)
      %dma_wait3A_333 = tpu.memref_slice %arg3[%mul3A_2] : memref<640000xi32, #tpu.memory_space<hbm>> -> memref<10000xi32, #tpu.memory_space<hbm>>
      %dma_wait3A_334 = tpu.memref_slice %arg3[%mul3A_2] : memref<640000xi32, #tpu.memory_space<hbm>> -> memref<10000xi32, #tpu.memory_space<hbm>>
      tpu.wait_dma2 semaphore(%run_scoped3A : memref<!tpu.dma_semaphore, #tpu.memory_space<semaphore_mem>>) src(%dma_wait3A_334 : memref<10000xi32, #tpu.memory_space<hbm>>) dst(%arg5 : memref<10000xi32, #tpu.memory_space<vmem>>)
      tpu.yield
    }) : () -> ()
    %broadcast_in_dim3A = arith.constant 0.000000e+00 : f32
    %broadcast_in_dim3A_3 = vector.broadcast %broadcast_in_dim3A : f32 to vector<16xf32>
    %scan3A = arith.constant 0 : i32
    %scan3A_4 = arith.constant 0 : i32
    %scan3A_5 = arith.constant 40 : i32
    %scan3A_6 = arith.addi %scan3A_4, %scan3A_5 : i32
    %scan3A_7 = arith.constant 1 : i32
    scf.for %scan3A_331 = %scan3A_4 to %scan3A_6 step %scan3A_7  : i32 {
      %swap3A = arith.index_cast %scan3A_331 : i32 to index
      %swap3A_332 = arith.constant 0 : index
      %swap3A_333 = tpu.vector_load %arg7[%swap3A, %swap3A_332] {strides = array<i32>} : memref<40x128xf32, #tpu.memory_space<vmem>>, vector<1x16xf32>,
      %swap3A_334 = vector.shape_cast %swap3A_333 : vector<1x16xf32> to vector<16xf32>
      %swap3A_335 = vector.shape_cast %broadcast_in_dim3A_3 : vector<16xf32> to vector<1x16xf32>
      tpu.vector_store %arg7[%swap3A, %swap3A_332], %swap3A_335 {strides = array<i32>} : memref<40x128xf32, #tpu.memory_space<vmem>>, vector<1x16xf32>,
      %swap3A_336 = arith.index_cast %scan3A_331 : i32 to index
      %swap3A_337 = arith.constant 0 : index
      %swap3A_338 = tpu.vector_load %arg8[%swap3A_336, %swap3A_337] {strides = array<i32>} : memref<40x128xf32, #tpu.memory_space<vmem>>, vector<1x16xf32>,
      %swap3A_339 = vector.shape_cast %swap3A_338 : vector<1x16xf32> to vector<16xf32>
      %swap3A_340 = vector.shape_cast %broadcast_in_dim3A_3 : vector<16xf32> to vector<1x16xf32>
      tpu.vector_store %arg8[%swap3A_336, %swap3A_337], %swap3A_340 {strides = array<i32>} : memref<40x128xf32, #tpu.memory_space<vmem>>, vector<1x16xf32>,
      %swap3A_341 = arith.index_cast %scan3A_331 : i32 to index
      %swap3A_342 = arith.constant 16 : index
      %swap3A_343 = tpu.vector_load %arg7[%swap3A_341, %swap3A_342] {strides = array<i32>} : memref<40x128xf32, #tpu.memory_space<vmem>>, vector<1x16xf32>,
      %swap3A_344 = vector.shape_cast %swap3A_343 : vector<1x16xf32> to vector<16xf32>
      %swap3A_345 = vector.shape_cast %broadcast_in_dim3A_3 : vector<16xf32> to vector<1x16xf32>
      tpu.vector_store %arg7[%swap3A_341, %swap3A_342], %swap3A_345 {strides = array<i32>} : memref<40x128xf32, #tpu.memory_space<vmem>>, vector<1x16xf32>,
      %swap3A_346 = arith.index_cast %scan3A_331 : i32 to index
      %swap3A_347 = arith.constant 16 : index
      %swap3A_348 = tpu.vector_load %arg8[%swap3A_346, %swap3A_347] {strides = array<i32>} : memref<40x128xf32, #tpu.memory_space<vmem>>, vector<1x16xf32>,
      %swap3A_349 = vector.shape_cast %swap3A_348 : vector<1x16xf32> to vector<16xf32>
      %swap3A_350 = vector.shape_cast %broadcast_in_dim3A_3 : vector<16xf32> to vector<1x16xf32>
      tpu.vector_store %arg8[%swap3A_346, %swap3A_347], %swap3A_350 {strides = array<i32>} : memref<40x128xf32, #tpu.memory_space<vmem>>, vector<1x16xf32>,
      %swap3A_351 = arith.index_cast %scan3A_331 : i32 to index
      %swap3A_352 = arith.constant 32 : index
      %swap3A_353 = tpu.vector_load %arg7[%swap3A_351, %swap3A_352] {strides = array<i32>} : memref<40x128xf32, #tpu.memory_space<vmem>>, vector<1x16xf32>,
      %swap3A_354 = vector.shape_cast %swap3A_353 : vector<1x16xf32> to vector<16xf32>
      %swap3A_355 = vector.shape_cast %broadcast_in_dim3A_3 : vector<16xf32> to vector<1x16xf32>
      tpu.vector_store %arg7[%swap3A_351, %swap3A_352], %swap3A_355 {strides = array<i32>} : memref<40x128xf32, #tpu.memory_space<vmem>>, vector<1x16xf32>,
      %swap3A_356 = arith.index_cast %scan3A_331 : i32 to index
      %swap3A_357 = arith.constant 32 : index
      %swap3A_358 = tpu.vector_load %arg8[%swap3A_356, %swap3A_357] {strides = array<i32>} : memref<40x128xf32, #tpu.memory_space<vmem>>, vector<1x16xf32>,
      %swap3A_359 = vector.shape_cast %swap3A_358 : vector<1x16xf32> to vector<16xf32>
      %swap3A_360 = vector.shape_cast %broadcast_in_dim3A_3 : vector<16xf32> to vector<1x16xf32>
      tpu.vector_store %arg8[%swap3A_356, %swap3A_357], %swap3A_360 {strides = array<i32>} : memref<40x128xf32, #tpu.memory_space<vmem>>, vector<1x16xf32>,
      %swap3A_361 = arith.index_cast %scan3A_331 : i32 to index
      %swap3A_362 = arith.constant 48 : index
      %swap3A_363 = tpu.vector_load %arg7[%swap3A_361, %swap3A_362] {strides = array<i32>} : memref<40x128xf32, #tpu.memory_space<vmem>>, vector<1x16xf32>,
      %swap3A_364 = vector.shape_cast %swap3A_363 : vector<1x16xf32> to vector<16xf32>
      %swap3A_365 = vector.shape_cast %broadcast_in_dim3A_3 : vector<16xf32> to vector<1x16xf32>
      tpu.vector_store %arg7[%swap3A_361, %swap3A_362], %swap3A_365 {strides = array<i32>} : memref<40x128xf32, #tpu.memory_space<vmem>>, vector<1x16xf32>,
      %swap3A_366 = arith.index_cast %scan3A_331 : i32 to index
      %swap3A_367 = arith.constant 48 : index
      %swap3A_368 = tpu.vector_load %arg8[%swap3A_366, %swap3A_367] {strides = array<i32>} : memref<40x128xf32, #tpu.memory_space<vmem>>, vector<1x16xf32>,
      %swap3A_369 = vector.shape_cast %swap3A_368 : vector<1x16xf32> to vector<16xf32>
      %swap3A_370 = vector.shape_cast %broadcast_in_dim3A_3 : vector<16xf32> to vector<1x16xf32>
      tpu.vector_store %arg8[%swap3A_366, %swap3A_367], %swap3A_370 {strides = array<i32>} : memref<40x128xf32, #tpu.memory_space<vmem>>, vector<1x16xf32>,
      %swap3A_371 = arith.index_cast %scan3A_331 : i32 to index
      %swap3A_372 = arith.constant 64 : index
      %swap3A_373 = tpu.vector_load %arg7[%swap3A_371, %swap3A_372] {strides = array<i32>} : memref<40x128xf32, #tpu.memory_space<vmem>>, vector<1x16xf32>,
      %swap3A_374 = vector.shape_cast %swap3A_373 : vector<1x16xf32> to vector<16xf32>
      %swap3A_375 = vector.shape_cast %broadcast_in_dim3A_3 : vector<16xf32> to vector<1x16xf32>
      tpu.vector_store %arg7[%swap3A_371, %swap3A_372], %swap3A_375 {strides = array<i32>} : memref<40x128xf32, #tpu.memory_space<vmem>>, vector<1x16xf32>,
      %swap3A_376 = arith.index_cast %scan3A_331 : i32 to index
      %swap3A_377 = arith.constant 64 : index
      %swap3A_378 = tpu.vector_load %arg8[%swap3A_376, %swap3A_377] {strides = array<i32>} : memref<40x128xf32, #tpu.memory_space<vmem>>, vector<1x16xf32>,
      %swap3A_379 = vector.shape_cast %swap3A_378 : vector<1x16xf32> to vector<16xf32>
      %swap3A_380 = vector.shape_cast %broadcast_in_dim3A_3 : vector<16xf32> to vector<1x16xf32>
      tpu.vector_store %arg8[%swap3A_376, %swap3A_377], %swap3A_380 {strides = array<i32>} : memref<40x128xf32, #tpu.memory_space<vmem>>, vector<1x16xf32>,
      %swap3A_381 = arith.index_cast %scan3A_331 : i32 to index
      %swap3A_382 = arith.constant 80 : index
      %swap3A_383 = tpu.vector_load %arg7[%swap3A_381, %swap3A_382] {strides = array<i32>} : memref<40x128xf32, #tpu.memory_space<vmem>>, vector<1x16xf32>,
      %swap3A_384 = vector.shape_cast %swap3A_383 : vector<1x16xf32> to vector<16xf32>
      %swap3A_385 = vector.shape_cast %broadcast_in_dim3A_3 : vector<16xf32> to vector<1x16xf32>
      tpu.vector_store %arg7[%swap3A_381, %swap3A_382], %swap3A_385 {strides = array<i32>} : memref<40x128xf32, #tpu.memory_space<vmem>>, vector<1x16xf32>,
      %swap3A_386 = arith.index_cast %scan3A_331 : i32 to index
      %swap3A_387 = arith.constant 80 : index
      %swap3A_388 = tpu.vector_load %arg8[%swap3A_386, %swap3A_387] {strides = array<i32>} : memref<40x128xf32, #tpu.memory_space<vmem>>, vector<1x16xf32>,
      %swap3A_389 = vector.shape_cast %swap3A_388 : vector<1x16xf32> to vector<16xf32>
      %swap3A_390 = vector.shape_cast %broadcast_in_dim3A_3 : vector<16xf32> to vector<1x16xf32>
      tpu.vector_store %arg8[%swap3A_386, %swap3A_387], %swap3A_390 {strides = array<i32>} : memref<40x128xf32, #tpu.memory_space<vmem>>, vector<1x16xf32>,
      %swap3A_391 = arith.index_cast %scan3A_331 : i32 to index
      %swap3A_392 = arith.constant 96 : index
      %swap3A_393 = tpu.vector_load %arg7[%swap3A_391, %swap3A_392] {strides = array<i32>} : memref<40x128xf32, #tpu.memory_space<vmem>>, vector<1x16xf32>,
      %swap3A_394 = vector.shape_cast %swap3A_393 : vector<1x16xf32> to vector<16xf32>
      %swap3A_395 = vector.shape_cast %broadcast_in_dim3A_3 : vector<16xf32> to vector<1x16xf32>
      tpu.vector_store %arg7[%swap3A_391, %swap3A_392], %swap3A_395 {strides = array<i32>} : memref<40x128xf32, #tpu.memory_space<vmem>>, vector<1x16xf32>,
      %swap3A_396 = arith.index_cast %scan3A_331 : i32 to index
      %swap3A_397 = arith.constant 96 : index
      %swap3A_398 = tpu.vector_load %arg8[%swap3A_396, %swap3A_397] {strides = array<i32>} : memref<40x128xf32, #tpu.memory_space<vmem>>, vector<1x16xf32>,
      %swap3A_399 = vector.shape_cast %swap3A_398 : vector<1x16xf32> to vector<16xf32>
      %swap3A_400 = vector.shape_cast %broadcast_in_dim3A_3 : vector<16xf32> to vector<1x16xf32>
      tpu.vector_store %arg8[%swap3A_396, %swap3A_397], %swap3A_400 {strides = array<i32>} : memref<40x128xf32, #tpu.memory_space<vmem>>, vector<1x16xf32>,
      %swap3A_401 = arith.index_cast %scan3A_331 : i32 to index
      %swap3A_402 = arith.constant 112 : index
      %swap3A_403 = tpu.vector_load %arg7[%swap3A_401, %swap3A_402] {strides = array<i32>} : memref<40x128xf32, #tpu.memory_space<vmem>>, vector<1x16xf32>,
      %swap3A_404 = vector.shape_cast %swap3A_403 : vector<1x16xf32> to vector<16xf32>
      %swap3A_405 = vector.shape_cast %broadcast_in_dim3A_3 : vector<16xf32> to vector<1x16xf32>
      tpu.vector_store %arg7[%swap3A_401, %swap3A_402], %swap3A_405 {strides = array<i32>} : memref<40x128xf32, #tpu.memory_space<vmem>>, vector<1x16xf32>,
      %swap3A_406 = arith.index_cast %scan3A_331 : i32 to index
      %swap3A_407 = arith.constant 112 : index
      %swap3A_408 = tpu.vector_load %arg8[%swap3A_406, %swap3A_407] {strides = array<i32>} : memref<40x128xf32, #tpu.memory_space<vmem>>, vector<1x16xf32>,
      %swap3A_409 = vector.shape_cast %swap3A_408 : vector<1x16xf32> to vector<16xf32>
      %swap3A_410 = vector.shape_cast %broadcast_in_dim3A_3 : vector<16xf32> to vector<1x16xf32>
      tpu.vector_store %arg8[%swap3A_406, %swap3A_407], %swap3A_410 {strides = array<i32>} : memref<40x128xf32, #tpu.memory_space<vmem>>, vector<1x16xf32>,
    }
    %scan3A_8 = arith.constant 40 : i32
    %mul3A_9 = arith.constant 640 : i32
    %mul3A_10 = arith.muli %arg1, %mul3A_9 : i32
    %add3A_11 = arith.constant 0 : i32
    %add3A_12 = arith.addi %mul3A_10, %add3A_11 : i32
    "tpu.region"() ({
      %run_scoped3A = tpu.sem_alloc : memref<!tpu.dma_semaphore, #tpu.memory_space<semaphore_mem>>
      %dma_start3A_331 = arith.constant 0 : i32
      %dma_start3A_332 = tpu.memref_slice %arg14[%add3A_12, %dma_start3A_331] : memref<10240x128xf32, #tpu.memory_space<vmem_shared>> -> memref<40x128xf32, #tpu.memory_space<vmem_shared>>
      %dma_start3A_333 = arith.constant 0 : i32
      %dma_start3A_334 = tpu.memref_slice %arg14[%add3A_12, %dma_start3A_333] : memref<10240x128xf32, #tpu.memory_space<vmem_shared>> -> memref<40x128xf32, #tpu.memory_space<vmem_shared>>
      tpu.enqueue_dma source(%arg7 : memref<40x128xf32, #tpu.memory_space<vmem>>) target(%dma_start3A_334 : memref<40x128xf32, #tpu.memory_space<vmem_shared>>) target_semaphore(%run_scoped3A : memref<!tpu.dma_semaphore, #tpu.memory_space<semaphore_mem>>)
      %dma_wait3A_335 = arith.constant 0 : i32
      %dma_wait3A_336 = tpu.memref_slice %arg14[%add3A_12, %dma_wait3A_335] : memref<10240x128xf32, #tpu.memory_space<vmem_shared>> -> memref<40x128xf32, #tpu.memory_space<vmem_shared>>
      %dma_wait3A_337 = arith.constant 0 : i32
      %dma_wait3A_338 = tpu.memref_slice %arg14[%add3A_12, %dma_wait3A_337] : memref<10240x128xf32, #tpu.memory_space<vmem_shared>> -> memref<40x128xf32, #tpu.memory_space<vmem_shared>>
      tpu.wait_dma2 semaphore(%run_scoped3A : memref<!tpu.dma_semaphore, #tpu.memory_space<semaphore_mem>>) src(%arg7 : memref<40x128xf32, #tpu.memory_space<vmem>>) dst(%dma_wait3A_338 : memref<40x128xf32, #tpu.memory_space<vmem_shared>>)
      tpu.yield
    }) : () -> ()
    %add3A_13 = arith.constant 40 : i32
    %add3A_14 = arith.addi %mul3A_10, %add3A_13 : i32
    "tpu.region"() ({
      %run_scoped3A = tpu.sem_alloc : memref<!tpu.dma_semaphore, #tpu.memory_space<semaphore_mem>>
      %dma_start3A_331 = arith.constant 0 : i32
      %dma_start3A_332 = tpu.memref_slice %arg14[%add3A_14, %dma_start3A_331] : memref<10240x128xf32, #tpu.memory_space<vmem_shared>> -> memref<40x128xf32, #tpu.memory_space<vmem_shared>>
      %dma_start3A_333 = arith.constant 0 : i32
      %dma_start3A_334 = tpu.memref_slice %arg14[%add3A_14, %dma_start3A_333] : memref<10240x128xf32, #tpu.memory_space<vmem_shared>> -> memref<40x128xf32, #tpu.memory_space<vmem_shared>>
      tpu.enqueue_dma source(%arg8 : memref<40x128xf32, #tpu.memory_space<vmem>>) target(%dma_start3A_334 : memref<40x128xf32, #tpu.memory_space<vmem_shared>>) target_semaphore(%run_scoped3A : memref<!tpu.dma_semaphore, #tpu.memory_space<semaphore_mem>>)
      %dma_wait3A_335 = arith.constant 0 : i32
      %dma_wait3A_336 = tpu.memref_slice %arg14[%add3A_14, %dma_wait3A_335] : memref<10240x128xf32, #tpu.memory_space<vmem_shared>> -> memref<40x128xf32, #tpu.memory_space<vmem_shared>>
      %dma_wait3A_337 = arith.constant 0 : i32
      %dma_wait3A_338 = tpu.memref_slice %arg14[%add3A_14, %dma_wait3A_337] : memref<10240x128xf32, #tpu.memory_space<vmem_shared>> -> memref<40x128xf32, #tpu.memory_space<vmem_shared>>
      tpu.wait_dma2 semaphore(%run_scoped3A : memref<!tpu.dma_semaphore, #tpu.memory_space<semaphore_mem>>) src(%arg8 : memref<40x128xf32, #tpu.memory_space<vmem>>) dst(%dma_wait3A_338 : memref<40x128xf32, #tpu.memory_space<vmem_shared>>)
      tpu.yield
    }) : () -> ()
    %add3A_15 = arith.constant 80 : i32
    %add3A_16 = arith.addi %mul3A_10, %add3A_15 : i32
    "tpu.region"() ({
      %run_scoped3A = tpu.sem_alloc : memref<!tpu.dma_semaphore, #tpu.memory_space<semaphore_mem>>
      %dma_start3A_331 = arith.constant 0 : i32
      %dma_start3A_332 = tpu.memref_slice %arg14[%add3A_16, %dma_start3A_331] : memref<10240x128xf32, #tpu.memory_space<vmem_shared>> -> memref<40x128xf32, #tpu.memory_space<vmem_shared>>
      %dma_start3A_333 = arith.constant 0 : i32
      %dma_start3A_334 = tpu.memref_slice %arg14[%add3A_16, %dma_start3A_333] : memref<10240x128xf32, #tpu.memory_space<vmem_shared>> -> memref<40x128xf32, #tpu.memory_space<vmem_shared>>
      tpu.enqueue_dma source(%arg7 : memref<40x128xf32, #tpu.memory_space<vmem>>) target(%dma_start3A_334 : memref<40x128xf32, #tpu.memory_space<vmem_shared>>) target_semaphore(%run_scoped3A : memref<!tpu.dma_semaphore, #tpu.memory_space<semaphore_mem>>)
      %dma_wait3A_335 = arith.constant 0 : i32
      %dma_wait3A_336 = tpu.memref_slice %arg14[%add3A_16, %dma_wait3A_335] : memref<10240x128xf32, #tpu.memory_space<vmem_shared>> -> memref<40x128xf32, #tpu.memory_space<vmem_shared>>
      %dma_wait3A_337 = arith.constant 0 : i32
      %dma_wait3A_338 = tpu.memref_slice %arg14[%add3A_16, %dma_wait3A_337] : memref<10240x128xf32, #tpu.memory_space<vmem_shared>> -> memref<40x128xf32, #tpu.memory_space<vmem_shared>>
      tpu.wait_dma2 semaphore(%run_scoped3A : memref<!tpu.dma_semaphore, #tpu.memory_space<semaphore_mem>>) src(%arg7 : memref<40x128xf32, #tpu.memory_space<vmem>>) dst(%dma_wait3A_338 : memref<40x128xf32, #tpu.memory_space<vmem_shared>>)
      tpu.yield
    }) : () -> ()
    %add3A_17 = arith.constant 120 : i32
    %add3A_18 = arith.addi %mul3A_10, %add3A_17 : i32
    "tpu.region"() ({
      %run_scoped3A = tpu.sem_alloc : memref<!tpu.dma_semaphore, #tpu.memory_space<semaphore_mem>>
      %dma_start3A_331 = arith.constant 0 : i32
      %dma_start3A_332 = tpu.memref_slice %arg14[%add3A_18, %dma_start3A_331] : memref<10240x128xf32, #tpu.memory_space<vmem_shared>> -> memref<40x128xf32, #tpu.memory_space<vmem_shared>>
      %dma_start3A_333 = arith.constant 0 : i32
      %dma_start3A_334 = tpu.memref_slice %arg14[%add3A_18, %dma_start3A_333] : memref<10240x128xf32, #tpu.memory_space<vmem_shared>> -> memref<40x128xf32, #tpu.memory_space<vmem_shared>>
      tpu.enqueue_dma source(%arg8 : memref<40x128xf32, #tpu.memory_space<vmem>>) target(%dma_start3A_334 : memref<40x128xf32, #tpu.memory_space<vmem_shared>>) target_semaphore(%run_scoped3A : memref<!tpu.dma_semaphore, #tpu.memory_space<semaphore_mem>>)
      %dma_wait3A_335 = arith.constant 0 : i32
      %dma_wait3A_336 = tpu.memref_slice %arg14[%add3A_18, %dma_wait3A_335] : memref<10240x128xf32, #tpu.memory_space<vmem_shared>> -> memref<40x128xf32, #tpu.memory_space<vmem_shared>>
      %dma_wait3A_337 = arith.constant 0 : i32
      %dma_wait3A_338 = tpu.memref_slice %arg14[%add3A_18, %dma_wait3A_337] : memref<10240x128xf32, #tpu.memory_space<vmem_shared>> -> memref<40x128xf32, #tpu.memory_space<vmem_shared>>
      tpu.wait_dma2 semaphore(%run_scoped3A : memref<!tpu.dma_semaphore, #tpu.memory_space<semaphore_mem>>) src(%arg8 : memref<40x128xf32, #tpu.memory_space<vmem>>) dst(%dma_wait3A_338 : memref<40x128xf32, #tpu.memory_space<vmem_shared>>)
      tpu.yield
    }) : () -> ()
    %add3A_19 = arith.constant 160 : i32
    %add3A_20 = arith.addi %mul3A_10, %add3A_19 : i32
    "tpu.region"() ({
      %run_scoped3A = tpu.sem_alloc : memref<!tpu.dma_semaphore, #tpu.memory_space<semaphore_mem>>
      %dma_start3A_331 = arith.constant 0 : i32
      %dma_start3A_332 = tpu.memref_slice %arg14[%add3A_20, %dma_start3A_331] : memref<10240x128xf32, #tpu.memory_space<vmem_shared>> -> memref<40x128xf32, #tpu.memory_space<vmem_shared>>
      %dma_start3A_333 = arith.constant 0 : i32
      %dma_start3A_334 = tpu.memref_slice %arg14[%add3A_20, %dma_start3A_333] : memref<10240x128xf32, #tpu.memory_space<vmem_shared>> -> memref<40x128xf32, #tpu.memory_space<vmem_shared>>
      tpu.enqueue_dma source(%arg7 : memref<40x128xf32, #tpu.memory_space<vmem>>) target(%dma_start3A_334 : memref<40x128xf32, #tpu.memory_space<vmem_shared>>) target_semaphore(%run_scoped3A : memref<!tpu.dma_semaphore, #tpu.memory_space<semaphore_mem>>)
      %dma_wait3A_335 = arith.constant 0 : i32
      %dma_wait3A_336 = tpu.memref_slice %arg14[%add3A_20, %dma_wait3A_335] : memref<10240x128xf32, #tpu.memory_space<vmem_shared>> -> memref<40x128xf32, #tpu.memory_space<vmem_shared>>
      %dma_wait3A_337 = arith.constant 0 : i32
      %dma_wait3A_338 = tpu.memref_slice %arg14[%add3A_20, %dma_wait3A_337] : memref<10240x128xf32, #tpu.memory_space<vmem_shared>> -> memref<40x128xf32, #tpu.memory_space<vmem_shared>>
      tpu.wait_dma2 semaphore(%run_scoped3A : memref<!tpu.dma_semaphore, #tpu.memory_space<semaphore_mem>>) src(%arg7 : memref<40x128xf32, #tpu.memory_space<vmem>>) dst(%dma_wait3A_338 : memref<40x128xf32, #tpu.memory_space<vmem_shared>>)
      tpu.yield
    }) : () -> ()
    %add3A_21 = arith.constant 200 : i32
    %add3A_22 = arith.addi %mul3A_10, %add3A_21 : i32
    "tpu.region"() ({
      %run_scoped3A = tpu.sem_alloc : memref<!tpu.dma_semaphore, #tpu.memory_space<semaphore_mem>>
      %dma_start3A_331 = arith.constant 0 : i32
      %dma_start3A_332 = tpu.memref_slice %arg14[%add3A_22, %dma_start3A_331] : memref<10240x128xf32, #tpu.memory_space<vmem_shared>> -> memref<40x128xf32, #tpu.memory_space<vmem_shared>>
      %dma_start3A_333 = arith.constant 0 : i32
      %dma_start3A_334 = tpu.memref_slice %arg14[%add3A_22, %dma_start3A_333] : memref<10240x128xf32, #tpu.memory_space<vmem_shared>> -> memref<40x128xf32, #tpu.memory_space<vmem_shared>>
      tpu.enqueue_dma source(%arg8 : memref<40x128xf32, #tpu.memory_space<vmem>>) target(%dma_start3A_334 : memref<40x128xf32, #tpu.memory_space<vmem_shared>>) target_semaphore(%run_scoped3A : memref<!tpu.dma_semaphore, #tpu.memory_space<semaphore_mem>>)
      %dma_wait3A_335 = arith.constant 0 : i32
      %dma_wait3A_336 = tpu.memref_slice %arg14[%add3A_22, %dma_wait3A_335] : memref<10240x128xf32, #tpu.memory_space<vmem_shared>> -> memref<40x128xf32, #tpu.memory_space<vmem_shared>>
      %dma_wait3A_337 = arith.constant 0 : i32
      %dma_wait3A_338 = tpu.memref_slice %arg14[%add3A_22, %dma_wait3A_337] : memref<10240x128xf32, #tpu.memory_space<vmem_shared>> -> memref<40x128xf32, #tpu.memory_space<vmem_shared>>
      tpu.wait_dma2 semaphore(%run_scoped3A : memref<!tpu.dma_semaphore, #tpu.memory_space<semaphore_mem>>) src(%arg8 : memref<40x128xf32, #tpu.memory_space<vmem>>) dst(%dma_wait3A_338 : memref<40x128xf32, #tpu.memory_space<vmem_shared>>)
      tpu.yield
    }) : () -> ()
    %add3A_23 = arith.constant 240 : i32
    %add3A_24 = arith.addi %mul3A_10, %add3A_23 : i32
    "tpu.region"() ({
      %run_scoped3A = tpu.sem_alloc : memref<!tpu.dma_semaphore, #tpu.memory_space<semaphore_mem>>
      %dma_start3A_331 = arith.constant 0 : i32
      %dma_start3A_332 = tpu.memref_slice %arg14[%add3A_24, %dma_start3A_331] : memref<10240x128xf32, #tpu.memory_space<vmem_shared>> -> memref<40x128xf32, #tpu.memory_space<vmem_shared>>
      %dma_start3A_333 = arith.constant 0 : i32
      %dma_start3A_334 = tpu.memref_slice %arg14[%add3A_24, %dma_start3A_333] : memref<10240x128xf32, #tpu.memory_space<vmem_shared>> -> memref<40x128xf32, #tpu.memory_space<vmem_shared>>
      tpu.enqueue_dma source(%arg7 : memref<40x128xf32, #tpu.memory_space<vmem>>) target(%dma_start3A_334 : memref<40x128xf32, #tpu.memory_space<vmem_shared>>) target_semaphore(%run_scoped3A : memref<!tpu.dma_semaphore, #tpu.memory_space<semaphore_mem>>)
      %dma_wait3A_335 = arith.constant 0 : i32
      %dma_wait3A_336 = tpu.memref_slice %arg14[%add3A_24, %dma_wait3A_335] : memref<10240x128xf32, #tpu.memory_space<vmem_shared>> -> memref<40x128xf32, #tpu.memory_space<vmem_shared>>
      %dma_wait3A_337 = arith.constant 0 : i32
      %dma_wait3A_338 = tpu.memref_slice %arg14[%add3A_24, %dma_wait3A_337] : memref<10240x128xf32, #tpu.memory_space<vmem_shared>> -> memref<40x128xf32, #tpu.memory_space<vmem_shared>>
      tpu.wait_dma2 semaphore(%run_scoped3A : memref<!tpu.dma_semaphore, #tpu.memory_space<semaphore_mem>>) src(%arg7 : memref<40x128xf32, #tpu.memory_space<vmem>>) dst(%dma_wait3A_338 : memref<40x128xf32, #tpu.memory_space<vmem_shared>>)
      tpu.yield
    }) : () -> ()
    %add3A_25 = arith.constant 280 : i32
    %add3A_26 = arith.addi %mul3A_10, %add3A_25 : i32
    "tpu.region"() ({
      %run_scoped3A = tpu.sem_alloc : memref<!tpu.dma_semaphore, #tpu.memory_space<semaphore_mem>>
      %dma_start3A_331 = arith.constant 0 : i32
      %dma_start3A_332 = tpu.memref_slice %arg14[%add3A_26, %dma_start3A_331] : memref<10240x128xf32, #tpu.memory_space<vmem_shared>> -> memref<40x128xf32, #tpu.memory_space<vmem_shared>>
      %dma_start3A_333 = arith.constant 0 : i32
      %dma_start3A_334 = tpu.memref_slice %arg14[%add3A_26, %dma_start3A_333] : memref<10240x128xf32, #tpu.memory_space<vmem_shared>> -> memref<40x128xf32, #tpu.memory_space<vmem_shared>>
      tpu.enqueue_dma source(%arg8 : memref<40x128xf32, #tpu.memory_space<vmem>>) target(%dma_start3A_334 : memref<40x128xf32, #tpu.memory_space<vmem_shared>>) target_semaphore(%run_scoped3A : memref<!tpu.dma_semaphore, #tpu.memory_space<semaphore_mem>>)
      %dma_wait3A_335 = arith.constant 0 : i32
      %dma_wait3A_336 = tpu.memref_slice %arg14[%add3A_26, %dma_wait3A_335] : memref<10240x128xf32, #tpu.memory_space<vmem_shared>> -> memref<40x128xf32, #tpu.memory_space<vmem_shared>>
      %dma_wait3A_337 = arith.constant 0 : i32
      %dma_wait3A_338 = tpu.memref_slice %arg14[%add3A_26, %dma_wait3A_337] : memref<10240x128xf32, #tpu.memory_space<vmem_shared>> -> memref<40x128xf32, #tpu.memory_space<vmem_shared>>
      tpu.wait_dma2 semaphore(%run_scoped3A : memref<!tpu.dma_semaphore, #tpu.memory_space<semaphore_mem>>) src(%arg8 : memref<40x128xf32, #tpu.memory_space<vmem>>) dst(%dma_wait3A_338 : memref<40x128xf32, #tpu.memory_space<vmem_shared>>)
      tpu.yield
    }) : () -> ()
    %add3A_27 = arith.constant 320 : i32
    %add3A_28 = arith.addi %mul3A_10, %add3A_27 : i32
    "tpu.region"() ({
      %run_scoped3A = tpu.sem_alloc : memref<!tpu.dma_semaphore, #tpu.memory_space<semaphore_mem>>
      %dma_start3A_331 = arith.constant 0 : i32
      %dma_start3A_332 = tpu.memref_slice %arg14[%add3A_28, %dma_start3A_331] : memref<10240x128xf32, #tpu.memory_space<vmem_shared>> -> memref<40x128xf32, #tpu.memory_space<vmem_shared>>
      %dma_start3A_333 = arith.constant 0 : i32
      %dma_start3A_334 = tpu.memref_slice %arg14[%add3A_28, %dma_start3A_333] : memref<10240x128xf32, #tpu.memory_space<vmem_shared>> -> memref<40x128xf32, #tpu.memory_space<vmem_shared>>
      tpu.enqueue_dma source(%arg7 : memref<40x128xf32, #tpu.memory_space<vmem>>) target(%dma_start3A_334 : memref<40x128xf32, #tpu.memory_space<vmem_shared>>) target_semaphore(%run_scoped3A : memref<!tpu.dma_semaphore, #tpu.memory_space<semaphore_mem>>)
      %dma_wait3A_335 = arith.constant 0 : i32
      %dma_wait3A_336 = tpu.memref_slice %arg14[%add3A_28, %dma_wait3A_335] : memref<10240x128xf32, #tpu.memory_space<vmem_shared>> -> memref<40x128xf32, #tpu.memory_space<vmem_shared>>
      %dma_wait3A_337 = arith.constant 0 : i32
      %dma_wait3A_338 = tpu.memref_slice %arg14[%add3A_28, %dma_wait3A_337] : memref<10240x128xf32, #tpu.memory_space<vmem_shared>> -> memref<40x128xf32, #tpu.memory_space<vmem_shared>>
      tpu.wait_dma2 semaphore(%run_scoped3A : memref<!tpu.dma_semaphore, #tpu.memory_space<semaphore_mem>>) src(%arg7 : memref<40x128xf32, #tpu.memory_space<vmem>>) dst(%dma_wait3A_338 : memref<40x128xf32, #tpu.memory_space<vmem_shared>>)
      tpu.yield
    }) : () -> ()
    %add3A_29 = arith.constant 360 : i32
    %add3A_30 = arith.addi %mul3A_10, %add3A_29 : i32
    "tpu.region"() ({
      %run_scoped3A = tpu.sem_alloc : memref<!tpu.dma_semaphore, #tpu.memory_space<semaphore_mem>>
      %dma_start3A_331 = arith.constant 0 : i32
      %dma_start3A_332 = tpu.memref_slice %arg14[%add3A_30, %dma_start3A_331] : memref<10240x128xf32, #tpu.memory_space<vmem_shared>> -> memref<40x128xf32, #tpu.memory_space<vmem_shared>>
      %dma_start3A_333 = arith.constant 0 : i32
      %dma_start3A_334 = tpu.memref_slice %arg14[%add3A_30, %dma_start3A_333] : memref<10240x128xf32, #tpu.memory_space<vmem_shared>> -> memref<40x128xf32, #tpu.memory_space<vmem_shared>>
      tpu.enqueue_dma source(%arg8 : memref<40x128xf32, #tpu.memory_space<vmem>>) target(%dma_start3A_334 : memref<40x128xf32, #tpu.memory_space<vmem_shared>>) target_semaphore(%run_scoped3A : memref<!tpu.dma_semaphore, #tpu.memory_space<semaphore_mem>>)
      %dma_wait3A_335 = arith.constant 0 : i32
      %dma_wait3A_336 = tpu.memref_slice %arg14[%add3A_30, %dma_wait3A_335] : memref<10240x128xf32, #tpu.memory_space<vmem_shared>> -> memref<40x128xf32, #tpu.memory_space<vmem_shared>>
      %dma_wait3A_337 = arith.constant 0 : i32
      %dma_wait3A_338 = tpu.memref_slice %arg14[%add3A_30, %dma_wait3A_337] : memref<10240x128xf32, #tpu.memory_space<vmem_shared>> -> memref<40x128xf32, #tpu.memory_space<vmem_shared>>
      tpu.wait_dma2 semaphore(%run_scoped3A : memref<!tpu.dma_semaphore, #tpu.memory_space<semaphore_mem>>) src(%arg8 : memref<40x128xf32, #tpu.memory_space<vmem>>) dst(%dma_wait3A_338 : memref<40x128xf32, #tpu.memory_space<vmem_shared>>)
      tpu.yield
    }) : () -> ()
    %add3A_31 = arith.constant 400 : i32
    %add3A_32 = arith.addi %mul3A_10, %add3A_31 : i32
    "tpu.region"() ({
      %run_scoped3A = tpu.sem_alloc : memref<!tpu.dma_semaphore, #tpu.memory_space<semaphore_mem>>
      %dma_start3A_331 = arith.constant 0 : i32
      %dma_start3A_332 = tpu.memref_slice %arg14[%add3A_32, %dma_start3A_331] : memref<10240x128xf32, #tpu.memory_space<vmem_shared>> -> memref<40x128xf32, #tpu.memory_space<vmem_shared>>
      %dma_start3A_333 = arith.constant 0 : i32
      %dma_start3A_334 = tpu.memref_slice %arg14[%add3A_32, %dma_start3A_333] : memref<10240x128xf32, #tpu.memory_space<vmem_shared>> -> memref<40x128xf32, #tpu.memory_space<vmem_shared>>
      tpu.enqueue_dma source(%arg7 : memref<40x128xf32, #tpu.memory_space<vmem>>) target(%dma_start3A_334 : memref<40x128xf32, #tpu.memory_space<vmem_shared>>) target_semaphore(%run_scoped3A : memref<!tpu.dma_semaphore, #tpu.memory_space<semaphore_mem>>)
      %dma_wait3A_335 = arith.constant 0 : i32
      %dma_wait3A_336 = tpu.memref_slice %arg14[%add3A_32, %dma_wait3A_335] : memref<10240x128xf32, #tpu.memory_space<vmem_shared>> -> memref<40x128xf32, #tpu.memory_space<vmem_shared>>
      %dma_wait3A_337 = arith.constant 0 : i32
      %dma_wait3A_338 = tpu.memref_slice %arg14[%add3A_32, %dma_wait3A_337] : memref<10240x128xf32, #tpu.memory_space<vmem_shared>> -> memref<40x128xf32, #tpu.memory_space<vmem_shared>>
      tpu.wait_dma2 semaphore(%run_scoped3A : memref<!tpu.dma_semaphore, #tpu.memory_space<semaphore_mem>>) src(%arg7 : memref<40x128xf32, #tpu.memory_space<vmem>>) dst(%dma_wait3A_338 : memref<40x128xf32, #tpu.memory_space<vmem_shared>>)
      tpu.yield
    }) : () -> ()
    %add3A_33 = arith.constant 440 : i32
    %add3A_34 = arith.addi %mul3A_10, %add3A_33 : i32
    "tpu.region"() ({
      %run_scoped3A = tpu.sem_alloc : memref<!tpu.dma_semaphore, #tpu.memory_space<semaphore_mem>>
      %dma_start3A_331 = arith.constant 0 : i32
      %dma_start3A_332 = tpu.memref_slice %arg14[%add3A_34, %dma_start3A_331] : memref<10240x128xf32, #tpu.memory_space<vmem_shared>> -> memref<40x128xf32, #tpu.memory_space<vmem_shared>>
      %dma_start3A_333 = arith.constant 0 : i32
      %dma_start3A_334 = tpu.memref_slice %arg14[%add3A_34, %dma_start3A_333] : memref<10240x128xf32, #tpu.memory_space<vmem_shared>> -> memref<40x128xf32, #tpu.memory_space<vmem_shared>>
      tpu.enqueue_dma source(%arg8 : memref<40x128xf32, #tpu.memory_space<vmem>>) target(%dma_start3A_334 : memref<40x128xf32, #tpu.memory_space<vmem_shared>>) target_semaphore(%run_scoped3A : memref<!tpu.dma_semaphore, #tpu.memory_space<semaphore_mem>>)
      %dma_wait3A_335 = arith.constant 0 : i32
      %dma_wait3A_336 = tpu.memref_slice %arg14[%add3A_34, %dma_wait3A_335] : memref<10240x128xf32, #tpu.memory_space<vmem_shared>> -> memref<40x128xf32, #tpu.memory_space<vmem_shared>>
      %dma_wait3A_337 = arith.constant 0 : i32
      %dma_wait3A_338 = tpu.memref_slice %arg14[%add3A_34, %dma_wait3A_337] : memref<10240x128xf32, #tpu.memory_space<vmem_shared>> -> memref<40x128xf32, #tpu.memory_space<vmem_shared>>
      tpu.wait_dma2 semaphore(%run_scoped3A : memref<!tpu.dma_semaphore, #tpu.memory_space<semaphore_mem>>) src(%arg8 : memref<40x128xf32, #tpu.memory_space<vmem>>) dst(%dma_wait3A_338 : memref<40x128xf32, #tpu.memory_space<vmem_shared>>)
      tpu.yield
    }) : () -> ()
    %add3A_35 = arith.constant 480 : i32
    %add3A_36 = arith.addi %mul3A_10, %add3A_35 : i32
    "tpu.region"() ({
      %run_scoped3A = tpu.sem_alloc : memref<!tpu.dma_semaphore, #tpu.memory_space<semaphore_mem>>
      %dma_start3A_331 = arith.constant 0 : i32
      %dma_start3A_332 = tpu.memref_slice %arg14[%add3A_36, %dma_start3A_331] : memref<10240x128xf32, #tpu.memory_space<vmem_shared>> -> memref<40x128xf32, #tpu.memory_space<vmem_shared>>
      %dma_start3A_333 = arith.constant 0 : i32
      %dma_start3A_334 = tpu.memref_slice %arg14[%add3A_36, %dma_start3A_333] : memref<10240x128xf32, #tpu.memory_space<vmem_shared>> -> memref<40x128xf32, #tpu.memory_space<vmem_shared>>
      tpu.enqueue_dma source(%arg7 : memref<40x128xf32, #tpu.memory_space<vmem>>) target(%dma_start3A_334 : memref<40x128xf32, #tpu.memory_space<vmem_shared>>) target_semaphore(%run_scoped3A : memref<!tpu.dma_semaphore, #tpu.memory_space<semaphore_mem>>)
      %dma_wait3A_335 = arith.constant 0 : i32
      %dma_wait3A_336 = tpu.memref_slice %arg14[%add3A_36, %dma_wait3A_335] : memref<10240x128xf32, #tpu.memory_space<vmem_shared>> -> memref<40x128xf32, #tpu.memory_space<vmem_shared>>
      %dma_wait3A_337 = arith.constant 0 : i32
      %dma_wait3A_338 = tpu.memref_slice %arg14[%add3A_36, %dma_wait3A_337] : memref<10240x128xf32, #tpu.memory_space<vmem_shared>> -> memref<40x128xf32, #tpu.memory_space<vmem_shared>>
      tpu.wait_dma2 semaphore(%run_scoped3A : memref<!tpu.dma_semaphore, #tpu.memory_space<semaphore_mem>>) src(%arg7 : memref<40x128xf32, #tpu.memory_space<vmem>>) dst(%dma_wait3A_338 : memref<40x128xf32, #tpu.memory_space<vmem_shared>>)
      tpu.yield
    }) : () -> ()
    %add3A_37 = arith.constant 520 : i32
    %add3A_38 = arith.addi %mul3A_10, %add3A_37 : i32
    "tpu.region"() ({
      %run_scoped3A = tpu.sem_alloc : memref<!tpu.dma_semaphore, #tpu.memory_space<semaphore_mem>>
      %dma_start3A_331 = arith.constant 0 : i32
      %dma_start3A_332 = tpu.memref_slice %arg14[%add3A_38, %dma_start3A_331] : memref<10240x128xf32, #tpu.memory_space<vmem_shared>> -> memref<40x128xf32, #tpu.memory_space<vmem_shared>>
      %dma_start3A_333 = arith.constant 0 : i32
      %dma_start3A_334 = tpu.memref_slice %arg14[%add3A_38, %dma_start3A_333] : memref<10240x128xf32, #tpu.memory_space<vmem_shared>> -> memref<40x128xf32, #tpu.memory_space<vmem_shared>>
      tpu.enqueue_dma source(%arg8 : memref<40x128xf32, #tpu.memory_space<vmem>>) target(%dma_start3A_334 : memref<40x128xf32, #tpu.memory_space<vmem_shared>>) target_semaphore(%run_scoped3A : memref<!tpu.dma_semaphore, #tpu.memory_space<semaphore_mem>>)
      %dma_wait3A_335 = arith.constant 0 : i32
      %dma_wait3A_336 = tpu.memref_slice %arg14[%add3A_38, %dma_wait3A_335] : memref<10240x128xf32, #tpu.memory_space<vmem_shared>> -> memref<40x128xf32, #tpu.memory_space<vmem_shared>>
      %dma_wait3A_337 = arith.constant 0 : i32
      %dma_wait3A_338 = tpu.memref_slice %arg14[%add3A_38, %dma_wait3A_337] : memref<10240x128xf32, #tpu.memory_space<vmem_shared>> -> memref<40x128xf32, #tpu.memory_space<vmem_shared>>
      tpu.wait_dma2 semaphore(%run_scoped3A : memref<!tpu.dma_semaphore, #tpu.memory_space<semaphore_mem>>) src(%arg8 : memref<40x128xf32, #tpu.memory_space<vmem>>) dst(%dma_wait3A_338 : memref<40x128xf32, #tpu.memory_space<vmem_shared>>)
      tpu.yield
    }) : () -> ()
    %add3A_39 = arith.constant 560 : i32
    %add3A_40 = arith.addi %mul3A_10, %add3A_39 : i32
    "tpu.region"() ({
      %run_scoped3A = tpu.sem_alloc : memref<!tpu.dma_semaphore, #tpu.memory_space<semaphore_mem>>
      %dma_start3A_331 = arith.constant 0 : i32
      %dma_start3A_332 = tpu.memref_slice %arg14[%add3A_40, %dma_start3A_331] : memref<10240x128xf32, #tpu.memory_space<vmem_shared>> -> memref<40x128xf32, #tpu.memory_space<vmem_shared>>
      %dma_start3A_333 = arith.constant 0 : i32
      %dma_start3A_334 = tpu.memref_slice %arg14[%add3A_40, %dma_start3A_333] : memref<10240x128xf32, #tpu.memory_space<vmem_shared>> -> memref<40x128xf32, #tpu.memory_space<vmem_shared>>
      tpu.enqueue_dma source(%arg7 : memref<40x128xf32, #tpu.memory_space<vmem>>) target(%dma_start3A_334 : memref<40x128xf32, #tpu.memory_space<vmem_shared>>) target_semaphore(%run_scoped3A : memref<!tpu.dma_semaphore, #tpu.memory_space<semaphore_mem>>)
      %dma_wait3A_335 = arith.constant 0 : i32
      %dma_wait3A_336 = tpu.memref_slice %arg14[%add3A_40, %dma_wait3A_335] : memref<10240x128xf32, #tpu.memory_space<vmem_shared>> -> memref<40x128xf32, #tpu.memory_space<vmem_shared>>
      %dma_wait3A_337 = arith.constant 0 : i32
      %dma_wait3A_338 = tpu.memref_slice %arg14[%add3A_40, %dma_wait3A_337] : memref<10240x128xf32, #tpu.memory_space<vmem_shared>> -> memref<40x128xf32, #tpu.memory_space<vmem_shared>>
      tpu.wait_dma2 semaphore(%run_scoped3A : memref<!tpu.dma_semaphore, #tpu.memory_space<semaphore_mem>>) src(%arg7 : memref<40x128xf32, #tpu.memory_space<vmem>>) dst(%dma_wait3A_338 : memref<40x128xf32, #tpu.memory_space<vmem_shared>>)
      tpu.yield
    }) : () -> ()
    %add3A_41 = arith.constant 600 : i32
    %add3A_42 = arith.addi %mul3A_10, %add3A_41 : i32
    "tpu.region"() ({
      %run_scoped3A = tpu.sem_alloc : memref<!tpu.dma_semaphore, #tpu.memory_space<semaphore_mem>>
      %dma_start3A_331 = arith.constant 0 : i32
      %dma_start3A_332 = tpu.memref_slice %arg14[%add3A_42, %dma_start3A_331] : memref<10240x128xf32, #tpu.memory_space<vmem_shared>> -> memref<40x128xf32, #tpu.memory_space<vmem_shared>>
      %dma_start3A_333 = arith.constant 0 : i32
      %dma_start3A_334 = tpu.memref_slice %arg14[%add3A_42, %dma_start3A_333] : memref<10240x128xf32, #tpu.memory_space<vmem_shared>> -> memref<40x128xf32, #tpu.memory_space<vmem_shared>>
      tpu.enqueue_dma source(%arg8 : memref<40x128xf32, #tpu.memory_space<vmem>>) target(%dma_start3A_334 : memref<40x128xf32, #tpu.memory_space<vmem_shared>>) target_semaphore(%run_scoped3A : memref<!tpu.dma_semaphore, #tpu.memory_space<semaphore_mem>>)
      %dma_wait3A_335 = arith.constant 0 : i32
      %dma_wait3A_336 = tpu.memref_slice %arg14[%add3A_42, %dma_wait3A_335] : memref<10240x128xf32, #tpu.memory_space<vmem_shared>> -> memref<40x128xf32, #tpu.memory_space<vmem_shared>>
      %dma_wait3A_337 = arith.constant 0 : i32
      %dma_wait3A_338 = tpu.memref_slice %arg14[%add3A_42, %dma_wait3A_337] : memref<10240x128xf32, #tpu.memory_space<vmem_shared>> -> memref<40x128xf32, #tpu.memory_space<vmem_shared>>
      tpu.wait_dma2 semaphore(%run_scoped3A : memref<!tpu.dma_semaphore, #tpu.memory_space<semaphore_mem>>) src(%arg8 : memref<40x128xf32, #tpu.memory_space<vmem>>) dst(%dma_wait3A_338 : memref<40x128xf32, #tpu.memory_space<vmem_shared>>)
      tpu.yield
    }) : () -> ()
    %dma_start3A = arith.constant 0 : i32
    %dma_start3A_43 = tpu.memref_slice %arg5[%dma_start3A] : memref<10000xi32, #tpu.memory_space<vmem>> -> memref<40xi32, #tpu.memory_space<vmem>>
    %dma_start3A_44 = arith.constant 0 : i32
    %dma_start3A_45 = arith.constant 0 : i32
    %dma_start3A_46 = tpu.memref_slice %arg2[%dma_start3A_44, %dma_start3A_45] : memref<10000x128xf32, #tpu.memory_space<hbm>> -> memref<10000x128xf32, #tpu.memory_space<hbm>>
    tpu.enqueue_indirect_dma source(%dma_start3A_46 : memref<10000x128xf32, #tpu.memory_space<hbm>>) target(%arg7 : memref<40x128xf32, #tpu.memory_space<vmem>>) offsets(%dma_start3A_43 : memref<40xi32, #tpu.memory_space<vmem>>) semaphore(%arg15 : memref<!tpu.dma_semaphore, #tpu.memory_space<semaphore_mem>>)
    %add3A_47 = arith.constant 320000 : i32
    %add3A_48 = arith.addi %add3A_47, %mul3A_2 : i32
    %add3A_49 = arith.constant 0 : i32
    %add3A_50 = arith.addi %add3A_48, %add3A_49 : i32
    %dma_start3A_51 = arith.constant 0 : i32
    %dma_start3A_52 = arith.constant 0 : i32
    %dma_start3A_53 = tpu.memref_slice %arg6[%dma_start3A_51, %dma_start3A_52] : memref<7x40xi32, #tpu.memory_space<vmem>> -> memref<1x40xi32, #tpu.memory_space<vmem>>
    %dma_start3A_54 = tpu.memref_squeeze %dma_start3A_53 : memref<1x40xi32, #tpu.memory_space<vmem>> -> memref<40xi32, #tpu.memory_space<vmem>>
    %dma_start3A_55 = tpu.memref_slice %arg3[%add3A_50] : memref<640000xi32, #tpu.memory_space<hbm>> -> memref<40xi32, #tpu.memory_space<hbm>>
    %dma_start3A_56 = arith.constant 0 : i32
    %dma_start3A_57 = tpu.memref_slice %arg6[%dma_start3A_51, %dma_start3A_56] : memref<7x40xi32, #tpu.memory_space<vmem>> -> memref<1x40xi32, #tpu.memory_space<vmem>>
    %dma_start3A_58 = tpu.memref_squeeze %dma_start3A_57 : memref<1x40xi32, #tpu.memory_space<vmem>> -> memref<40xi32, #tpu.memory_space<vmem>>
    %dma_start3A_59 = tpu.memref_slice %arg3[%add3A_50] : memref<640000xi32, #tpu.memory_space<hbm>> -> memref<40xi32, #tpu.memory_space<hbm>>
    tpu.enqueue_dma source(%dma_start3A_59 : memref<40xi32, #tpu.memory_space<hbm>>) target(%dma_start3A_58 : memref<40xi32, #tpu.memory_space<vmem>>) target_semaphore(%arg29 : memref<!tpu.dma_semaphore, #tpu.memory_space<semaphore_mem>>)
    %dma_start3A_60 = arith.constant 40 : i32
    %dma_start3A_61 = tpu.memref_slice %arg5[%dma_start3A_60] : memref<10000xi32, #tpu.memory_space<vmem>> -> memref<40xi32, #tpu.memory_space<vmem>>
    %dma_start3A_62 = arith.constant 0 : i32
    %dma_start3A_63 = arith.constant 0 : i32
    %dma_start3A_64 = tpu.memref_slice %arg2[%dma_start3A_62, %dma_start3A_63] : memref<10000x128xf32, #tpu.memory_space<hbm>> -> memref<10000x128xf32, #tpu.memory_space<hbm>>
    tpu.enqueue_indirect_dma source(%dma_start3A_64 : memref<10000x128xf32, #tpu.memory_space<hbm>>) target(%arg8 : memref<40x128xf32, #tpu.memory_space<vmem>>) offsets(%dma_start3A_61 : memref<40xi32, #tpu.memory_space<vmem>>) semaphore(%arg16 : memref<!tpu.dma_semaphore, #tpu.memory_space<semaphore_mem>>)
    %add3A_65 = arith.constant 320000 : i32
    %add3A_66 = arith.addi %add3A_65, %mul3A_2 : i32
    %add3A_67 = arith.constant 40 : i32
    %add3A_68 = arith.addi %add3A_66, %add3A_67 : i32
    %dma_start3A_69 = arith.constant 1 : i32
    %dma_start3A_70 = arith.constant 0 : i32
    %dma_start3A_71 = tpu.memref_slice %arg6[%dma_start3A_69, %dma_start3A_70] : memref<7x40xi32, #tpu.memory_space<vmem>> -> memref<1x40xi32, #tpu.memory_space<vmem>>
    %dma_start3A_72 = tpu.memref_squeeze %dma_start3A_71 : memref<1x40xi32, #tpu.memory_space<vmem>> -> memref<40xi32, #tpu.memory_space<vmem>>
    %dma_start3A_73 = tpu.memref_slice %arg3[%add3A_68] : memref<640000xi32, #tpu.memory_space<hbm>> -> memref<40xi32, #tpu.memory_space<hbm>>
    %dma_start3A_74 = arith.constant 0 : i32
    %dma_start3A_75 = tpu.memref_slice %arg6[%dma_start3A_69, %dma_start3A_74] : memref<7x40xi32, #tpu.memory_space<vmem>> -> memref<1x40xi32, #tpu.memory_space<vmem>>
    %dma_start3A_76 = tpu.memref_squeeze %dma_start3A_75 : memref<1x40xi32, #tpu.memory_space<vmem>> -> memref<40xi32, #tpu.memory_space<vmem>>
    %dma_start3A_77 = tpu.memref_slice %arg3[%add3A_68] : memref<640000xi32, #tpu.memory_space<hbm>> -> memref<40xi32, #tpu.memory_space<hbm>>
    tpu.enqueue_dma source(%dma_start3A_77 : memref<40xi32, #tpu.memory_space<hbm>>) target(%dma_start3A_76 : memref<40xi32, #tpu.memory_space<vmem>>) target_semaphore(%arg30 : memref<!tpu.dma_semaphore, #tpu.memory_space<semaphore_mem>>)
    %dma_start3A_78 = arith.constant 80 : i32
    %dma_start3A_79 = tpu.memref_slice %arg5[%dma_start3A_78] : memref<10000xi32, #tpu.memory_space<vmem>> -> memref<40xi32, #tpu.memory_space<vmem>>
    %dma_start3A_80 = arith.constant 0 : i32
    %dma_start3A_81 = arith.constant 0 : i32
    %dma_start3A_82 = tpu.memref_slice %arg2[%dma_start3A_80, %dma_start3A_81] : memref<10000x128xf32, #tpu.memory_space<hbm>> -> memref<10000x128xf32, #tpu.memory_space<hbm>>
    tpu.enqueue_indirect_dma source(%dma_start3A_82 : memref<10000x128xf32, #tpu.memory_space<hbm>>) target(%arg9 : memref<40x128xf32, #tpu.memory_space<vmem>>) offsets(%dma_start3A_79 : memref<40xi32, #tpu.memory_space<vmem>>) semaphore(%arg17 : memref<!tpu.dma_semaphore, #tpu.memory_space<semaphore_mem>>)
    %add3A_83 = arith.constant 320000 : i32
    %add3A_84 = arith.addi %add3A_83, %mul3A_2 : i32
    %add3A_85 = arith.constant 80 : i32
    %add3A_86 = arith.addi %add3A_84, %add3A_85 : i32
    %dma_start3A_87 = arith.constant 2 : i32
    %dma_start3A_88 = arith.constant 0 : i32
    %dma_start3A_89 = tpu.memref_slice %arg6[%dma_start3A_87, %dma_start3A_88] : memref<7x40xi32, #tpu.memory_space<vmem>> -> memref<1x40xi32, #tpu.memory_space<vmem>>
    %dma_start3A_90 = tpu.memref_squeeze %dma_start3A_89 : memref<1x40xi32, #tpu.memory_space<vmem>> -> memref<40xi32, #tpu.memory_space<vmem>>
    %dma_start3A_91 = tpu.memref_slice %arg3[%add3A_86] : memref<640000xi32, #tpu.memory_space<hbm>> -> memref<40xi32, #tpu.memory_space<hbm>>
    %dma_start3A_92 = arith.constant 0 : i32
    %dma_start3A_93 = tpu.memref_slice %arg6[%dma_start3A_87, %dma_start3A_92] : memref<7x40xi32, #tpu.memory_space<vmem>> -> memref<1x40xi32, #tpu.memory_space<vmem>>
    %dma_start3A_94 = tpu.memref_squeeze %dma_start3A_93 : memref<1x40xi32, #tpu.memory_space<vmem>> -> memref<40xi32, #tpu.memory_space<vmem>>
    %dma_start3A_95 = tpu.memref_slice %arg3[%add3A_86] : memref<640000xi32, #tpu.memory_space<hbm>> -> memref<40xi32, #tpu.memory_space<hbm>>
    tpu.enqueue_dma source(%dma_start3A_95 : memref<40xi32, #tpu.memory_space<hbm>>) target(%dma_start3A_94 : memref<40xi32, #tpu.memory_space<vmem>>) target_semaphore(%arg31 : memref<!tpu.dma_semaphore, #tpu.memory_space<semaphore_mem>>)
    %dma_start3A_96 = arith.constant 120 : i32
    %dma_start3A_97 = tpu.memref_slice %arg5[%dma_start3A_96] : memref<10000xi32, #tpu.memory_space<vmem>> -> memref<40xi32, #tpu.memory_space<vmem>>
    %dma_start3A_98 = arith.constant 0 : i32
    %dma_start3A_99 = arith.constant 0 : i32
    %dma_start3A_100 = tpu.memref_slice %arg2[%dma_start3A_98, %dma_start3A_99] : memref<10000x128xf32, #tpu.memory_space<hbm>> -> memref<10000x128xf32, #tpu.memory_space<hbm>>
    tpu.enqueue_indirect_dma source(%dma_start3A_100 : memref<10000x128xf32, #tpu.memory_space<hbm>>) target(%arg10 : memref<40x128xf32, #tpu.memory_space<vmem>>) offsets(%dma_start3A_97 : memref<40xi32, #tpu.memory_space<vmem>>) semaphore(%arg18 : memref<!tpu.dma_semaphore, #tpu.memory_space<semaphore_mem>>)
    %add3A_101 = arith.constant 320000 : i32
    %add3A_102 = arith.addi %add3A_101, %mul3A_2 : i32
    %add3A_103 = arith.constant 120 : i32
    %add3A_104 = arith.addi %add3A_102, %add3A_103 : i32
    %dma_start3A_105 = arith.constant 3 : i32
    %dma_start3A_106 = arith.constant 0 : i32
    %dma_start3A_107 = tpu.memref_slice %arg6[%dma_start3A_105, %dma_start3A_106] : memref<7x40xi32, #tpu.memory_space<vmem>> -> memref<1x40xi32, #tpu.memory_space<vmem>>
    %dma_start3A_108 = tpu.memref_squeeze %dma_start3A_107 : memref<1x40xi32, #tpu.memory_space<vmem>> -> memref<40xi32, #tpu.memory_space<vmem>>
    %dma_start3A_109 = tpu.memref_slice %arg3[%add3A_104] : memref<640000xi32, #tpu.memory_space<hbm>> -> memref<40xi32, #tpu.memory_space<hbm>>
    %dma_start3A_110 = arith.constant 0 : i32
    %dma_start3A_111 = tpu.memref_slice %arg6[%dma_start3A_105, %dma_start3A_110] : memref<7x40xi32, #tpu.memory_space<vmem>> -> memref<1x40xi32, #tpu.memory_space<vmem>>
    %dma_start3A_112 = tpu.memref_squeeze %dma_start3A_111 : memref<1x40xi32, #tpu.memory_space<vmem>> -> memref<40xi32, #tpu.memory_space<vmem>>
    %dma_start3A_113 = tpu.memref_slice %arg3[%add3A_104] : memref<640000xi32, #tpu.memory_space<hbm>> -> memref<40xi32, #tpu.memory_space<hbm>>
    tpu.enqueue_dma source(%dma_start3A_113 : memref<40xi32, #tpu.memory_space<hbm>>) target(%dma_start3A_112 : memref<40xi32, #tpu.memory_space<vmem>>) target_semaphore(%arg32 : memref<!tpu.dma_semaphore, #tpu.memory_space<semaphore_mem>>)
    %dma_start3A_114 = arith.constant 160 : i32
    %dma_start3A_115 = tpu.memref_slice %arg5[%dma_start3A_114] : memref<10000xi32, #tpu.memory_space<vmem>> -> memref<40xi32, #tpu.memory_space<vmem>>
    %dma_start3A_116 = arith.constant 0 : i32
    %dma_start3A_117 = arith.constant 0 : i32
    %dma_start3A_118 = tpu.memref_slice %arg2[%dma_start3A_116, %dma_start3A_117] : memref<10000x128xf32, #tpu.memory_space<hbm>> -> memref<10000x128xf32, #tpu.memory_space<hbm>>
    tpu.enqueue_indirect_dma source(%dma_start3A_118 : memref<10000x128xf32, #tpu.memory_space<hbm>>) target(%arg11 : memref<40x128xf32, #tpu.memory_space<vmem>>) offsets(%dma_start3A_115 : memref<40xi32, #tpu.memory_space<vmem>>) semaphore(%arg19 : memref<!tpu.dma_semaphore, #tpu.memory_space<semaphore_mem>>)
    %add3A_119 = arith.constant 320000 : i32
    %add3A_120 = arith.addi %add3A_119, %mul3A_2 : i32
    %add3A_121 = arith.constant 160 : i32
    %add3A_122 = arith.addi %add3A_120, %add3A_121 : i32
    %dma_start3A_123 = arith.constant 4 : i32
    %dma_start3A_124 = arith.constant 0 : i32
    %dma_start3A_125 = tpu.memref_slice %arg6[%dma_start3A_123, %dma_start3A_124] : memref<7x40xi32, #tpu.memory_space<vmem>> -> memref<1x40xi32, #tpu.memory_space<vmem>>
    %dma_start3A_126 = tpu.memref_squeeze %dma_start3A_125 : memref<1x40xi32, #tpu.memory_space<vmem>> -> memref<40xi32, #tpu.memory_space<vmem>>
    %dma_start3A_127 = tpu.memref_slice %arg3[%add3A_122] : memref<640000xi32, #tpu.memory_space<hbm>> -> memref<40xi32, #tpu.memory_space<hbm>>
    %dma_start3A_128 = arith.constant 0 : i32
    %dma_start3A_129 = tpu.memref_slice %arg6[%dma_start3A_123, %dma_start3A_128] : memref<7x40xi32, #tpu.memory_space<vmem>> -> memref<1x40xi32, #tpu.memory_space<vmem>>
    %dma_start3A_130 = tpu.memref_squeeze %dma_start3A_129 : memref<1x40xi32, #tpu.memory_space<vmem>> -> memref<40xi32, #tpu.memory_space<vmem>>
    %dma_start3A_131 = tpu.memref_slice %arg3[%add3A_122] : memref<640000xi32, #tpu.memory_space<hbm>> -> memref<40xi32, #tpu.memory_space<hbm>>
    tpu.enqueue_dma source(%dma_start3A_131 : memref<40xi32, #tpu.memory_space<hbm>>) target(%dma_start3A_130 : memref<40xi32, #tpu.memory_space<vmem>>) target_semaphore(%arg33 : memref<!tpu.dma_semaphore, #tpu.memory_space<semaphore_mem>>)
    %dma_start3A_132 = arith.constant 200 : i32
    %dma_start3A_133 = tpu.memref_slice %arg5[%dma_start3A_132] : memref<10000xi32, #tpu.memory_space<vmem>> -> memref<40xi32, #tpu.memory_space<vmem>>
    %dma_start3A_134 = arith.constant 0 : i32
    %dma_start3A_135 = arith.constant 0 : i32
    %dma_start3A_136 = tpu.memref_slice %arg2[%dma_start3A_134, %dma_start3A_135] : memref<10000x128xf32, #tpu.memory_space<hbm>> -> memref<10000x128xf32, #tpu.memory_space<hbm>>
    tpu.enqueue_indirect_dma source(%dma_start3A_136 : memref<10000x128xf32, #tpu.memory_space<hbm>>) target(%arg12 : memref<40x128xf32, #tpu.memory_space<vmem>>) offsets(%dma_start3A_133 : memref<40xi32, #tpu.memory_space<vmem>>) semaphore(%arg20 : memref<!tpu.dma_semaphore, #tpu.memory_space<semaphore_mem>>)
    %add3A_137 = arith.constant 320000 : i32
    %add3A_138 = arith.addi %add3A_137, %mul3A_2 : i32
    %add3A_139 = arith.constant 200 : i32
    %add3A_140 = arith.addi %add3A_138, %add3A_139 : i32
    %dma_start3A_141 = arith.constant 5 : i32
    %dma_start3A_142 = arith.constant 0 : i32
    %dma_start3A_143 = tpu.memref_slice %arg6[%dma_start3A_141, %dma_start3A_142] : memref<7x40xi32, #tpu.memory_space<vmem>> -> memref<1x40xi32, #tpu.memory_space<vmem>>
    %dma_start3A_144 = tpu.memref_squeeze %dma_start3A_143 : memref<1x40xi32, #tpu.memory_space<vmem>> -> memref<40xi32, #tpu.memory_space<vmem>>
    %dma_start3A_145 = tpu.memref_slice %arg3[%add3A_140] : memref<640000xi32, #tpu.memory_space<hbm>> -> memref<40xi32, #tpu.memory_space<hbm>>
    %dma_start3A_146 = arith.constant 0 : i32
    %dma_start3A_147 = tpu.memref_slice %arg6[%dma_start3A_141, %dma_start3A_146] : memref<7x40xi32, #tpu.memory_space<vmem>> -> memref<1x40xi32, #tpu.memory_space<vmem>>
    %dma_start3A_148 = tpu.memref_squeeze %dma_start3A_147 : memref<1x40xi32, #tpu.memory_space<vmem>> -> memref<40xi32, #tpu.memory_space<vmem>>
    %dma_start3A_149 = tpu.memref_slice %arg3[%add3A_140] : memref<640000xi32, #tpu.memory_space<hbm>> -> memref<40xi32, #tpu.memory_space<hbm>>
    tpu.enqueue_dma source(%dma_start3A_149 : memref<40xi32, #tpu.memory_space<hbm>>) target(%dma_start3A_148 : memref<40xi32, #tpu.memory_space<vmem>>) target_semaphore(%arg34 : memref<!tpu.dma_semaphore, #tpu.memory_space<semaphore_mem>>)
    %dma_start3A_150 = arith.constant 240 : i32
    %dma_start3A_151 = tpu.memref_slice %arg5[%dma_start3A_150] : memref<10000xi32, #tpu.memory_space<vmem>> -> memref<40xi32, #tpu.memory_space<vmem>>
    %dma_start3A_152 = arith.constant 0 : i32
    %dma_start3A_153 = arith.constant 0 : i32
    %dma_start3A_154 = tpu.memref_slice %arg2[%dma_start3A_152, %dma_start3A_153] : memref<10000x128xf32, #tpu.memory_space<hbm>> -> memref<10000x128xf32, #tpu.memory_space<hbm>>
    tpu.enqueue_indirect_dma source(%dma_start3A_154 : memref<10000x128xf32, #tpu.memory_space<hbm>>) target(%arg13 : memref<40x128xf32, #tpu.memory_space<vmem>>) offsets(%dma_start3A_151 : memref<40xi32, #tpu.memory_space<vmem>>) semaphore(%arg21 : memref<!tpu.dma_semaphore, #tpu.memory_space<semaphore_mem>>)
    %add3A_155 = arith.constant 320000 : i32
    %add3A_156 = arith.addi %add3A_155, %mul3A_2 : i32
    %add3A_157 = arith.constant 240 : i32
    %add3A_158 = arith.addi %add3A_156, %add3A_157 : i32
    %dma_start3A_159 = arith.constant 6 : i32
    %dma_start3A_160 = arith.constant 0 : i32
    %dma_start3A_161 = tpu.memref_slice %arg6[%dma_start3A_159, %dma_start3A_160] : memref<7x40xi32, #tpu.memory_space<vmem>> -> memref<1x40xi32, #tpu.memory_space<vmem>>
    %dma_start3A_162 = tpu.memref_squeeze %dma_start3A_161 : memref<1x40xi32, #tpu.memory_space<vmem>> -> memref<40xi32, #tpu.memory_space<vmem>>
    %dma_start3A_163 = tpu.memref_slice %arg3[%add3A_158] : memref<640000xi32, #tpu.memory_space<hbm>> -> memref<40xi32, #tpu.memory_space<hbm>>
    %dma_start3A_164 = arith.constant 0 : i32
    %dma_start3A_165 = tpu.memref_slice %arg6[%dma_start3A_159, %dma_start3A_164] : memref<7x40xi32, #tpu.memory_space<vmem>> -> memref<1x40xi32, #tpu.memory_space<vmem>>
    %dma_start3A_166 = tpu.memref_squeeze %dma_start3A_165 : memref<1x40xi32, #tpu.memory_space<vmem>> -> memref<40xi32, #tpu.memory_space<vmem>>
    %dma_start3A_167 = tpu.memref_slice %arg3[%add3A_158] : memref<640000xi32, #tpu.memory_space<hbm>> -> memref<40xi32, #tpu.memory_space<hbm>>
    tpu.enqueue_dma source(%dma_start3A_167 : memref<40xi32, #tpu.memory_space<hbm>>) target(%dma_start3A_166 : memref<40xi32, #tpu.memory_space<vmem>>) target_semaphore(%arg35 : memref<!tpu.dma_semaphore, #tpu.memory_space<semaphore_mem>>)
    %barrier3A = arith.constant 0 : index
    tpu.barrier barrier_id(%barrier3A)
    %scan3A_168 = arith.constant 0 : i32
    %scan3A_169 = arith.constant 0 : i32
    %scan3A_170 = arith.constant 35 : i32
    %scan3A_171 = arith.addi %scan3A_169, %scan3A_170 : i32
    %scan3A_172 = arith.constant 1 : i32
    scf.for %scan3A_331 = %scan3A_169 to %scan3A_171 step %scan3A_172  : i32 {
      %mul3A_332 = arith.constant 7 : i32
      %mul3A_333 = arith.muli %mul3A_332, %scan3A_331 : i32
      %add3A_334 = arith.constant 0 : i32
      %add3A_335 = arith.addi %mul3A_333, %add3A_334 : i32
      %dma_wait3A_336 = arith.constant 0 : i32
      %dma_wait3A_337 = tpu.memref_slice %arg5[%dma_wait3A_336] : memref<10000xi32, #tpu.memory_space<vmem>> -> memref<40xi32, #tpu.memory_space<vmem>>
      %dma_wait3A_338 = arith.constant 0 : i32
      %dma_wait3A_339 = arith.constant 0 : i32
      %dma_wait3A_340 = tpu.memref_slice %arg2[%dma_wait3A_338, %dma_wait3A_339] : memref<10000x128xf32, #tpu.memory_space<hbm>> -> memref<10000x128xf32, #tpu.memory_space<hbm>>
      tpu.wait_indirect_dma semaphore(%arg15 : memref<!tpu.dma_semaphore, #tpu.memory_space<semaphore_mem>>) src(%dma_wait3A_340 : memref<10000x128xf32, #tpu.memory_space<hbm>>) dst(%arg7 : memref<40x128xf32, #tpu.memory_space<vmem>>)
      %dma_wait3A_341 = arith.constant 0 : i32
      %dma_wait3A_342 = arith.constant 0 : i32
      %dma_wait3A_343 = tpu.memref_slice %arg6[%dma_wait3A_341, %dma_wait3A_342] : memref<7x40xi32, #tpu.memory_space<vmem>> -> memref<1x40xi32, #tpu.memory_space<vmem>>
      %dma_wait3A_344 = tpu.memref_squeeze %dma_wait3A_343 : memref<1x40xi32, #tpu.memory_space<vmem>> -> memref<40xi32, #tpu.memory_space<vmem>>
      %dma_wait3A_345 = arith.constant 0 : i32
      %dma_wait3A_346 = tpu.memref_slice %arg3[%dma_wait3A_345] : memref<640000xi32, #tpu.memory_space<hbm>> -> memref<40xi32, #tpu.memory_space<hbm>>
      %dma_wait3A_347 = arith.constant 0 : i32
      %dma_wait3A_348 = tpu.memref_slice %arg6[%dma_wait3A_341, %dma_wait3A_347] : memref<7x40xi32, #tpu.memory_space<vmem>> -> memref<1x40xi32, #tpu.memory_space<vmem>>
      %dma_wait3A_349 = tpu.memref_squeeze %dma_wait3A_348 : memref<1x40xi32, #tpu.memory_space<vmem>> -> memref<40xi32, #tpu.memory_space<vmem>>
      %dma_wait3A_350 = arith.constant 0 : i32
      %dma_wait3A_351 = tpu.memref_slice %arg3[%dma_wait3A_350] : memref<640000xi32, #tpu.memory_space<hbm>> -> memref<40xi32, #tpu.memory_space<hbm>>
      tpu.wait_dma2 semaphore(%arg29 : memref<!tpu.dma_semaphore, #tpu.memory_space<semaphore_mem>>) src(%dma_wait3A_351 : memref<40xi32, #tpu.memory_space<hbm>>) dst(%dma_wait3A_349 : memref<40xi32, #tpu.memory_space<vmem>>)
      %dma_start3A_352 = arith.constant 0 : i32
      %dma_start3A_353 = arith.constant 0 : i32
      %dma_start3A_354 = tpu.memref_slice %arg6[%dma_start3A_352, %dma_start3A_353] : memref<7x40xi32, #tpu.memory_space<vmem>> -> memref<1x40xi32, #tpu.memory_space<vmem>>
      %dma_start3A_355 = tpu.memref_squeeze %dma_start3A_354 : memref<1x40xi32, #tpu.memory_space<vmem>> -> memref<40xi32, #tpu.memory_space<vmem>>
      %dma_start3A_356 = arith.constant 0 : i32
      %dma_start3A_357 = arith.constant 0 : i32
      %dma_start3A_358 = tpu.memref_slice %arg14[%dma_start3A_356, %dma_start3A_357] : memref<10240x128xf32, #tpu.memory_space<vmem_shared>> -> memref<10240x128xf32, #tpu.memory_space<vmem_shared>>
      tpu.enqueue_indirect_dma source(%arg7 : memref<40x128xf32, #tpu.memory_space<vmem>>) target(%dma_start3A_358 : memref<10240x128xf32, #tpu.memory_space<vmem_shared>>) offsets(%dma_start3A_355 : memref<40xi32, #tpu.memory_space<vmem>>) semaphore(%arg22 : memref<!tpu.dma_semaphore, #tpu.memory_space<semaphore_mem>>) {add = true}
      %ge3A = arith.constant 1 : i32
      %ge3A_359 = arith.cmpi sge, %add3A_335, %ge3A : i32
      %convert_element_type3A = arith.extui %ge3A_359 : i1 to i32
      %cond3A = arith.constant 0 : i32
      %cond3A_360 = arith.cmpi ne, %convert_element_type3A, %cond3A : i32
      scf.if %cond3A_360 {
        %dma_wait3A_553 = arith.constant 6 : i32
        %dma_wait3A_554 = arith.constant 0 : i32
        %dma_wait3A_555 = tpu.memref_slice %arg6[%dma_wait3A_553, %dma_wait3A_554] : memref<7x40xi32, #tpu.memory_space<vmem>> -> memref<1x40xi32, #tpu.memory_space<vmem>>
        %dma_wait3A_556 = tpu.memref_squeeze %dma_wait3A_555 : memref<1x40xi32, #tpu.memory_space<vmem>> -> memref<40xi32, #tpu.memory_space<vmem>>
        %dma_wait3A_557 = arith.constant 0 : i32
        %dma_wait3A_558 = arith.constant 0 : i32
        %dma_wait3A_559 = tpu.memref_slice %arg14[%dma_wait3A_557, %dma_wait3A_558] : memref<10240x128xf32, #tpu.memory_space<vmem_shared>> -> memref<10240x128xf32, #tpu.memory_space<vmem_shared>>
        tpu.wait_indirect_dma semaphore(%arg28 : memref<!tpu.dma_semaphore, #tpu.memory_space<semaphore_mem>>) src(%arg13 : memref<40x128xf32, #tpu.memory_space<vmem>>) dst(%dma_wait3A_559 : memref<10240x128xf32, #tpu.memory_space<vmem_shared>>)
        %sub3A = arith.constant 1 : i32
        %sub3A_560 = arith.subi %add3A_335, %sub3A : i32
        %add3A_561 = arith.constant 7 : i32
        %add3A_562 = arith.addi %sub3A_560, %add3A_561 : i32
        %lt3A = arith.constant 250 : i32
        %lt3A_563 = arith.cmpi slt, %add3A_562, %lt3A : i32
        %convert_element_type3A_564 = arith.extui %lt3A_563 : i1 to i32
        %cond3A_565 = arith.constant 0 : i32
        %cond3A_566 = arith.cmpi ne, %convert_element_type3A_564, %cond3A_565 : i32
        scf.if %cond3A_566 {
          %sub3A_567 = arith.constant 1 : i32
          %sub3A_568 = arith.subi %add3A_335, %sub3A_567 : i32
          %add3A_569 = arith.constant 7 : i32
          %add3A_570 = arith.addi %sub3A_568, %add3A_569 : i32
          %mul3A_571 = arith.constant 40 : i32
          %mul3A_572 = arith.muli %add3A_570, %mul3A_571 : i32
          %dma_start3A_573 = tpu.memref_slice %arg5[%mul3A_572] : memref<10000xi32, #tpu.memory_space<vmem>> -> memref<40xi32, #tpu.memory_space<vmem>>
          %dma_start3A_574 = arith.constant 0 : i32
          %dma_start3A_575 = arith.constant 0 : i32
          %dma_start3A_576 = tpu.memref_slice %arg2[%dma_start3A_574, %dma_start3A_575] : memref<10000x128xf32, #tpu.memory_space<hbm>> -> memref<10000x128xf32, #tpu.memory_space<hbm>>
          tpu.enqueue_indirect_dma source(%dma_start3A_576 : memref<10000x128xf32, #tpu.memory_space<hbm>>) target(%arg13 : memref<40x128xf32, #tpu.memory_space<vmem>>) offsets(%dma_start3A_573 : memref<40xi32, #tpu.memory_space<vmem>>) semaphore(%arg21 : memref<!tpu.dma_semaphore, #tpu.memory_space<semaphore_mem>>)
          %sub3A_577 = arith.constant 1 : i32
          %sub3A_578 = arith.subi %add3A_335, %sub3A_577 : i32
          %add3A_579 = arith.constant 7 : i32
          %add3A_580 = arith.addi %sub3A_578, %add3A_579 : i32
          %add3A_581 = arith.constant 320000 : i32
          %add3A_582 = arith.addi %add3A_581, %mul3A_2 : i32
          %mul3A_583 = arith.constant 40 : i32
          %mul3A_584 = arith.muli %add3A_580, %mul3A_583 : i32
          %add3A_585 = arith.addi %add3A_582, %mul3A_584 : i32
          %dma_start3A_586 = arith.constant 6 : i32
          %dma_start3A_587 = arith.constant 0 : i32
          %dma_start3A_588 = tpu.memref_slice %arg6[%dma_start3A_586, %dma_start3A_587] : memref<7x40xi32, #tpu.memory_space<vmem>> -> memref<1x40xi32, #tpu.memory_space<vmem>>
          %dma_start3A_589 = tpu.memref_squeeze %dma_start3A_588 : memref<1x40xi32, #tpu.memory_space<vmem>> -> memref<40xi32, #tpu.memory_space<vmem>>
          %dma_start3A_590 = tpu.memref_slice %arg3[%add3A_585] : memref<640000xi32, #tpu.memory_space<hbm>> -> memref<40xi32, #tpu.memory_space<hbm>>
          %dma_start3A_591 = arith.constant 0 : i32
          %dma_start3A_592 = tpu.memref_slice %arg6[%dma_start3A_586, %dma_start3A_591] : memref<7x40xi32, #tpu.memory_space<vmem>> -> memref<1x40xi32, #tpu.memory_space<vmem>>
          %dma_start3A_593 = tpu.memref_squeeze %dma_start3A_592 : memref<1x40xi32, #tpu.memory_space<vmem>> -> memref<40xi32, #tpu.memory_space<vmem>>
          %dma_start3A_594 = tpu.memref_slice %arg3[%add3A_585] : memref<640000xi32, #tpu.memory_space<hbm>> -> memref<40xi32, #tpu.memory_space<hbm>>
          tpu.enqueue_dma source(%dma_start3A_594 : memref<40xi32, #tpu.memory_space<hbm>>) target(%dma_start3A_593 : memref<40xi32, #tpu.memory_space<vmem>>) target_semaphore(%arg35 : memref<!tpu.dma_semaphore, #tpu.memory_space<semaphore_mem>>)
        } else {
        }
      } else {
      }
      %mul3A_361 = arith.constant 7 : i32
      %mul3A_362 = arith.muli %mul3A_361, %scan3A_331 : i32
      %add3A_363 = arith.constant 1 : i32
      %add3A_364 = arith.addi %mul3A_362, %add3A_363 : i32
      %dma_wait3A_365 = arith.constant 0 : i32
      %dma_wait3A_366 = tpu.memref_slice %arg5[%dma_wait3A_365] : memref<10000xi32, #tpu.memory_space<vmem>> -> memref<40xi32, #tpu.memory_space<vmem>>
      %dma_wait3A_367 = arith.constant 0 : i32
      %dma_wait3A_368 = arith.constant 0 : i32
      %dma_wait3A_369 = tpu.memref_slice %arg2[%dma_wait3A_367, %dma_wait3A_368] : memref<10000x128xf32, #tpu.memory_space<hbm>> -> memref<10000x128xf32, #tpu.memory_space<hbm>>
      tpu.wait_indirect_dma semaphore(%arg16 : memref<!tpu.dma_semaphore, #tpu.memory_space<semaphore_mem>>) src(%dma_wait3A_369 : memref<10000x128xf32, #tpu.memory_space<hbm>>) dst(%arg8 : memref<40x128xf32, #tpu.memory_space<vmem>>)
      %dma_wait3A_370 = arith.constant 1 : i32
      %dma_wait3A_371 = arith.constant 0 : i32
      %dma_wait3A_372 = tpu.memref_slice %arg6[%dma_wait3A_370, %dma_wait3A_371] : memref<7x40xi32, #tpu.memory_space<vmem>> -> memref<1x40xi32, #tpu.memory_space<vmem>>
      %dma_wait3A_373 = tpu.memref_squeeze %dma_wait3A_372 : memref<1x40xi32, #tpu.memory_space<vmem>> -> memref<40xi32, #tpu.memory_space<vmem>>
      %dma_wait3A_374 = arith.constant 0 : i32
      %dma_wait3A_375 = tpu.memref_slice %arg3[%dma_wait3A_374] : memref<640000xi32, #tpu.memory_space<hbm>> -> memref<40xi32, #tpu.memory_space<hbm>>
      %dma_wait3A_376 = arith.constant 0 : i32
      %dma_wait3A_377 = tpu.memref_slice %arg6[%dma_wait3A_370, %dma_wait3A_376] : memref<7x40xi32, #tpu.memory_space<vmem>> -> memref<1x40xi32, #tpu.memory_space<vmem>>
      %dma_wait3A_378 = tpu.memref_squeeze %dma_wait3A_377 : memref<1x40xi32, #tpu.memory_space<vmem>> -> memref<40xi32, #tpu.memory_space<vmem>>
      %dma_wait3A_379 = arith.constant 0 : i32
      %dma_wait3A_380 = tpu.memref_slice %arg3[%dma_wait3A_379] : memref<640000xi32, #tpu.memory_space<hbm>> -> memref<40xi32, #tpu.memory_space<hbm>>
      tpu.wait_dma2 semaphore(%arg30 : memref<!tpu.dma_semaphore, #tpu.memory_space<semaphore_mem>>) src(%dma_wait3A_380 : memref<40xi32, #tpu.memory_space<hbm>>) dst(%dma_wait3A_378 : memref<40xi32, #tpu.memory_space<vmem>>)
      %dma_start3A_381 = arith.constant 1 : i32
      %dma_start3A_382 = arith.constant 0 : i32
      %dma_start3A_383 = tpu.memref_slice %arg6[%dma_start3A_381, %dma_start3A_382] : memref<7x40xi32, #tpu.memory_space<vmem>> -> memref<1x40xi32, #tpu.memory_space<vmem>>
      %dma_start3A_384 = tpu.memref_squeeze %dma_start3A_383 : memref<1x40xi32, #tpu.memory_space<vmem>> -> memref<40xi32, #tpu.memory_space<vmem>>
      %dma_start3A_385 = arith.constant 0 : i32
      %dma_start3A_386 = arith.constant 0 : i32
      %dma_start3A_387 = tpu.memref_slice %arg14[%dma_start3A_385, %dma_start3A_386] : memref<10240x128xf32, #tpu.memory_space<vmem_shared>> -> memref<10240x128xf32, #tpu.memory_space<vmem_shared>>
      tpu.enqueue_indirect_dma source(%arg8 : memref<40x128xf32, #tpu.memory_space<vmem>>) target(%dma_start3A_387 : memref<10240x128xf32, #tpu.memory_space<vmem_shared>>) offsets(%dma_start3A_384 : memref<40xi32, #tpu.memory_space<vmem>>) semaphore(%arg23 : memref<!tpu.dma_semaphore, #tpu.memory_space<semaphore_mem>>) {add = true}
      %ge3A_388 = arith.constant 1 : i32
      %ge3A_389 = arith.cmpi sge, %add3A_364, %ge3A_388 : i32
      %convert_element_type3A_390 = arith.extui %ge3A_389 : i1 to i32
      %cond3A_391 = arith.constant 0 : i32
      %cond3A_392 = arith.cmpi ne, %convert_element_type3A_390, %cond3A_391 : i32
      scf.if %cond3A_392 {
        %dma_wait3A_553 = arith.constant 0 : i32
        %dma_wait3A_554 = arith.constant 0 : i32
        %dma_wait3A_555 = tpu.memref_slice %arg6[%dma_wait3A_553, %dma_wait3A_554] : memref<7x40xi32, #tpu.memory_space<vmem>> -> memref<1x40xi32, #tpu.memory_space<vmem>>
        %dma_wait3A_556 = tpu.memref_squeeze %dma_wait3A_555 : memref<1x40xi32, #tpu.memory_space<vmem>> -> memref<40xi32, #tpu.memory_space<vmem>>
        %dma_wait3A_557 = arith.constant 0 : i32
        %dma_wait3A_558 = arith.constant 0 : i32
        %dma_wait3A_559 = tpu.memref_slice %arg14[%dma_wait3A_557, %dma_wait3A_558] : memref<10240x128xf32, #tpu.memory_space<vmem_shared>> -> memref<10240x128xf32, #tpu.memory_space<vmem_shared>>
        tpu.wait_indirect_dma semaphore(%arg22 : memref<!tpu.dma_semaphore, #tpu.memory_space<semaphore_mem>>) src(%arg7 : memref<40x128xf32, #tpu.memory_space<vmem>>) dst(%dma_wait3A_559 : memref<10240x128xf32, #tpu.memory_space<vmem_shared>>)
        %sub3A = arith.constant 1 : i32
        %sub3A_560 = arith.subi %add3A_364, %sub3A : i32
        %add3A_561 = arith.constant 7 : i32
        %add3A_562 = arith.addi %sub3A_560, %add3A_561 : i32
        %lt3A = arith.constant 250 : i32
        %lt3A_563 = arith.cmpi slt, %add3A_562, %lt3A : i32
        %convert_element_type3A_564 = arith.extui %lt3A_563 : i1 to i32
        %cond3A_565 = arith.constant 0 : i32
        %cond3A_566 = arith.cmpi ne, %convert_element_type3A_564, %cond3A_565 : i32
        scf.if %cond3A_566 {
          %sub3A_567 = arith.constant 1 : i32
          %sub3A_568 = arith.subi %add3A_364, %sub3A_567 : i32
          %add3A_569 = arith.constant 7 : i32
          %add3A_570 = arith.addi %sub3A_568, %add3A_569 : i32
          %mul3A_571 = arith.constant 40 : i32
          %mul3A_572 = arith.muli %add3A_570, %mul3A_571 : i32
          %dma_start3A_573 = tpu.memref_slice %arg5[%mul3A_572] : memref<10000xi32, #tpu.memory_space<vmem>> -> memref<40xi32, #tpu.memory_space<vmem>>
          %dma_start3A_574 = arith.constant 0 : i32
          %dma_start3A_575 = arith.constant 0 : i32
          %dma_start3A_576 = tpu.memref_slice %arg2[%dma_start3A_574, %dma_start3A_575] : memref<10000x128xf32, #tpu.memory_space<hbm>> -> memref<10000x128xf32, #tpu.memory_space<hbm>>
          tpu.enqueue_indirect_dma source(%dma_start3A_576 : memref<10000x128xf32, #tpu.memory_space<hbm>>) target(%arg7 : memref<40x128xf32, #tpu.memory_space<vmem>>) offsets(%dma_start3A_573 : memref<40xi32, #tpu.memory_space<vmem>>) semaphore(%arg15 : memref<!tpu.dma_semaphore, #tpu.memory_space<semaphore_mem>>)
          %sub3A_577 = arith.constant 1 : i32
          %sub3A_578 = arith.subi %add3A_364, %sub3A_577 : i32
          %add3A_579 = arith.constant 7 : i32
          %add3A_580 = arith.addi %sub3A_578, %add3A_579 : i32
          %add3A_581 = arith.constant 320000 : i32
          %add3A_582 = arith.addi %add3A_581, %mul3A_2 : i32
          %mul3A_583 = arith.constant 40 : i32
          %mul3A_584 = arith.muli %add3A_580, %mul3A_583 : i32
          %add3A_585 = arith.addi %add3A_582, %mul3A_584 : i32
          %dma_start3A_586 = arith.constant 0 : i32
          %dma_start3A_587 = arith.constant 0 : i32
          %dma_start3A_588 = tpu.memref_slice %arg6[%dma_start3A_586, %dma_start3A_587] : memref<7x40xi32, #tpu.memory_space<vmem>> -> memref<1x40xi32, #tpu.memory_space<vmem>>
          %dma_start3A_589 = tpu.memref_squeeze %dma_start3A_588 : memref<1x40xi32, #tpu.memory_space<vmem>> -> memref<40xi32, #tpu.memory_space<vmem>>
          %dma_start3A_590 = tpu.memref_slice %arg3[%add3A_585] : memref<640000xi32, #tpu.memory_space<hbm>> -> memref<40xi32, #tpu.memory_space<hbm>>
          %dma_start3A_591 = arith.constant 0 : i32
          %dma_start3A_592 = tpu.memref_slice %arg6[%dma_start3A_586, %dma_start3A_591] : memref<7x40xi32, #tpu.memory_space<vmem>> -> memref<1x40xi32, #tpu.memory_space<vmem>>
          %dma_start3A_593 = tpu.memref_squeeze %dma_start3A_592 : memref<1x40xi32, #tpu.memory_space<vmem>> -> memref<40xi32, #tpu.memory_space<vmem>>
          %dma_start3A_594 = tpu.memref_slice %arg3[%add3A_585] : memref<640000xi32, #tpu.memory_space<hbm>> -> memref<40xi32, #tpu.memory_space<hbm>>
          tpu.enqueue_dma source(%dma_start3A_594 : memref<40xi32, #tpu.memory_space<hbm>>) target(%dma_start3A_593 : memref<40xi32, #tpu.memory_space<vmem>>) target_semaphore(%arg29 : memref<!tpu.dma_semaphore, #tpu.memory_space<semaphore_mem>>)
        } else {
        }
      } else {
      }
      %mul3A_393 = arith.constant 7 : i32
      %mul3A_394 = arith.muli %mul3A_393, %scan3A_331 : i32
      %add3A_395 = arith.constant 2 : i32
      %add3A_396 = arith.addi %mul3A_394, %add3A_395 : i32
      %dma_wait3A_397 = arith.constant 0 : i32
      %dma_wait3A_398 = tpu.memref_slice %arg5[%dma_wait3A_397] : memref<10000xi32, #tpu.memory_space<vmem>> -> memref<40xi32, #tpu.memory_space<vmem>>
      %dma_wait3A_399 = arith.constant 0 : i32
      %dma_wait3A_400 = arith.constant 0 : i32
      %dma_wait3A_401 = tpu.memref_slice %arg2[%dma_wait3A_399, %dma_wait3A_400] : memref<10000x128xf32, #tpu.memory_space<hbm>> -> memref<10000x128xf32, #tpu.memory_space<hbm>>
      tpu.wait_indirect_dma semaphore(%arg17 : memref<!tpu.dma_semaphore, #tpu.memory_space<semaphore_mem>>) src(%dma_wait3A_401 : memref<10000x128xf32, #tpu.memory_space<hbm>>) dst(%arg9 : memref<40x128xf32, #tpu.memory_space<vmem>>)
      %dma_wait3A_402 = arith.constant 2 : i32
      %dma_wait3A_403 = arith.constant 0 : i32
      %dma_wait3A_404 = tpu.memref_slice %arg6[%dma_wait3A_402, %dma_wait3A_403] : memref<7x40xi32, #tpu.memory_space<vmem>> -> memref<1x40xi32, #tpu.memory_space<vmem>>
      %dma_wait3A_405 = tpu.memref_squeeze %dma_wait3A_404 : memref<1x40xi32, #tpu.memory_space<vmem>> -> memref<40xi32, #tpu.memory_space<vmem>>
      %dma_wait3A_406 = arith.constant 0 : i32
      %dma_wait3A_407 = tpu.memref_slice %arg3[%dma_wait3A_406] : memref<640000xi32, #tpu.memory_space<hbm>> -> memref<40xi32, #tpu.memory_space<hbm>>
      %dma_wait3A_408 = arith.constant 0 : i32
      %dma_wait3A_409 = tpu.memref_slice %arg6[%dma_wait3A_402, %dma_wait3A_408] : memref<7x40xi32, #tpu.memory_space<vmem>> -> memref<1x40xi32, #tpu.memory_space<vmem>>
      %dma_wait3A_410 = tpu.memref_squeeze %dma_wait3A_409 : memref<1x40xi32, #tpu.memory_space<vmem>> -> memref<40xi32, #tpu.memory_space<vmem>>
      %dma_wait3A_411 = arith.constant 0 : i32
      %dma_wait3A_412 = tpu.memref_slice %arg3[%dma_wait3A_411] : memref<640000xi32, #tpu.memory_space<hbm>> -> memref<40xi32, #tpu.memory_space<hbm>>
      tpu.wait_dma2 semaphore(%arg31 : memref<!tpu.dma_semaphore, #tpu.memory_space<semaphore_mem>>) src(%dma_wait3A_412 : memref<40xi32, #tpu.memory_space<hbm>>) dst(%dma_wait3A_410 : memref<40xi32, #tpu.memory_space<vmem>>)
      %dma_start3A_413 = arith.constant 2 : i32
      %dma_start3A_414 = arith.constant 0 : i32
      %dma_start3A_415 = tpu.memref_slice %arg6[%dma_start3A_413, %dma_start3A_414] : memref<7x40xi32, #tpu.memory_space<vmem>> -> memref<1x40xi32, #tpu.memory_space<vmem>>
      %dma_start3A_416 = tpu.memref_squeeze %dma_start3A_415 : memref<1x40xi32, #tpu.memory_space<vmem>> -> memref<40xi32, #tpu.memory_space<vmem>>
      %dma_start3A_417 = arith.constant 0 : i32
      %dma_start3A_418 = arith.constant 0 : i32
      %dma_start3A_419 = tpu.memref_slice %arg14[%dma_start3A_417, %dma_start3A_418] : memref<10240x128xf32, #tpu.memory_space<vmem_shared>> -> memref<10240x128xf32, #tpu.memory_space<vmem_shared>>
      tpu.enqueue_indirect_dma source(%arg9 : memref<40x128xf32, #tpu.memory_space<vmem>>) target(%dma_start3A_419 : memref<10240x128xf32, #tpu.memory_space<vmem_shared>>) offsets(%dma_start3A_416 : memref<40xi32, #tpu.memory_space<vmem>>) semaphore(%arg24 : memref<!tpu.dma_semaphore, #tpu.memory_space<semaphore_mem>>) {add = true}
      %ge3A_420 = arith.constant 1 : i32
      %ge3A_421 = arith.cmpi sge, %add3A_396, %ge3A_420 : i32
      %convert_element_type3A_422 = arith.extui %ge3A_421 : i1 to i32
      %cond3A_423 = arith.constant 0 : i32
      %cond3A_424 = arith.cmpi ne, %convert_element_type3A_422, %cond3A_423 : i32
      scf.if %cond3A_424 {
        %dma_wait3A_553 = arith.constant 1 : i32
        %dma_wait3A_554 = arith.constant 0 : i32
        %dma_wait3A_555 = tpu.memref_slice %arg6[%dma_wait3A_553, %dma_wait3A_554] : memref<7x40xi32, #tpu.memory_space<vmem>> -> memref<1x40xi32, #tpu.memory_space<vmem>>
        %dma_wait3A_556 = tpu.memref_squeeze %dma_wait3A_555 : memref<1x40xi32, #tpu.memory_space<vmem>> -> memref<40xi32, #tpu.memory_space<vmem>>
        %dma_wait3A_557 = arith.constant 0 : i32
        %dma_wait3A_558 = arith.constant 0 : i32
        %dma_wait3A_559 = tpu.memref_slice %arg14[%dma_wait3A_557, %dma_wait3A_558] : memref<10240x128xf32, #tpu.memory_space<vmem_shared>> -> memref<10240x128xf32, #tpu.memory_space<vmem_shared>>
        tpu.wait_indirect_dma semaphore(%arg23 : memref<!tpu.dma_semaphore, #tpu.memory_space<semaphore_mem>>) src(%arg8 : memref<40x128xf32, #tpu.memory_space<vmem>>) dst(%dma_wait3A_559 : memref<10240x128xf32, #tpu.memory_space<vmem_shared>>)
        %sub3A = arith.constant 1 : i32
        %sub3A_560 = arith.subi %add3A_396, %sub3A : i32
        %add3A_561 = arith.constant 7 : i32
        %add3A_562 = arith.addi %sub3A_560, %add3A_561 : i32
        %lt3A = arith.constant 250 : i32
        %lt3A_563 = arith.cmpi slt, %add3A_562, %lt3A : i32
        %convert_element_type3A_564 = arith.extui %lt3A_563 : i1 to i32
        %cond3A_565 = arith.constant 0 : i32
        %cond3A_566 = arith.cmpi ne, %convert_element_type3A_564, %cond3A_565 : i32
        scf.if %cond3A_566 {
          %sub3A_567 = arith.constant 1 : i32
          %sub3A_568 = arith.subi %add3A_396, %sub3A_567 : i32
          %add3A_569 = arith.constant 7 : i32
          %add3A_570 = arith.addi %sub3A_568, %add3A_569 : i32
          %mul3A_571 = arith.constant 40 : i32
          %mul3A_572 = arith.muli %add3A_570, %mul3A_571 : i32
          %dma_start3A_573 = tpu.memref_slice %arg5[%mul3A_572] : memref<10000xi32, #tpu.memory_space<vmem>> -> memref<40xi32, #tpu.memory_space<vmem>>
          %dma_start3A_574 = arith.constant 0 : i32
          %dma_start3A_575 = arith.constant 0 : i32
          %dma_start3A_576 = tpu.memref_slice %arg2[%dma_start3A_574, %dma_start3A_575] : memref<10000x128xf32, #tpu.memory_space<hbm>> -> memref<10000x128xf32, #tpu.memory_space<hbm>>
          tpu.enqueue_indirect_dma source(%dma_start3A_576 : memref<10000x128xf32, #tpu.memory_space<hbm>>) target(%arg8 : memref<40x128xf32, #tpu.memory_space<vmem>>) offsets(%dma_start3A_573 : memref<40xi32, #tpu.memory_space<vmem>>) semaphore(%arg16 : memref<!tpu.dma_semaphore, #tpu.memory_space<semaphore_mem>>)
          %sub3A_577 = arith.constant 1 : i32
          %sub3A_578 = arith.subi %add3A_396, %sub3A_577 : i32
          %add3A_579 = arith.constant 7 : i32
          %add3A_580 = arith.addi %sub3A_578, %add3A_579 : i32
          %add3A_581 = arith.constant 320000 : i32
          %add3A_582 = arith.addi %add3A_581, %mul3A_2 : i32
          %mul3A_583 = arith.constant 40 : i32
          %mul3A_584 = arith.muli %add3A_580, %mul3A_583 : i32
          %add3A_585 = arith.addi %add3A_582, %mul3A_584 : i32
          %dma_start3A_586 = arith.constant 1 : i32
          %dma_start3A_587 = arith.constant 0 : i32
          %dma_start3A_588 = tpu.memref_slice %arg6[%dma_start3A_586, %dma_start3A_587] : memref<7x40xi32, #tpu.memory_space<vmem>> -> memref<1x40xi32, #tpu.memory_space<vmem>>
          %dma_start3A_589 = tpu.memref_squeeze %dma_start3A_588 : memref<1x40xi32, #tpu.memory_space<vmem>> -> memref<40xi32, #tpu.memory_space<vmem>>
          %dma_start3A_590 = tpu.memref_slice %arg3[%add3A_585] : memref<640000xi32, #tpu.memory_space<hbm>> -> memref<40xi32, #tpu.memory_space<hbm>>
          %dma_start3A_591 = arith.constant 0 : i32
          %dma_start3A_592 = tpu.memref_slice %arg6[%dma_start3A_586, %dma_start3A_591] : memref<7x40xi32, #tpu.memory_space<vmem>> -> memref<1x40xi32, #tpu.memory_space<vmem>>
          %dma_start3A_593 = tpu.memref_squeeze %dma_start3A_592 : memref<1x40xi32, #tpu.memory_space<vmem>> -> memref<40xi32, #tpu.memory_space<vmem>>
          %dma_start3A_594 = tpu.memref_slice %arg3[%add3A_585] : memref<640000xi32, #tpu.memory_space<hbm>> -> memref<40xi32, #tpu.memory_space<hbm>>
          tpu.enqueue_dma source(%dma_start3A_594 : memref<40xi32, #tpu.memory_space<hbm>>) target(%dma_start3A_593 : memref<40xi32, #tpu.memory_space<vmem>>) target_semaphore(%arg30 : memref<!tpu.dma_semaphore, #tpu.memory_space<semaphore_mem>>)
        } else {
        }
      } else {
      }
      %mul3A_425 = arith.constant 7 : i32
      %mul3A_426 = arith.muli %mul3A_425, %scan3A_331 : i32
      %add3A_427 = arith.constant 3 : i32
      %add3A_428 = arith.addi %mul3A_426, %add3A_427 : i32
      %dma_wait3A_429 = arith.constant 0 : i32
      %dma_wait3A_430 = tpu.memref_slice %arg5[%dma_wait3A_429] : memref<10000xi32, #tpu.memory_space<vmem>> -> memref<40xi32, #tpu.memory_space<vmem>>
      %dma_wait3A_431 = arith.constant 0 : i32
      %dma_wait3A_432 = arith.constant 0 : i32
      %dma_wait3A_433 = tpu.memref_slice %arg2[%dma_wait3A_431, %dma_wait3A_432] : memref<10000x128xf32, #tpu.memory_space<hbm>> -> memref<10000x128xf32, #tpu.memory_space<hbm>>
      tpu.wait_indirect_dma semaphore(%arg18 : memref<!tpu.dma_semaphore, #tpu.memory_space<semaphore_mem>>) src(%dma_wait3A_433 : memref<10000x128xf32, #tpu.memory_space<hbm>>) dst(%arg10 : memref<40x128xf32, #tpu.memory_space<vmem>>)
      %dma_wait3A_434 = arith.constant 3 : i32
      %dma_wait3A_435 = arith.constant 0 : i32
      %dma_wait3A_436 = tpu.memref_slice %arg6[%dma_wait3A_434, %dma_wait3A_435] : memref<7x40xi32, #tpu.memory_space<vmem>> -> memref<1x40xi32, #tpu.memory_space<vmem>>
      %dma_wait3A_437 = tpu.memref_squeeze %dma_wait3A_436 : memref<1x40xi32, #tpu.memory_space<vmem>> -> memref<40xi32, #tpu.memory_space<vmem>>
      %dma_wait3A_438 = arith.constant 0 : i32
      %dma_wait3A_439 = tpu.memref_slice %arg3[%dma_wait3A_438] : memref<640000xi32, #tpu.memory_space<hbm>> -> memref<40xi32, #tpu.memory_space<hbm>>
      %dma_wait3A_440 = arith.constant 0 : i32
      %dma_wait3A_441 = tpu.memref_slice %arg6[%dma_wait3A_434, %dma_wait3A_440] : memref<7x40xi32, #tpu.memory_space<vmem>> -> memref<1x40xi32, #tpu.memory_space<vmem>>
      %dma_wait3A_442 = tpu.memref_squeeze %dma_wait3A_441 : memref<1x40xi32, #tpu.memory_space<vmem>> -> memref<40xi32, #tpu.memory_space<vmem>>
      %dma_wait3A_443 = arith.constant 0 : i32
      %dma_wait3A_444 = tpu.memref_slice %arg3[%dma_wait3A_443] : memref<640000xi32, #tpu.memory_space<hbm>> -> memref<40xi32, #tpu.memory_space<hbm>>
      tpu.wait_dma2 semaphore(%arg32 : memref<!tpu.dma_semaphore, #tpu.memory_space<semaphore_mem>>) src(%dma_wait3A_444 : memref<40xi32, #tpu.memory_space<hbm>>) dst(%dma_wait3A_442 : memref<40xi32, #tpu.memory_space<vmem>>)
      %dma_start3A_445 = arith.constant 3 : i32
      %dma_start3A_446 = arith.constant 0 : i32
      %dma_start3A_447 = tpu.memref_slice %arg6[%dma_start3A_445, %dma_start3A_446] : memref<7x40xi32, #tpu.memory_space<vmem>> -> memref<1x40xi32, #tpu.memory_space<vmem>>
      %dma_start3A_448 = tpu.memref_squeeze %dma_start3A_447 : memref<1x40xi32, #tpu.memory_space<vmem>> -> memref<40xi32, #tpu.memory_space<vmem>>
      %dma_start3A_449 = arith.constant 0 : i32
      %dma_start3A_450 = arith.constant 0 : i32
      %dma_start3A_451 = tpu.memref_slice %arg14[%dma_start3A_449, %dma_start3A_450] : memref<10240x128xf32, #tpu.memory_space<vmem_shared>> -> memref<10240x128xf32, #tpu.memory_space<vmem_shared>>
      tpu.enqueue_indirect_dma source(%arg10 : memref<40x128xf32, #tpu.memory_space<vmem>>) target(%dma_start3A_451 : memref<10240x128xf32, #tpu.memory_space<vmem_shared>>) offsets(%dma_start3A_448 : memref<40xi32, #tpu.memory_space<vmem>>) semaphore(%arg25 : memref<!tpu.dma_semaphore, #tpu.memory_space<semaphore_mem>>) {add = true}
      %ge3A_452 = arith.constant 1 : i32
      %ge3A_453 = arith.cmpi sge, %add3A_428, %ge3A_452 : i32
      %convert_element_type3A_454 = arith.extui %ge3A_453 : i1 to i32
      %cond3A_455 = arith.constant 0 : i32
      %cond3A_456 = arith.cmpi ne, %convert_element_type3A_454, %cond3A_455 : i32
      scf.if %cond3A_456 {
        %dma_wait3A_553 = arith.constant 2 : i32
        %dma_wait3A_554 = arith.constant 0 : i32
        %dma_wait3A_555 = tpu.memref_slice %arg6[%dma_wait3A_553, %dma_wait3A_554] : memref<7x40xi32, #tpu.memory_space<vmem>> -> memref<1x40xi32, #tpu.memory_space<vmem>>
        %dma_wait3A_556 = tpu.memref_squeeze %dma_wait3A_555 : memref<1x40xi32, #tpu.memory_space<vmem>> -> memref<40xi32, #tpu.memory_space<vmem>>
        %dma_wait3A_557 = arith.constant 0 : i32
        %dma_wait3A_558 = arith.constant 0 : i32
        %dma_wait3A_559 = tpu.memref_slice %arg14[%dma_wait3A_557, %dma_wait3A_558] : memref<10240x128xf32, #tpu.memory_space<vmem_shared>> -> memref<10240x128xf32, #tpu.memory_space<vmem_shared>>
        tpu.wait_indirect_dma semaphore(%arg24 : memref<!tpu.dma_semaphore, #tpu.memory_space<semaphore_mem>>) src(%arg9 : memref<40x128xf32, #tpu.memory_space<vmem>>) dst(%dma_wait3A_559 : memref<10240x128xf32, #tpu.memory_space<vmem_shared>>)
        %sub3A = arith.constant 1 : i32
        %sub3A_560 = arith.subi %add3A_428, %sub3A : i32
        %add3A_561 = arith.constant 7 : i32
        %add3A_562 = arith.addi %sub3A_560, %add3A_561 : i32
        %lt3A = arith.constant 250 : i32
        %lt3A_563 = arith.cmpi slt, %add3A_562, %lt3A : i32
        %convert_element_type3A_564 = arith.extui %lt3A_563 : i1 to i32
        %cond3A_565 = arith.constant 0 : i32
        %cond3A_566 = arith.cmpi ne, %convert_element_type3A_564, %cond3A_565 : i32
        scf.if %cond3A_566 {
          %sub3A_567 = arith.constant 1 : i32
          %sub3A_568 = arith.subi %add3A_428, %sub3A_567 : i32
          %add3A_569 = arith.constant 7 : i32
          %add3A_570 = arith.addi %sub3A_568, %add3A_569 : i32
          %mul3A_571 = arith.constant 40 : i32
          %mul3A_572 = arith.muli %add3A_570, %mul3A_571 : i32
          %dma_start3A_573 = tpu.memref_slice %arg5[%mul3A_572] : memref<10000xi32, #tpu.memory_space<vmem>> -> memref<40xi32, #tpu.memory_space<vmem>>
          %dma_start3A_574 = arith.constant 0 : i32
          %dma_start3A_575 = arith.constant 0 : i32
          %dma_start3A_576 = tpu.memref_slice %arg2[%dma_start3A_574, %dma_start3A_575] : memref<10000x128xf32, #tpu.memory_space<hbm>> -> memref<10000x128xf32, #tpu.memory_space<hbm>>
          tpu.enqueue_indirect_dma source(%dma_start3A_576 : memref<10000x128xf32, #tpu.memory_space<hbm>>) target(%arg9 : memref<40x128xf32, #tpu.memory_space<vmem>>) offsets(%dma_start3A_573 : memref<40xi32, #tpu.memory_space<vmem>>) semaphore(%arg17 : memref<!tpu.dma_semaphore, #tpu.memory_space<semaphore_mem>>)
          %sub3A_577 = arith.constant 1 : i32
          %sub3A_578 = arith.subi %add3A_428, %sub3A_577 : i32
          %add3A_579 = arith.constant 7 : i32
          %add3A_580 = arith.addi %sub3A_578, %add3A_579 : i32
          %add3A_581 = arith.constant 320000 : i32
          %add3A_582 = arith.addi %add3A_581, %mul3A_2 : i32
          %mul3A_583 = arith.constant 40 : i32
          %mul3A_584 = arith.muli %add3A_580, %mul3A_583 : i32
          %add3A_585 = arith.addi %add3A_582, %mul3A_584 : i32
          %dma_start3A_586 = arith.constant 2 : i32
          %dma_start3A_587 = arith.constant 0 : i32
          %dma_start3A_588 = tpu.memref_slice %arg6[%dma_start3A_586, %dma_start3A_587] : memref<7x40xi32, #tpu.memory_space<vmem>> -> memref<1x40xi32, #tpu.memory_space<vmem>>
          %dma_start3A_589 = tpu.memref_squeeze %dma_start3A_588 : memref<1x40xi32, #tpu.memory_space<vmem>> -> memref<40xi32, #tpu.memory_space<vmem>>
          %dma_start3A_590 = tpu.memref_slice %arg3[%add3A_585] : memref<640000xi32, #tpu.memory_space<hbm>> -> memref<40xi32, #tpu.memory_space<hbm>>
          %dma_start3A_591 = arith.constant 0 : i32
          %dma_start3A_592 = tpu.memref_slice %arg6[%dma_start3A_586, %dma_start3A_591] : memref<7x40xi32, #tpu.memory_space<vmem>> -> memref<1x40xi32, #tpu.memory_space<vmem>>
          %dma_start3A_593 = tpu.memref_squeeze %dma_start3A_592 : memref<1x40xi32, #tpu.memory_space<vmem>> -> memref<40xi32, #tpu.memory_space<vmem>>
          %dma_start3A_594 = tpu.memref_slice %arg3[%add3A_585] : memref<640000xi32, #tpu.memory_space<hbm>> -> memref<40xi32, #tpu.memory_space<hbm>>
          tpu.enqueue_dma source(%dma_start3A_594 : memref<40xi32, #tpu.memory_space<hbm>>) target(%dma_start3A_593 : memref<40xi32, #tpu.memory_space<vmem>>) target_semaphore(%arg31 : memref<!tpu.dma_semaphore, #tpu.memory_space<semaphore_mem>>)
        } else {
        }
      } else {
      }
      %mul3A_457 = arith.constant 7 : i32
      %mul3A_458 = arith.muli %mul3A_457, %scan3A_331 : i32
      %add3A_459 = arith.constant 4 : i32
      %add3A_460 = arith.addi %mul3A_458, %add3A_459 : i32
      %dma_wait3A_461 = arith.constant 0 : i32
      %dma_wait3A_462 = tpu.memref_slice %arg5[%dma_wait3A_461] : memref<10000xi32, #tpu.memory_space<vmem>> -> memref<40xi32, #tpu.memory_space<vmem>>
      %dma_wait3A_463 = arith.constant 0 : i32
      %dma_wait3A_464 = arith.constant 0 : i32
      %dma_wait3A_465 = tpu.memref_slice %arg2[%dma_wait3A_463, %dma_wait3A_464] : memref<10000x128xf32, #tpu.memory_space<hbm>> -> memref<10000x128xf32, #tpu.memory_space<hbm>>
      tpu.wait_indirect_dma semaphore(%arg19 : memref<!tpu.dma_semaphore, #tpu.memory_space<semaphore_mem>>) src(%dma_wait3A_465 : memref<10000x128xf32, #tpu.memory_space<hbm>>) dst(%arg11 : memref<40x128xf32, #tpu.memory_space<vmem>>)
      %dma_wait3A_466 = arith.constant 4 : i32
      %dma_wait3A_467 = arith.constant 0 : i32
      %dma_wait3A_468 = tpu.memref_slice %arg6[%dma_wait3A_466, %dma_wait3A_467] : memref<7x40xi32, #tpu.memory_space<vmem>> -> memref<1x40xi32, #tpu.memory_space<vmem>>
      %dma_wait3A_469 = tpu.memref_squeeze %dma_wait3A_468 : memref<1x40xi32, #tpu.memory_space<vmem>> -> memref<40xi32, #tpu.memory_space<vmem>>
      %dma_wait3A_470 = arith.constant 0 : i32
      %dma_wait3A_471 = tpu.memref_slice %arg3[%dma_wait3A_470] : memref<640000xi32, #tpu.memory_space<hbm>> -> memref<40xi32, #tpu.memory_space<hbm>>
      %dma_wait3A_472 = arith.constant 0 : i32
      %dma_wait3A_473 = tpu.memref_slice %arg6[%dma_wait3A_466, %dma_wait3A_472] : memref<7x40xi32, #tpu.memory_space<vmem>> -> memref<1x40xi32, #tpu.memory_space<vmem>>
      %dma_wait3A_474 = tpu.memref_squeeze %dma_wait3A_473 : memref<1x40xi32, #tpu.memory_space<vmem>> -> memref<40xi32, #tpu.memory_space<vmem>>
      %dma_wait3A_475 = arith.constant 0 : i32
      %dma_wait3A_476 = tpu.memref_slice %arg3[%dma_wait3A_475] : memref<640000xi32, #tpu.memory_space<hbm>> -> memref<40xi32, #tpu.memory_space<hbm>>
      tpu.wait_dma2 semaphore(%arg33 : memref<!tpu.dma_semaphore, #tpu.memory_space<semaphore_mem>>) src(%dma_wait3A_476 : memref<40xi32, #tpu.memory_space<hbm>>) dst(%dma_wait3A_474 : memref<40xi32, #tpu.memory_space<vmem>>)
      %dma_start3A_477 = arith.constant 4 : i32
      %dma_start3A_478 = arith.constant 0 : i32
      %dma_start3A_479 = tpu.memref_slice %arg6[%dma_start3A_477, %dma_start3A_478] : memref<7x40xi32, #tpu.memory_space<vmem>> -> memref<1x40xi32, #tpu.memory_space<vmem>>
      %dma_start3A_480 = tpu.memref_squeeze %dma_start3A_479 : memref<1x40xi32, #tpu.memory_space<vmem>> -> memref<40xi32, #tpu.memory_space<vmem>>
      %dma_start3A_481 = arith.constant 0 : i32
      %dma_start3A_482 = arith.constant 0 : i32
      %dma_start3A_483 = tpu.memref_slice %arg14[%dma_start3A_481, %dma_start3A_482] : memref<10240x128xf32, #tpu.memory_space<vmem_shared>> -> memref<10240x128xf32, #tpu.memory_space<vmem_shared>>
      tpu.enqueue_indirect_dma source(%arg11 : memref<40x128xf32, #tpu.memory_space<vmem>>) target(%dma_start3A_483 : memref<10240x128xf32, #tpu.memory_space<vmem_shared>>) offsets(%dma_start3A_480 : memref<40xi32, #tpu.memory_space<vmem>>) semaphore(%arg26 : memref<!tpu.dma_semaphore, #tpu.memory_space<semaphore_mem>>) {add = true}
      %ge3A_484 = arith.constant 1 : i32
      %ge3A_485 = arith.cmpi sge, %add3A_460, %ge3A_484 : i32
      %convert_element_type3A_486 = arith.extui %ge3A_485 : i1 to i32
      %cond3A_487 = arith.constant 0 : i32
      %cond3A_488 = arith.cmpi ne, %convert_element_type3A_486, %cond3A_487 : i32
      scf.if %cond3A_488 {
        %dma_wait3A_553 = arith.constant 3 : i32
        %dma_wait3A_554 = arith.constant 0 : i32
        %dma_wait3A_555 = tpu.memref_slice %arg6[%dma_wait3A_553, %dma_wait3A_554] : memref<7x40xi32, #tpu.memory_space<vmem>> -> memref<1x40xi32, #tpu.memory_space<vmem>>
        %dma_wait3A_556 = tpu.memref_squeeze %dma_wait3A_555 : memref<1x40xi32, #tpu.memory_space<vmem>> -> memref<40xi32, #tpu.memory_space<vmem>>
        %dma_wait3A_557 = arith.constant 0 : i32
        %dma_wait3A_558 = arith.constant 0 : i32
        %dma_wait3A_559 = tpu.memref_slice %arg14[%dma_wait3A_557, %dma_wait3A_558] : memref<10240x128xf32, #tpu.memory_space<vmem_shared>> -> memref<10240x128xf32, #tpu.memory_space<vmem_shared>>
        tpu.wait_indirect_dma semaphore(%arg25 : memref<!tpu.dma_semaphore, #tpu.memory_space<semaphore_mem>>) src(%arg10 : memref<40x128xf32, #tpu.memory_space<vmem>>) dst(%dma_wait3A_559 : memref<10240x128xf32, #tpu.memory_space<vmem_shared>>)
        %sub3A = arith.constant 1 : i32
        %sub3A_560 = arith.subi %add3A_460, %sub3A : i32
        %add3A_561 = arith.constant 7 : i32
        %add3A_562 = arith.addi %sub3A_560, %add3A_561 : i32
        %lt3A = arith.constant 250 : i32
        %lt3A_563 = arith.cmpi slt, %add3A_562, %lt3A : i32
        %convert_element_type3A_564 = arith.extui %lt3A_563 : i1 to i32
        %cond3A_565 = arith.constant 0 : i32
        %cond3A_566 = arith.cmpi ne, %convert_element_type3A_564, %cond3A_565 : i32
        scf.if %cond3A_566 {
          %sub3A_567 = arith.constant 1 : i32
          %sub3A_568 = arith.subi %add3A_460, %sub3A_567 : i32
          %add3A_569 = arith.constant 7 : i32
          %add3A_570 = arith.addi %sub3A_568, %add3A_569 : i32
          %mul3A_571 = arith.constant 40 : i32
          %mul3A_572 = arith.muli %add3A_570, %mul3A_571 : i32
          %dma_start3A_573 = tpu.memref_slice %arg5[%mul3A_572] : memref<10000xi32, #tpu.memory_space<vmem>> -> memref<40xi32, #tpu.memory_space<vmem>>
          %dma_start3A_574 = arith.constant 0 : i32
          %dma_start3A_575 = arith.constant 0 : i32
          %dma_start3A_576 = tpu.memref_slice %arg2[%dma_start3A_574, %dma_start3A_575] : memref<10000x128xf32, #tpu.memory_space<hbm>> -> memref<10000x128xf32, #tpu.memory_space<hbm>>
          tpu.enqueue_indirect_dma source(%dma_start3A_576 : memref<10000x128xf32, #tpu.memory_space<hbm>>) target(%arg10 : memref<40x128xf32, #tpu.memory_space<vmem>>) offsets(%dma_start3A_573 : memref<40xi32, #tpu.memory_space<vmem>>) semaphore(%arg18 : memref<!tpu.dma_semaphore, #tpu.memory_space<semaphore_mem>>)
          %sub3A_577 = arith.constant 1 : i32
          %sub3A_578 = arith.subi %add3A_460, %sub3A_577 : i32
          %add3A_579 = arith.constant 7 : i32
          %add3A_580 = arith.addi %sub3A_578, %add3A_579 : i32
          %add3A_581 = arith.constant 320000 : i32
          %add3A_582 = arith.addi %add3A_581, %mul3A_2 : i32
          %mul3A_583 = arith.constant 40 : i32
          %mul3A_584 = arith.muli %add3A_580, %mul3A_583 : i32
          %add3A_585 = arith.addi %add3A_582, %mul3A_584 : i32
          %dma_start3A_586 = arith.constant 3 : i32
          %dma_start3A_587 = arith.constant 0 : i32
          %dma_start3A_588 = tpu.memref_slice %arg6[%dma_start3A_586, %dma_start3A_587] : memref<7x40xi32, #tpu.memory_space<vmem>> -> memref<1x40xi32, #tpu.memory_space<vmem>>
          %dma_start3A_589 = tpu.memref_squeeze %dma_start3A_588 : memref<1x40xi32, #tpu.memory_space<vmem>> -> memref<40xi32, #tpu.memory_space<vmem>>
          %dma_start3A_590 = tpu.memref_slice %arg3[%add3A_585] : memref<640000xi32, #tpu.memory_space<hbm>> -> memref<40xi32, #tpu.memory_space<hbm>>
          %dma_start3A_591 = arith.constant 0 : i32
          %dma_start3A_592 = tpu.memref_slice %arg6[%dma_start3A_586, %dma_start3A_591] : memref<7x40xi32, #tpu.memory_space<vmem>> -> memref<1x40xi32, #tpu.memory_space<vmem>>
          %dma_start3A_593 = tpu.memref_squeeze %dma_start3A_592 : memref<1x40xi32, #tpu.memory_space<vmem>> -> memref<40xi32, #tpu.memory_space<vmem>>
          %dma_start3A_594 = tpu.memref_slice %arg3[%add3A_585] : memref<640000xi32, #tpu.memory_space<hbm>> -> memref<40xi32, #tpu.memory_space<hbm>>
          tpu.enqueue_dma source(%dma_start3A_594 : memref<40xi32, #tpu.memory_space<hbm>>) target(%dma_start3A_593 : memref<40xi32, #tpu.memory_space<vmem>>) target_semaphore(%arg32 : memref<!tpu.dma_semaphore, #tpu.memory_space<semaphore_mem>>)
        } else {
        }
      } else {
      }
      %mul3A_489 = arith.constant 7 : i32
      %mul3A_490 = arith.muli %mul3A_489, %scan3A_331 : i32
      %add3A_491 = arith.constant 5 : i32
      %add3A_492 = arith.addi %mul3A_490, %add3A_491 : i32
      %dma_wait3A_493 = arith.constant 0 : i32
      %dma_wait3A_494 = tpu.memref_slice %arg5[%dma_wait3A_493] : memref<10000xi32, #tpu.memory_space<vmem>> -> memref<40xi32, #tpu.memory_space<vmem>>
      %dma_wait3A_495 = arith.constant 0 : i32
      %dma_wait3A_496 = arith.constant 0 : i32
      %dma_wait3A_497 = tpu.memref_slice %arg2[%dma_wait3A_495, %dma_wait3A_496] : memref<10000x128xf32, #tpu.memory_space<hbm>> -> memref<10000x128xf32, #tpu.memory_space<hbm>>
      tpu.wait_indirect_dma semaphore(%arg20 : memref<!tpu.dma_semaphore, #tpu.memory_space<semaphore_mem>>) src(%dma_wait3A_497 : memref<10000x128xf32, #tpu.memory_space<hbm>>) dst(%arg12 : memref<40x128xf32, #tpu.memory_space<vmem>>)
      %dma_wait3A_498 = arith.constant 5 : i32
      %dma_wait3A_499 = arith.constant 0 : i32
      %dma_wait3A_500 = tpu.memref_slice %arg6[%dma_wait3A_498, %dma_wait3A_499] : memref<7x40xi32, #tpu.memory_space<vmem>> -> memref<1x40xi32, #tpu.memory_space<vmem>>
      %dma_wait3A_501 = tpu.memref_squeeze %dma_wait3A_500 : memref<1x40xi32, #tpu.memory_space<vmem>> -> memref<40xi32, #tpu.memory_space<vmem>>
      %dma_wait3A_502 = arith.constant 0 : i32
      %dma_wait3A_503 = tpu.memref_slice %arg3[%dma_wait3A_502] : memref<640000xi32, #tpu.memory_space<hbm>> -> memref<40xi32, #tpu.memory_space<hbm>>
      %dma_wait3A_504 = arith.constant 0 : i32
      %dma_wait3A_505 = tpu.memref_slice %arg6[%dma_wait3A_498, %dma_wait3A_504] : memref<7x40xi32, #tpu.memory_space<vmem>> -> memref<1x40xi32, #tpu.memory_space<vmem>>
      %dma_wait3A_506 = tpu.memref_squeeze %dma_wait3A_505 : memref<1x40xi32, #tpu.memory_space<vmem>> -> memref<40xi32, #tpu.memory_space<vmem>>
      %dma_wait3A_507 = arith.constant 0 : i32
      %dma_wait3A_508 = tpu.memref_slice %arg3[%dma_wait3A_507] : memref<640000xi32, #tpu.memory_space<hbm>> -> memref<40xi32, #tpu.memory_space<hbm>>
      tpu.wait_dma2 semaphore(%arg34 : memref<!tpu.dma_semaphore, #tpu.memory_space<semaphore_mem>>) src(%dma_wait3A_508 : memref<40xi32, #tpu.memory_space<hbm>>) dst(%dma_wait3A_506 : memref<40xi32, #tpu.memory_space<vmem>>)
      %dma_start3A_509 = arith.constant 5 : i32
      %dma_start3A_510 = arith.constant 0 : i32
      %dma_start3A_511 = tpu.memref_slice %arg6[%dma_start3A_509, %dma_start3A_510] : memref<7x40xi32, #tpu.memory_space<vmem>> -> memref<1x40xi32, #tpu.memory_space<vmem>>
      %dma_start3A_512 = tpu.memref_squeeze %dma_start3A_511 : memref<1x40xi32, #tpu.memory_space<vmem>> -> memref<40xi32, #tpu.memory_space<vmem>>
      %dma_start3A_513 = arith.constant 0 : i32
      %dma_start3A_514 = arith.constant 0 : i32
      %dma_start3A_515 = tpu.memref_slice %arg14[%dma_start3A_513, %dma_start3A_514] : memref<10240x128xf32, #tpu.memory_space<vmem_shared>> -> memref<10240x128xf32, #tpu.memory_space<vmem_shared>>
      tpu.enqueue_indirect_dma source(%arg12 : memref<40x128xf32, #tpu.memory_space<vmem>>) target(%dma_start3A_515 : memref<10240x128xf32, #tpu.memory_space<vmem_shared>>) offsets(%dma_start3A_512 : memref<40xi32, #tpu.memory_space<vmem>>) semaphore(%arg27 : memref<!tpu.dma_semaphore, #tpu.memory_space<semaphore_mem>>) {add = true}
      %ge3A_516 = arith.constant 1 : i32
      %ge3A_517 = arith.cmpi sge, %add3A_492, %ge3A_516 : i32
      %convert_element_type3A_518 = arith.extui %ge3A_517 : i1 to i32
      %cond3A_519 = arith.constant 0 : i32
      %cond3A_520 = arith.cmpi ne, %convert_element_type3A_518, %cond3A_519 : i32
      scf.if %cond3A_520 {
        %dma_wait3A_553 = arith.constant 4 : i32
        %dma_wait3A_554 = arith.constant 0 : i32
        %dma_wait3A_555 = tpu.memref_slice %arg6[%dma_wait3A_553, %dma_wait3A_554] : memref<7x40xi32, #tpu.memory_space<vmem>> -> memref<1x40xi32, #tpu.memory_space<vmem>>
        %dma_wait3A_556 = tpu.memref_squeeze %dma_wait3A_555 : memref<1x40xi32, #tpu.memory_space<vmem>> -> memref<40xi32, #tpu.memory_space<vmem>>
        %dma_wait3A_557 = arith.constant 0 : i32
        %dma_wait3A_558 = arith.constant 0 : i32
        %dma_wait3A_559 = tpu.memref_slice %arg14[%dma_wait3A_557, %dma_wait3A_558] : memref<10240x128xf32, #tpu.memory_space<vmem_shared>> -> memref<10240x128xf32, #tpu.memory_space<vmem_shared>>
        tpu.wait_indirect_dma semaphore(%arg26 : memref<!tpu.dma_semaphore, #tpu.memory_space<semaphore_mem>>) src(%arg11 : memref<40x128xf32, #tpu.memory_space<vmem>>) dst(%dma_wait3A_559 : memref<10240x128xf32, #tpu.memory_space<vmem_shared>>)
        %sub3A = arith.constant 1 : i32
        %sub3A_560 = arith.subi %add3A_492, %sub3A : i32
        %add3A_561 = arith.constant 7 : i32
        %add3A_562 = arith.addi %sub3A_560, %add3A_561 : i32
        %lt3A = arith.constant 250 : i32
        %lt3A_563 = arith.cmpi slt, %add3A_562, %lt3A : i32
        %convert_element_type3A_564 = arith.extui %lt3A_563 : i1 to i32
        %cond3A_565 = arith.constant 0 : i32
        %cond3A_566 = arith.cmpi ne, %convert_element_type3A_564, %cond3A_565 : i32
        scf.if %cond3A_566 {
          %sub3A_567 = arith.constant 1 : i32
          %sub3A_568 = arith.subi %add3A_492, %sub3A_567 : i32
          %add3A_569 = arith.constant 7 : i32
          %add3A_570 = arith.addi %sub3A_568, %add3A_569 : i32
          %mul3A_571 = arith.constant 40 : i32
          %mul3A_572 = arith.muli %add3A_570, %mul3A_571 : i32
          %dma_start3A_573 = tpu.memref_slice %arg5[%mul3A_572] : memref<10000xi32, #tpu.memory_space<vmem>> -> memref<40xi32, #tpu.memory_space<vmem>>
          %dma_start3A_574 = arith.constant 0 : i32
          %dma_start3A_575 = arith.constant 0 : i32
          %dma_start3A_576 = tpu.memref_slice %arg2[%dma_start3A_574, %dma_start3A_575] : memref<10000x128xf32, #tpu.memory_space<hbm>> -> memref<10000x128xf32, #tpu.memory_space<hbm>>
          tpu.enqueue_indirect_dma source(%dma_start3A_576 : memref<10000x128xf32, #tpu.memory_space<hbm>>) target(%arg11 : memref<40x128xf32, #tpu.memory_space<vmem>>) offsets(%dma_start3A_573 : memref<40xi32, #tpu.memory_space<vmem>>) semaphore(%arg19 : memref<!tpu.dma_semaphore, #tpu.memory_space<semaphore_mem>>)
          %sub3A_577 = arith.constant 1 : i32
          %sub3A_578 = arith.subi %add3A_492, %sub3A_577 : i32
          %add3A_579 = arith.constant 7 : i32
          %add3A_580 = arith.addi %sub3A_578, %add3A_579 : i32
          %add3A_581 = arith.constant 320000 : i32
          %add3A_582 = arith.addi %add3A_581, %mul3A_2 : i32
          %mul3A_583 = arith.constant 40 : i32
          %mul3A_584 = arith.muli %add3A_580, %mul3A_583 : i32
          %add3A_585 = arith.addi %add3A_582, %mul3A_584 : i32
          %dma_start3A_586 = arith.constant 4 : i32
          %dma_start3A_587 = arith.constant 0 : i32
          %dma_start3A_588 = tpu.memref_slice %arg6[%dma_start3A_586, %dma_start3A_587] : memref<7x40xi32, #tpu.memory_space<vmem>> -> memref<1x40xi32, #tpu.memory_space<vmem>>
          %dma_start3A_589 = tpu.memref_squeeze %dma_start3A_588 : memref<1x40xi32, #tpu.memory_space<vmem>> -> memref<40xi32, #tpu.memory_space<vmem>>
          %dma_start3A_590 = tpu.memref_slice %arg3[%add3A_585] : memref<640000xi32, #tpu.memory_space<hbm>> -> memref<40xi32, #tpu.memory_space<hbm>>
          %dma_start3A_591 = arith.constant 0 : i32
          %dma_start3A_592 = tpu.memref_slice %arg6[%dma_start3A_586, %dma_start3A_591] : memref<7x40xi32, #tpu.memory_space<vmem>> -> memref<1x40xi32, #tpu.memory_space<vmem>>
          %dma_start3A_593 = tpu.memref_squeeze %dma_start3A_592 : memref<1x40xi32, #tpu.memory_space<vmem>> -> memref<40xi32, #tpu.memory_space<vmem>>
          %dma_start3A_594 = tpu.memref_slice %arg3[%add3A_585] : memref<640000xi32, #tpu.memory_space<hbm>> -> memref<40xi32, #tpu.memory_space<hbm>>
          tpu.enqueue_dma source(%dma_start3A_594 : memref<40xi32, #tpu.memory_space<hbm>>) target(%dma_start3A_593 : memref<40xi32, #tpu.memory_space<vmem>>) target_semaphore(%arg33 : memref<!tpu.dma_semaphore, #tpu.memory_space<semaphore_mem>>)
        } else {
        }
      } else {
      }
      %mul3A_521 = arith.constant 7 : i32
      %mul3A_522 = arith.muli %mul3A_521, %scan3A_331 : i32
      %add3A_523 = arith.constant 6 : i32
      %add3A_524 = arith.addi %mul3A_522, %add3A_523 : i32
      %dma_wait3A_525 = arith.constant 0 : i32
      %dma_wait3A_526 = tpu.memref_slice %arg5[%dma_wait3A_525] : memref<10000xi32, #tpu.memory_space<vmem>> -> memref<40xi32, #tpu.memory_space<vmem>>
      %dma_wait3A_527 = arith.constant 0 : i32
      %dma_wait3A_528 = arith.constant 0 : i32
      %dma_wait3A_529 = tpu.memref_slice %arg2[%dma_wait3A_527, %dma_wait3A_528] : memref<10000x128xf32, #tpu.memory_space<hbm>> -> memref<10000x128xf32, #tpu.memory_space<hbm>>
      tpu.wait_indirect_dma semaphore(%arg21 : memref<!tpu.dma_semaphore, #tpu.memory_space<semaphore_mem>>) src(%dma_wait3A_529 : memref<10000x128xf32, #tpu.memory_space<hbm>>) dst(%arg13 : memref<40x128xf32, #tpu.memory_space<vmem>>)
      %dma_wait3A_530 = arith.constant 6 : i32
      %dma_wait3A_531 = arith.constant 0 : i32
      %dma_wait3A_532 = tpu.memref_slice %arg6[%dma_wait3A_530, %dma_wait3A_531] : memref<7x40xi32, #tpu.memory_space<vmem>> -> memref<1x40xi32, #tpu.memory_space<vmem>>
      %dma_wait3A_533 = tpu.memref_squeeze %dma_wait3A_532 : memref<1x40xi32, #tpu.memory_space<vmem>> -> memref<40xi32, #tpu.memory_space<vmem>>
      %dma_wait3A_534 = arith.constant 0 : i32
      %dma_wait3A_535 = tpu.memref_slice %arg3[%dma_wait3A_534] : memref<640000xi32, #tpu.memory_space<hbm>> -> memref<40xi32, #tpu.memory_space<hbm>>
      %dma_wait3A_536 = arith.constant 0 : i32
      %dma_wait3A_537 = tpu.memref_slice %arg6[%dma_wait3A_530, %dma_wait3A_536] : memref<7x40xi32, #tpu.memory_space<vmem>> -> memref<1x40xi32, #tpu.memory_space<vmem>>
      %dma_wait3A_538 = tpu.memref_squeeze %dma_wait3A_537 : memref<1x40xi32, #tpu.memory_space<vmem>> -> memref<40xi32, #tpu.memory_space<vmem>>
      %dma_wait3A_539 = arith.constant 0 : i32
      %dma_wait3A_540 = tpu.memref_slice %arg3[%dma_wait3A_539] : memref<640000xi32, #tpu.memory_space<hbm>> -> memref<40xi32, #tpu.memory_space<hbm>>
      tpu.wait_dma2 semaphore(%arg35 : memref<!tpu.dma_semaphore, #tpu.memory_space<semaphore_mem>>) src(%dma_wait3A_540 : memref<40xi32, #tpu.memory_space<hbm>>) dst(%dma_wait3A_538 : memref<40xi32, #tpu.memory_space<vmem>>)
      %dma_start3A_541 = arith.constant 6 : i32
      %dma_start3A_542 = arith.constant 0 : i32
      %dma_start3A_543 = tpu.memref_slice %arg6[%dma_start3A_541, %dma_start3A_542] : memref<7x40xi32, #tpu.memory_space<vmem>> -> memref<1x40xi32, #tpu.memory_space<vmem>>
      %dma_start3A_544 = tpu.memref_squeeze %dma_start3A_543 : memref<1x40xi32, #tpu.memory_space<vmem>> -> memref<40xi32, #tpu.memory_space<vmem>>
      %dma_start3A_545 = arith.constant 0 : i32
      %dma_start3A_546 = arith.constant 0 : i32
      %dma_start3A_547 = tpu.memref_slice %arg14[%dma_start3A_545, %dma_start3A_546] : memref<10240x128xf32, #tpu.memory_space<vmem_shared>> -> memref<10240x128xf32, #tpu.memory_space<vmem_shared>>
      tpu.enqueue_indirect_dma source(%arg13 : memref<40x128xf32, #tpu.memory_space<vmem>>) target(%dma_start3A_547 : memref<10240x128xf32, #tpu.memory_space<vmem_shared>>) offsets(%dma_start3A_544 : memref<40xi32, #tpu.memory_space<vmem>>) semaphore(%arg28 : memref<!tpu.dma_semaphore, #tpu.memory_space<semaphore_mem>>) {add = true}
      %ge3A_548 = arith.constant 1 : i32
      %ge3A_549 = arith.cmpi sge, %add3A_524, %ge3A_548 : i32
      %convert_element_type3A_550 = arith.extui %ge3A_549 : i1 to i32
      %cond3A_551 = arith.constant 0 : i32
      %cond3A_552 = arith.cmpi ne, %convert_element_type3A_550, %cond3A_551 : i32
      scf.if %cond3A_552 {
        %dma_wait3A_553 = arith.constant 5 : i32
        %dma_wait3A_554 = arith.constant 0 : i32
        %dma_wait3A_555 = tpu.memref_slice %arg6[%dma_wait3A_553, %dma_wait3A_554] : memref<7x40xi32, #tpu.memory_space<vmem>> -> memref<1x40xi32, #tpu.memory_space<vmem>>
        %dma_wait3A_556 = tpu.memref_squeeze %dma_wait3A_555 : memref<1x40xi32, #tpu.memory_space<vmem>> -> memref<40xi32, #tpu.memory_space<vmem>>
        %dma_wait3A_557 = arith.constant 0 : i32
        %dma_wait3A_558 = arith.constant 0 : i32
        %dma_wait3A_559 = tpu.memref_slice %arg14[%dma_wait3A_557, %dma_wait3A_558] : memref<10240x128xf32, #tpu.memory_space<vmem_shared>> -> memref<10240x128xf32, #tpu.memory_space<vmem_shared>>
        tpu.wait_indirect_dma semaphore(%arg27 : memref<!tpu.dma_semaphore, #tpu.memory_space<semaphore_mem>>) src(%arg12 : memref<40x128xf32, #tpu.memory_space<vmem>>) dst(%dma_wait3A_559 : memref<10240x128xf32, #tpu.memory_space<vmem_shared>>)
        %sub3A = arith.constant 1 : i32
        %sub3A_560 = arith.subi %add3A_524, %sub3A : i32
        %add3A_561 = arith.constant 7 : i32
        %add3A_562 = arith.addi %sub3A_560, %add3A_561 : i32
        %lt3A = arith.constant 250 : i32
        %lt3A_563 = arith.cmpi slt, %add3A_562, %lt3A : i32
        %convert_element_type3A_564 = arith.extui %lt3A_563 : i1 to i32
        %cond3A_565 = arith.constant 0 : i32
        %cond3A_566 = arith.cmpi ne, %convert_element_type3A_564, %cond3A_565 : i32
        scf.if %cond3A_566 {
          %sub3A_567 = arith.constant 1 : i32
          %sub3A_568 = arith.subi %add3A_524, %sub3A_567 : i32
          %add3A_569 = arith.constant 7 : i32
          %add3A_570 = arith.addi %sub3A_568, %add3A_569 : i32
          %mul3A_571 = arith.constant 40 : i32
          %mul3A_572 = arith.muli %add3A_570, %mul3A_571 : i32
          %dma_start3A_573 = tpu.memref_slice %arg5[%mul3A_572] : memref<10000xi32, #tpu.memory_space<vmem>> -> memref<40xi32, #tpu.memory_space<vmem>>
          %dma_start3A_574 = arith.constant 0 : i32
          %dma_start3A_575 = arith.constant 0 : i32
          %dma_start3A_576 = tpu.memref_slice %arg2[%dma_start3A_574, %dma_start3A_575] : memref<10000x128xf32, #tpu.memory_space<hbm>> -> memref<10000x128xf32, #tpu.memory_space<hbm>>
          tpu.enqueue_indirect_dma source(%dma_start3A_576 : memref<10000x128xf32, #tpu.memory_space<hbm>>) target(%arg12 : memref<40x128xf32, #tpu.memory_space<vmem>>) offsets(%dma_start3A_573 : memref<40xi32, #tpu.memory_space<vmem>>) semaphore(%arg20 : memref<!tpu.dma_semaphore, #tpu.memory_space<semaphore_mem>>)
          %sub3A_577 = arith.constant 1 : i32
          %sub3A_578 = arith.subi %add3A_524, %sub3A_577 : i32
          %add3A_579 = arith.constant 7 : i32
          %add3A_580 = arith.addi %sub3A_578, %add3A_579 : i32
          %add3A_581 = arith.constant 320000 : i32
          %add3A_582 = arith.addi %add3A_581, %mul3A_2 : i32
          %mul3A_583 = arith.constant 40 : i32
          %mul3A_584 = arith.muli %add3A_580, %mul3A_583 : i32
          %add3A_585 = arith.addi %add3A_582, %mul3A_584 : i32
          %dma_start3A_586 = arith.constant 5 : i32
          %dma_start3A_587 = arith.constant 0 : i32
          %dma_start3A_588 = tpu.memref_slice %arg6[%dma_start3A_586, %dma_start3A_587] : memref<7x40xi32, #tpu.memory_space<vmem>> -> memref<1x40xi32, #tpu.memory_space<vmem>>
          %dma_start3A_589 = tpu.memref_squeeze %dma_start3A_588 : memref<1x40xi32, #tpu.memory_space<vmem>> -> memref<40xi32, #tpu.memory_space<vmem>>
          %dma_start3A_590 = tpu.memref_slice %arg3[%add3A_585] : memref<640000xi32, #tpu.memory_space<hbm>> -> memref<40xi32, #tpu.memory_space<hbm>>
          %dma_start3A_591 = arith.constant 0 : i32
          %dma_start3A_592 = tpu.memref_slice %arg6[%dma_start3A_586, %dma_start3A_591] : memref<7x40xi32, #tpu.memory_space<vmem>> -> memref<1x40xi32, #tpu.memory_space<vmem>>
          %dma_start3A_593 = tpu.memref_squeeze %dma_start3A_592 : memref<1x40xi32, #tpu.memory_space<vmem>> -> memref<40xi32, #tpu.memory_space<vmem>>
          %dma_start3A_594 = tpu.memref_slice %arg3[%add3A_585] : memref<640000xi32, #tpu.memory_space<hbm>> -> memref<40xi32, #tpu.memory_space<hbm>>
          tpu.enqueue_dma source(%dma_start3A_594 : memref<40xi32, #tpu.memory_space<hbm>>) target(%dma_start3A_593 : memref<40xi32, #tpu.memory_space<vmem>>) target_semaphore(%arg34 : memref<!tpu.dma_semaphore, #tpu.memory_space<semaphore_mem>>)
        } else {
        }
      } else {
      }
    }
    %scan3A_173 = arith.constant 35 : i32
    %dma_wait3A = arith.constant 0 : i32
    %dma_wait3A_174 = tpu.memref_slice %arg5[%dma_wait3A] : memref<10000xi32, #tpu.memory_space<vmem>> -> memref<40xi32, #tpu.memory_space<vmem>>
    %dma_wait3A_175 = arith.constant 0 : i32
    %dma_wait3A_176 = arith.constant 0 : i32
    %dma_wait3A_177 = tpu.memref_slice %arg2[%dma_wait3A_175, %dma_wait3A_176] : memref<10000x128xf32, #tpu.memory_space<hbm>> -> memref<10000x128xf32, #tpu.memory_space<hbm>>
    tpu.wait_indirect_dma semaphore(%arg15 : memref<!tpu.dma_semaphore, #tpu.memory_space<semaphore_mem>>) src(%dma_wait3A_177 : memref<10000x128xf32, #tpu.memory_space<hbm>>) dst(%arg7 : memref<40x128xf32, #tpu.memory_space<vmem>>)
    %dma_wait3A_178 = arith.constant 0 : i32
    %dma_wait3A_179 = arith.constant 0 : i32
    %dma_wait3A_180 = tpu.memref_slice %arg6[%dma_wait3A_178, %dma_wait3A_179] : memref<7x40xi32, #tpu.memory_space<vmem>> -> memref<1x40xi32, #tpu.memory_space<vmem>>
    %dma_wait3A_181 = tpu.memref_squeeze %dma_wait3A_180 : memref<1x40xi32, #tpu.memory_space<vmem>> -> memref<40xi32, #tpu.memory_space<vmem>>
    %dma_wait3A_182 = arith.constant 0 : i32
    %dma_wait3A_183 = tpu.memref_slice %arg3[%dma_wait3A_182] : memref<640000xi32, #tpu.memory_space<hbm>> -> memref<40xi32, #tpu.memory_space<hbm>>
    %dma_wait3A_184 = arith.constant 0 : i32
    %dma_wait3A_185 = tpu.memref_slice %arg6[%dma_wait3A_178, %dma_wait3A_184] : memref<7x40xi32, #tpu.memory_space<vmem>> -> memref<1x40xi32, #tpu.memory_space<vmem>>
    %dma_wait3A_186 = tpu.memref_squeeze %dma_wait3A_185 : memref<1x40xi32, #tpu.memory_space<vmem>> -> memref<40xi32, #tpu.memory_space<vmem>>
    %dma_wait3A_187 = arith.constant 0 : i32
    %dma_wait3A_188 = tpu.memref_slice %arg3[%dma_wait3A_187] : memref<640000xi32, #tpu.memory_space<hbm>> -> memref<40xi32, #tpu.memory_space<hbm>>
    tpu.wait_dma2 semaphore(%arg29 : memref<!tpu.dma_semaphore, #tpu.memory_space<semaphore_mem>>) src(%dma_wait3A_188 : memref<40xi32, #tpu.memory_space<hbm>>) dst(%dma_wait3A_186 : memref<40xi32, #tpu.memory_space<vmem>>)
    %dma_start3A_189 = arith.constant 0 : i32
    %dma_start3A_190 = arith.constant 0 : i32
    %dma_start3A_191 = tpu.memref_slice %arg6[%dma_start3A_189, %dma_start3A_190] : memref<7x40xi32, #tpu.memory_space<vmem>> -> memref<1x40xi32, #tpu.memory_space<vmem>>
    %dma_start3A_192 = tpu.memref_squeeze %dma_start3A_191 : memref<1x40xi32, #tpu.memory_space<vmem>> -> memref<40xi32, #tpu.memory_space<vmem>>
    %dma_start3A_193 = arith.constant 0 : i32
    %dma_start3A_194 = arith.constant 0 : i32
    %dma_start3A_195 = tpu.memref_slice %arg14[%dma_start3A_193, %dma_start3A_194] : memref<10240x128xf32, #tpu.memory_space<vmem_shared>> -> memref<10240x128xf32, #tpu.memory_space<vmem_shared>>
    tpu.enqueue_indirect_dma source(%arg7 : memref<40x128xf32, #tpu.memory_space<vmem>>) target(%dma_start3A_195 : memref<10240x128xf32, #tpu.memory_space<vmem_shared>>) offsets(%dma_start3A_192 : memref<40xi32, #tpu.memory_space<vmem>>) semaphore(%arg22 : memref<!tpu.dma_semaphore, #tpu.memory_space<semaphore_mem>>) {add = true}
    %dma_wait3A_196 = arith.constant 6 : i32
    %dma_wait3A_197 = arith.constant 0 : i32
    %dma_wait3A_198 = tpu.memref_slice %arg6[%dma_wait3A_196, %dma_wait3A_197] : memref<7x40xi32, #tpu.memory_space<vmem>> -> memref<1x40xi32, #tpu.memory_space<vmem>>
    %dma_wait3A_199 = tpu.memref_squeeze %dma_wait3A_198 : memref<1x40xi32, #tpu.memory_space<vmem>> -> memref<40xi32, #tpu.memory_space<vmem>>
    %dma_wait3A_200 = arith.constant 0 : i32
    %dma_wait3A_201 = arith.constant 0 : i32
    %dma_wait3A_202 = tpu.memref_slice %arg14[%dma_wait3A_200, %dma_wait3A_201] : memref<10240x128xf32, #tpu.memory_space<vmem_shared>> -> memref<10240x128xf32, #tpu.memory_space<vmem_shared>>
    tpu.wait_indirect_dma semaphore(%arg28 : memref<!tpu.dma_semaphore, #tpu.memory_space<semaphore_mem>>) src(%arg13 : memref<40x128xf32, #tpu.memory_space<vmem>>) dst(%dma_wait3A_202 : memref<10240x128xf32, #tpu.memory_space<vmem_shared>>)
    %dma_wait3A_203 = arith.constant 0 : i32
    %dma_wait3A_204 = tpu.memref_slice %arg5[%dma_wait3A_203] : memref<10000xi32, #tpu.memory_space<vmem>> -> memref<40xi32, #tpu.memory_space<vmem>>
    %dma_wait3A_205 = arith.constant 0 : i32
    %dma_wait3A_206 = arith.constant 0 : i32
    %dma_wait3A_207 = tpu.memref_slice %arg2[%dma_wait3A_205, %dma_wait3A_206] : memref<10000x128xf32, #tpu.memory_space<hbm>> -> memref<10000x128xf32, #tpu.memory_space<hbm>>
    tpu.wait_indirect_dma semaphore(%arg16 : memref<!tpu.dma_semaphore, #tpu.memory_space<semaphore_mem>>) src(%dma_wait3A_207 : memref<10000x128xf32, #tpu.memory_space<hbm>>) dst(%arg8 : memref<40x128xf32, #tpu.memory_space<vmem>>)
    %dma_wait3A_208 = arith.constant 1 : i32
    %dma_wait3A_209 = arith.constant 0 : i32
    %dma_wait3A_210 = tpu.memref_slice %arg6[%dma_wait3A_208, %dma_wait3A_209] : memref<7x40xi32, #tpu.memory_space<vmem>> -> memref<1x40xi32, #tpu.memory_space<vmem>>
    %dma_wait3A_211 = tpu.memref_squeeze %dma_wait3A_210 : memref<1x40xi32, #tpu.memory_space<vmem>> -> memref<40xi32, #tpu.memory_space<vmem>>
    %dma_wait3A_212 = arith.constant 0 : i32
    %dma_wait3A_213 = tpu.memref_slice %arg3[%dma_wait3A_212] : memref<640000xi32, #tpu.memory_space<hbm>> -> memref<40xi32, #tpu.memory_space<hbm>>
    %dma_wait3A_214 = arith.constant 0 : i32
    %dma_wait3A_215 = tpu.memref_slice %arg6[%dma_wait3A_208, %dma_wait3A_214] : memref<7x40xi32, #tpu.memory_space<vmem>> -> memref<1x40xi32, #tpu.memory_space<vmem>>
    %dma_wait3A_216 = tpu.memref_squeeze %dma_wait3A_215 : memref<1x40xi32, #tpu.memory_space<vmem>> -> memref<40xi32, #tpu.memory_space<vmem>>
    %dma_wait3A_217 = arith.constant 0 : i32
    %dma_wait3A_218 = tpu.memref_slice %arg3[%dma_wait3A_217] : memref<640000xi32, #tpu.memory_space<hbm>> -> memref<40xi32, #tpu.memory_space<hbm>>
    tpu.wait_dma2 semaphore(%arg30 : memref<!tpu.dma_semaphore, #tpu.memory_space<semaphore_mem>>) src(%dma_wait3A_218 : memref<40xi32, #tpu.memory_space<hbm>>) dst(%dma_wait3A_216 : memref<40xi32, #tpu.memory_space<vmem>>)
    %dma_start3A_219 = arith.constant 1 : i32
    %dma_start3A_220 = arith.constant 0 : i32
    %dma_start3A_221 = tpu.memref_slice %arg6[%dma_start3A_219, %dma_start3A_220] : memref<7x40xi32, #tpu.memory_space<vmem>> -> memref<1x40xi32, #tpu.memory_space<vmem>>
    %dma_start3A_222 = tpu.memref_squeeze %dma_start3A_221 : memref<1x40xi32, #tpu.memory_space<vmem>> -> memref<40xi32, #tpu.memory_space<vmem>>
    %dma_start3A_223 = arith.constant 0 : i32
    %dma_start3A_224 = arith.constant 0 : i32
    %dma_start3A_225 = tpu.memref_slice %arg14[%dma_start3A_223, %dma_start3A_224] : memref<10240x128xf32, #tpu.memory_space<vmem_shared>> -> memref<10240x128xf32, #tpu.memory_space<vmem_shared>>
    tpu.enqueue_indirect_dma source(%arg8 : memref<40x128xf32, #tpu.memory_space<vmem>>) target(%dma_start3A_225 : memref<10240x128xf32, #tpu.memory_space<vmem_shared>>) offsets(%dma_start3A_222 : memref<40xi32, #tpu.memory_space<vmem>>) semaphore(%arg23 : memref<!tpu.dma_semaphore, #tpu.memory_space<semaphore_mem>>) {add = true}
    %dma_wait3A_226 = arith.constant 0 : i32
    %dma_wait3A_227 = arith.constant 0 : i32
    %dma_wait3A_228 = tpu.memref_slice %arg6[%dma_wait3A_226, %dma_wait3A_227] : memref<7x40xi32, #tpu.memory_space<vmem>> -> memref<1x40xi32, #tpu.memory_space<vmem>>
    %dma_wait3A_229 = tpu.memref_squeeze %dma_wait3A_228 : memref<1x40xi32, #tpu.memory_space<vmem>> -> memref<40xi32, #tpu.memory_space<vmem>>
    %dma_wait3A_230 = arith.constant 0 : i32
    %dma_wait3A_231 = arith.constant 0 : i32
    %dma_wait3A_232 = tpu.memref_slice %arg14[%dma_wait3A_230, %dma_wait3A_231] : memref<10240x128xf32, #tpu.memory_space<vmem_shared>> -> memref<10240x128xf32, #tpu.memory_space<vmem_shared>>
    tpu.wait_indirect_dma semaphore(%arg22 : memref<!tpu.dma_semaphore, #tpu.memory_space<semaphore_mem>>) src(%arg7 : memref<40x128xf32, #tpu.memory_space<vmem>>) dst(%dma_wait3A_232 : memref<10240x128xf32, #tpu.memory_space<vmem_shared>>)
    %dma_wait3A_233 = arith.constant 0 : i32
    %dma_wait3A_234 = tpu.memref_slice %arg5[%dma_wait3A_233] : memref<10000xi32, #tpu.memory_space<vmem>> -> memref<40xi32, #tpu.memory_space<vmem>>
    %dma_wait3A_235 = arith.constant 0 : i32
    %dma_wait3A_236 = arith.constant 0 : i32
    %dma_wait3A_237 = tpu.memref_slice %arg2[%dma_wait3A_235, %dma_wait3A_236] : memref<10000x128xf32, #tpu.memory_space<hbm>> -> memref<10000x128xf32, #tpu.memory_space<hbm>>
    tpu.wait_indirect_dma semaphore(%arg17 : memref<!tpu.dma_semaphore, #tpu.memory_space<semaphore_mem>>) src(%dma_wait3A_237 : memref<10000x128xf32, #tpu.memory_space<hbm>>) dst(%arg9 : memref<40x128xf32, #tpu.memory_space<vmem>>)
    %dma_wait3A_238 = arith.constant 2 : i32
    %dma_wait3A_239 = arith.constant 0 : i32
    %dma_wait3A_240 = tpu.memref_slice %arg6[%dma_wait3A_238, %dma_wait3A_239] : memref<7x40xi32, #tpu.memory_space<vmem>> -> memref<1x40xi32, #tpu.memory_space<vmem>>
    %dma_wait3A_241 = tpu.memref_squeeze %dma_wait3A_240 : memref<1x40xi32, #tpu.memory_space<vmem>> -> memref<40xi32, #tpu.memory_space<vmem>>
    %dma_wait3A_242 = arith.constant 0 : i32
    %dma_wait3A_243 = tpu.memref_slice %arg3[%dma_wait3A_242] : memref<640000xi32, #tpu.memory_space<hbm>> -> memref<40xi32, #tpu.memory_space<hbm>>
    %dma_wait3A_244 = arith.constant 0 : i32
    %dma_wait3A_245 = tpu.memref_slice %arg6[%dma_wait3A_238, %dma_wait3A_244] : memref<7x40xi32, #tpu.memory_space<vmem>> -> memref<1x40xi32, #tpu.memory_space<vmem>>
    %dma_wait3A_246 = tpu.memref_squeeze %dma_wait3A_245 : memref<1x40xi32, #tpu.memory_space<vmem>> -> memref<40xi32, #tpu.memory_space<vmem>>
    %dma_wait3A_247 = arith.constant 0 : i32
    %dma_wait3A_248 = tpu.memref_slice %arg3[%dma_wait3A_247] : memref<640000xi32, #tpu.memory_space<hbm>> -> memref<40xi32, #tpu.memory_space<hbm>>
    tpu.wait_dma2 semaphore(%arg31 : memref<!tpu.dma_semaphore, #tpu.memory_space<semaphore_mem>>) src(%dma_wait3A_248 : memref<40xi32, #tpu.memory_space<hbm>>) dst(%dma_wait3A_246 : memref<40xi32, #tpu.memory_space<vmem>>)
    %dma_start3A_249 = arith.constant 2 : i32
    %dma_start3A_250 = arith.constant 0 : i32
    %dma_start3A_251 = tpu.memref_slice %arg6[%dma_start3A_249, %dma_start3A_250] : memref<7x40xi32, #tpu.memory_space<vmem>> -> memref<1x40xi32, #tpu.memory_space<vmem>>
    %dma_start3A_252 = tpu.memref_squeeze %dma_start3A_251 : memref<1x40xi32, #tpu.memory_space<vmem>> -> memref<40xi32, #tpu.memory_space<vmem>>
    %dma_start3A_253 = arith.constant 0 : i32
    %dma_start3A_254 = arith.constant 0 : i32
    %dma_start3A_255 = tpu.memref_slice %arg14[%dma_start3A_253, %dma_start3A_254] : memref<10240x128xf32, #tpu.memory_space<vmem_shared>> -> memref<10240x128xf32, #tpu.memory_space<vmem_shared>>
    tpu.enqueue_indirect_dma source(%arg9 : memref<40x128xf32, #tpu.memory_space<vmem>>) target(%dma_start3A_255 : memref<10240x128xf32, #tpu.memory_space<vmem_shared>>) offsets(%dma_start3A_252 : memref<40xi32, #tpu.memory_space<vmem>>) semaphore(%arg24 : memref<!tpu.dma_semaphore, #tpu.memory_space<semaphore_mem>>) {add = true}
    %dma_wait3A_256 = arith.constant 1 : i32
    %dma_wait3A_257 = arith.constant 0 : i32
    %dma_wait3A_258 = tpu.memref_slice %arg6[%dma_wait3A_256, %dma_wait3A_257] : memref<7x40xi32, #tpu.memory_space<vmem>> -> memref<1x40xi32, #tpu.memory_space<vmem>>
    %dma_wait3A_259 = tpu.memref_squeeze %dma_wait3A_258 : memref<1x40xi32, #tpu.memory_space<vmem>> -> memref<40xi32, #tpu.memory_space<vmem>>
    %dma_wait3A_260 = arith.constant 0 : i32
    %dma_wait3A_261 = arith.constant 0 : i32
    %dma_wait3A_262 = tpu.memref_slice %arg14[%dma_wait3A_260, %dma_wait3A_261] : memref<10240x128xf32, #tpu.memory_space<vmem_shared>> -> memref<10240x128xf32, #tpu.memory_space<vmem_shared>>
    tpu.wait_indirect_dma semaphore(%arg23 : memref<!tpu.dma_semaphore, #tpu.memory_space<semaphore_mem>>) src(%arg8 : memref<40x128xf32, #tpu.memory_space<vmem>>) dst(%dma_wait3A_262 : memref<10240x128xf32, #tpu.memory_space<vmem_shared>>)
    %dma_wait3A_263 = arith.constant 0 : i32
    %dma_wait3A_264 = tpu.memref_slice %arg5[%dma_wait3A_263] : memref<10000xi32, #tpu.memory_space<vmem>> -> memref<40xi32, #tpu.memory_space<vmem>>
    %dma_wait3A_265 = arith.constant 0 : i32
    %dma_wait3A_266 = arith.constant 0 : i32
    %dma_wait3A_267 = tpu.memref_slice %arg2[%dma_wait3A_265, %dma_wait3A_266] : memref<10000x128xf32, #tpu.memory_space<hbm>> -> memref<10000x128xf32, #tpu.memory_space<hbm>>
    tpu.wait_indirect_dma semaphore(%arg18 : memref<!tpu.dma_semaphore, #tpu.memory_space<semaphore_mem>>) src(%dma_wait3A_267 : memref<10000x128xf32, #tpu.memory_space<hbm>>) dst(%arg10 : memref<40x128xf32, #tpu.memory_space<vmem>>)
    %dma_wait3A_268 = arith.constant 3 : i32
    %dma_wait3A_269 = arith.constant 0 : i32
    %dma_wait3A_270 = tpu.memref_slice %arg6[%dma_wait3A_268, %dma_wait3A_269] : memref<7x40xi32, #tpu.memory_space<vmem>> -> memref<1x40xi32, #tpu.memory_space<vmem>>
    %dma_wait3A_271 = tpu.memref_squeeze %dma_wait3A_270 : memref<1x40xi32, #tpu.memory_space<vmem>> -> memref<40xi32, #tpu.memory_space<vmem>>
    %dma_wait3A_272 = arith.constant 0 : i32
    %dma_wait3A_273 = tpu.memref_slice %arg3[%dma_wait3A_272] : memref<640000xi32, #tpu.memory_space<hbm>> -> memref<40xi32, #tpu.memory_space<hbm>>
    %dma_wait3A_274 = arith.constant 0 : i32
    %dma_wait3A_275 = tpu.memref_slice %arg6[%dma_wait3A_268, %dma_wait3A_274] : memref<7x40xi32, #tpu.memory_space<vmem>> -> memref<1x40xi32, #tpu.memory_space<vmem>>
    %dma_wait3A_276 = tpu.memref_squeeze %dma_wait3A_275 : memref<1x40xi32, #tpu.memory_space<vmem>> -> memref<40xi32, #tpu.memory_space<vmem>>
    %dma_wait3A_277 = arith.constant 0 : i32
    %dma_wait3A_278 = tpu.memref_slice %arg3[%dma_wait3A_277] : memref<640000xi32, #tpu.memory_space<hbm>> -> memref<40xi32, #tpu.memory_space<hbm>>
    tpu.wait_dma2 semaphore(%arg32 : memref<!tpu.dma_semaphore, #tpu.memory_space<semaphore_mem>>) src(%dma_wait3A_278 : memref<40xi32, #tpu.memory_space<hbm>>) dst(%dma_wait3A_276 : memref<40xi32, #tpu.memory_space<vmem>>)
    %dma_start3A_279 = arith.constant 3 : i32
    %dma_start3A_280 = arith.constant 0 : i32
    %dma_start3A_281 = tpu.memref_slice %arg6[%dma_start3A_279, %dma_start3A_280] : memref<7x40xi32, #tpu.memory_space<vmem>> -> memref<1x40xi32, #tpu.memory_space<vmem>>
    %dma_start3A_282 = tpu.memref_squeeze %dma_start3A_281 : memref<1x40xi32, #tpu.memory_space<vmem>> -> memref<40xi32, #tpu.memory_space<vmem>>
    %dma_start3A_283 = arith.constant 0 : i32
    %dma_start3A_284 = arith.constant 0 : i32
    %dma_start3A_285 = tpu.memref_slice %arg14[%dma_start3A_283, %dma_start3A_284] : memref<10240x128xf32, #tpu.memory_space<vmem_shared>> -> memref<10240x128xf32, #tpu.memory_space<vmem_shared>>
    tpu.enqueue_indirect_dma source(%arg10 : memref<40x128xf32, #tpu.memory_space<vmem>>) target(%dma_start3A_285 : memref<10240x128xf32, #tpu.memory_space<vmem_shared>>) offsets(%dma_start3A_282 : memref<40xi32, #tpu.memory_space<vmem>>) semaphore(%arg25 : memref<!tpu.dma_semaphore, #tpu.memory_space<semaphore_mem>>) {add = true}
    %dma_wait3A_286 = arith.constant 2 : i32
    %dma_wait3A_287 = arith.constant 0 : i32
    %dma_wait3A_288 = tpu.memref_slice %arg6[%dma_wait3A_286, %dma_wait3A_287] : memref<7x40xi32, #tpu.memory_space<vmem>> -> memref<1x40xi32, #tpu.memory_space<vmem>>
    %dma_wait3A_289 = tpu.memref_squeeze %dma_wait3A_288 : memref<1x40xi32, #tpu.memory_space<vmem>> -> memref<40xi32, #tpu.memory_space<vmem>>
    %dma_wait3A_290 = arith.constant 0 : i32
    %dma_wait3A_291 = arith.constant 0 : i32
    %dma_wait3A_292 = tpu.memref_slice %arg14[%dma_wait3A_290, %dma_wait3A_291] : memref<10240x128xf32, #tpu.memory_space<vmem_shared>> -> memref<10240x128xf32, #tpu.memory_space<vmem_shared>>
    tpu.wait_indirect_dma semaphore(%arg24 : memref<!tpu.dma_semaphore, #tpu.memory_space<semaphore_mem>>) src(%arg9 : memref<40x128xf32, #tpu.memory_space<vmem>>) dst(%dma_wait3A_292 : memref<10240x128xf32, #tpu.memory_space<vmem_shared>>)
    %dma_wait3A_293 = arith.constant 0 : i32
    %dma_wait3A_294 = tpu.memref_slice %arg5[%dma_wait3A_293] : memref<10000xi32, #tpu.memory_space<vmem>> -> memref<40xi32, #tpu.memory_space<vmem>>
    %dma_wait3A_295 = arith.constant 0 : i32
    %dma_wait3A_296 = arith.constant 0 : i32
    %dma_wait3A_297 = tpu.memref_slice %arg2[%dma_wait3A_295, %dma_wait3A_296] : memref<10000x128xf32, #tpu.memory_space<hbm>> -> memref<10000x128xf32, #tpu.memory_space<hbm>>
    tpu.wait_indirect_dma semaphore(%arg19 : memref<!tpu.dma_semaphore, #tpu.memory_space<semaphore_mem>>) src(%dma_wait3A_297 : memref<10000x128xf32, #tpu.memory_space<hbm>>) dst(%arg11 : memref<40x128xf32, #tpu.memory_space<vmem>>)
    %dma_wait3A_298 = arith.constant 4 : i32
    %dma_wait3A_299 = arith.constant 0 : i32
    %dma_wait3A_300 = tpu.memref_slice %arg6[%dma_wait3A_298, %dma_wait3A_299] : memref<7x40xi32, #tpu.memory_space<vmem>> -> memref<1x40xi32, #tpu.memory_space<vmem>>
    %dma_wait3A_301 = tpu.memref_squeeze %dma_wait3A_300 : memref<1x40xi32, #tpu.memory_space<vmem>> -> memref<40xi32, #tpu.memory_space<vmem>>
    %dma_wait3A_302 = arith.constant 0 : i32
    %dma_wait3A_303 = tpu.memref_slice %arg3[%dma_wait3A_302] : memref<640000xi32, #tpu.memory_space<hbm>> -> memref<40xi32, #tpu.memory_space<hbm>>
    %dma_wait3A_304 = arith.constant 0 : i32
    %dma_wait3A_305 = tpu.memref_slice %arg6[%dma_wait3A_298, %dma_wait3A_304] : memref<7x40xi32, #tpu.memory_space<vmem>> -> memref<1x40xi32, #tpu.memory_space<vmem>>
    %dma_wait3A_306 = tpu.memref_squeeze %dma_wait3A_305 : memref<1x40xi32, #tpu.memory_space<vmem>> -> memref<40xi32, #tpu.memory_space<vmem>>
    %dma_wait3A_307 = arith.constant 0 : i32
    %dma_wait3A_308 = tpu.memref_slice %arg3[%dma_wait3A_307] : memref<640000xi32, #tpu.memory_space<hbm>> -> memref<40xi32, #tpu.memory_space<hbm>>
    tpu.wait_dma2 semaphore(%arg33 : memref<!tpu.dma_semaphore, #tpu.memory_space<semaphore_mem>>) src(%dma_wait3A_308 : memref<40xi32, #tpu.memory_space<hbm>>) dst(%dma_wait3A_306 : memref<40xi32, #tpu.memory_space<vmem>>)
    %dma_start3A_309 = arith.constant 4 : i32
    %dma_start3A_310 = arith.constant 0 : i32
    %dma_start3A_311 = tpu.memref_slice %arg6[%dma_start3A_309, %dma_start3A_310] : memref<7x40xi32, #tpu.memory_space<vmem>> -> memref<1x40xi32, #tpu.memory_space<vmem>>
    %dma_start3A_312 = tpu.memref_squeeze %dma_start3A_311 : memref<1x40xi32, #tpu.memory_space<vmem>> -> memref<40xi32, #tpu.memory_space<vmem>>
    %dma_start3A_313 = arith.constant 0 : i32
    %dma_start3A_314 = arith.constant 0 : i32
    %dma_start3A_315 = tpu.memref_slice %arg14[%dma_start3A_313, %dma_start3A_314] : memref<10240x128xf32, #tpu.memory_space<vmem_shared>> -> memref<10240x128xf32, #tpu.memory_space<vmem_shared>>
    tpu.enqueue_indirect_dma source(%arg11 : memref<40x128xf32, #tpu.memory_space<vmem>>) target(%dma_start3A_315 : memref<10240x128xf32, #tpu.memory_space<vmem_shared>>) offsets(%dma_start3A_312 : memref<40xi32, #tpu.memory_space<vmem>>) semaphore(%arg26 : memref<!tpu.dma_semaphore, #tpu.memory_space<semaphore_mem>>) {add = true}
    %dma_wait3A_316 = arith.constant 3 : i32
    %dma_wait3A_317 = arith.constant 0 : i32
    %dma_wait3A_318 = tpu.memref_slice %arg6[%dma_wait3A_316, %dma_wait3A_317] : memref<7x40xi32, #tpu.memory_space<vmem>> -> memref<1x40xi32, #tpu.memory_space<vmem>>
    %dma_wait3A_319 = tpu.memref_squeeze %dma_wait3A_318 : memref<1x40xi32, #tpu.memory_space<vmem>> -> memref<40xi32, #tpu.memory_space<vmem>>
    %dma_wait3A_320 = arith.constant 0 : i32
    %dma_wait3A_321 = arith.constant 0 : i32
    %dma_wait3A_322 = tpu.memref_slice %arg14[%dma_wait3A_320, %dma_wait3A_321] : memref<10240x128xf32, #tpu.memory_space<vmem_shared>> -> memref<10240x128xf32, #tpu.memory_space<vmem_shared>>
    tpu.wait_indirect_dma semaphore(%arg25 : memref<!tpu.dma_semaphore, #tpu.memory_space<semaphore_mem>>) src(%arg10 : memref<40x128xf32, #tpu.memory_space<vmem>>) dst(%dma_wait3A_322 : memref<10240x128xf32, #tpu.memory_space<vmem_shared>>)
    %dma_wait3A_323 = arith.constant 4 : i32
    %dma_wait3A_324 = arith.constant 0 : i32
    %dma_wait3A_325 = tpu.memref_slice %arg6[%dma_wait3A_323, %dma_wait3A_324] : memref<7x40xi32, #tpu.memory_space<vmem>> -> memref<1x40xi32, #tpu.memory_space<vmem>>
    %dma_wait3A_326 = tpu.memref_squeeze %dma_wait3A_325 : memref<1x40xi32, #tpu.memory_space<vmem>> -> memref<40xi32, #tpu.memory_space<vmem>>
    %dma_wait3A_327 = arith.constant 0 : i32
    %dma_wait3A_328 = arith.constant 0 : i32
    %dma_wait3A_329 = tpu.memref_slice %arg14[%dma_wait3A_327, %dma_wait3A_328] : memref<10240x128xf32, #tpu.memory_space<vmem_shared>> -> memref<10240x128xf32, #tpu.memory_space<vmem_shared>>
    tpu.wait_indirect_dma semaphore(%arg26 : memref<!tpu.dma_semaphore, #tpu.memory_space<semaphore_mem>>) src(%arg11 : memref<40x128xf32, #tpu.memory_space<vmem>>) dst(%dma_wait3A_329 : memref<10240x128xf32, #tpu.memory_space<vmem_shared>>)
    %barrier3A_330 = arith.constant 0 : index
    tpu.barrier barrier_id(%barrier3A_330)
    "tpu.region"() ({
      %run_scoped3A = tpu.sem_alloc : memref<!tpu.dma_semaphore, #tpu.memory_space<semaphore_mem>>
      %dma_start3A_331 = arith.constant 0 : i32
      %dma_start3A_332 = tpu.memref_slice %arg4[%arg0, %mul3A_10, %dma_start3A_331] : memref<2x10240x128xf32, #tpu.memory_space<hbm>> -> memref<1x640x128xf32, #tpu.memory_space<hbm>>
      %dma_start3A_333 = tpu.memref_squeeze %dma_start3A_332 : memref<1x640x128xf32, #tpu.memory_space<hbm>> -> memref<640x128xf32, #tpu.memory_space<hbm>>
      %dma_start3A_334 = arith.constant 0 : i32
      %dma_start3A_335 = tpu.memref_slice %arg14[%mul3A_10, %dma_start3A_334] : memref<10240x128xf32, #tpu.memory_space<vmem_shared>> -> memref<640x128xf32, #tpu.memory_space<vmem_shared>>
      tpu.enqueue_dma source(%dma_start3A_335 : memref<640x128xf32, #tpu.memory_space<vmem_shared>>) target(%dma_start3A_333 : memref<640x128xf32, #tpu.memory_space<hbm>>) target_semaphore(%run_scoped3A : memref<!tpu.dma_semaphore, #tpu.memory_space<semaphore_mem>>)
      %dma_wait3A_336 = arith.constant 0 : i32
      %dma_wait3A_337 = tpu.memref_slice %arg4[%arg0, %mul3A_10, %dma_wait3A_336] : memref<2x10240x128xf32, #tpu.memory_space<hbm>> -> memref<1x640x128xf32, #tpu.memory_space<hbm>>
      %dma_wait3A_338 = tpu.memref_squeeze %dma_wait3A_337 : memref<1x640x128xf32, #tpu.memory_space<hbm>> -> memref<640x128xf32, #tpu.memory_space<hbm>>
      %dma_wait3A_339 = arith.constant 0 : i32
      %dma_wait3A_340 = tpu.memref_slice %arg14[%mul3A_10, %dma_wait3A_339] : memref<10240x128xf32, #tpu.memory_space<vmem_shared>> -> memref<640x128xf32, #tpu.memory_space<vmem_shared>>
      tpu.wait_dma2 semaphore(%run_scoped3A : memref<!tpu.dma_semaphore, #tpu.memory_space<semaphore_mem>>) src(%dma_wait3A_340 : memref<640x128xf32, #tpu.memory_space<vmem_shared>>) dst(%dma_wait3A_338 : memref<640x128xf32, #tpu.memory_space<hbm>>)
      tpu.yield
    }) : () -> ()
    return
  }
}

#map = affine_map<(d0, d1) -> (0, 0)>
#map1 = affine_map<(d0, d1) -> (0)>
#map2 = affine_map<(d0, d1) -> (0, 0, 0)>
module attributes {stable_mosaic.version = 14 : i64} {
  func.func @_scat_body(%arg0: i32, %arg1: i32, %arg2: memref<10000x128xf32, #tpu.memory_space<hbm>>, %arg3: memref<640000xi32, #tpu.memory_space<hbm>>, %arg4: memref<2x10240x128xf32, #tpu.memory_space<hbm>>, %arg5: memref<10000xi32, #tpu.memory_space<vmem>>, %arg6: memref<7x40xi32, #tpu.memory_space<vmem>>, %arg7: memref<40x128xf32, #tpu.memory_space<vmem>>, %arg8: memref<40x128xf32, #tpu.memory_space<vmem>>, %arg9: memref<40x128xf32, #tpu.memory_space<vmem>>, %arg10: memref<40x128xf32, #tpu.memory_space<vmem>>, %arg11: memref<40x128xf32, #tpu.memory_space<vmem>>, %arg12: memref<40x128xf32, #tpu.memory_space<vmem>>, %arg13: memref<40x128xf32, #tpu.memory_space<vmem>>, %arg14: memref<10240x128xf32, #tpu.memory_space<vmem_shared>>, %arg15: memref<!tpu.dma_semaphore, #tpu.memory_space<semaphore_mem>>, %arg16: memref<!tpu.dma_semaphore, #tpu.memory_space<semaphore_mem>>, %arg17: memref<!tpu.dma_semaphore, #tpu.memory_space<semaphore_mem>>, %arg18: memref<!tpu.dma_semaphore, #tpu.memory_space<semaphore_mem>>, %arg19: memref<!tpu.dma_semaphore, #tpu.memory_space<semaphore_mem>>, %arg20: memref<!tpu.dma_semaphore, #tpu.memory_space<semaphore_mem>>, %arg21: memref<!tpu.dma_semaphore, #tpu.memory_space<semaphore_mem>>, %arg22: memref<!tpu.dma_semaphore, #tpu.memory_space<semaphore_mem>>, %arg23: memref<!tpu.dma_semaphore, #tpu.memory_space<semaphore_mem>>, %arg24: memref<!tpu.dma_semaphore, #tpu.memory_space<semaphore_mem>>, %arg25: memref<!tpu.dma_semaphore, #tpu.memory_space<semaphore_mem>>, %arg26: memref<!tpu.dma_semaphore, #tpu.memory_space<semaphore_mem>>, %arg27: memref<!tpu.dma_semaphore, #tpu.memory_space<semaphore_mem>>, %arg28: memref<!tpu.dma_semaphore, #tpu.memory_space<semaphore_mem>>, %arg29: memref<!tpu.dma_semaphore, #tpu.memory_space<semaphore_mem>>, %arg30: memref<!tpu.dma_semaphore, #tpu.memory_space<semaphore_mem>>, %arg31: memref<!tpu.dma_semaphore, #tpu.memory_space<semaphore_mem>>, %arg32: memref<!tpu.dma_semaphore, #tpu.memory_space<semaphore_mem>>, %arg33: memref<!tpu.dma_semaphore, #tpu.memory_space<semaphore_mem>>, %arg34: memref<!tpu.dma_semaphore, #tpu.memory_space<semaphore_mem>>, %arg35: memref<!tpu.dma_semaphore, #tpu.memory_space<semaphore_mem>>) attributes {dimension_semantics = [#tpu.dimension_semantics<core_parallel>, #tpu.dimension_semantics<subcore_parallel>], iteration_bounds = array<i64: 2, 16>, scalar_prefetch = 0 : i64, scratch_operands = 31 : i64, tpu.core_type = #tpu.core_type<sc_vector_subcore>, window_params = [{transform_indices = #map}, {transform_indices = #map1}, {transform_indices = #map2}]} {
    %mul3A = arith.constant 16 : i32
    %mul3A_0 = arith.muli %arg0, %mul3A : i32
    %add3A = arith.addi %mul3A_0, %arg1 : i32
    %mul3A_1 = arith.constant 10000 : i32
    %mul3A_2 = arith.muli %add3A, %mul3A_1 : i32
    "tpu.region"() ({
      %run_scoped3A = tpu.sem_alloc : memref<!tpu.dma_semaphore, #tpu.memory_space<semaphore_mem>>
      %dma_start3A_331 = tpu.memref_slice %arg3[%mul3A_2] : memref<640000xi32, #tpu.memory_space<hbm>> -> memref<10000xi32, #tpu.memory_space<hbm>>
      %dma_start3A_332 = tpu.memref_slice %arg3[%mul3A_2] : memref<640000xi32, #tpu.memory_space<hbm>> -> memref<10000xi32, #tpu.memory_space<hbm>>
      tpu.enqueue_dma source(%dma_start3A_332 : memref<10000xi32, #tpu.memory_space<hbm>>) target(%arg5 : memref<10000xi32, #tpu.memory_space<vmem>>) target_semaphore(%run_scoped3A : memref<!tpu.dma_semaphore, #tpu.memory_space<semaphore_mem>>)
      %dma_wait3A_333 = tpu.memref_slice %arg3[%mul3A_2] : memref<640000xi32, #tpu.memory_space<hbm>> -> memref<10000xi32, #tpu.memory_space<hbm>>
      %dma_wait3A_334 = tpu.memref_slice %arg3[%mul3A_2] : memref<640000xi32, #tpu.memory_space<hbm>> -> memref<10000xi32, #tpu.memory_space<hbm>>
      tpu.wait_dma2 semaphore(%run_scoped3A : memref<!tpu.dma_semaphore, #tpu.memory_space<semaphore_mem>>) src(%dma_wait3A_334 : memref<10000xi32, #tpu.memory_space<hbm>>) dst(%arg5 : memref<10000xi32, #tpu.memory_space<vmem>>)
      tpu.yield
    }) : () -> ()
    %broadcast_in_dim3A = arith.constant 0.000000e+00 : f32
    %broadcast_in_dim3A_3 = vector.broadcast %broadcast_in_dim3A : f32 to vector<16xf32>
    %scan3A = arith.constant 0 : i32
    %scan3A_4 = arith.constant 0 : i32
    %scan3A_5 = arith.constant 40 : i32
    %scan3A_6 = arith.addi %scan3A_4, %scan3A_5 : i32
    %scan3A_7 = arith.constant 1 : i32
    scf.for %scan3A_331 = %scan3A_4 to %scan3A_6 step %scan3A_7  : i32 {
      %swap3A = arith.index_cast %scan3A_331 : i32 to index
      %swap3A_332 = arith.constant 0 : index
      %swap3A_333 = tpu.vector_load %arg7[%swap3A, %swap3A_332] {strides = array<i32>} : memref<40x128xf32, #tpu.memory_space<vmem>>, vector<1x16xf32>,
      %swap3A_334 = vector.shape_cast %swap3A_333 : vector<1x16xf32> to vector<16xf32>
      %swap3A_335 = vector.shape_cast %broadcast_in_dim3A_3 : vector<16xf32> to vector<1x16xf32>
      tpu.vector_store %arg7[%swap3A, %swap3A_332], %swap3A_335 {strides = array<i32>} : memref<40x128xf32, #tpu.memory_space<vmem>>, vector<1x16xf32>,
      %swap3A_336 = arith.index_cast %scan3A_331 : i32 to index
      %swap3A_337 = arith.constant 0 : index
      %swap3A_338 = tpu.vector_load %arg8[%swap3A_336, %swap3A_337] {strides = array<i32>} : memref<40x128xf32, #tpu.memory_space<vmem>>, vector<1x16xf32>,
      %swap3A_339 = vector.shape_cast %swap3A_338 : vector<1x16xf32> to vector<16xf32>
      %swap3A_340 = vector.shape_cast %broadcast_in_dim3A_3 : vector<16xf32> to vector<1x16xf32>
      tpu.vector_store %arg8[%swap3A_336, %swap3A_337], %swap3A_340 {strides = array<i32>} : memref<40x128xf32, #tpu.memory_space<vmem>>, vector<1x16xf32>,
      %swap3A_341 = arith.index_cast %scan3A_331 : i32 to index
      %swap3A_342 = arith.constant 16 : index
      %swap3A_343 = tpu.vector_load %arg7[%swap3A_341, %swap3A_342] {strides = array<i32>} : memref<40x128xf32, #tpu.memory_space<vmem>>, vector<1x16xf32>,
      %swap3A_344 = vector.shape_cast %swap3A_343 : vector<1x16xf32> to vector<16xf32>
      %swap3A_345 = vector.shape_cast %broadcast_in_dim3A_3 : vector<16xf32> to vector<1x16xf32>
      tpu.vector_store %arg7[%swap3A_341, %swap3A_342], %swap3A_345 {strides = array<i32>} : memref<40x128xf32, #tpu.memory_space<vmem>>, vector<1x16xf32>,
      %swap3A_346 = arith.index_cast %scan3A_331 : i32 to index
      %swap3A_347 = arith.constant 16 : index
      %swap3A_348 = tpu.vector_load %arg8[%swap3A_346, %swap3A_347] {strides = array<i32>} : memref<40x128xf32, #tpu.memory_space<vmem>>, vector<1x16xf32>,
      %swap3A_349 = vector.shape_cast %swap3A_348 : vector<1x16xf32> to vector<16xf32>
      %swap3A_350 = vector.shape_cast %broadcast_in_dim3A_3 : vector<16xf32> to vector<1x16xf32>
      tpu.vector_store %arg8[%swap3A_346, %swap3A_347], %swap3A_350 {strides = array<i32>} : memref<40x128xf32, #tpu.memory_space<vmem>>, vector<1x16xf32>,
      %swap3A_351 = arith.index_cast %scan3A_331 : i32 to index
      %swap3A_352 = arith.constant 32 : index
      %swap3A_353 = tpu.vector_load %arg7[%swap3A_351, %swap3A_352] {strides = array<i32>} : memref<40x128xf32, #tpu.memory_space<vmem>>, vector<1x16xf32>,
      %swap3A_354 = vector.shape_cast %swap3A_353 : vector<1x16xf32> to vector<16xf32>
      %swap3A_355 = vector.shape_cast %broadcast_in_dim3A_3 : vector<16xf32> to vector<1x16xf32>
      tpu.vector_store %arg7[%swap3A_351, %swap3A_352], %swap3A_355 {strides = array<i32>} : memref<40x128xf32, #tpu.memory_space<vmem>>, vector<1x16xf32>,
      %swap3A_356 = arith.index_cast %scan3A_331 : i32 to index
      %swap3A_357 = arith.constant 32 : index
      %swap3A_358 = tpu.vector_load %arg8[%swap3A_356, %swap3A_357] {strides = array<i32>} : memref<40x128xf32, #tpu.memory_space<vmem>>, vector<1x16xf32>,
      %swap3A_359 = vector.shape_cast %swap3A_358 : vector<1x16xf32> to vector<16xf32>
      %swap3A_360 = vector.shape_cast %broadcast_in_dim3A_3 : vector<16xf32> to vector<1x16xf32>
      tpu.vector_store %arg8[%swap3A_356, %swap3A_357], %swap3A_360 {strides = array<i32>} : memref<40x128xf32, #tpu.memory_space<vmem>>, vector<1x16xf32>,
      %swap3A_361 = arith.index_cast %scan3A_331 : i32 to index
      %swap3A_362 = arith.constant 48 : index
      %swap3A_363 = tpu.vector_load %arg7[%swap3A_361, %swap3A_362] {strides = array<i32>} : memref<40x128xf32, #tpu.memory_space<vmem>>, vector<1x16xf32>,
      %swap3A_364 = vector.shape_cast %swap3A_363 : vector<1x16xf32> to vector<16xf32>
      %swap3A_365 = vector.shape_cast %broadcast_in_dim3A_3 : vector<16xf32> to vector<1x16xf32>
      tpu.vector_store %arg7[%swap3A_361, %swap3A_362], %swap3A_365 {strides = array<i32>} : memref<40x128xf32, #tpu.memory_space<vmem>>, vector<1x16xf32>,
      %swap3A_366 = arith.index_cast %scan3A_331 : i32 to index
      %swap3A_367 = arith.constant 48 : index
      %swap3A_368 = tpu.vector_load %arg8[%swap3A_366, %swap3A_367] {strides = array<i32>} : memref<40x128xf32, #tpu.memory_space<vmem>>, vector<1x16xf32>,
      %swap3A_369 = vector.shape_cast %swap3A_368 : vector<1x16xf32> to vector<16xf32>
      %swap3A_370 = vector.shape_cast %broadcast_in_dim3A_3 : vector<16xf32> to vector<1x16xf32>
      tpu.vector_store %arg8[%swap3A_366, %swap3A_367], %swap3A_370 {strides = array<i32>} : memref<40x128xf32, #tpu.memory_space<vmem>>, vector<1x16xf32>,
      %swap3A_371 = arith.index_cast %scan3A_331 : i32 to index
      %swap3A_372 = arith.constant 64 : index
      %swap3A_373 = tpu.vector_load %arg7[%swap3A_371, %swap3A_372] {strides = array<i32>} : memref<40x128xf32, #tpu.memory_space<vmem>>, vector<1x16xf32>,
      %swap3A_374 = vector.shape_cast %swap3A_373 : vector<1x16xf32> to vector<16xf32>
      %swap3A_375 = vector.shape_cast %broadcast_in_dim3A_3 : vector<16xf32> to vector<1x16xf32>
      tpu.vector_store %arg7[%swap3A_371, %swap3A_372], %swap3A_375 {strides = array<i32>} : memref<40x128xf32, #tpu.memory_space<vmem>>, vector<1x16xf32>,
      %swap3A_376 = arith.index_cast %scan3A_331 : i32 to index
      %swap3A_377 = arith.constant 64 : index
      %swap3A_378 = tpu.vector_load %arg8[%swap3A_376, %swap3A_377] {strides = array<i32>} : memref<40x128xf32, #tpu.memory_space<vmem>>, vector<1x16xf32>,
      %swap3A_379 = vector.shape_cast %swap3A_378 : vector<1x16xf32> to vector<16xf32>
      %swap3A_380 = vector.shape_cast %broadcast_in_dim3A_3 : vector<16xf32> to vector<1x16xf32>
      tpu.vector_store %arg8[%swap3A_376, %swap3A_377], %swap3A_380 {strides = array<i32>} : memref<40x128xf32, #tpu.memory_space<vmem>>, vector<1x16xf32>,
      %swap3A_381 = arith.index_cast %scan3A_331 : i32 to index
      %swap3A_382 = arith.constant 80 : index
      %swap3A_383 = tpu.vector_load %arg7[%swap3A_381, %swap3A_382] {strides = array<i32>} : memref<40x128xf32, #tpu.memory_space<vmem>>, vector<1x16xf32>,
      %swap3A_384 = vector.shape_cast %swap3A_383 : vector<1x16xf32> to vector<16xf32>
      %swap3A_385 = vector.shape_cast %broadcast_in_dim3A_3 : vector<16xf32> to vector<1x16xf32>
      tpu.vector_store %arg7[%swap3A_381, %swap3A_382], %swap3A_385 {strides = array<i32>} : memref<40x128xf32, #tpu.memory_space<vmem>>, vector<1x16xf32>,
      %swap3A_386 = arith.index_cast %scan3A_331 : i32 to index
      %swap3A_387 = arith.constant 80 : index
      %swap3A_388 = tpu.vector_load %arg8[%swap3A_386, %swap3A_387] {strides = array<i32>} : memref<40x128xf32, #tpu.memory_space<vmem>>, vector<1x16xf32>,
      %swap3A_389 = vector.shape_cast %swap3A_388 : vector<1x16xf32> to vector<16xf32>
      %swap3A_390 = vector.shape_cast %broadcast_in_dim3A_3 : vector<16xf32> to vector<1x16xf32>
      tpu.vector_store %arg8[%swap3A_386, %swap3A_387], %swap3A_390 {strides = array<i32>} : memref<40x128xf32, #tpu.memory_space<vmem>>, vector<1x16xf32>,
      %swap3A_391 = arith.index_cast %scan3A_331 : i32 to index
      %swap3A_392 = arith.constant 96 : index
      %swap3A_393 = tpu.vector_load %arg7[%swap3A_391, %swap3A_392] {strides = array<i32>} : memref<40x128xf32, #tpu.memory_space<vmem>>, vector<1x16xf32>,
      %swap3A_394 = vector.shape_cast %swap3A_393 : vector<1x16xf32> to vector<16xf32>
      %swap3A_395 = vector.shape_cast %broadcast_in_dim3A_3 : vector<16xf32> to vector<1x16xf32>
      tpu.vector_store %arg7[%swap3A_391, %swap3A_392], %swap3A_395 {strides = array<i32>} : memref<40x128xf32, #tpu.memory_space<vmem>>, vector<1x16xf32>,
      %swap3A_396 = arith.index_cast %scan3A_331 : i32 to index
      %swap3A_397 = arith.constant 96 : index
      %swap3A_398 = tpu.vector_load %arg8[%swap3A_396, %swap3A_397] {strides = array<i32>} : memref<40x128xf32, #tpu.memory_space<vmem>>, vector<1x16xf32>,
      %swap3A_399 = vector.shape_cast %swap3A_398 : vector<1x16xf32> to vector<16xf32>
      %swap3A_400 = vector.shape_cast %broadcast_in_dim3A_3 : vector<16xf32> to vector<1x16xf32>
      tpu.vector_store %arg8[%swap3A_396, %swap3A_397], %swap3A_400 {strides = array<i32>} : memref<40x128xf32, #tpu.memory_space<vmem>>, vector<1x16xf32>,
      %swap3A_401 = arith.index_cast %scan3A_331 : i32 to index
      %swap3A_402 = arith.constant 112 : index
      %swap3A_403 = tpu.vector_load %arg7[%swap3A_401, %swap3A_402] {strides = array<i32>} : memref<40x128xf32, #tpu.memory_space<vmem>>, vector<1x16xf32>,
      %swap3A_404 = vector.shape_cast %swap3A_403 : vector<1x16xf32> to vector<16xf32>
      %swap3A_405 = vector.shape_cast %broadcast_in_dim3A_3 : vector<16xf32> to vector<1x16xf32>
      tpu.vector_store %arg7[%swap3A_401, %swap3A_402], %swap3A_405 {strides = array<i32>} : memref<40x128xf32, #tpu.memory_space<vmem>>, vector<1x16xf32>,
      %swap3A_406 = arith.index_cast %scan3A_331 : i32 to index
      %swap3A_407 = arith.constant 112 : index
      %swap3A_408 = tpu.vector_load %arg8[%swap3A_406, %swap3A_407] {strides = array<i32>} : memref<40x128xf32, #tpu.memory_space<vmem>>, vector<1x16xf32>,
      %swap3A_409 = vector.shape_cast %swap3A_408 : vector<1x16xf32> to vector<16xf32>
      %swap3A_410 = vector.shape_cast %broadcast_in_dim3A_3 : vector<16xf32> to vector<1x16xf32>
      tpu.vector_store %arg8[%swap3A_406, %swap3A_407], %swap3A_410 {strides = array<i32>} : memref<40x128xf32, #tpu.memory_space<vmem>>, vector<1x16xf32>,
    }
    %scan3A_8 = arith.constant 40 : i32
    %mul3A_9 = arith.constant 640 : i32
    %mul3A_10 = arith.muli %arg1, %mul3A_9 : i32
    %add3A_11 = arith.constant 0 : i32
    %add3A_12 = arith.addi %mul3A_10, %add3A_11 : i32
    "tpu.region"() ({
      %run_scoped3A = tpu.sem_alloc : memref<!tpu.dma_semaphore, #tpu.memory_space<semaphore_mem>>
      %dma_start3A_331 = arith.constant 0 : i32
      %dma_start3A_332 = tpu.memref_slice %arg14[%add3A_12, %dma_start3A_331] : memref<10240x128xf32, #tpu.memory_space<vmem_shared>> -> memref<40x128xf32, #tpu.memory_space<vmem_shared>>
      %dma_start3A_333 = arith.constant 0 : i32
      %dma_start3A_334 = tpu.memref_slice %arg14[%add3A_12, %dma_start3A_333] : memref<10240x128xf32, #tpu.memory_space<vmem_shared>> -> memref<40x128xf32, #tpu.memory_space<vmem_shared>>
      tpu.enqueue_dma source(%arg7 : memref<40x128xf32, #tpu.memory_space<vmem>>) target(%dma_start3A_334 : memref<40x128xf32, #tpu.memory_space<vmem_shared>>) target_semaphore(%run_scoped3A : memref<!tpu.dma_semaphore, #tpu.memory_space<semaphore_mem>>)
      %dma_wait3A_335 = arith.constant 0 : i32
      %dma_wait3A_336 = tpu.memref_slice %arg14[%add3A_12, %dma_wait3A_335] : memref<10240x128xf32, #tpu.memory_space<vmem_shared>> -> memref<40x128xf32, #tpu.memory_space<vmem_shared>>
      %dma_wait3A_337 = arith.constant 0 : i32
      %dma_wait3A_338 = tpu.memref_slice %arg14[%add3A_12, %dma_wait3A_337] : memref<10240x128xf32, #tpu.memory_space<vmem_shared>> -> memref<40x128xf32, #tpu.memory_space<vmem_shared>>
      tpu.wait_dma2 semaphore(%run_scoped3A : memref<!tpu.dma_semaphore, #tpu.memory_space<semaphore_mem>>) src(%arg7 : memref<40x128xf32, #tpu.memory_space<vmem>>) dst(%dma_wait3A_338 : memref<40x128xf32, #tpu.memory_space<vmem_shared>>)
      tpu.yield
    }) : () -> ()
    %add3A_13 = arith.constant 40 : i32
    %add3A_14 = arith.addi %mul3A_10, %add3A_13 : i32
    "tpu.region"() ({
      %run_scoped3A = tpu.sem_alloc : memref<!tpu.dma_semaphore, #tpu.memory_space<semaphore_mem>>
      %dma_start3A_331 = arith.constant 0 : i32
      %dma_start3A_332 = tpu.memref_slice %arg14[%add3A_14, %dma_start3A_331] : memref<10240x128xf32, #tpu.memory_space<vmem_shared>> -> memref<40x128xf32, #tpu.memory_space<vmem_shared>>
      %dma_start3A_333 = arith.constant 0 : i32
      %dma_start3A_334 = tpu.memref_slice %arg14[%add3A_14, %dma_start3A_333] : memref<10240x128xf32, #tpu.memory_space<vmem_shared>> -> memref<40x128xf32, #tpu.memory_space<vmem_shared>>
      tpu.enqueue_dma source(%arg8 : memref<40x128xf32, #tpu.memory_space<vmem>>) target(%dma_start3A_334 : memref<40x128xf32, #tpu.memory_space<vmem_shared>>) target_semaphore(%run_scoped3A : memref<!tpu.dma_semaphore, #tpu.memory_space<semaphore_mem>>)
      %dma_wait3A_335 = arith.constant 0 : i32
      %dma_wait3A_336 = tpu.memref_slice %arg14[%add3A_14, %dma_wait3A_335] : memref<10240x128xf32, #tpu.memory_space<vmem_shared>> -> memref<40x128xf32, #tpu.memory_space<vmem_shared>>
      %dma_wait3A_337 = arith.constant 0 : i32
      %dma_wait3A_338 = tpu.memref_slice %arg14[%add3A_14, %dma_wait3A_337] : memref<10240x128xf32, #tpu.memory_space<vmem_shared>> -> memref<40x128xf32, #tpu.memory_space<vmem_shared>>
      tpu.wait_dma2 semaphore(%run_scoped3A : memref<!tpu.dma_semaphore, #tpu.memory_space<semaphore_mem>>) src(%arg8 : memref<40x128xf32, #tpu.memory_space<vmem>>) dst(%dma_wait3A_338 : memref<40x128xf32, #tpu.memory_space<vmem_shared>>)
      tpu.yield
    }) : () -> ()
    %add3A_15 = arith.constant 80 : i32
    %add3A_16 = arith.addi %mul3A_10, %add3A_15 : i32
    "tpu.region"() ({
      %run_scoped3A = tpu.sem_alloc : memref<!tpu.dma_semaphore, #tpu.memory_space<semaphore_mem>>
      %dma_start3A_331 = arith.constant 0 : i32
      %dma_start3A_332 = tpu.memref_slice %arg14[%add3A_16, %dma_start3A_331] : memref<10240x128xf32, #tpu.memory_space<vmem_shared>> -> memref<40x128xf32, #tpu.memory_space<vmem_shared>>
      %dma_start3A_333 = arith.constant 0 : i32
      %dma_start3A_334 = tpu.memref_slice %arg14[%add3A_16, %dma_start3A_333] : memref<10240x128xf32, #tpu.memory_space<vmem_shared>> -> memref<40x128xf32, #tpu.memory_space<vmem_shared>>
      tpu.enqueue_dma source(%arg7 : memref<40x128xf32, #tpu.memory_space<vmem>>) target(%dma_start3A_334 : memref<40x128xf32, #tpu.memory_space<vmem_shared>>) target_semaphore(%run_scoped3A : memref<!tpu.dma_semaphore, #tpu.memory_space<semaphore_mem>>)
      %dma_wait3A_335 = arith.constant 0 : i32
      %dma_wait3A_336 = tpu.memref_slice %arg14[%add3A_16, %dma_wait3A_335] : memref<10240x128xf32, #tpu.memory_space<vmem_shared>> -> memref<40x128xf32, #tpu.memory_space<vmem_shared>>
      %dma_wait3A_337 = arith.constant 0 : i32
      %dma_wait3A_338 = tpu.memref_slice %arg14[%add3A_16, %dma_wait3A_337] : memref<10240x128xf32, #tpu.memory_space<vmem_shared>> -> memref<40x128xf32, #tpu.memory_space<vmem_shared>>
      tpu.wait_dma2 semaphore(%run_scoped3A : memref<!tpu.dma_semaphore, #tpu.memory_space<semaphore_mem>>) src(%arg7 : memref<40x128xf32, #tpu.memory_space<vmem>>) dst(%dma_wait3A_338 : memref<40x128xf32, #tpu.memory_space<vmem_shared>>)
      tpu.yield
    }) : () -> ()
    %add3A_17 = arith.constant 120 : i32
    %add3A_18 = arith.addi %mul3A_10, %add3A_17 : i32
    "tpu.region"() ({
      %run_scoped3A = tpu.sem_alloc : memref<!tpu.dma_semaphore, #tpu.memory_space<semaphore_mem>>
      %dma_start3A_331 = arith.constant 0 : i32
      %dma_start3A_332 = tpu.memref_slice %arg14[%add3A_18, %dma_start3A_331] : memref<10240x128xf32, #tpu.memory_space<vmem_shared>> -> memref<40x128xf32, #tpu.memory_space<vmem_shared>>
      %dma_start3A_333 = arith.constant 0 : i32
      %dma_start3A_334 = tpu.memref_slice %arg14[%add3A_18, %dma_start3A_333] : memref<10240x128xf32, #tpu.memory_space<vmem_shared>> -> memref<40x128xf32, #tpu.memory_space<vmem_shared>>
      tpu.enqueue_dma source(%arg8 : memref<40x128xf32, #tpu.memory_space<vmem>>) target(%dma_start3A_334 : memref<40x128xf32, #tpu.memory_space<vmem_shared>>) target_semaphore(%run_scoped3A : memref<!tpu.dma_semaphore, #tpu.memory_space<semaphore_mem>>)
      %dma_wait3A_335 = arith.constant 0 : i32
      %dma_wait3A_336 = tpu.memref_slice %arg14[%add3A_18, %dma_wait3A_335] : memref<10240x128xf32, #tpu.memory_space<vmem_shared>> -> memref<40x128xf32, #tpu.memory_space<vmem_shared>>
      %dma_wait3A_337 = arith.constant 0 : i32
      %dma_wait3A_338 = tpu.memref_slice %arg14[%add3A_18, %dma_wait3A_337] : memref<10240x128xf32, #tpu.memory_space<vmem_shared>> -> memref<40x128xf32, #tpu.memory_space<vmem_shared>>
      tpu.wait_dma2 semaphore(%run_scoped3A : memref<!tpu.dma_semaphore, #tpu.memory_space<semaphore_mem>>) src(%arg8 : memref<40x128xf32, #tpu.memory_space<vmem>>) dst(%dma_wait3A_338 : memref<40x128xf32, #tpu.memory_space<vmem_shared>>)
      tpu.yield
    }) : () -> ()
    %add3A_19 = arith.constant 160 : i32
    %add3A_20 = arith.addi %mul3A_10, %add3A_19 : i32
    "tpu.region"() ({
      %run_scoped3A = tpu.sem_alloc : memref<!tpu.dma_semaphore, #tpu.memory_space<semaphore_mem>>
      %dma_start3A_331 = arith.constant 0 : i32
      %dma_start3A_332 = tpu.memref_slice %arg14[%add3A_20, %dma_start3A_331] : memref<10240x128xf32, #tpu.memory_space<vmem_shared>> -> memref<40x128xf32, #tpu.memory_space<vmem_shared>>
      %dma_start3A_333 = arith.constant 0 : i32
      %dma_start3A_334 = tpu.memref_slice %arg14[%add3A_20, %dma_start3A_333] : memref<10240x128xf32, #tpu.memory_space<vmem_shared>> -> memref<40x128xf32, #tpu.memory_space<vmem_shared>>
      tpu.enqueue_dma source(%arg7 : memref<40x128xf32, #tpu.memory_space<vmem>>) target(%dma_start3A_334 : memref<40x128xf32, #tpu.memory_space<vmem_shared>>) target_semaphore(%run_scoped3A : memref<!tpu.dma_semaphore, #tpu.memory_space<semaphore_mem>>)
      %dma_wait3A_335 = arith.constant 0 : i32
      %dma_wait3A_336 = tpu.memref_slice %arg14[%add3A_20, %dma_wait3A_335] : memref<10240x128xf32, #tpu.memory_space<vmem_shared>> -> memref<40x128xf32, #tpu.memory_space<vmem_shared>>
      %dma_wait3A_337 = arith.constant 0 : i32
      %dma_wait3A_338 = tpu.memref_slice %arg14[%add3A_20, %dma_wait3A_337] : memref<10240x128xf32, #tpu.memory_space<vmem_shared>> -> memref<40x128xf32, #tpu.memory_space<vmem_shared>>
      tpu.wait_dma2 semaphore(%run_scoped3A : memref<!tpu.dma_semaphore, #tpu.memory_space<semaphore_mem>>) src(%arg7 : memref<40x128xf32, #tpu.memory_space<vmem>>) dst(%dma_wait3A_338 : memref<40x128xf32, #tpu.memory_space<vmem_shared>>)
      tpu.yield
    }) : () -> ()
    %add3A_21 = arith.constant 200 : i32
    %add3A_22 = arith.addi %mul3A_10, %add3A_21 : i32
    "tpu.region"() ({
      %run_scoped3A = tpu.sem_alloc : memref<!tpu.dma_semaphore, #tpu.memory_space<semaphore_mem>>
      %dma_start3A_331 = arith.constant 0 : i32
      %dma_start3A_332 = tpu.memref_slice %arg14[%add3A_22, %dma_start3A_331] : memref<10240x128xf32, #tpu.memory_space<vmem_shared>> -> memref<40x128xf32, #tpu.memory_space<vmem_shared>>
      %dma_start3A_333 = arith.constant 0 : i32
      %dma_start3A_334 = tpu.memref_slice %arg14[%add3A_22, %dma_start3A_333] : memref<10240x128xf32, #tpu.memory_space<vmem_shared>> -> memref<40x128xf32, #tpu.memory_space<vmem_shared>>
      tpu.enqueue_dma source(%arg8 : memref<40x128xf32, #tpu.memory_space<vmem>>) target(%dma_start3A_334 : memref<40x128xf32, #tpu.memory_space<vmem_shared>>) target_semaphore(%run_scoped3A : memref<!tpu.dma_semaphore, #tpu.memory_space<semaphore_mem>>)
      %dma_wait3A_335 = arith.constant 0 : i32
      %dma_wait3A_336 = tpu.memref_slice %arg14[%add3A_22, %dma_wait3A_335] : memref<10240x128xf32, #tpu.memory_space<vmem_shared>> -> memref<40x128xf32, #tpu.memory_space<vmem_shared>>
      %dma_wait3A_337 = arith.constant 0 : i32
      %dma_wait3A_338 = tpu.memref_slice %arg14[%add3A_22, %dma_wait3A_337] : memref<10240x128xf32, #tpu.memory_space<vmem_shared>> -> memref<40x128xf32, #tpu.memory_space<vmem_shared>>
      tpu.wait_dma2 semaphore(%run_scoped3A : memref<!tpu.dma_semaphore, #tpu.memory_space<semaphore_mem>>) src(%arg8 : memref<40x128xf32, #tpu.memory_space<vmem>>) dst(%dma_wait3A_338 : memref<40x128xf32, #tpu.memory_space<vmem_shared>>)
      tpu.yield
    }) : () -> ()
    %add3A_23 = arith.constant 240 : i32
    %add3A_24 = arith.addi %mul3A_10, %add3A_23 : i32
    "tpu.region"() ({
      %run_scoped3A = tpu.sem_alloc : memref<!tpu.dma_semaphore, #tpu.memory_space<semaphore_mem>>
      %dma_start3A_331 = arith.constant 0 : i32
      %dma_start3A_332 = tpu.memref_slice %arg14[%add3A_24, %dma_start3A_331] : memref<10240x128xf32, #tpu.memory_space<vmem_shared>> -> memref<40x128xf32, #tpu.memory_space<vmem_shared>>
      %dma_start3A_333 = arith.constant 0 : i32
      %dma_start3A_334 = tpu.memref_slice %arg14[%add3A_24, %dma_start3A_333] : memref<10240x128xf32, #tpu.memory_space<vmem_shared>> -> memref<40x128xf32, #tpu.memory_space<vmem_shared>>
      tpu.enqueue_dma source(%arg7 : memref<40x128xf32, #tpu.memory_space<vmem>>) target(%dma_start3A_334 : memref<40x128xf32, #tpu.memory_space<vmem_shared>>) target_semaphore(%run_scoped3A : memref<!tpu.dma_semaphore, #tpu.memory_space<semaphore_mem>>)
      %dma_wait3A_335 = arith.constant 0 : i32
      %dma_wait3A_336 = tpu.memref_slice %arg14[%add3A_24, %dma_wait3A_335] : memref<10240x128xf32, #tpu.memory_space<vmem_shared>> -> memref<40x128xf32, #tpu.memory_space<vmem_shared>>
      %dma_wait3A_337 = arith.constant 0 : i32
      %dma_wait3A_338 = tpu.memref_slice %arg14[%add3A_24, %dma_wait3A_337] : memref<10240x128xf32, #tpu.memory_space<vmem_shared>> -> memref<40x128xf32, #tpu.memory_space<vmem_shared>>
      tpu.wait_dma2 semaphore(%run_scoped3A : memref<!tpu.dma_semaphore, #tpu.memory_space<semaphore_mem>>) src(%arg7 : memref<40x128xf32, #tpu.memory_space<vmem>>) dst(%dma_wait3A_338 : memref<40x128xf32, #tpu.memory_space<vmem_shared>>)
      tpu.yield
    }) : () -> ()
    %add3A_25 = arith.constant 280 : i32
    %add3A_26 = arith.addi %mul3A_10, %add3A_25 : i32
    "tpu.region"() ({
      %run_scoped3A = tpu.sem_alloc : memref<!tpu.dma_semaphore, #tpu.memory_space<semaphore_mem>>
      %dma_start3A_331 = arith.constant 0 : i32
      %dma_start3A_332 = tpu.memref_slice %arg14[%add3A_26, %dma_start3A_331] : memref<10240x128xf32, #tpu.memory_space<vmem_shared>> -> memref<40x128xf32, #tpu.memory_space<vmem_shared>>
      %dma_start3A_333 = arith.constant 0 : i32
      %dma_start3A_334 = tpu.memref_slice %arg14[%add3A_26, %dma_start3A_333] : memref<10240x128xf32, #tpu.memory_space<vmem_shared>> -> memref<40x128xf32, #tpu.memory_space<vmem_shared>>
      tpu.enqueue_dma source(%arg8 : memref<40x128xf32, #tpu.memory_space<vmem>>) target(%dma_start3A_334 : memref<40x128xf32, #tpu.memory_space<vmem_shared>>) target_semaphore(%run_scoped3A : memref<!tpu.dma_semaphore, #tpu.memory_space<semaphore_mem>>)
      %dma_wait3A_335 = arith.constant 0 : i32
      %dma_wait3A_336 = tpu.memref_slice %arg14[%add3A_26, %dma_wait3A_335] : memref<10240x128xf32, #tpu.memory_space<vmem_shared>> -> memref<40x128xf32, #tpu.memory_space<vmem_shared>>
      %dma_wait3A_337 = arith.constant 0 : i32
      %dma_wait3A_338 = tpu.memref_slice %arg14[%add3A_26, %dma_wait3A_337] : memref<10240x128xf32, #tpu.memory_space<vmem_shared>> -> memref<40x128xf32, #tpu.memory_space<vmem_shared>>
      tpu.wait_dma2 semaphore(%run_scoped3A : memref<!tpu.dma_semaphore, #tpu.memory_space<semaphore_mem>>) src(%arg8 : memref<40x128xf32, #tpu.memory_space<vmem>>) dst(%dma_wait3A_338 : memref<40x128xf32, #tpu.memory_space<vmem_shared>>)
      tpu.yield
    }) : () -> ()
    %add3A_27 = arith.constant 320 : i32
    %add3A_28 = arith.addi %mul3A_10, %add3A_27 : i32
    "tpu.region"() ({
      %run_scoped3A = tpu.sem_alloc : memref<!tpu.dma_semaphore, #tpu.memory_space<semaphore_mem>>
      %dma_start3A_331 = arith.constant 0 : i32
      %dma_start3A_332 = tpu.memref_slice %arg14[%add3A_28, %dma_start3A_331] : memref<10240x128xf32, #tpu.memory_space<vmem_shared>> -> memref<40x128xf32, #tpu.memory_space<vmem_shared>>
      %dma_start3A_333 = arith.constant 0 : i32
      %dma_start3A_334 = tpu.memref_slice %arg14[%add3A_28, %dma_start3A_333] : memref<10240x128xf32, #tpu.memory_space<vmem_shared>> -> memref<40x128xf32, #tpu.memory_space<vmem_shared>>
      tpu.enqueue_dma source(%arg7 : memref<40x128xf32, #tpu.memory_space<vmem>>) target(%dma_start3A_334 : memref<40x128xf32, #tpu.memory_space<vmem_shared>>) target_semaphore(%run_scoped3A : memref<!tpu.dma_semaphore, #tpu.memory_space<semaphore_mem>>)
      %dma_wait3A_335 = arith.constant 0 : i32
      %dma_wait3A_336 = tpu.memref_slice %arg14[%add3A_28, %dma_wait3A_335] : memref<10240x128xf32, #tpu.memory_space<vmem_shared>> -> memref<40x128xf32, #tpu.memory_space<vmem_shared>>
      %dma_wait3A_337 = arith.constant 0 : i32
      %dma_wait3A_338 = tpu.memref_slice %arg14[%add3A_28, %dma_wait3A_337] : memref<10240x128xf32, #tpu.memory_space<vmem_shared>> -> memref<40x128xf32, #tpu.memory_space<vmem_shared>>
      tpu.wait_dma2 semaphore(%run_scoped3A : memref<!tpu.dma_semaphore, #tpu.memory_space<semaphore_mem>>) src(%arg7 : memref<40x128xf32, #tpu.memory_space<vmem>>) dst(%dma_wait3A_338 : memref<40x128xf32, #tpu.memory_space<vmem_shared>>)
      tpu.yield
    }) : () -> ()
    %add3A_29 = arith.constant 360 : i32
    %add3A_30 = arith.addi %mul3A_10, %add3A_29 : i32
    "tpu.region"() ({
      %run_scoped3A = tpu.sem_alloc : memref<!tpu.dma_semaphore, #tpu.memory_space<semaphore_mem>>
      %dma_start3A_331 = arith.constant 0 : i32
      %dma_start3A_332 = tpu.memref_slice %arg14[%add3A_30, %dma_start3A_331] : memref<10240x128xf32, #tpu.memory_space<vmem_shared>> -> memref<40x128xf32, #tpu.memory_space<vmem_shared>>
      %dma_start3A_333 = arith.constant 0 : i32
      %dma_start3A_334 = tpu.memref_slice %arg14[%add3A_30, %dma_start3A_333] : memref<10240x128xf32, #tpu.memory_space<vmem_shared>> -> memref<40x128xf32, #tpu.memory_space<vmem_shared>>
      tpu.enqueue_dma source(%arg8 : memref<40x128xf32, #tpu.memory_space<vmem>>) target(%dma_start3A_334 : memref<40x128xf32, #tpu.memory_space<vmem_shared>>) target_semaphore(%run_scoped3A : memref<!tpu.dma_semaphore, #tpu.memory_space<semaphore_mem>>)
      %dma_wait3A_335 = arith.constant 0 : i32
      %dma_wait3A_336 = tpu.memref_slice %arg14[%add3A_30, %dma_wait3A_335] : memref<10240x128xf32, #tpu.memory_space<vmem_shared>> -> memref<40x128xf32, #tpu.memory_space<vmem_shared>>
      %dma_wait3A_337 = arith.constant 0 : i32
      %dma_wait3A_338 = tpu.memref_slice %arg14[%add3A_30, %dma_wait3A_337] : memref<10240x128xf32, #tpu.memory_space<vmem_shared>> -> memref<40x128xf32, #tpu.memory_space<vmem_shared>>
      tpu.wait_dma2 semaphore(%run_scoped3A : memref<!tpu.dma_semaphore, #tpu.memory_space<semaphore_mem>>) src(%arg8 : memref<40x128xf32, #tpu.memory_space<vmem>>) dst(%dma_wait3A_338 : memref<40x128xf32, #tpu.memory_space<vmem_shared>>)
      tpu.yield
    }) : () -> ()
    %add3A_31 = arith.constant 400 : i32
    %add3A_32 = arith.addi %mul3A_10, %add3A_31 : i32
    "tpu.region"() ({
      %run_scoped3A = tpu.sem_alloc : memref<!tpu.dma_semaphore, #tpu.memory_space<semaphore_mem>>
      %dma_start3A_331 = arith.constant 0 : i32
      %dma_start3A_332 = tpu.memref_slice %arg14[%add3A_32, %dma_start3A_331] : memref<10240x128xf32, #tpu.memory_space<vmem_shared>> -> memref<40x128xf32, #tpu.memory_space<vmem_shared>>
      %dma_start3A_333 = arith.constant 0 : i32
      %dma_start3A_334 = tpu.memref_slice %arg14[%add3A_32, %dma_start3A_333] : memref<10240x128xf32, #tpu.memory_space<vmem_shared>> -> memref<40x128xf32, #tpu.memory_space<vmem_shared>>
      tpu.enqueue_dma source(%arg7 : memref<40x128xf32, #tpu.memory_space<vmem>>) target(%dma_start3A_334 : memref<40x128xf32, #tpu.memory_space<vmem_shared>>) target_semaphore(%run_scoped3A : memref<!tpu.dma_semaphore, #tpu.memory_space<semaphore_mem>>)
      %dma_wait3A_335 = arith.constant 0 : i32
      %dma_wait3A_336 = tpu.memref_slice %arg14[%add3A_32, %dma_wait3A_335] : memref<10240x128xf32, #tpu.memory_space<vmem_shared>> -> memref<40x128xf32, #tpu.memory_space<vmem_shared>>
      %dma_wait3A_337 = arith.constant 0 : i32
      %dma_wait3A_338 = tpu.memref_slice %arg14[%add3A_32, %dma_wait3A_337] : memref<10240x128xf32, #tpu.memory_space<vmem_shared>> -> memref<40x128xf32, #tpu.memory_space<vmem_shared>>
      tpu.wait_dma2 semaphore(%run_scoped3A : memref<!tpu.dma_semaphore, #tpu.memory_space<semaphore_mem>>) src(%arg7 : memref<40x128xf32, #tpu.memory_space<vmem>>) dst(%dma_wait3A_338 : memref<40x128xf32, #tpu.memory_space<vmem_shared>>)
      tpu.yield
    }) : () -> ()
    %add3A_33 = arith.constant 440 : i32
    %add3A_34 = arith.addi %mul3A_10, %add3A_33 : i32
    "tpu.region"() ({
      %run_scoped3A = tpu.sem_alloc : memref<!tpu.dma_semaphore, #tpu.memory_space<semaphore_mem>>
      %dma_start3A_331 = arith.constant 0 : i32
      %dma_start3A_332 = tpu.memref_slice %arg14[%add3A_34, %dma_start3A_331] : memref<10240x128xf32, #tpu.memory_space<vmem_shared>> -> memref<40x128xf32, #tpu.memory_space<vmem_shared>>
      %dma_start3A_333 = arith.constant 0 : i32
      %dma_start3A_334 = tpu.memref_slice %arg14[%add3A_34, %dma_start3A_333] : memref<10240x128xf32, #tpu.memory_space<vmem_shared>> -> memref<40x128xf32, #tpu.memory_space<vmem_shared>>
      tpu.enqueue_dma source(%arg8 : memref<40x128xf32, #tpu.memory_space<vmem>>) target(%dma_start3A_334 : memref<40x128xf32, #tpu.memory_space<vmem_shared>>) target_semaphore(%run_scoped3A : memref<!tpu.dma_semaphore, #tpu.memory_space<semaphore_mem>>)
      %dma_wait3A_335 = arith.constant 0 : i32
      %dma_wait3A_336 = tpu.memref_slice %arg14[%add3A_34, %dma_wait3A_335] : memref<10240x128xf32, #tpu.memory_space<vmem_shared>> -> memref<40x128xf32, #tpu.memory_space<vmem_shared>>
      %dma_wait3A_337 = arith.constant 0 : i32
      %dma_wait3A_338 = tpu.memref_slice %arg14[%add3A_34, %dma_wait3A_337] : memref<10240x128xf32, #tpu.memory_space<vmem_shared>> -> memref<40x128xf32, #tpu.memory_space<vmem_shared>>
      tpu.wait_dma2 semaphore(%run_scoped3A : memref<!tpu.dma_semaphore, #tpu.memory_space<semaphore_mem>>) src(%arg8 : memref<40x128xf32, #tpu.memory_space<vmem>>) dst(%dma_wait3A_338 : memref<40x128xf32, #tpu.memory_space<vmem_shared>>)
      tpu.yield
    }) : () -> ()
    %add3A_35 = arith.constant 480 : i32
    %add3A_36 = arith.addi %mul3A_10, %add3A_35 : i32
    "tpu.region"() ({
      %run_scoped3A = tpu.sem_alloc : memref<!tpu.dma_semaphore, #tpu.memory_space<semaphore_mem>>
      %dma_start3A_331 = arith.constant 0 : i32
      %dma_start3A_332 = tpu.memref_slice %arg14[%add3A_36, %dma_start3A_331] : memref<10240x128xf32, #tpu.memory_space<vmem_shared>> -> memref<40x128xf32, #tpu.memory_space<vmem_shared>>
      %dma_start3A_333 = arith.constant 0 : i32
      %dma_start3A_334 = tpu.memref_slice %arg14[%add3A_36, %dma_start3A_333] : memref<10240x128xf32, #tpu.memory_space<vmem_shared>> -> memref<40x128xf32, #tpu.memory_space<vmem_shared>>
      tpu.enqueue_dma source(%arg7 : memref<40x128xf32, #tpu.memory_space<vmem>>) target(%dma_start3A_334 : memref<40x128xf32, #tpu.memory_space<vmem_shared>>) target_semaphore(%run_scoped3A : memref<!tpu.dma_semaphore, #tpu.memory_space<semaphore_mem>>)
      %dma_wait3A_335 = arith.constant 0 : i32
      %dma_wait3A_336 = tpu.memref_slice %arg14[%add3A_36, %dma_wait3A_335] : memref<10240x128xf32, #tpu.memory_space<vmem_shared>> -> memref<40x128xf32, #tpu.memory_space<vmem_shared>>
      %dma_wait3A_337 = arith.constant 0 : i32
      %dma_wait3A_338 = tpu.memref_slice %arg14[%add3A_36, %dma_wait3A_337] : memref<10240x128xf32, #tpu.memory_space<vmem_shared>> -> memref<40x128xf32, #tpu.memory_space<vmem_shared>>
      tpu.wait_dma2 semaphore(%run_scoped3A : memref<!tpu.dma_semaphore, #tpu.memory_space<semaphore_mem>>) src(%arg7 : memref<40x128xf32, #tpu.memory_space<vmem>>) dst(%dma_wait3A_338 : memref<40x128xf32, #tpu.memory_space<vmem_shared>>)
      tpu.yield
    }) : () -> ()
    %add3A_37 = arith.constant 520 : i32
    %add3A_38 = arith.addi %mul3A_10, %add3A_37 : i32
    "tpu.region"() ({
      %run_scoped3A = tpu.sem_alloc : memref<!tpu.dma_semaphore, #tpu.memory_space<semaphore_mem>>
      %dma_start3A_331 = arith.constant 0 : i32
      %dma_start3A_332 = tpu.memref_slice %arg14[%add3A_38, %dma_start3A_331] : memref<10240x128xf32, #tpu.memory_space<vmem_shared>> -> memref<40x128xf32, #tpu.memory_space<vmem_shared>>
      %dma_start3A_333 = arith.constant 0 : i32
      %dma_start3A_334 = tpu.memref_slice %arg14[%add3A_38, %dma_start3A_333] : memref<10240x128xf32, #tpu.memory_space<vmem_shared>> -> memref<40x128xf32, #tpu.memory_space<vmem_shared>>
      tpu.enqueue_dma source(%arg8 : memref<40x128xf32, #tpu.memory_space<vmem>>) target(%dma_start3A_334 : memref<40x128xf32, #tpu.memory_space<vmem_shared>>) target_semaphore(%run_scoped3A : memref<!tpu.dma_semaphore, #tpu.memory_space<semaphore_mem>>)
      %dma_wait3A_335 = arith.constant 0 : i32
      %dma_wait3A_336 = tpu.memref_slice %arg14[%add3A_38, %dma_wait3A_335] : memref<10240x128xf32, #tpu.memory_space<vmem_shared>> -> memref<40x128xf32, #tpu.memory_space<vmem_shared>>
      %dma_wait3A_337 = arith.constant 0 : i32
      %dma_wait3A_338 = tpu.memref_slice %arg14[%add3A_38, %dma_wait3A_337] : memref<10240x128xf32, #tpu.memory_space<vmem_shared>> -> memref<40x128xf32, #tpu.memory_space<vmem_shared>>
      tpu.wait_dma2 semaphore(%run_scoped3A : memref<!tpu.dma_semaphore, #tpu.memory_space<semaphore_mem>>) src(%arg8 : memref<40x128xf32, #tpu.memory_space<vmem>>) dst(%dma_wait3A_338 : memref<40x128xf32, #tpu.memory_space<vmem_shared>>)
      tpu.yield
    }) : () -> ()
    %add3A_39 = arith.constant 560 : i32
    %add3A_40 = arith.addi %mul3A_10, %add3A_39 : i32
    "tpu.region"() ({
      %run_scoped3A = tpu.sem_alloc : memref<!tpu.dma_semaphore, #tpu.memory_space<semaphore_mem>>
      %dma_start3A_331 = arith.constant 0 : i32
      %dma_start3A_332 = tpu.memref_slice %arg14[%add3A_40, %dma_start3A_331] : memref<10240x128xf32, #tpu.memory_space<vmem_shared>> -> memref<40x128xf32, #tpu.memory_space<vmem_shared>>
      %dma_start3A_333 = arith.constant 0 : i32
      %dma_start3A_334 = tpu.memref_slice %arg14[%add3A_40, %dma_start3A_333] : memref<10240x128xf32, #tpu.memory_space<vmem_shared>> -> memref<40x128xf32, #tpu.memory_space<vmem_shared>>
      tpu.enqueue_dma source(%arg7 : memref<40x128xf32, #tpu.memory_space<vmem>>) target(%dma_start3A_334 : memref<40x128xf32, #tpu.memory_space<vmem_shared>>) target_semaphore(%run_scoped3A : memref<!tpu.dma_semaphore, #tpu.memory_space<semaphore_mem>>)
      %dma_wait3A_335 = arith.constant 0 : i32
      %dma_wait3A_336 = tpu.memref_slice %arg14[%add3A_40, %dma_wait3A_335] : memref<10240x128xf32, #tpu.memory_space<vmem_shared>> -> memref<40x128xf32, #tpu.memory_space<vmem_shared>>
      %dma_wait3A_337 = arith.constant 0 : i32
      %dma_wait3A_338 = tpu.memref_slice %arg14[%add3A_40, %dma_wait3A_337] : memref<10240x128xf32, #tpu.memory_space<vmem_shared>> -> memref<40x128xf32, #tpu.memory_space<vmem_shared>>
      tpu.wait_dma2 semaphore(%run_scoped3A : memref<!tpu.dma_semaphore, #tpu.memory_space<semaphore_mem>>) src(%arg7 : memref<40x128xf32, #tpu.memory_space<vmem>>) dst(%dma_wait3A_338 : memref<40x128xf32, #tpu.memory_space<vmem_shared>>)
      tpu.yield
    }) : () -> ()
    %add3A_41 = arith.constant 600 : i32
    %add3A_42 = arith.addi %mul3A_10, %add3A_41 : i32
    "tpu.region"() ({
      %run_scoped3A = tpu.sem_alloc : memref<!tpu.dma_semaphore, #tpu.memory_space<semaphore_mem>>
      %dma_start3A_331 = arith.constant 0 : i32
      %dma_start3A_332 = tpu.memref_slice %arg14[%add3A_42, %dma_start3A_331] : memref<10240x128xf32, #tpu.memory_space<vmem_shared>> -> memref<40x128xf32, #tpu.memory_space<vmem_shared>>
      %dma_start3A_333 = arith.constant 0 : i32
      %dma_start3A_334 = tpu.memref_slice %arg14[%add3A_42, %dma_start3A_333] : memref<10240x128xf32, #tpu.memory_space<vmem_shared>> -> memref<40x128xf32, #tpu.memory_space<vmem_shared>>
      tpu.enqueue_dma source(%arg8 : memref<40x128xf32, #tpu.memory_space<vmem>>) target(%dma_start3A_334 : memref<40x128xf32, #tpu.memory_space<vmem_shared>>) target_semaphore(%run_scoped3A : memref<!tpu.dma_semaphore, #tpu.memory_space<semaphore_mem>>)
      %dma_wait3A_335 = arith.constant 0 : i32
      %dma_wait3A_336 = tpu.memref_slice %arg14[%add3A_42, %dma_wait3A_335] : memref<10240x128xf32, #tpu.memory_space<vmem_shared>> -> memref<40x128xf32, #tpu.memory_space<vmem_shared>>
      %dma_wait3A_337 = arith.constant 0 : i32
      %dma_wait3A_338 = tpu.memref_slice %arg14[%add3A_42, %dma_wait3A_337] : memref<10240x128xf32, #tpu.memory_space<vmem_shared>> -> memref<40x128xf32, #tpu.memory_space<vmem_shared>>
      tpu.wait_dma2 semaphore(%run_scoped3A : memref<!tpu.dma_semaphore, #tpu.memory_space<semaphore_mem>>) src(%arg8 : memref<40x128xf32, #tpu.memory_space<vmem>>) dst(%dma_wait3A_338 : memref<40x128xf32, #tpu.memory_space<vmem_shared>>)
      tpu.yield
    }) : () -> ()
    %dma_start3A = arith.constant 0 : i32
    %dma_start3A_43 = tpu.memref_slice %arg5[%dma_start3A] : memref<10000xi32, #tpu.memory_space<vmem>> -> memref<40xi32, #tpu.memory_space<vmem>>
    %dma_start3A_44 = arith.constant 0 : i32
    %dma_start3A_45 = arith.constant 0 : i32
    %dma_start3A_46 = tpu.memref_slice %arg2[%dma_start3A_44, %dma_start3A_45] : memref<10000x128xf32, #tpu.memory_space<hbm>> -> memref<10000x128xf32, #tpu.memory_space<hbm>>
    tpu.enqueue_indirect_dma source(%dma_start3A_46 : memref<10000x128xf32, #tpu.memory_space<hbm>>) target(%arg7 : memref<40x128xf32, #tpu.memory_space<vmem>>) offsets(%dma_start3A_43 : memref<40xi32, #tpu.memory_space<vmem>>) semaphore(%arg15 : memref<!tpu.dma_semaphore, #tpu.memory_space<semaphore_mem>>)
    %add3A_47 = arith.constant 320000 : i32
    %add3A_48 = arith.addi %add3A_47, %mul3A_2 : i32
    %add3A_49 = arith.constant 0 : i32
    %add3A_50 = arith.addi %add3A_48, %add3A_49 : i32
    %dma_start3A_51 = arith.constant 0 : i32
    %dma_start3A_52 = arith.constant 0 : i32
    %dma_start3A_53 = tpu.memref_slice %arg6[%dma_start3A_51, %dma_start3A_52] : memref<7x40xi32, #tpu.memory_space<vmem>> -> memref<1x40xi32, #tpu.memory_space<vmem>>
    %dma_start3A_54 = tpu.memref_squeeze %dma_start3A_53 : memref<1x40xi32, #tpu.memory_space<vmem>> -> memref<40xi32, #tpu.memory_space<vmem>>
    %dma_start3A_55 = tpu.memref_slice %arg3[%add3A_50] : memref<640000xi32, #tpu.memory_space<hbm>> -> memref<40xi32, #tpu.memory_space<hbm>>
    %dma_start3A_56 = arith.constant 0 : i32
    %dma_start3A_57 = tpu.memref_slice %arg6[%dma_start3A_51, %dma_start3A_56] : memref<7x40xi32, #tpu.memory_space<vmem>> -> memref<1x40xi32, #tpu.memory_space<vmem>>
    %dma_start3A_58 = tpu.memref_squeeze %dma_start3A_57 : memref<1x40xi32, #tpu.memory_space<vmem>> -> memref<40xi32, #tpu.memory_space<vmem>>
    %dma_start3A_59 = tpu.memref_slice %arg3[%add3A_50] : memref<640000xi32, #tpu.memory_space<hbm>> -> memref<40xi32, #tpu.memory_space<hbm>>
    tpu.enqueue_dma source(%dma_start3A_59 : memref<40xi32, #tpu.memory_space<hbm>>) target(%dma_start3A_58 : memref<40xi32, #tpu.memory_space<vmem>>) target_semaphore(%arg29 : memref<!tpu.dma_semaphore, #tpu.memory_space<semaphore_mem>>)
    %dma_start3A_60 = arith.constant 40 : i32
    %dma_start3A_61 = tpu.memref_slice %arg5[%dma_start3A_60] : memref<10000xi32, #tpu.memory_space<vmem>> -> memref<40xi32, #tpu.memory_space<vmem>>
    %dma_start3A_62 = arith.constant 0 : i32
    %dma_start3A_63 = arith.constant 0 : i32
    %dma_start3A_64 = tpu.memref_slice %arg2[%dma_start3A_62, %dma_start3A_63] : memref<10000x128xf32, #tpu.memory_space<hbm>> -> memref<10000x128xf32, #tpu.memory_space<hbm>>
    tpu.enqueue_indirect_dma source(%dma_start3A_64 : memref<10000x128xf32, #tpu.memory_space<hbm>>) target(%arg8 : memref<40x128xf32, #tpu.memory_space<vmem>>) offsets(%dma_start3A_61 : memref<40xi32, #tpu.memory_space<vmem>>) semaphore(%arg16 : memref<!tpu.dma_semaphore, #tpu.memory_space<semaphore_mem>>)
    %add3A_65 = arith.constant 320000 : i32
    %add3A_66 = arith.addi %add3A_65, %mul3A_2 : i32
    %add3A_67 = arith.constant 40 : i32
    %add3A_68 = arith.addi %add3A_66, %add3A_67 : i32
    %dma_start3A_69 = arith.constant 1 : i32
    %dma_start3A_70 = arith.constant 0 : i32
    %dma_start3A_71 = tpu.memref_slice %arg6[%dma_start3A_69, %dma_start3A_70] : memref<7x40xi32, #tpu.memory_space<vmem>> -> memref<1x40xi32, #tpu.memory_space<vmem>>
    %dma_start3A_72 = tpu.memref_squeeze %dma_start3A_71 : memref<1x40xi32, #tpu.memory_space<vmem>> -> memref<40xi32, #tpu.memory_space<vmem>>
    %dma_start3A_73 = tpu.memref_slice %arg3[%add3A_68] : memref<640000xi32, #tpu.memory_space<hbm>> -> memref<40xi32, #tpu.memory_space<hbm>>
    %dma_start3A_74 = arith.constant 0 : i32
    %dma_start3A_75 = tpu.memref_slice %arg6[%dma_start3A_69, %dma_start3A_74] : memref<7x40xi32, #tpu.memory_space<vmem>> -> memref<1x40xi32, #tpu.memory_space<vmem>>
    %dma_start3A_76 = tpu.memref_squeeze %dma_start3A_75 : memref<1x40xi32, #tpu.memory_space<vmem>> -> memref<40xi32, #tpu.memory_space<vmem>>
    %dma_start3A_77 = tpu.memref_slice %arg3[%add3A_68] : memref<640000xi32, #tpu.memory_space<hbm>> -> memref<40xi32, #tpu.memory_space<hbm>>
    tpu.enqueue_dma source(%dma_start3A_77 : memref<40xi32, #tpu.memory_space<hbm>>) target(%dma_start3A_76 : memref<40xi32, #tpu.memory_space<vmem>>) target_semaphore(%arg30 : memref<!tpu.dma_semaphore, #tpu.memory_space<semaphore_mem>>)
    %dma_start3A_78 = arith.constant 80 : i32
    %dma_start3A_79 = tpu.memref_slice %arg5[%dma_start3A_78] : memref<10000xi32, #tpu.memory_space<vmem>> -> memref<40xi32, #tpu.memory_space<vmem>>
    %dma_start3A_80 = arith.constant 0 : i32
    %dma_start3A_81 = arith.constant 0 : i32
    %dma_start3A_82 = tpu.memref_slice %arg2[%dma_start3A_80, %dma_start3A_81] : memref<10000x128xf32, #tpu.memory_space<hbm>> -> memref<10000x128xf32, #tpu.memory_space<hbm>>
    tpu.enqueue_indirect_dma source(%dma_start3A_82 : memref<10000x128xf32, #tpu.memory_space<hbm>>) target(%arg9 : memref<40x128xf32, #tpu.memory_space<vmem>>) offsets(%dma_start3A_79 : memref<40xi32, #tpu.memory_space<vmem>>) semaphore(%arg17 : memref<!tpu.dma_semaphore, #tpu.memory_space<semaphore_mem>>)
    %add3A_83 = arith.constant 320000 : i32
    %add3A_84 = arith.addi %add3A_83, %mul3A_2 : i32
    %add3A_85 = arith.constant 80 : i32
    %add3A_86 = arith.addi %add3A_84, %add3A_85 : i32
    %dma_start3A_87 = arith.constant 2 : i32
    %dma_start3A_88 = arith.constant 0 : i32
    %dma_start3A_89 = tpu.memref_slice %arg6[%dma_start3A_87, %dma_start3A_88] : memref<7x40xi32, #tpu.memory_space<vmem>> -> memref<1x40xi32, #tpu.memory_space<vmem>>
    %dma_start3A_90 = tpu.memref_squeeze %dma_start3A_89 : memref<1x40xi32, #tpu.memory_space<vmem>> -> memref<40xi32, #tpu.memory_space<vmem>>
    %dma_start3A_91 = tpu.memref_slice %arg3[%add3A_86] : memref<640000xi32, #tpu.memory_space<hbm>> -> memref<40xi32, #tpu.memory_space<hbm>>
    %dma_start3A_92 = arith.constant 0 : i32
    %dma_start3A_93 = tpu.memref_slice %arg6[%dma_start3A_87, %dma_start3A_92] : memref<7x40xi32, #tpu.memory_space<vmem>> -> memref<1x40xi32, #tpu.memory_space<vmem>>
    %dma_start3A_94 = tpu.memref_squeeze %dma_start3A_93 : memref<1x40xi32, #tpu.memory_space<vmem>> -> memref<40xi32, #tpu.memory_space<vmem>>
    %dma_start3A_95 = tpu.memref_slice %arg3[%add3A_86] : memref<640000xi32, #tpu.memory_space<hbm>> -> memref<40xi32, #tpu.memory_space<hbm>>
    tpu.enqueue_dma source(%dma_start3A_95 : memref<40xi32, #tpu.memory_space<hbm>>) target(%dma_start3A_94 : memref<40xi32, #tpu.memory_space<vmem>>) target_semaphore(%arg31 : memref<!tpu.dma_semaphore, #tpu.memory_space<semaphore_mem>>)
    %dma_start3A_96 = arith.constant 120 : i32
    %dma_start3A_97 = tpu.memref_slice %arg5[%dma_start3A_96] : memref<10000xi32, #tpu.memory_space<vmem>> -> memref<40xi32, #tpu.memory_space<vmem>>
    %dma_start3A_98 = arith.constant 0 : i32
    %dma_start3A_99 = arith.constant 0 : i32
    %dma_start3A_100 = tpu.memref_slice %arg2[%dma_start3A_98, %dma_start3A_99] : memref<10000x128xf32, #tpu.memory_space<hbm>> -> memref<10000x128xf32, #tpu.memory_space<hbm>>
    tpu.enqueue_indirect_dma source(%dma_start3A_100 : memref<10000x128xf32, #tpu.memory_space<hbm>>) target(%arg10 : memref<40x128xf32, #tpu.memory_space<vmem>>) offsets(%dma_start3A_97 : memref<40xi32, #tpu.memory_space<vmem>>) semaphore(%arg18 : memref<!tpu.dma_semaphore, #tpu.memory_space<semaphore_mem>>)
    %add3A_101 = arith.constant 320000 : i32
    %add3A_102 = arith.addi %add3A_101, %mul3A_2 : i32
    %add3A_103 = arith.constant 120 : i32
    %add3A_104 = arith.addi %add3A_102, %add3A_103 : i32
    %dma_start3A_105 = arith.constant 3 : i32
    %dma_start3A_106 = arith.constant 0 : i32
    %dma_start3A_107 = tpu.memref_slice %arg6[%dma_start3A_105, %dma_start3A_106] : memref<7x40xi32, #tpu.memory_space<vmem>> -> memref<1x40xi32, #tpu.memory_space<vmem>>
    %dma_start3A_108 = tpu.memref_squeeze %dma_start3A_107 : memref<1x40xi32, #tpu.memory_space<vmem>> -> memref<40xi32, #tpu.memory_space<vmem>>
    %dma_start3A_109 = tpu.memref_slice %arg3[%add3A_104] : memref<640000xi32, #tpu.memory_space<hbm>> -> memref<40xi32, #tpu.memory_space<hbm>>
    %dma_start3A_110 = arith.constant 0 : i32
    %dma_start3A_111 = tpu.memref_slice %arg6[%dma_start3A_105, %dma_start3A_110] : memref<7x40xi32, #tpu.memory_space<vmem>> -> memref<1x40xi32, #tpu.memory_space<vmem>>
    %dma_start3A_112 = tpu.memref_squeeze %dma_start3A_111 : memref<1x40xi32, #tpu.memory_space<vmem>> -> memref<40xi32, #tpu.memory_space<vmem>>
    %dma_start3A_113 = tpu.memref_slice %arg3[%add3A_104] : memref<640000xi32, #tpu.memory_space<hbm>> -> memref<40xi32, #tpu.memory_space<hbm>>
    tpu.enqueue_dma source(%dma_start3A_113 : memref<40xi32, #tpu.memory_space<hbm>>) target(%dma_start3A_112 : memref<40xi32, #tpu.memory_space<vmem>>) target_semaphore(%arg32 : memref<!tpu.dma_semaphore, #tpu.memory_space<semaphore_mem>>)
    %dma_start3A_114 = arith.constant 160 : i32
    %dma_start3A_115 = tpu.memref_slice %arg5[%dma_start3A_114] : memref<10000xi32, #tpu.memory_space<vmem>> -> memref<40xi32, #tpu.memory_space<vmem>>
    %dma_start3A_116 = arith.constant 0 : i32
    %dma_start3A_117 = arith.constant 0 : i32
    %dma_start3A_118 = tpu.memref_slice %arg2[%dma_start3A_116, %dma_start3A_117] : memref<10000x128xf32, #tpu.memory_space<hbm>> -> memref<10000x128xf32, #tpu.memory_space<hbm>>
    tpu.enqueue_indirect_dma source(%dma_start3A_118 : memref<10000x128xf32, #tpu.memory_space<hbm>>) target(%arg11 : memref<40x128xf32, #tpu.memory_space<vmem>>) offsets(%dma_start3A_115 : memref<40xi32, #tpu.memory_space<vmem>>) semaphore(%arg19 : memref<!tpu.dma_semaphore, #tpu.memory_space<semaphore_mem>>)
    %add3A_119 = arith.constant 320000 : i32
    %add3A_120 = arith.addi %add3A_119, %mul3A_2 : i32
    %add3A_121 = arith.constant 160 : i32
    %add3A_122 = arith.addi %add3A_120, %add3A_121 : i32
    %dma_start3A_123 = arith.constant 4 : i32
    %dma_start3A_124 = arith.constant 0 : i32
    %dma_start3A_125 = tpu.memref_slice %arg6[%dma_start3A_123, %dma_start3A_124] : memref<7x40xi32, #tpu.memory_space<vmem>> -> memref<1x40xi32, #tpu.memory_space<vmem>>
    %dma_start3A_126 = tpu.memref_squeeze %dma_start3A_125 : memref<1x40xi32, #tpu.memory_space<vmem>> -> memref<40xi32, #tpu.memory_space<vmem>>
    %dma_start3A_127 = tpu.memref_slice %arg3[%add3A_122] : memref<640000xi32, #tpu.memory_space<hbm>> -> memref<40xi32, #tpu.memory_space<hbm>>
    %dma_start3A_128 = arith.constant 0 : i32
    %dma_start3A_129 = tpu.memref_slice %arg6[%dma_start3A_123, %dma_start3A_128] : memref<7x40xi32, #tpu.memory_space<vmem>> -> memref<1x40xi32, #tpu.memory_space<vmem>>
    %dma_start3A_130 = tpu.memref_squeeze %dma_start3A_129 : memref<1x40xi32, #tpu.memory_space<vmem>> -> memref<40xi32, #tpu.memory_space<vmem>>
    %dma_start3A_131 = tpu.memref_slice %arg3[%add3A_122] : memref<640000xi32, #tpu.memory_space<hbm>> -> memref<40xi32, #tpu.memory_space<hbm>>
    tpu.enqueue_dma source(%dma_start3A_131 : memref<40xi32, #tpu.memory_space<hbm>>) target(%dma_start3A_130 : memref<40xi32, #tpu.memory_space<vmem>>) target_semaphore(%arg33 : memref<!tpu.dma_semaphore, #tpu.memory_space<semaphore_mem>>)
    %dma_start3A_132 = arith.constant 200 : i32
    %dma_start3A_133 = tpu.memref_slice %arg5[%dma_start3A_132] : memref<10000xi32, #tpu.memory_space<vmem>> -> memref<40xi32, #tpu.memory_space<vmem>>
    %dma_start3A_134 = arith.constant 0 : i32
    %dma_start3A_135 = arith.constant 0 : i32
    %dma_start3A_136 = tpu.memref_slice %arg2[%dma_start3A_134, %dma_start3A_135] : memref<10000x128xf32, #tpu.memory_space<hbm>> -> memref<10000x128xf32, #tpu.memory_space<hbm>>
    tpu.enqueue_indirect_dma source(%dma_start3A_136 : memref<10000x128xf32, #tpu.memory_space<hbm>>) target(%arg12 : memref<40x128xf32, #tpu.memory_space<vmem>>) offsets(%dma_start3A_133 : memref<40xi32, #tpu.memory_space<vmem>>) semaphore(%arg20 : memref<!tpu.dma_semaphore, #tpu.memory_space<semaphore_mem>>)
    %add3A_137 = arith.constant 320000 : i32
    %add3A_138 = arith.addi %add3A_137, %mul3A_2 : i32
    %add3A_139 = arith.constant 200 : i32
    %add3A_140 = arith.addi %add3A_138, %add3A_139 : i32
    %dma_start3A_141 = arith.constant 5 : i32
    %dma_start3A_142 = arith.constant 0 : i32
    %dma_start3A_143 = tpu.memref_slice %arg6[%dma_start3A_141, %dma_start3A_142] : memref<7x40xi32, #tpu.memory_space<vmem>> -> memref<1x40xi32, #tpu.memory_space<vmem>>
    %dma_start3A_144 = tpu.memref_squeeze %dma_start3A_143 : memref<1x40xi32, #tpu.memory_space<vmem>> -> memref<40xi32, #tpu.memory_space<vmem>>
    %dma_start3A_145 = tpu.memref_slice %arg3[%add3A_140] : memref<640000xi32, #tpu.memory_space<hbm>> -> memref<40xi32, #tpu.memory_space<hbm>>
    %dma_start3A_146 = arith.constant 0 : i32
    %dma_start3A_147 = tpu.memref_slice %arg6[%dma_start3A_141, %dma_start3A_146] : memref<7x40xi32, #tpu.memory_space<vmem>> -> memref<1x40xi32, #tpu.memory_space<vmem>>
    %dma_start3A_148 = tpu.memref_squeeze %dma_start3A_147 : memref<1x40xi32, #tpu.memory_space<vmem>> -> memref<40xi32, #tpu.memory_space<vmem>>
    %dma_start3A_149 = tpu.memref_slice %arg3[%add3A_140] : memref<640000xi32, #tpu.memory_space<hbm>> -> memref<40xi32, #tpu.memory_space<hbm>>
    tpu.enqueue_dma source(%dma_start3A_149 : memref<40xi32, #tpu.memory_space<hbm>>) target(%dma_start3A_148 : memref<40xi32, #tpu.memory_space<vmem>>) target_semaphore(%arg34 : memref<!tpu.dma_semaphore, #tpu.memory_space<semaphore_mem>>)
    %dma_start3A_150 = arith.constant 240 : i32
    %dma_start3A_151 = tpu.memref_slice %arg5[%dma_start3A_150] : memref<10000xi32, #tpu.memory_space<vmem>> -> memref<40xi32, #tpu.memory_space<vmem>>
    %dma_start3A_152 = arith.constant 0 : i32
    %dma_start3A_153 = arith.constant 0 : i32
    %dma_start3A_154 = tpu.memref_slice %arg2[%dma_start3A_152, %dma_start3A_153] : memref<10000x128xf32, #tpu.memory_space<hbm>> -> memref<10000x128xf32, #tpu.memory_space<hbm>>
    tpu.enqueue_indirect_dma source(%dma_start3A_154 : memref<10000x128xf32, #tpu.memory_space<hbm>>) target(%arg13 : memref<40x128xf32, #tpu.memory_space<vmem>>) offsets(%dma_start3A_151 : memref<40xi32, #tpu.memory_space<vmem>>) semaphore(%arg21 : memref<!tpu.dma_semaphore, #tpu.memory_space<semaphore_mem>>)
    %add3A_155 = arith.constant 320000 : i32
    %add3A_156 = arith.addi %add3A_155, %mul3A_2 : i32
    %add3A_157 = arith.constant 240 : i32
    %add3A_158 = arith.addi %add3A_156, %add3A_157 : i32
    %dma_start3A_159 = arith.constant 6 : i32
    %dma_start3A_160 = arith.constant 0 : i32
    %dma_start3A_161 = tpu.memref_slice %arg6[%dma_start3A_159, %dma_start3A_160] : memref<7x40xi32, #tpu.memory_space<vmem>> -> memref<1x40xi32, #tpu.memory_space<vmem>>
    %dma_start3A_162 = tpu.memref_squeeze %dma_start3A_161 : memref<1x40xi32, #tpu.memory_space<vmem>> -> memref<40xi32, #tpu.memory_space<vmem>>
    %dma_start3A_163 = tpu.memref_slice %arg3[%add3A_158] : memref<640000xi32, #tpu.memory_space<hbm>> -> memref<40xi32, #tpu.memory_space<hbm>>
    %dma_start3A_164 = arith.constant 0 : i32
    %dma_start3A_165 = tpu.memref_slice %arg6[%dma_start3A_159, %dma_start3A_164] : memref<7x40xi32, #tpu.memory_space<vmem>> -> memref<1x40xi32, #tpu.memory_space<vmem>>
    %dma_start3A_166 = tpu.memref_squeeze %dma_start3A_165 : memref<1x40xi32, #tpu.memory_space<vmem>> -> memref<40xi32, #tpu.memory_space<vmem>>
    %dma_start3A_167 = tpu.memref_slice %arg3[%add3A_158] : memref<640000xi32, #tpu.memory_space<hbm>> -> memref<40xi32, #tpu.memory_space<hbm>>
    tpu.enqueue_dma source(%dma_start3A_167 : memref<40xi32, #tpu.memory_space<hbm>>) target(%dma_start3A_166 : memref<40xi32, #tpu.memory_space<vmem>>) target_semaphore(%arg35 : memref<!tpu.dma_semaphore, #tpu.memory_space<semaphore_mem>>)
    %barrier3A = arith.constant 0 : index
    tpu.barrier barrier_id(%barrier3A)
    %scan3A_168 = arith.constant 0 : i32
    %scan3A_169 = arith.constant 0 : i32
    %scan3A_170 = arith.constant 35 : i32
    %scan3A_171 = arith.addi %scan3A_169, %scan3A_170 : i32
    %scan3A_172 = arith.constant 1 : i32
    scf.for %scan3A_331 = %scan3A_169 to %scan3A_171 step %scan3A_172  : i32 {
      %mul3A_332 = arith.constant 7 : i32
      %mul3A_333 = arith.muli %mul3A_332, %scan3A_331 : i32
      %add3A_334 = arith.constant 0 : i32
      %add3A_335 = arith.addi %mul3A_333, %add3A_334 : i32
      %dma_wait3A_336 = arith.constant 0 : i32
      %dma_wait3A_337 = tpu.memref_slice %arg5[%dma_wait3A_336] : memref<10000xi32, #tpu.memory_space<vmem>> -> memref<40xi32, #tpu.memory_space<vmem>>
      %dma_wait3A_338 = arith.constant 0 : i32
      %dma_wait3A_339 = arith.constant 0 : i32
      %dma_wait3A_340 = tpu.memref_slice %arg2[%dma_wait3A_338, %dma_wait3A_339] : memref<10000x128xf32, #tpu.memory_space<hbm>> -> memref<10000x128xf32, #tpu.memory_space<hbm>>
      tpu.wait_indirect_dma semaphore(%arg15 : memref<!tpu.dma_semaphore, #tpu.memory_space<semaphore_mem>>) src(%dma_wait3A_340 : memref<10000x128xf32, #tpu.memory_space<hbm>>) dst(%arg7 : memref<40x128xf32, #tpu.memory_space<vmem>>)
      %dma_wait3A_341 = arith.constant 0 : i32
      %dma_wait3A_342 = arith.constant 0 : i32
      %dma_wait3A_343 = tpu.memref_slice %arg6[%dma_wait3A_341, %dma_wait3A_342] : memref<7x40xi32, #tpu.memory_space<vmem>> -> memref<1x40xi32, #tpu.memory_space<vmem>>
      %dma_wait3A_344 = tpu.memref_squeeze %dma_wait3A_343 : memref<1x40xi32, #tpu.memory_space<vmem>> -> memref<40xi32, #tpu.memory_space<vmem>>
      %dma_wait3A_345 = arith.constant 0 : i32
      %dma_wait3A_346 = tpu.memref_slice %arg3[%dma_wait3A_345] : memref<640000xi32, #tpu.memory_space<hbm>> -> memref<40xi32, #tpu.memory_space<hbm>>
      %dma_wait3A_347 = arith.constant 0 : i32
      %dma_wait3A_348 = tpu.memref_slice %arg6[%dma_wait3A_341, %dma_wait3A_347] : memref<7x40xi32, #tpu.memory_space<vmem>> -> memref<1x40xi32, #tpu.memory_space<vmem>>
      %dma_wait3A_349 = tpu.memref_squeeze %dma_wait3A_348 : memref<1x40xi32, #tpu.memory_space<vmem>> -> memref<40xi32, #tpu.memory_space<vmem>>
      %dma_wait3A_350 = arith.constant 0 : i32
      %dma_wait3A_351 = tpu.memref_slice %arg3[%dma_wait3A_350] : memref<640000xi32, #tpu.memory_space<hbm>> -> memref<40xi32, #tpu.memory_space<hbm>>
      tpu.wait_dma2 semaphore(%arg29 : memref<!tpu.dma_semaphore, #tpu.memory_space<semaphore_mem>>) src(%dma_wait3A_351 : memref<40xi32, #tpu.memory_space<hbm>>) dst(%dma_wait3A_349 : memref<40xi32, #tpu.memory_space<vmem>>)
      %dma_start3A_352 = arith.constant 0 : i32
      %dma_start3A_353 = arith.constant 0 : i32
      %dma_start3A_354 = tpu.memref_slice %arg6[%dma_start3A_352, %dma_start3A_353] : memref<7x40xi32, #tpu.memory_space<vmem>> -> memref<1x40xi32, #tpu.memory_space<vmem>>
      %dma_start3A_355 = tpu.memref_squeeze %dma_start3A_354 : memref<1x40xi32, #tpu.memory_space<vmem>> -> memref<40xi32, #tpu.memory_space<vmem>>
      %dma_start3A_356 = arith.constant 0 : i32
      %dma_start3A_357 = arith.constant 0 : i32
      %dma_start3A_358 = tpu.memref_slice %arg14[%dma_start3A_356, %dma_start3A_357] : memref<10240x128xf32, #tpu.memory_space<vmem_shared>> -> memref<10240x128xf32, #tpu.memory_space<vmem_shared>>
      tpu.enqueue_indirect_dma source(%arg7 : memref<40x128xf32, #tpu.memory_space<vmem>>) target(%dma_start3A_358 : memref<10240x128xf32, #tpu.memory_space<vmem_shared>>) offsets(%dma_start3A_355 : memref<40xi32, #tpu.memory_space<vmem>>) semaphore(%arg22 : memref<!tpu.dma_semaphore, #tpu.memory_space<semaphore_mem>>) {add = true}
      %ge3A = arith.constant 1 : i32
      %ge3A_359 = arith.cmpi sge, %add3A_335, %ge3A : i32
      %convert_element_type3A = arith.extui %ge3A_359 : i1 to i32
      %cond3A = arith.constant 0 : i32
      %cond3A_360 = arith.cmpi ne, %convert_element_type3A, %cond3A : i32
      scf.if %cond3A_360 {
        %dma_wait3A_553 = arith.constant 6 : i32
        %dma_wait3A_554 = arith.constant 0 : i32
        %dma_wait3A_555 = tpu.memref_slice %arg6[%dma_wait3A_553, %dma_wait3A_554] : memref<7x40xi32, #tpu.memory_space<vmem>> -> memref<1x40xi32, #tpu.memory_space<vmem>>
        %dma_wait3A_556 = tpu.memref_squeeze %dma_wait3A_555 : memref<1x40xi32, #tpu.memory_space<vmem>> -> memref<40xi32, #tpu.memory_space<vmem>>
        %dma_wait3A_557 = arith.constant 0 : i32
        %dma_wait3A_558 = arith.constant 0 : i32
        %dma_wait3A_559 = tpu.memref_slice %arg14[%dma_wait3A_557, %dma_wait3A_558] : memref<10240x128xf32, #tpu.memory_space<vmem_shared>> -> memref<10240x128xf32, #tpu.memory_space<vmem_shared>>
        tpu.wait_indirect_dma semaphore(%arg28 : memref<!tpu.dma_semaphore, #tpu.memory_space<semaphore_mem>>) src(%arg13 : memref<40x128xf32, #tpu.memory_space<vmem>>) dst(%dma_wait3A_559 : memref<10240x128xf32, #tpu.memory_space<vmem_shared>>)
        %sub3A = arith.constant 1 : i32
        %sub3A_560 = arith.subi %add3A_335, %sub3A : i32
        %add3A_561 = arith.constant 7 : i32
        %add3A_562 = arith.addi %sub3A_560, %add3A_561 : i32
        %lt3A = arith.constant 250 : i32
        %lt3A_563 = arith.cmpi slt, %add3A_562, %lt3A : i32
        %convert_element_type3A_564 = arith.extui %lt3A_563 : i1 to i32
        %cond3A_565 = arith.constant 0 : i32
        %cond3A_566 = arith.cmpi ne, %convert_element_type3A_564, %cond3A_565 : i32
        scf.if %cond3A_566 {
          %sub3A_567 = arith.constant 1 : i32
          %sub3A_568 = arith.subi %add3A_335, %sub3A_567 : i32
          %add3A_569 = arith.constant 7 : i32
          %add3A_570 = arith.addi %sub3A_568, %add3A_569 : i32
          %mul3A_571 = arith.constant 40 : i32
          %mul3A_572 = arith.muli %add3A_570, %mul3A_571 : i32
          %dma_start3A_573 = tpu.memref_slice %arg5[%mul3A_572] : memref<10000xi32, #tpu.memory_space<vmem>> -> memref<40xi32, #tpu.memory_space<vmem>>
          %dma_start3A_574 = arith.constant 0 : i32
          %dma_start3A_575 = arith.constant 0 : i32
          %dma_start3A_576 = tpu.memref_slice %arg2[%dma_start3A_574, %dma_start3A_575] : memref<10000x128xf32, #tpu.memory_space<hbm>> -> memref<10000x128xf32, #tpu.memory_space<hbm>>
          tpu.enqueue_indirect_dma source(%dma_start3A_576 : memref<10000x128xf32, #tpu.memory_space<hbm>>) target(%arg13 : memref<40x128xf32, #tpu.memory_space<vmem>>) offsets(%dma_start3A_573 : memref<40xi32, #tpu.memory_space<vmem>>) semaphore(%arg21 : memref<!tpu.dma_semaphore, #tpu.memory_space<semaphore_mem>>)
          %sub3A_577 = arith.constant 1 : i32
          %sub3A_578 = arith.subi %add3A_335, %sub3A_577 : i32
          %add3A_579 = arith.constant 7 : i32
          %add3A_580 = arith.addi %sub3A_578, %add3A_579 : i32
          %add3A_581 = arith.constant 320000 : i32
          %add3A_582 = arith.addi %add3A_581, %mul3A_2 : i32
          %mul3A_583 = arith.constant 40 : i32
          %mul3A_584 = arith.muli %add3A_580, %mul3A_583 : i32
          %add3A_585 = arith.addi %add3A_582, %mul3A_584 : i32
          %dma_start3A_586 = arith.constant 6 : i32
          %dma_start3A_587 = arith.constant 0 : i32
          %dma_start3A_588 = tpu.memref_slice %arg6[%dma_start3A_586, %dma_start3A_587] : memref<7x40xi32, #tpu.memory_space<vmem>> -> memref<1x40xi32, #tpu.memory_space<vmem>>
          %dma_start3A_589 = tpu.memref_squeeze %dma_start3A_588 : memref<1x40xi32, #tpu.memory_space<vmem>> -> memref<40xi32, #tpu.memory_space<vmem>>
          %dma_start3A_590 = tpu.memref_slice %arg3[%add3A_585] : memref<640000xi32, #tpu.memory_space<hbm>> -> memref<40xi32, #tpu.memory_space<hbm>>
          %dma_start3A_591 = arith.constant 0 : i32
          %dma_start3A_592 = tpu.memref_slice %arg6[%dma_start3A_586, %dma_start3A_591] : memref<7x40xi32, #tpu.memory_space<vmem>> -> memref<1x40xi32, #tpu.memory_space<vmem>>
          %dma_start3A_593 = tpu.memref_squeeze %dma_start3A_592 : memref<1x40xi32, #tpu.memory_space<vmem>> -> memref<40xi32, #tpu.memory_space<vmem>>
          %dma_start3A_594 = tpu.memref_slice %arg3[%add3A_585] : memref<640000xi32, #tpu.memory_space<hbm>> -> memref<40xi32, #tpu.memory_space<hbm>>
          tpu.enqueue_dma source(%dma_start3A_594 : memref<40xi32, #tpu.memory_space<hbm>>) target(%dma_start3A_593 : memref<40xi32, #tpu.memory_space<vmem>>) target_semaphore(%arg35 : memref<!tpu.dma_semaphore, #tpu.memory_space<semaphore_mem>>)
        } else {
        }
      } else {
      }
      %mul3A_361 = arith.constant 7 : i32
      %mul3A_362 = arith.muli %mul3A_361, %scan3A_331 : i32
      %add3A_363 = arith.constant 1 : i32
      %add3A_364 = arith.addi %mul3A_362, %add3A_363 : i32
      %dma_wait3A_365 = arith.constant 0 : i32
      %dma_wait3A_366 = tpu.memref_slice %arg5[%dma_wait3A_365] : memref<10000xi32, #tpu.memory_space<vmem>> -> memref<40xi32, #tpu.memory_space<vmem>>
      %dma_wait3A_367 = arith.constant 0 : i32
      %dma_wait3A_368 = arith.constant 0 : i32
      %dma_wait3A_369 = tpu.memref_slice %arg2[%dma_wait3A_367, %dma_wait3A_368] : memref<10000x128xf32, #tpu.memory_space<hbm>> -> memref<10000x128xf32, #tpu.memory_space<hbm>>
      tpu.wait_indirect_dma semaphore(%arg16 : memref<!tpu.dma_semaphore, #tpu.memory_space<semaphore_mem>>) src(%dma_wait3A_369 : memref<10000x128xf32, #tpu.memory_space<hbm>>) dst(%arg8 : memref<40x128xf32, #tpu.memory_space<vmem>>)
      %dma_wait3A_370 = arith.constant 1 : i32
      %dma_wait3A_371 = arith.constant 0 : i32
      %dma_wait3A_372 = tpu.memref_slice %arg6[%dma_wait3A_370, %dma_wait3A_371] : memref<7x40xi32, #tpu.memory_space<vmem>> -> memref<1x40xi32, #tpu.memory_space<vmem>>
      %dma_wait3A_373 = tpu.memref_squeeze %dma_wait3A_372 : memref<1x40xi32, #tpu.memory_space<vmem>> -> memref<40xi32, #tpu.memory_space<vmem>>
      %dma_wait3A_374 = arith.constant 0 : i32
      %dma_wait3A_375 = tpu.memref_slice %arg3[%dma_wait3A_374] : memref<640000xi32, #tpu.memory_space<hbm>> -> memref<40xi32, #tpu.memory_space<hbm>>
      %dma_wait3A_376 = arith.constant 0 : i32
      %dma_wait3A_377 = tpu.memref_slice %arg6[%dma_wait3A_370, %dma_wait3A_376] : memref<7x40xi32, #tpu.memory_space<vmem>> -> memref<1x40xi32, #tpu.memory_space<vmem>>
      %dma_wait3A_378 = tpu.memref_squeeze %dma_wait3A_377 : memref<1x40xi32, #tpu.memory_space<vmem>> -> memref<40xi32, #tpu.memory_space<vmem>>
      %dma_wait3A_379 = arith.constant 0 : i32
      %dma_wait3A_380 = tpu.memref_slice %arg3[%dma_wait3A_379] : memref<640000xi32, #tpu.memory_space<hbm>> -> memref<40xi32, #tpu.memory_space<hbm>>
      tpu.wait_dma2 semaphore(%arg30 : memref<!tpu.dma_semaphore, #tpu.memory_space<semaphore_mem>>) src(%dma_wait3A_380 : memref<40xi32, #tpu.memory_space<hbm>>) dst(%dma_wait3A_378 : memref<40xi32, #tpu.memory_space<vmem>>)
      %dma_start3A_381 = arith.constant 1 : i32
      %dma_start3A_382 = arith.constant 0 : i32
      %dma_start3A_383 = tpu.memref_slice %arg6[%dma_start3A_381, %dma_start3A_382] : memref<7x40xi32, #tpu.memory_space<vmem>> -> memref<1x40xi32, #tpu.memory_space<vmem>>
      %dma_start3A_384 = tpu.memref_squeeze %dma_start3A_383 : memref<1x40xi32, #tpu.memory_space<vmem>> -> memref<40xi32, #tpu.memory_space<vmem>>
      %dma_start3A_385 = arith.constant 0 : i32
      %dma_start3A_386 = arith.constant 0 : i32
      %dma_start3A_387 = tpu.memref_slice %arg14[%dma_start3A_385, %dma_start3A_386] : memref<10240x128xf32, #tpu.memory_space<vmem_shared>> -> memref<10240x128xf32, #tpu.memory_space<vmem_shared>>
      tpu.enqueue_indirect_dma source(%arg8 : memref<40x128xf32, #tpu.memory_space<vmem>>) target(%dma_start3A_387 : memref<10240x128xf32, #tpu.memory_space<vmem_shared>>) offsets(%dma_start3A_384 : memref<40xi32, #tpu.memory_space<vmem>>) semaphore(%arg23 : memref<!tpu.dma_semaphore, #tpu.memory_space<semaphore_mem>>) {add = true}
      %ge3A_388 = arith.constant 1 : i32
      %ge3A_389 = arith.cmpi sge, %add3A_364, %ge3A_388 : i32
      %convert_element_type3A_390 = arith.extui %ge3A_389 : i1 to i32
      %cond3A_391 = arith.constant 0 : i32
      %cond3A_392 = arith.cmpi ne, %convert_element_type3A_390, %cond3A_391 : i32
      scf.if %cond3A_392 {
        %dma_wait3A_553 = arith.constant 0 : i32
        %dma_wait3A_554 = arith.constant 0 : i32
        %dma_wait3A_555 = tpu.memref_slice %arg6[%dma_wait3A_553, %dma_wait3A_554] : memref<7x40xi32, #tpu.memory_space<vmem>> -> memref<1x40xi32, #tpu.memory_space<vmem>>
        %dma_wait3A_556 = tpu.memref_squeeze %dma_wait3A_555 : memref<1x40xi32, #tpu.memory_space<vmem>> -> memref<40xi32, #tpu.memory_space<vmem>>
        %dma_wait3A_557 = arith.constant 0 : i32
        %dma_wait3A_558 = arith.constant 0 : i32
        %dma_wait3A_559 = tpu.memref_slice %arg14[%dma_wait3A_557, %dma_wait3A_558] : memref<10240x128xf32, #tpu.memory_space<vmem_shared>> -> memref<10240x128xf32, #tpu.memory_space<vmem_shared>>
        tpu.wait_indirect_dma semaphore(%arg22 : memref<!tpu.dma_semaphore, #tpu.memory_space<semaphore_mem>>) src(%arg7 : memref<40x128xf32, #tpu.memory_space<vmem>>) dst(%dma_wait3A_559 : memref<10240x128xf32, #tpu.memory_space<vmem_shared>>)
        %sub3A = arith.constant 1 : i32
        %sub3A_560 = arith.subi %add3A_364, %sub3A : i32
        %add3A_561 = arith.constant 7 : i32
        %add3A_562 = arith.addi %sub3A_560, %add3A_561 : i32
        %lt3A = arith.constant 250 : i32
        %lt3A_563 = arith.cmpi slt, %add3A_562, %lt3A : i32
        %convert_element_type3A_564 = arith.extui %lt3A_563 : i1 to i32
        %cond3A_565 = arith.constant 0 : i32
        %cond3A_566 = arith.cmpi ne, %convert_element_type3A_564, %cond3A_565 : i32
        scf.if %cond3A_566 {
          %sub3A_567 = arith.constant 1 : i32
          %sub3A_568 = arith.subi %add3A_364, %sub3A_567 : i32
          %add3A_569 = arith.constant 7 : i32
          %add3A_570 = arith.addi %sub3A_568, %add3A_569 : i32
          %mul3A_571 = arith.constant 40 : i32
          %mul3A_572 = arith.muli %add3A_570, %mul3A_571 : i32
          %dma_start3A_573 = tpu.memref_slice %arg5[%mul3A_572] : memref<10000xi32, #tpu.memory_space<vmem>> -> memref<40xi32, #tpu.memory_space<vmem>>
          %dma_start3A_574 = arith.constant 0 : i32
          %dma_start3A_575 = arith.constant 0 : i32
          %dma_start3A_576 = tpu.memref_slice %arg2[%dma_start3A_574, %dma_start3A_575] : memref<10000x128xf32, #tpu.memory_space<hbm>> -> memref<10000x128xf32, #tpu.memory_space<hbm>>
          tpu.enqueue_indirect_dma source(%dma_start3A_576 : memref<10000x128xf32, #tpu.memory_space<hbm>>) target(%arg7 : memref<40x128xf32, #tpu.memory_space<vmem>>) offsets(%dma_start3A_573 : memref<40xi32, #tpu.memory_space<vmem>>) semaphore(%arg15 : memref<!tpu.dma_semaphore, #tpu.memory_space<semaphore_mem>>)
          %sub3A_577 = arith.constant 1 : i32
          %sub3A_578 = arith.subi %add3A_364, %sub3A_577 : i32
          %add3A_579 = arith.constant 7 : i32
          %add3A_580 = arith.addi %sub3A_578, %add3A_579 : i32
          %add3A_581 = arith.constant 320000 : i32
          %add3A_582 = arith.addi %add3A_581, %mul3A_2 : i32
          %mul3A_583 = arith.constant 40 : i32
          %mul3A_584 = arith.muli %add3A_580, %mul3A_583 : i32
          %add3A_585 = arith.addi %add3A_582, %mul3A_584 : i32
          %dma_start3A_586 = arith.constant 0 : i32
          %dma_start3A_587 = arith.constant 0 : i32
          %dma_start3A_588 = tpu.memref_slice %arg6[%dma_start3A_586, %dma_start3A_587] : memref<7x40xi32, #tpu.memory_space<vmem>> -> memref<1x40xi32, #tpu.memory_space<vmem>>
          %dma_start3A_589 = tpu.memref_squeeze %dma_start3A_588 : memref<1x40xi32, #tpu.memory_space<vmem>> -> memref<40xi32, #tpu.memory_space<vmem>>
          %dma_start3A_590 = tpu.memref_slice %arg3[%add3A_585] : memref<640000xi32, #tpu.memory_space<hbm>> -> memref<40xi32, #tpu.memory_space<hbm>>
          %dma_start3A_591 = arith.constant 0 : i32
          %dma_start3A_592 = tpu.memref_slice %arg6[%dma_start3A_586, %dma_start3A_591] : memref<7x40xi32, #tpu.memory_space<vmem>> -> memref<1x40xi32, #tpu.memory_space<vmem>>
          %dma_start3A_593 = tpu.memref_squeeze %dma_start3A_592 : memref<1x40xi32, #tpu.memory_space<vmem>> -> memref<40xi32, #tpu.memory_space<vmem>>
          %dma_start3A_594 = tpu.memref_slice %arg3[%add3A_585] : memref<640000xi32, #tpu.memory_space<hbm>> -> memref<40xi32, #tpu.memory_space<hbm>>
          tpu.enqueue_dma source(%dma_start3A_594 : memref<40xi32, #tpu.memory_space<hbm>>) target(%dma_start3A_593 : memref<40xi32, #tpu.memory_space<vmem>>) target_semaphore(%arg29 : memref<!tpu.dma_semaphore, #tpu.memory_space<semaphore_mem>>)
        } else {
        }
      } else {
      }
      %mul3A_393 = arith.constant 7 : i32
      %mul3A_394 = arith.muli %mul3A_393, %scan3A_331 : i32
      %add3A_395 = arith.constant 2 : i32
      %add3A_396 = arith.addi %mul3A_394, %add3A_395 : i32
      %dma_wait3A_397 = arith.constant 0 : i32
      %dma_wait3A_398 = tpu.memref_slice %arg5[%dma_wait3A_397] : memref<10000xi32, #tpu.memory_space<vmem>> -> memref<40xi32, #tpu.memory_space<vmem>>
      %dma_wait3A_399 = arith.constant 0 : i32
      %dma_wait3A_400 = arith.constant 0 : i32
      %dma_wait3A_401 = tpu.memref_slice %arg2[%dma_wait3A_399, %dma_wait3A_400] : memref<10000x128xf32, #tpu.memory_space<hbm>> -> memref<10000x128xf32, #tpu.memory_space<hbm>>
      tpu.wait_indirect_dma semaphore(%arg17 : memref<!tpu.dma_semaphore, #tpu.memory_space<semaphore_mem>>) src(%dma_wait3A_401 : memref<10000x128xf32, #tpu.memory_space<hbm>>) dst(%arg9 : memref<40x128xf32, #tpu.memory_space<vmem>>)
      %dma_wait3A_402 = arith.constant 2 : i32
      %dma_wait3A_403 = arith.constant 0 : i32
      %dma_wait3A_404 = tpu.memref_slice %arg6[%dma_wait3A_402, %dma_wait3A_403] : memref<7x40xi32, #tpu.memory_space<vmem>> -> memref<1x40xi32, #tpu.memory_space<vmem>>
      %dma_wait3A_405 = tpu.memref_squeeze %dma_wait3A_404 : memref<1x40xi32, #tpu.memory_space<vmem>> -> memref<40xi32, #tpu.memory_space<vmem>>
      %dma_wait3A_406 = arith.constant 0 : i32
      %dma_wait3A_407 = tpu.memref_slice %arg3[%dma_wait3A_406] : memref<640000xi32, #tpu.memory_space<hbm>> -> memref<40xi32, #tpu.memory_space<hbm>>
      %dma_wait3A_408 = arith.constant 0 : i32
      %dma_wait3A_409 = tpu.memref_slice %arg6[%dma_wait3A_402, %dma_wait3A_408] : memref<7x40xi32, #tpu.memory_space<vmem>> -> memref<1x40xi32, #tpu.memory_space<vmem>>
      %dma_wait3A_410 = tpu.memref_squeeze %dma_wait3A_409 : memref<1x40xi32, #tpu.memory_space<vmem>> -> memref<40xi32, #tpu.memory_space<vmem>>
      %dma_wait3A_411 = arith.constant 0 : i32
      %dma_wait3A_412 = tpu.memref_slice %arg3[%dma_wait3A_411] : memref<640000xi32, #tpu.memory_space<hbm>> -> memref<40xi32, #tpu.memory_space<hbm>>
      tpu.wait_dma2 semaphore(%arg31 : memref<!tpu.dma_semaphore, #tpu.memory_space<semaphore_mem>>) src(%dma_wait3A_412 : memref<40xi32, #tpu.memory_space<hbm>>) dst(%dma_wait3A_410 : memref<40xi32, #tpu.memory_space<vmem>>)
      %dma_start3A_413 = arith.constant 2 : i32
      %dma_start3A_414 = arith.constant 0 : i32
      %dma_start3A_415 = tpu.memref_slice %arg6[%dma_start3A_413, %dma_start3A_414] : memref<7x40xi32, #tpu.memory_space<vmem>> -> memref<1x40xi32, #tpu.memory_space<vmem>>
      %dma_start3A_416 = tpu.memref_squeeze %dma_start3A_415 : memref<1x40xi32, #tpu.memory_space<vmem>> -> memref<40xi32, #tpu.memory_space<vmem>>
      %dma_start3A_417 = arith.constant 0 : i32
      %dma_start3A_418 = arith.constant 0 : i32
      %dma_start3A_419 = tpu.memref_slice %arg14[%dma_start3A_417, %dma_start3A_418] : memref<10240x128xf32, #tpu.memory_space<vmem_shared>> -> memref<10240x128xf32, #tpu.memory_space<vmem_shared>>
      tpu.enqueue_indirect_dma source(%arg9 : memref<40x128xf32, #tpu.memory_space<vmem>>) target(%dma_start3A_419 : memref<10240x128xf32, #tpu.memory_space<vmem_shared>>) offsets(%dma_start3A_416 : memref<40xi32, #tpu.memory_space<vmem>>) semaphore(%arg24 : memref<!tpu.dma_semaphore, #tpu.memory_space<semaphore_mem>>) {add = true}
      %ge3A_420 = arith.constant 1 : i32
      %ge3A_421 = arith.cmpi sge, %add3A_396, %ge3A_420 : i32
      %convert_element_type3A_422 = arith.extui %ge3A_421 : i1 to i32
      %cond3A_423 = arith.constant 0 : i32
      %cond3A_424 = arith.cmpi ne, %convert_element_type3A_422, %cond3A_423 : i32
      scf.if %cond3A_424 {
        %dma_wait3A_553 = arith.constant 1 : i32
        %dma_wait3A_554 = arith.constant 0 : i32
        %dma_wait3A_555 = tpu.memref_slice %arg6[%dma_wait3A_553, %dma_wait3A_554] : memref<7x40xi32, #tpu.memory_space<vmem>> -> memref<1x40xi32, #tpu.memory_space<vmem>>
        %dma_wait3A_556 = tpu.memref_squeeze %dma_wait3A_555 : memref<1x40xi32, #tpu.memory_space<vmem>> -> memref<40xi32, #tpu.memory_space<vmem>>
        %dma_wait3A_557 = arith.constant 0 : i32
        %dma_wait3A_558 = arith.constant 0 : i32
        %dma_wait3A_559 = tpu.memref_slice %arg14[%dma_wait3A_557, %dma_wait3A_558] : memref<10240x128xf32, #tpu.memory_space<vmem_shared>> -> memref<10240x128xf32, #tpu.memory_space<vmem_shared>>
        tpu.wait_indirect_dma semaphore(%arg23 : memref<!tpu.dma_semaphore, #tpu.memory_space<semaphore_mem>>) src(%arg8 : memref<40x128xf32, #tpu.memory_space<vmem>>) dst(%dma_wait3A_559 : memref<10240x128xf32, #tpu.memory_space<vmem_shared>>)
        %sub3A = arith.constant 1 : i32
        %sub3A_560 = arith.subi %add3A_396, %sub3A : i32
        %add3A_561 = arith.constant 7 : i32
        %add3A_562 = arith.addi %sub3A_560, %add3A_561 : i32
        %lt3A = arith.constant 250 : i32
        %lt3A_563 = arith.cmpi slt, %add3A_562, %lt3A : i32
        %convert_element_type3A_564 = arith.extui %lt3A_563 : i1 to i32
        %cond3A_565 = arith.constant 0 : i32
        %cond3A_566 = arith.cmpi ne, %convert_element_type3A_564, %cond3A_565 : i32
        scf.if %cond3A_566 {
          %sub3A_567 = arith.constant 1 : i32
          %sub3A_568 = arith.subi %add3A_396, %sub3A_567 : i32
          %add3A_569 = arith.constant 7 : i32
          %add3A_570 = arith.addi %sub3A_568, %add3A_569 : i32
          %mul3A_571 = arith.constant 40 : i32
          %mul3A_572 = arith.muli %add3A_570, %mul3A_571 : i32
          %dma_start3A_573 = tpu.memref_slice %arg5[%mul3A_572] : memref<10000xi32, #tpu.memory_space<vmem>> -> memref<40xi32, #tpu.memory_space<vmem>>
          %dma_start3A_574 = arith.constant 0 : i32
          %dma_start3A_575 = arith.constant 0 : i32
          %dma_start3A_576 = tpu.memref_slice %arg2[%dma_start3A_574, %dma_start3A_575] : memref<10000x128xf32, #tpu.memory_space<hbm>> -> memref<10000x128xf32, #tpu.memory_space<hbm>>
          tpu.enqueue_indirect_dma source(%dma_start3A_576 : memref<10000x128xf32, #tpu.memory_space<hbm>>) target(%arg8 : memref<40x128xf32, #tpu.memory_space<vmem>>) offsets(%dma_start3A_573 : memref<40xi32, #tpu.memory_space<vmem>>) semaphore(%arg16 : memref<!tpu.dma_semaphore, #tpu.memory_space<semaphore_mem>>)
          %sub3A_577 = arith.constant 1 : i32
          %sub3A_578 = arith.subi %add3A_396, %sub3A_577 : i32
          %add3A_579 = arith.constant 7 : i32
          %add3A_580 = arith.addi %sub3A_578, %add3A_579 : i32
          %add3A_581 = arith.constant 320000 : i32
          %add3A_582 = arith.addi %add3A_581, %mul3A_2 : i32
          %mul3A_583 = arith.constant 40 : i32
          %mul3A_584 = arith.muli %add3A_580, %mul3A_583 : i32
          %add3A_585 = arith.addi %add3A_582, %mul3A_584 : i32
          %dma_start3A_586 = arith.constant 1 : i32
          %dma_start3A_587 = arith.constant 0 : i32
          %dma_start3A_588 = tpu.memref_slice %arg6[%dma_start3A_586, %dma_start3A_587] : memref<7x40xi32, #tpu.memory_space<vmem>> -> memref<1x40xi32, #tpu.memory_space<vmem>>
          %dma_start3A_589 = tpu.memref_squeeze %dma_start3A_588 : memref<1x40xi32, #tpu.memory_space<vmem>> -> memref<40xi32, #tpu.memory_space<vmem>>
          %dma_start3A_590 = tpu.memref_slice %arg3[%add3A_585] : memref<640000xi32, #tpu.memory_space<hbm>> -> memref<40xi32, #tpu.memory_space<hbm>>
          %dma_start3A_591 = arith.constant 0 : i32
          %dma_start3A_592 = tpu.memref_slice %arg6[%dma_start3A_586, %dma_start3A_591] : memref<7x40xi32, #tpu.memory_space<vmem>> -> memref<1x40xi32, #tpu.memory_space<vmem>>
          %dma_start3A_593 = tpu.memref_squeeze %dma_start3A_592 : memref<1x40xi32, #tpu.memory_space<vmem>> -> memref<40xi32, #tpu.memory_space<vmem>>
          %dma_start3A_594 = tpu.memref_slice %arg3[%add3A_585] : memref<640000xi32, #tpu.memory_space<hbm>> -> memref<40xi32, #tpu.memory_space<hbm>>
          tpu.enqueue_dma source(%dma_start3A_594 : memref<40xi32, #tpu.memory_space<hbm>>) target(%dma_start3A_593 : memref<40xi32, #tpu.memory_space<vmem>>) target_semaphore(%arg30 : memref<!tpu.dma_semaphore, #tpu.memory_space<semaphore_mem>>)
        } else {
        }
      } else {
      }
      %mul3A_425 = arith.constant 7 : i32
      %mul3A_426 = arith.muli %mul3A_425, %scan3A_331 : i32
      %add3A_427 = arith.constant 3 : i32
      %add3A_428 = arith.addi %mul3A_426, %add3A_427 : i32
      %dma_wait3A_429 = arith.constant 0 : i32
      %dma_wait3A_430 = tpu.memref_slice %arg5[%dma_wait3A_429] : memref<10000xi32, #tpu.memory_space<vmem>> -> memref<40xi32, #tpu.memory_space<vmem>>
      %dma_wait3A_431 = arith.constant 0 : i32
      %dma_wait3A_432 = arith.constant 0 : i32
      %dma_wait3A_433 = tpu.memref_slice %arg2[%dma_wait3A_431, %dma_wait3A_432] : memref<10000x128xf32, #tpu.memory_space<hbm>> -> memref<10000x128xf32, #tpu.memory_space<hbm>>
      tpu.wait_indirect_dma semaphore(%arg18 : memref<!tpu.dma_semaphore, #tpu.memory_space<semaphore_mem>>) src(%dma_wait3A_433 : memref<10000x128xf32, #tpu.memory_space<hbm>>) dst(%arg10 : memref<40x128xf32, #tpu.memory_space<vmem>>)
      %dma_wait3A_434 = arith.constant 3 : i32
      %dma_wait3A_435 = arith.constant 0 : i32
      %dma_wait3A_436 = tpu.memref_slice %arg6[%dma_wait3A_434, %dma_wait3A_435] : memref<7x40xi32, #tpu.memory_space<vmem>> -> memref<1x40xi32, #tpu.memory_space<vmem>>
      %dma_wait3A_437 = tpu.memref_squeeze %dma_wait3A_436 : memref<1x40xi32, #tpu.memory_space<vmem>> -> memref<40xi32, #tpu.memory_space<vmem>>
      %dma_wait3A_438 = arith.constant 0 : i32
      %dma_wait3A_439 = tpu.memref_slice %arg3[%dma_wait3A_438] : memref<640000xi32, #tpu.memory_space<hbm>> -> memref<40xi32, #tpu.memory_space<hbm>>
      %dma_wait3A_440 = arith.constant 0 : i32
      %dma_wait3A_441 = tpu.memref_slice %arg6[%dma_wait3A_434, %dma_wait3A_440] : memref<7x40xi32, #tpu.memory_space<vmem>> -> memref<1x40xi32, #tpu.memory_space<vmem>>
      %dma_wait3A_442 = tpu.memref_squeeze %dma_wait3A_441 : memref<1x40xi32, #tpu.memory_space<vmem>> -> memref<40xi32, #tpu.memory_space<vmem>>
      %dma_wait3A_443 = arith.constant 0 : i32
      %dma_wait3A_444 = tpu.memref_slice %arg3[%dma_wait3A_443] : memref<640000xi32, #tpu.memory_space<hbm>> -> memref<40xi32, #tpu.memory_space<hbm>>
      tpu.wait_dma2 semaphore(%arg32 : memref<!tpu.dma_semaphore, #tpu.memory_space<semaphore_mem>>) src(%dma_wait3A_444 : memref<40xi32, #tpu.memory_space<hbm>>) dst(%dma_wait3A_442 : memref<40xi32, #tpu.memory_space<vmem>>)
      %dma_start3A_445 = arith.constant 3 : i32
      %dma_start3A_446 = arith.constant 0 : i32
      %dma_start3A_447 = tpu.memref_slice %arg6[%dma_start3A_445, %dma_start3A_446] : memref<7x40xi32, #tpu.memory_space<vmem>> -> memref<1x40xi32, #tpu.memory_space<vmem>>
      %dma_start3A_448 = tpu.memref_squeeze %dma_start3A_447 : memref<1x40xi32, #tpu.memory_space<vmem>> -> memref<40xi32, #tpu.memory_space<vmem>>
      %dma_start3A_449 = arith.constant 0 : i32
      %dma_start3A_450 = arith.constant 0 : i32
      %dma_start3A_451 = tpu.memref_slice %arg14[%dma_start3A_449, %dma_start3A_450] : memref<10240x128xf32, #tpu.memory_space<vmem_shared>> -> memref<10240x128xf32, #tpu.memory_space<vmem_shared>>
      tpu.enqueue_indirect_dma source(%arg10 : memref<40x128xf32, #tpu.memory_space<vmem>>) target(%dma_start3A_451 : memref<10240x128xf32, #tpu.memory_space<vmem_shared>>) offsets(%dma_start3A_448 : memref<40xi32, #tpu.memory_space<vmem>>) semaphore(%arg25 : memref<!tpu.dma_semaphore, #tpu.memory_space<semaphore_mem>>) {add = true}
      %ge3A_452 = arith.constant 1 : i32
      %ge3A_453 = arith.cmpi sge, %add3A_428, %ge3A_452 : i32
      %convert_element_type3A_454 = arith.extui %ge3A_453 : i1 to i32
      %cond3A_455 = arith.constant 0 : i32
      %cond3A_456 = arith.cmpi ne, %convert_element_type3A_454, %cond3A_455 : i32
      scf.if %cond3A_456 {
        %dma_wait3A_553 = arith.constant 2 : i32
        %dma_wait3A_554 = arith.constant 0 : i32
        %dma_wait3A_555 = tpu.memref_slice %arg6[%dma_wait3A_553, %dma_wait3A_554] : memref<7x40xi32, #tpu.memory_space<vmem>> -> memref<1x40xi32, #tpu.memory_space<vmem>>
        %dma_wait3A_556 = tpu.memref_squeeze %dma_wait3A_555 : memref<1x40xi32, #tpu.memory_space<vmem>> -> memref<40xi32, #tpu.memory_space<vmem>>
        %dma_wait3A_557 = arith.constant 0 : i32
        %dma_wait3A_558 = arith.constant 0 : i32
        %dma_wait3A_559 = tpu.memref_slice %arg14[%dma_wait3A_557, %dma_wait3A_558] : memref<10240x128xf32, #tpu.memory_space<vmem_shared>> -> memref<10240x128xf32, #tpu.memory_space<vmem_shared>>
        tpu.wait_indirect_dma semaphore(%arg24 : memref<!tpu.dma_semaphore, #tpu.memory_space<semaphore_mem>>) src(%arg9 : memref<40x128xf32, #tpu.memory_space<vmem>>) dst(%dma_wait3A_559 : memref<10240x128xf32, #tpu.memory_space<vmem_shared>>)
        %sub3A = arith.constant 1 : i32
        %sub3A_560 = arith.subi %add3A_428, %sub3A : i32
        %add3A_561 = arith.constant 7 : i32
        %add3A_562 = arith.addi %sub3A_560, %add3A_561 : i32
        %lt3A = arith.constant 250 : i32
        %lt3A_563 = arith.cmpi slt, %add3A_562, %lt3A : i32
        %convert_element_type3A_564 = arith.extui %lt3A_563 : i1 to i32
        %cond3A_565 = arith.constant 0 : i32
        %cond3A_566 = arith.cmpi ne, %convert_element_type3A_564, %cond3A_565 : i32
        scf.if %cond3A_566 {
          %sub3A_567 = arith.constant 1 : i32
          %sub3A_568 = arith.subi %add3A_428, %sub3A_567 : i32
          %add3A_569 = arith.constant 7 : i32
          %add3A_570 = arith.addi %sub3A_568, %add3A_569 : i32
          %mul3A_571 = arith.constant 40 : i32
          %mul3A_572 = arith.muli %add3A_570, %mul3A_571 : i32
          %dma_start3A_573 = tpu.memref_slice %arg5[%mul3A_572] : memref<10000xi32, #tpu.memory_space<vmem>> -> memref<40xi32, #tpu.memory_space<vmem>>
          %dma_start3A_574 = arith.constant 0 : i32
          %dma_start3A_575 = arith.constant 0 : i32
          %dma_start3A_576 = tpu.memref_slice %arg2[%dma_start3A_574, %dma_start3A_575] : memref<10000x128xf32, #tpu.memory_space<hbm>> -> memref<10000x128xf32, #tpu.memory_space<hbm>>
          tpu.enqueue_indirect_dma source(%dma_start3A_576 : memref<10000x128xf32, #tpu.memory_space<hbm>>) target(%arg9 : memref<40x128xf32, #tpu.memory_space<vmem>>) offsets(%dma_start3A_573 : memref<40xi32, #tpu.memory_space<vmem>>) semaphore(%arg17 : memref<!tpu.dma_semaphore, #tpu.memory_space<semaphore_mem>>)
          %sub3A_577 = arith.constant 1 : i32
          %sub3A_578 = arith.subi %add3A_428, %sub3A_577 : i32
          %add3A_579 = arith.constant 7 : i32
          %add3A_580 = arith.addi %sub3A_578, %add3A_579 : i32
          %add3A_581 = arith.constant 320000 : i32
          %add3A_582 = arith.addi %add3A_581, %mul3A_2 : i32
          %mul3A_583 = arith.constant 40 : i32
          %mul3A_584 = arith.muli %add3A_580, %mul3A_583 : i32
          %add3A_585 = arith.addi %add3A_582, %mul3A_584 : i32
          %dma_start3A_586 = arith.constant 2 : i32
          %dma_start3A_587 = arith.constant 0 : i32
          %dma_start3A_588 = tpu.memref_slice %arg6[%dma_start3A_586, %dma_start3A_587] : memref<7x40xi32, #tpu.memory_space<vmem>> -> memref<1x40xi32, #tpu.memory_space<vmem>>
          %dma_start3A_589 = tpu.memref_squeeze %dma_start3A_588 : memref<1x40xi32, #tpu.memory_space<vmem>> -> memref<40xi32, #tpu.memory_space<vmem>>
          %dma_start3A_590 = tpu.memref_slice %arg3[%add3A_585] : memref<640000xi32, #tpu.memory_space<hbm>> -> memref<40xi32, #tpu.memory_space<hbm>>
          %dma_start3A_591 = arith.constant 0 : i32
          %dma_start3A_592 = tpu.memref_slice %arg6[%dma_start3A_586, %dma_start3A_591] : memref<7x40xi32, #tpu.memory_space<vmem>> -> memref<1x40xi32, #tpu.memory_space<vmem>>
          %dma_start3A_593 = tpu.memref_squeeze %dma_start3A_592 : memref<1x40xi32, #tpu.memory_space<vmem>> -> memref<40xi32, #tpu.memory_space<vmem>>
          %dma_start3A_594 = tpu.memref_slice %arg3[%add3A_585] : memref<640000xi32, #tpu.memory_space<hbm>> -> memref<40xi32, #tpu.memory_space<hbm>>
          tpu.enqueue_dma source(%dma_start3A_594 : memref<40xi32, #tpu.memory_space<hbm>>) target(%dma_start3A_593 : memref<40xi32, #tpu.memory_space<vmem>>) target_semaphore(%arg31 : memref<!tpu.dma_semaphore, #tpu.memory_space<semaphore_mem>>)
        } else {
        }
      } else {
      }
      %mul3A_457 = arith.constant 7 : i32
      %mul3A_458 = arith.muli %mul3A_457, %scan3A_331 : i32
      %add3A_459 = arith.constant 4 : i32
      %add3A_460 = arith.addi %mul3A_458, %add3A_459 : i32
      %dma_wait3A_461 = arith.constant 0 : i32
      %dma_wait3A_462 = tpu.memref_slice %arg5[%dma_wait3A_461] : memref<10000xi32, #tpu.memory_space<vmem>> -> memref<40xi32, #tpu.memory_space<vmem>>
      %dma_wait3A_463 = arith.constant 0 : i32
      %dma_wait3A_464 = arith.constant 0 : i32
      %dma_wait3A_465 = tpu.memref_slice %arg2[%dma_wait3A_463, %dma_wait3A_464] : memref<10000x128xf32, #tpu.memory_space<hbm>> -> memref<10000x128xf32, #tpu.memory_space<hbm>>
      tpu.wait_indirect_dma semaphore(%arg19 : memref<!tpu.dma_semaphore, #tpu.memory_space<semaphore_mem>>) src(%dma_wait3A_465 : memref<10000x128xf32, #tpu.memory_space<hbm>>) dst(%arg11 : memref<40x128xf32, #tpu.memory_space<vmem>>)
      %dma_wait3A_466 = arith.constant 4 : i32
      %dma_wait3A_467 = arith.constant 0 : i32
      %dma_wait3A_468 = tpu.memref_slice %arg6[%dma_wait3A_466, %dma_wait3A_467] : memref<7x40xi32, #tpu.memory_space<vmem>> -> memref<1x40xi32, #tpu.memory_space<vmem>>
      %dma_wait3A_469 = tpu.memref_squeeze %dma_wait3A_468 : memref<1x40xi32, #tpu.memory_space<vmem>> -> memref<40xi32, #tpu.memory_space<vmem>>
      %dma_wait3A_470 = arith.constant 0 : i32
      %dma_wait3A_471 = tpu.memref_slice %arg3[%dma_wait3A_470] : memref<640000xi32, #tpu.memory_space<hbm>> -> memref<40xi32, #tpu.memory_space<hbm>>
      %dma_wait3A_472 = arith.constant 0 : i32
      %dma_wait3A_473 = tpu.memref_slice %arg6[%dma_wait3A_466, %dma_wait3A_472] : memref<7x40xi32, #tpu.memory_space<vmem>> -> memref<1x40xi32, #tpu.memory_space<vmem>>
      %dma_wait3A_474 = tpu.memref_squeeze %dma_wait3A_473 : memref<1x40xi32, #tpu.memory_space<vmem>> -> memref<40xi32, #tpu.memory_space<vmem>>
      %dma_wait3A_475 = arith.constant 0 : i32
      %dma_wait3A_476 = tpu.memref_slice %arg3[%dma_wait3A_475] : memref<640000xi32, #tpu.memory_space<hbm>> -> memref<40xi32, #tpu.memory_space<hbm>>
      tpu.wait_dma2 semaphore(%arg33 : memref<!tpu.dma_semaphore, #tpu.memory_space<semaphore_mem>>) src(%dma_wait3A_476 : memref<40xi32, #tpu.memory_space<hbm>>) dst(%dma_wait3A_474 : memref<40xi32, #tpu.memory_space<vmem>>)
      %dma_start3A_477 = arith.constant 4 : i32
      %dma_start3A_478 = arith.constant 0 : i32
      %dma_start3A_479 = tpu.memref_slice %arg6[%dma_start3A_477, %dma_start3A_478] : memref<7x40xi32, #tpu.memory_space<vmem>> -> memref<1x40xi32, #tpu.memory_space<vmem>>
      %dma_start3A_480 = tpu.memref_squeeze %dma_start3A_479 : memref<1x40xi32, #tpu.memory_space<vmem>> -> memref<40xi32, #tpu.memory_space<vmem>>
      %dma_start3A_481 = arith.constant 0 : i32
      %dma_start3A_482 = arith.constant 0 : i32
      %dma_start3A_483 = tpu.memref_slice %arg14[%dma_start3A_481, %dma_start3A_482] : memref<10240x128xf32, #tpu.memory_space<vmem_shared>> -> memref<10240x128xf32, #tpu.memory_space<vmem_shared>>
      tpu.enqueue_indirect_dma source(%arg11 : memref<40x128xf32, #tpu.memory_space<vmem>>) target(%dma_start3A_483 : memref<10240x128xf32, #tpu.memory_space<vmem_shared>>) offsets(%dma_start3A_480 : memref<40xi32, #tpu.memory_space<vmem>>) semaphore(%arg26 : memref<!tpu.dma_semaphore, #tpu.memory_space<semaphore_mem>>) {add = true}
      %ge3A_484 = arith.constant 1 : i32
      %ge3A_485 = arith.cmpi sge, %add3A_460, %ge3A_484 : i32
      %convert_element_type3A_486 = arith.extui %ge3A_485 : i1 to i32
      %cond3A_487 = arith.constant 0 : i32
      %cond3A_488 = arith.cmpi ne, %convert_element_type3A_486, %cond3A_487 : i32
      scf.if %cond3A_488 {
        %dma_wait3A_553 = arith.constant 3 : i32
        %dma_wait3A_554 = arith.constant 0 : i32
        %dma_wait3A_555 = tpu.memref_slice %arg6[%dma_wait3A_553, %dma_wait3A_554] : memref<7x40xi32, #tpu.memory_space<vmem>> -> memref<1x40xi32, #tpu.memory_space<vmem>>
        %dma_wait3A_556 = tpu.memref_squeeze %dma_wait3A_555 : memref<1x40xi32, #tpu.memory_space<vmem>> -> memref<40xi32, #tpu.memory_space<vmem>>
        %dma_wait3A_557 = arith.constant 0 : i32
        %dma_wait3A_558 = arith.constant 0 : i32
        %dma_wait3A_559 = tpu.memref_slice %arg14[%dma_wait3A_557, %dma_wait3A_558] : memref<10240x128xf32, #tpu.memory_space<vmem_shared>> -> memref<10240x128xf32, #tpu.memory_space<vmem_shared>>
        tpu.wait_indirect_dma semaphore(%arg25 : memref<!tpu.dma_semaphore, #tpu.memory_space<semaphore_mem>>) src(%arg10 : memref<40x128xf32, #tpu.memory_space<vmem>>) dst(%dma_wait3A_559 : memref<10240x128xf32, #tpu.memory_space<vmem_shared>>)
        %sub3A = arith.constant 1 : i32
        %sub3A_560 = arith.subi %add3A_460, %sub3A : i32
        %add3A_561 = arith.constant 7 : i32
        %add3A_562 = arith.addi %sub3A_560, %add3A_561 : i32
        %lt3A = arith.constant 250 : i32
        %lt3A_563 = arith.cmpi slt, %add3A_562, %lt3A : i32
        %convert_element_type3A_564 = arith.extui %lt3A_563 : i1 to i32
        %cond3A_565 = arith.constant 0 : i32
        %cond3A_566 = arith.cmpi ne, %convert_element_type3A_564, %cond3A_565 : i32
        scf.if %cond3A_566 {
          %sub3A_567 = arith.constant 1 : i32
          %sub3A_568 = arith.subi %add3A_460, %sub3A_567 : i32
          %add3A_569 = arith.constant 7 : i32
          %add3A_570 = arith.addi %sub3A_568, %add3A_569 : i32
          %mul3A_571 = arith.constant 40 : i32
          %mul3A_572 = arith.muli %add3A_570, %mul3A_571 : i32
          %dma_start3A_573 = tpu.memref_slice %arg5[%mul3A_572] : memref<10000xi32, #tpu.memory_space<vmem>> -> memref<40xi32, #tpu.memory_space<vmem>>
          %dma_start3A_574 = arith.constant 0 : i32
          %dma_start3A_575 = arith.constant 0 : i32
          %dma_start3A_576 = tpu.memref_slice %arg2[%dma_start3A_574, %dma_start3A_575] : memref<10000x128xf32, #tpu.memory_space<hbm>> -> memref<10000x128xf32, #tpu.memory_space<hbm>>
          tpu.enqueue_indirect_dma source(%dma_start3A_576 : memref<10000x128xf32, #tpu.memory_space<hbm>>) target(%arg10 : memref<40x128xf32, #tpu.memory_space<vmem>>) offsets(%dma_start3A_573 : memref<40xi32, #tpu.memory_space<vmem>>) semaphore(%arg18 : memref<!tpu.dma_semaphore, #tpu.memory_space<semaphore_mem>>)
          %sub3A_577 = arith.constant 1 : i32
          %sub3A_578 = arith.subi %add3A_460, %sub3A_577 : i32
          %add3A_579 = arith.constant 7 : i32
          %add3A_580 = arith.addi %sub3A_578, %add3A_579 : i32
          %add3A_581 = arith.constant 320000 : i32
          %add3A_582 = arith.addi %add3A_581, %mul3A_2 : i32
          %mul3A_583 = arith.constant 40 : i32
          %mul3A_584 = arith.muli %add3A_580, %mul3A_583 : i32
          %add3A_585 = arith.addi %add3A_582, %mul3A_584 : i32
          %dma_start3A_586 = arith.constant 3 : i32
          %dma_start3A_587 = arith.constant 0 : i32
          %dma_start3A_588 = tpu.memref_slice %arg6[%dma_start3A_586, %dma_start3A_587] : memref<7x40xi32, #tpu.memory_space<vmem>> -> memref<1x40xi32, #tpu.memory_space<vmem>>
          %dma_start3A_589 = tpu.memref_squeeze %dma_start3A_588 : memref<1x40xi32, #tpu.memory_space<vmem>> -> memref<40xi32, #tpu.memory_space<vmem>>
          %dma_start3A_590 = tpu.memref_slice %arg3[%add3A_585] : memref<640000xi32, #tpu.memory_space<hbm>> -> memref<40xi32, #tpu.memory_space<hbm>>
          %dma_start3A_591 = arith.constant 0 : i32
          %dma_start3A_592 = tpu.memref_slice %arg6[%dma_start3A_586, %dma_start3A_591] : memref<7x40xi32, #tpu.memory_space<vmem>> -> memref<1x40xi32, #tpu.memory_space<vmem>>
          %dma_start3A_593 = tpu.memref_squeeze %dma_start3A_592 : memref<1x40xi32, #tpu.memory_space<vmem>> -> memref<40xi32, #tpu.memory_space<vmem>>
          %dma_start3A_594 = tpu.memref_slice %arg3[%add3A_585] : memref<640000xi32, #tpu.memory_space<hbm>> -> memref<40xi32, #tpu.memory_space<hbm>>
          tpu.enqueue_dma source(%dma_start3A_594 : memref<40xi32, #tpu.memory_space<hbm>>) target(%dma_start3A_593 : memref<40xi32, #tpu.memory_space<vmem>>) target_semaphore(%arg32 : memref<!tpu.dma_semaphore, #tpu.memory_space<semaphore_mem>>)
        } else {
        }
      } else {
      }
      %mul3A_489 = arith.constant 7 : i32
      %mul3A_490 = arith.muli %mul3A_489, %scan3A_331 : i32
      %add3A_491 = arith.constant 5 : i32
      %add3A_492 = arith.addi %mul3A_490, %add3A_491 : i32
      %dma_wait3A_493 = arith.constant 0 : i32
      %dma_wait3A_494 = tpu.memref_slice %arg5[%dma_wait3A_493] : memref<10000xi32, #tpu.memory_space<vmem>> -> memref<40xi32, #tpu.memory_space<vmem>>
      %dma_wait3A_495 = arith.constant 0 : i32
      %dma_wait3A_496 = arith.constant 0 : i32
      %dma_wait3A_497 = tpu.memref_slice %arg2[%dma_wait3A_495, %dma_wait3A_496] : memref<10000x128xf32, #tpu.memory_space<hbm>> -> memref<10000x128xf32, #tpu.memory_space<hbm>>
      tpu.wait_indirect_dma semaphore(%arg20 : memref<!tpu.dma_semaphore, #tpu.memory_space<semaphore_mem>>) src(%dma_wait3A_497 : memref<10000x128xf32, #tpu.memory_space<hbm>>) dst(%arg12 : memref<40x128xf32, #tpu.memory_space<vmem>>)
      %dma_wait3A_498 = arith.constant 5 : i32
      %dma_wait3A_499 = arith.constant 0 : i32
      %dma_wait3A_500 = tpu.memref_slice %arg6[%dma_wait3A_498, %dma_wait3A_499] : memref<7x40xi32, #tpu.memory_space<vmem>> -> memref<1x40xi32, #tpu.memory_space<vmem>>
      %dma_wait3A_501 = tpu.memref_squeeze %dma_wait3A_500 : memref<1x40xi32, #tpu.memory_space<vmem>> -> memref<40xi32, #tpu.memory_space<vmem>>
      %dma_wait3A_502 = arith.constant 0 : i32
      %dma_wait3A_503 = tpu.memref_slice %arg3[%dma_wait3A_502] : memref<640000xi32, #tpu.memory_space<hbm>> -> memref<40xi32, #tpu.memory_space<hbm>>
      %dma_wait3A_504 = arith.constant 0 : i32
      %dma_wait3A_505 = tpu.memref_slice %arg6[%dma_wait3A_498, %dma_wait3A_504] : memref<7x40xi32, #tpu.memory_space<vmem>> -> memref<1x40xi32, #tpu.memory_space<vmem>>
      %dma_wait3A_506 = tpu.memref_squeeze %dma_wait3A_505 : memref<1x40xi32, #tpu.memory_space<vmem>> -> memref<40xi32, #tpu.memory_space<vmem>>
      %dma_wait3A_507 = arith.constant 0 : i32
      %dma_wait3A_508 = tpu.memref_slice %arg3[%dma_wait3A_507] : memref<640000xi32, #tpu.memory_space<hbm>> -> memref<40xi32, #tpu.memory_space<hbm>>
      tpu.wait_dma2 semaphore(%arg34 : memref<!tpu.dma_semaphore, #tpu.memory_space<semaphore_mem>>) src(%dma_wait3A_508 : memref<40xi32, #tpu.memory_space<hbm>>) dst(%dma_wait3A_506 : memref<40xi32, #tpu.memory_space<vmem>>)
      %dma_start3A_509 = arith.constant 5 : i32
      %dma_start3A_510 = arith.constant 0 : i32
      %dma_start3A_511 = tpu.memref_slice %arg6[%dma_start3A_509, %dma_start3A_510] : memref<7x40xi32, #tpu.memory_space<vmem>> -> memref<1x40xi32, #tpu.memory_space<vmem>>
      %dma_start3A_512 = tpu.memref_squeeze %dma_start3A_511 : memref<1x40xi32, #tpu.memory_space<vmem>> -> memref<40xi32, #tpu.memory_space<vmem>>
      %dma_start3A_513 = arith.constant 0 : i32
      %dma_start3A_514 = arith.constant 0 : i32
      %dma_start3A_515 = tpu.memref_slice %arg14[%dma_start3A_513, %dma_start3A_514] : memref<10240x128xf32, #tpu.memory_space<vmem_shared>> -> memref<10240x128xf32, #tpu.memory_space<vmem_shared>>
      tpu.enqueue_indirect_dma source(%arg12 : memref<40x128xf32, #tpu.memory_space<vmem>>) target(%dma_start3A_515 : memref<10240x128xf32, #tpu.memory_space<vmem_shared>>) offsets(%dma_start3A_512 : memref<40xi32, #tpu.memory_space<vmem>>) semaphore(%arg27 : memref<!tpu.dma_semaphore, #tpu.memory_space<semaphore_mem>>) {add = true}
      %ge3A_516 = arith.constant 1 : i32
      %ge3A_517 = arith.cmpi sge, %add3A_492, %ge3A_516 : i32
      %convert_element_type3A_518 = arith.extui %ge3A_517 : i1 to i32
      %cond3A_519 = arith.constant 0 : i32
      %cond3A_520 = arith.cmpi ne, %convert_element_type3A_518, %cond3A_519 : i32
      scf.if %cond3A_520 {
        %dma_wait3A_553 = arith.constant 4 : i32
        %dma_wait3A_554 = arith.constant 0 : i32
        %dma_wait3A_555 = tpu.memref_slice %arg6[%dma_wait3A_553, %dma_wait3A_554] : memref<7x40xi32, #tpu.memory_space<vmem>> -> memref<1x40xi32, #tpu.memory_space<vmem>>
        %dma_wait3A_556 = tpu.memref_squeeze %dma_wait3A_555 : memref<1x40xi32, #tpu.memory_space<vmem>> -> memref<40xi32, #tpu.memory_space<vmem>>
        %dma_wait3A_557 = arith.constant 0 : i32
        %dma_wait3A_558 = arith.constant 0 : i32
        %dma_wait3A_559 = tpu.memref_slice %arg14[%dma_wait3A_557, %dma_wait3A_558] : memref<10240x128xf32, #tpu.memory_space<vmem_shared>> -> memref<10240x128xf32, #tpu.memory_space<vmem_shared>>
        tpu.wait_indirect_dma semaphore(%arg26 : memref<!tpu.dma_semaphore, #tpu.memory_space<semaphore_mem>>) src(%arg11 : memref<40x128xf32, #tpu.memory_space<vmem>>) dst(%dma_wait3A_559 : memref<10240x128xf32, #tpu.memory_space<vmem_shared>>)
        %sub3A = arith.constant 1 : i32
        %sub3A_560 = arith.subi %add3A_492, %sub3A : i32
        %add3A_561 = arith.constant 7 : i32
        %add3A_562 = arith.addi %sub3A_560, %add3A_561 : i32
        %lt3A = arith.constant 250 : i32
        %lt3A_563 = arith.cmpi slt, %add3A_562, %lt3A : i32
        %convert_element_type3A_564 = arith.extui %lt3A_563 : i1 to i32
        %cond3A_565 = arith.constant 0 : i32
        %cond3A_566 = arith.cmpi ne, %convert_element_type3A_564, %cond3A_565 : i32
        scf.if %cond3A_566 {
          %sub3A_567 = arith.constant 1 : i32
          %sub3A_568 = arith.subi %add3A_492, %sub3A_567 : i32
          %add3A_569 = arith.constant 7 : i32
          %add3A_570 = arith.addi %sub3A_568, %add3A_569 : i32
          %mul3A_571 = arith.constant 40 : i32
          %mul3A_572 = arith.muli %add3A_570, %mul3A_571 : i32
          %dma_start3A_573 = tpu.memref_slice %arg5[%mul3A_572] : memref<10000xi32, #tpu.memory_space<vmem>> -> memref<40xi32, #tpu.memory_space<vmem>>
          %dma_start3A_574 = arith.constant 0 : i32
          %dma_start3A_575 = arith.constant 0 : i32
          %dma_start3A_576 = tpu.memref_slice %arg2[%dma_start3A_574, %dma_start3A_575] : memref<10000x128xf32, #tpu.memory_space<hbm>> -> memref<10000x128xf32, #tpu.memory_space<hbm>>
          tpu.enqueue_indirect_dma source(%dma_start3A_576 : memref<10000x128xf32, #tpu.memory_space<hbm>>) target(%arg11 : memref<40x128xf32, #tpu.memory_space<vmem>>) offsets(%dma_start3A_573 : memref<40xi32, #tpu.memory_space<vmem>>) semaphore(%arg19 : memref<!tpu.dma_semaphore, #tpu.memory_space<semaphore_mem>>)
          %sub3A_577 = arith.constant 1 : i32
          %sub3A_578 = arith.subi %add3A_492, %sub3A_577 : i32
          %add3A_579 = arith.constant 7 : i32
          %add3A_580 = arith.addi %sub3A_578, %add3A_579 : i32
          %add3A_581 = arith.constant 320000 : i32
          %add3A_582 = arith.addi %add3A_581, %mul3A_2 : i32
          %mul3A_583 = arith.constant 40 : i32
          %mul3A_584 = arith.muli %add3A_580, %mul3A_583 : i32
          %add3A_585 = arith.addi %add3A_582, %mul3A_584 : i32
          %dma_start3A_586 = arith.constant 4 : i32
          %dma_start3A_587 = arith.constant 0 : i32
          %dma_start3A_588 = tpu.memref_slice %arg6[%dma_start3A_586, %dma_start3A_587] : memref<7x40xi32, #tpu.memory_space<vmem>> -> memref<1x40xi32, #tpu.memory_space<vmem>>
          %dma_start3A_589 = tpu.memref_squeeze %dma_start3A_588 : memref<1x40xi32, #tpu.memory_space<vmem>> -> memref<40xi32, #tpu.memory_space<vmem>>
          %dma_start3A_590 = tpu.memref_slice %arg3[%add3A_585] : memref<640000xi32, #tpu.memory_space<hbm>> -> memref<40xi32, #tpu.memory_space<hbm>>
          %dma_start3A_591 = arith.constant 0 : i32
          %dma_start3A_592 = tpu.memref_slice %arg6[%dma_start3A_586, %dma_start3A_591] : memref<7x40xi32, #tpu.memory_space<vmem>> -> memref<1x40xi32, #tpu.memory_space<vmem>>
          %dma_start3A_593 = tpu.memref_squeeze %dma_start3A_592 : memref<1x40xi32, #tpu.memory_space<vmem>> -> memref<40xi32, #tpu.memory_space<vmem>>
          %dma_start3A_594 = tpu.memref_slice %arg3[%add3A_585] : memref<640000xi32, #tpu.memory_space<hbm>> -> memref<40xi32, #tpu.memory_space<hbm>>
          tpu.enqueue_dma source(%dma_start3A_594 : memref<40xi32, #tpu.memory_space<hbm>>) target(%dma_start3A_593 : memref<40xi32, #tpu.memory_space<vmem>>) target_semaphore(%arg33 : memref<!tpu.dma_semaphore, #tpu.memory_space<semaphore_mem>>)
        } else {
        }
      } else {
      }
      %mul3A_521 = arith.constant 7 : i32
      %mul3A_522 = arith.muli %mul3A_521, %scan3A_331 : i32
      %add3A_523 = arith.constant 6 : i32
      %add3A_524 = arith.addi %mul3A_522, %add3A_523 : i32
      %dma_wait3A_525 = arith.constant 0 : i32
      %dma_wait3A_526 = tpu.memref_slice %arg5[%dma_wait3A_525] : memref<10000xi32, #tpu.memory_space<vmem>> -> memref<40xi32, #tpu.memory_space<vmem>>
      %dma_wait3A_527 = arith.constant 0 : i32
      %dma_wait3A_528 = arith.constant 0 : i32
      %dma_wait3A_529 = tpu.memref_slice %arg2[%dma_wait3A_527, %dma_wait3A_528] : memref<10000x128xf32, #tpu.memory_space<hbm>> -> memref<10000x128xf32, #tpu.memory_space<hbm>>
      tpu.wait_indirect_dma semaphore(%arg21 : memref<!tpu.dma_semaphore, #tpu.memory_space<semaphore_mem>>) src(%dma_wait3A_529 : memref<10000x128xf32, #tpu.memory_space<hbm>>) dst(%arg13 : memref<40x128xf32, #tpu.memory_space<vmem>>)
      %dma_wait3A_530 = arith.constant 6 : i32
      %dma_wait3A_531 = arith.constant 0 : i32
      %dma_wait3A_532 = tpu.memref_slice %arg6[%dma_wait3A_530, %dma_wait3A_531] : memref<7x40xi32, #tpu.memory_space<vmem>> -> memref<1x40xi32, #tpu.memory_space<vmem>>
      %dma_wait3A_533 = tpu.memref_squeeze %dma_wait3A_532 : memref<1x40xi32, #tpu.memory_space<vmem>> -> memref<40xi32, #tpu.memory_space<vmem>>
      %dma_wait3A_534 = arith.constant 0 : i32
      %dma_wait3A_535 = tpu.memref_slice %arg3[%dma_wait3A_534] : memref<640000xi32, #tpu.memory_space<hbm>> -> memref<40xi32, #tpu.memory_space<hbm>>
      %dma_wait3A_536 = arith.constant 0 : i32
      %dma_wait3A_537 = tpu.memref_slice %arg6[%dma_wait3A_530, %dma_wait3A_536] : memref<7x40xi32, #tpu.memory_space<vmem>> -> memref<1x40xi32, #tpu.memory_space<vmem>>
      %dma_wait3A_538 = tpu.memref_squeeze %dma_wait3A_537 : memref<1x40xi32, #tpu.memory_space<vmem>> -> memref<40xi32, #tpu.memory_space<vmem>>
      %dma_wait3A_539 = arith.constant 0 : i32
      %dma_wait3A_540 = tpu.memref_slice %arg3[%dma_wait3A_539] : memref<640000xi32, #tpu.memory_space<hbm>> -> memref<40xi32, #tpu.memory_space<hbm>>
      tpu.wait_dma2 semaphore(%arg35 : memref<!tpu.dma_semaphore, #tpu.memory_space<semaphore_mem>>) src(%dma_wait3A_540 : memref<40xi32, #tpu.memory_space<hbm>>) dst(%dma_wait3A_538 : memref<40xi32, #tpu.memory_space<vmem>>)
      %dma_start3A_541 = arith.constant 6 : i32
      %dma_start3A_542 = arith.constant 0 : i32
      %dma_start3A_543 = tpu.memref_slice %arg6[%dma_start3A_541, %dma_start3A_542] : memref<7x40xi32, #tpu.memory_space<vmem>> -> memref<1x40xi32, #tpu.memory_space<vmem>>
      %dma_start3A_544 = tpu.memref_squeeze %dma_start3A_543 : memref<1x40xi32, #tpu.memory_space<vmem>> -> memref<40xi32, #tpu.memory_space<vmem>>
      %dma_start3A_545 = arith.constant 0 : i32
      %dma_start3A_546 = arith.constant 0 : i32
      %dma_start3A_547 = tpu.memref_slice %arg14[%dma_start3A_545, %dma_start3A_546] : memref<10240x128xf32, #tpu.memory_space<vmem_shared>> -> memref<10240x128xf32, #tpu.memory_space<vmem_shared>>
      tpu.enqueue_indirect_dma source(%arg13 : memref<40x128xf32, #tpu.memory_space<vmem>>) target(%dma_start3A_547 : memref<10240x128xf32, #tpu.memory_space<vmem_shared>>) offsets(%dma_start3A_544 : memref<40xi32, #tpu.memory_space<vmem>>) semaphore(%arg28 : memref<!tpu.dma_semaphore, #tpu.memory_space<semaphore_mem>>) {add = true}
      %ge3A_548 = arith.constant 1 : i32
      %ge3A_549 = arith.cmpi sge, %add3A_524, %ge3A_548 : i32
      %convert_element_type3A_550 = arith.extui %ge3A_549 : i1 to i32
      %cond3A_551 = arith.constant 0 : i32
      %cond3A_552 = arith.cmpi ne, %convert_element_type3A_550, %cond3A_551 : i32
      scf.if %cond3A_552 {
        %dma_wait3A_553 = arith.constant 5 : i32
        %dma_wait3A_554 = arith.constant 0 : i32
        %dma_wait3A_555 = tpu.memref_slice %arg6[%dma_wait3A_553, %dma_wait3A_554] : memref<7x40xi32, #tpu.memory_space<vmem>> -> memref<1x40xi32, #tpu.memory_space<vmem>>
        %dma_wait3A_556 = tpu.memref_squeeze %dma_wait3A_555 : memref<1x40xi32, #tpu.memory_space<vmem>> -> memref<40xi32, #tpu.memory_space<vmem>>
        %dma_wait3A_557 = arith.constant 0 : i32
        %dma_wait3A_558 = arith.constant 0 : i32
        %dma_wait3A_559 = tpu.memref_slice %arg14[%dma_wait3A_557, %dma_wait3A_558] : memref<10240x128xf32, #tpu.memory_space<vmem_shared>> -> memref<10240x128xf32, #tpu.memory_space<vmem_shared>>
        tpu.wait_indirect_dma semaphore(%arg27 : memref<!tpu.dma_semaphore, #tpu.memory_space<semaphore_mem>>) src(%arg12 : memref<40x128xf32, #tpu.memory_space<vmem>>) dst(%dma_wait3A_559 : memref<10240x128xf32, #tpu.memory_space<vmem_shared>>)
        %sub3A = arith.constant 1 : i32
        %sub3A_560 = arith.subi %add3A_524, %sub3A : i32
        %add3A_561 = arith.constant 7 : i32
        %add3A_562 = arith.addi %sub3A_560, %add3A_561 : i32
        %lt3A = arith.constant 250 : i32
        %lt3A_563 = arith.cmpi slt, %add3A_562, %lt3A : i32
        %convert_element_type3A_564 = arith.extui %lt3A_563 : i1 to i32
        %cond3A_565 = arith.constant 0 : i32
        %cond3A_566 = arith.cmpi ne, %convert_element_type3A_564, %cond3A_565 : i32
        scf.if %cond3A_566 {
          %sub3A_567 = arith.constant 1 : i32
          %sub3A_568 = arith.subi %add3A_524, %sub3A_567 : i32
          %add3A_569 = arith.constant 7 : i32
          %add3A_570 = arith.addi %sub3A_568, %add3A_569 : i32
          %mul3A_571 = arith.constant 40 : i32
          %mul3A_572 = arith.muli %add3A_570, %mul3A_571 : i32
          %dma_start3A_573 = tpu.memref_slice %arg5[%mul3A_572] : memref<10000xi32, #tpu.memory_space<vmem>> -> memref<40xi32, #tpu.memory_space<vmem>>
          %dma_start3A_574 = arith.constant 0 : i32
          %dma_start3A_575 = arith.constant 0 : i32
          %dma_start3A_576 = tpu.memref_slice %arg2[%dma_start3A_574, %dma_start3A_575] : memref<10000x128xf32, #tpu.memory_space<hbm>> -> memref<10000x128xf32, #tpu.memory_space<hbm>>
          tpu.enqueue_indirect_dma source(%dma_start3A_576 : memref<10000x128xf32, #tpu.memory_space<hbm>>) target(%arg12 : memref<40x128xf32, #tpu.memory_space<vmem>>) offsets(%dma_start3A_573 : memref<40xi32, #tpu.memory_space<vmem>>) semaphore(%arg20 : memref<!tpu.dma_semaphore, #tpu.memory_space<semaphore_mem>>)
          %sub3A_577 = arith.constant 1 : i32
          %sub3A_578 = arith.subi %add3A_524, %sub3A_577 : i32
          %add3A_579 = arith.constant 7 : i32
          %add3A_580 = arith.addi %sub3A_578, %add3A_579 : i32
          %add3A_581 = arith.constant 320000 : i32
          %add3A_582 = arith.addi %add3A_581, %mul3A_2 : i32
          %mul3A_583 = arith.constant 40 : i32
          %mul3A_584 = arith.muli %add3A_580, %mul3A_583 : i32
          %add3A_585 = arith.addi %add3A_582, %mul3A_584 : i32
          %dma_start3A_586 = arith.constant 5 : i32
          %dma_start3A_587 = arith.constant 0 : i32
          %dma_start3A_588 = tpu.memref_slice %arg6[%dma_start3A_586, %dma_start3A_587] : memref<7x40xi32, #tpu.memory_space<vmem>> -> memref<1x40xi32, #tpu.memory_space<vmem>>
          %dma_start3A_589 = tpu.memref_squeeze %dma_start3A_588 : memref<1x40xi32, #tpu.memory_space<vmem>> -> memref<40xi32, #tpu.memory_space<vmem>>
          %dma_start3A_590 = tpu.memref_slice %arg3[%add3A_585] : memref<640000xi32, #tpu.memory_space<hbm>> -> memref<40xi32, #tpu.memory_space<hbm>>
          %dma_start3A_591 = arith.constant 0 : i32
          %dma_start3A_592 = tpu.memref_slice %arg6[%dma_start3A_586, %dma_start3A_591] : memref<7x40xi32, #tpu.memory_space<vmem>> -> memref<1x40xi32, #tpu.memory_space<vmem>>
          %dma_start3A_593 = tpu.memref_squeeze %dma_start3A_592 : memref<1x40xi32, #tpu.memory_space<vmem>> -> memref<40xi32, #tpu.memory_space<vmem>>
          %dma_start3A_594 = tpu.memref_slice %arg3[%add3A_585] : memref<640000xi32, #tpu.memory_space<hbm>> -> memref<40xi32, #tpu.memory_space<hbm>>
          tpu.enqueue_dma source(%dma_start3A_594 : memref<40xi32, #tpu.memory_space<hbm>>) target(%dma_start3A_593 : memref<40xi32, #tpu.memory_space<vmem>>) target_semaphore(%arg34 : memref<!tpu.dma_semaphore, #tpu.memory_space<semaphore_mem>>)
        } else {
        }
      } else {
      }
    }
    %scan3A_173 = arith.constant 35 : i32
    %dma_wait3A = arith.constant 0 : i32
    %dma_wait3A_174 = tpu.memref_slice %arg5[%dma_wait3A] : memref<10000xi32, #tpu.memory_space<vmem>> -> memref<40xi32, #tpu.memory_space<vmem>>
    %dma_wait3A_175 = arith.constant 0 : i32
    %dma_wait3A_176 = arith.constant 0 : i32
    %dma_wait3A_177 = tpu.memref_slice %arg2[%dma_wait3A_175, %dma_wait3A_176] : memref<10000x128xf32, #tpu.memory_space<hbm>> -> memref<10000x128xf32, #tpu.memory_space<hbm>>
    tpu.wait_indirect_dma semaphore(%arg15 : memref<!tpu.dma_semaphore, #tpu.memory_space<semaphore_mem>>) src(%dma_wait3A_177 : memref<10000x128xf32, #tpu.memory_space<hbm>>) dst(%arg7 : memref<40x128xf32, #tpu.memory_space<vmem>>)
    %dma_wait3A_178 = arith.constant 0 : i32
    %dma_wait3A_179 = arith.constant 0 : i32
    %dma_wait3A_180 = tpu.memref_slice %arg6[%dma_wait3A_178, %dma_wait3A_179] : memref<7x40xi32, #tpu.memory_space<vmem>> -> memref<1x40xi32, #tpu.memory_space<vmem>>
    %dma_wait3A_181 = tpu.memref_squeeze %dma_wait3A_180 : memref<1x40xi32, #tpu.memory_space<vmem>> -> memref<40xi32, #tpu.memory_space<vmem>>
    %dma_wait3A_182 = arith.constant 0 : i32
    %dma_wait3A_183 = tpu.memref_slice %arg3[%dma_wait3A_182] : memref<640000xi32, #tpu.memory_space<hbm>> -> memref<40xi32, #tpu.memory_space<hbm>>
    %dma_wait3A_184 = arith.constant 0 : i32
    %dma_wait3A_185 = tpu.memref_slice %arg6[%dma_wait3A_178, %dma_wait3A_184] : memref<7x40xi32, #tpu.memory_space<vmem>> -> memref<1x40xi32, #tpu.memory_space<vmem>>
    %dma_wait3A_186 = tpu.memref_squeeze %dma_wait3A_185 : memref<1x40xi32, #tpu.memory_space<vmem>> -> memref<40xi32, #tpu.memory_space<vmem>>
    %dma_wait3A_187 = arith.constant 0 : i32
    %dma_wait3A_188 = tpu.memref_slice %arg3[%dma_wait3A_187] : memref<640000xi32, #tpu.memory_space<hbm>> -> memref<40xi32, #tpu.memory_space<hbm>>
    tpu.wait_dma2 semaphore(%arg29 : memref<!tpu.dma_semaphore, #tpu.memory_space<semaphore_mem>>) src(%dma_wait3A_188 : memref<40xi32, #tpu.memory_space<hbm>>) dst(%dma_wait3A_186 : memref<40xi32, #tpu.memory_space<vmem>>)
    %dma_start3A_189 = arith.constant 0 : i32
    %dma_start3A_190 = arith.constant 0 : i32
    %dma_start3A_191 = tpu.memref_slice %arg6[%dma_start3A_189, %dma_start3A_190] : memref<7x40xi32, #tpu.memory_space<vmem>> -> memref<1x40xi32, #tpu.memory_space<vmem>>
    %dma_start3A_192 = tpu.memref_squeeze %dma_start3A_191 : memref<1x40xi32, #tpu.memory_space<vmem>> -> memref<40xi32, #tpu.memory_space<vmem>>
    %dma_start3A_193 = arith.constant 0 : i32
    %dma_start3A_194 = arith.constant 0 : i32
    %dma_start3A_195 = tpu.memref_slice %arg14[%dma_start3A_193, %dma_start3A_194] : memref<10240x128xf32, #tpu.memory_space<vmem_shared>> -> memref<10240x128xf32, #tpu.memory_space<vmem_shared>>
    tpu.enqueue_indirect_dma source(%arg7 : memref<40x128xf32, #tpu.memory_space<vmem>>) target(%dma_start3A_195 : memref<10240x128xf32, #tpu.memory_space<vmem_shared>>) offsets(%dma_start3A_192 : memref<40xi32, #tpu.memory_space<vmem>>) semaphore(%arg22 : memref<!tpu.dma_semaphore, #tpu.memory_space<semaphore_mem>>) {add = true}
    %dma_wait3A_196 = arith.constant 6 : i32
    %dma_wait3A_197 = arith.constant 0 : i32
    %dma_wait3A_198 = tpu.memref_slice %arg6[%dma_wait3A_196, %dma_wait3A_197] : memref<7x40xi32, #tpu.memory_space<vmem>> -> memref<1x40xi32, #tpu.memory_space<vmem>>
    %dma_wait3A_199 = tpu.memref_squeeze %dma_wait3A_198 : memref<1x40xi32, #tpu.memory_space<vmem>> -> memref<40xi32, #tpu.memory_space<vmem>>
    %dma_wait3A_200 = arith.constant 0 : i32
    %dma_wait3A_201 = arith.constant 0 : i32
    %dma_wait3A_202 = tpu.memref_slice %arg14[%dma_wait3A_200, %dma_wait3A_201] : memref<10240x128xf32, #tpu.memory_space<vmem_shared>> -> memref<10240x128xf32, #tpu.memory_space<vmem_shared>>
    tpu.wait_indirect_dma semaphore(%arg28 : memref<!tpu.dma_semaphore, #tpu.memory_space<semaphore_mem>>) src(%arg13 : memref<40x128xf32, #tpu.memory_space<vmem>>) dst(%dma_wait3A_202 : memref<10240x128xf32, #tpu.memory_space<vmem_shared>>)
    %dma_wait3A_203 = arith.constant 0 : i32
    %dma_wait3A_204 = tpu.memref_slice %arg5[%dma_wait3A_203] : memref<10000xi32, #tpu.memory_space<vmem>> -> memref<40xi32, #tpu.memory_space<vmem>>
    %dma_wait3A_205 = arith.constant 0 : i32
    %dma_wait3A_206 = arith.constant 0 : i32
    %dma_wait3A_207 = tpu.memref_slice %arg2[%dma_wait3A_205, %dma_wait3A_206] : memref<10000x128xf32, #tpu.memory_space<hbm>> -> memref<10000x128xf32, #tpu.memory_space<hbm>>
    tpu.wait_indirect_dma semaphore(%arg16 : memref<!tpu.dma_semaphore, #tpu.memory_space<semaphore_mem>>) src(%dma_wait3A_207 : memref<10000x128xf32, #tpu.memory_space<hbm>>) dst(%arg8 : memref<40x128xf32, #tpu.memory_space<vmem>>)
    %dma_wait3A_208 = arith.constant 1 : i32
    %dma_wait3A_209 = arith.constant 0 : i32
    %dma_wait3A_210 = tpu.memref_slice %arg6[%dma_wait3A_208, %dma_wait3A_209] : memref<7x40xi32, #tpu.memory_space<vmem>> -> memref<1x40xi32, #tpu.memory_space<vmem>>
    %dma_wait3A_211 = tpu.memref_squeeze %dma_wait3A_210 : memref<1x40xi32, #tpu.memory_space<vmem>> -> memref<40xi32, #tpu.memory_space<vmem>>
    %dma_wait3A_212 = arith.constant 0 : i32
    %dma_wait3A_213 = tpu.memref_slice %arg3[%dma_wait3A_212] : memref<640000xi32, #tpu.memory_space<hbm>> -> memref<40xi32, #tpu.memory_space<hbm>>
    %dma_wait3A_214 = arith.constant 0 : i32
    %dma_wait3A_215 = tpu.memref_slice %arg6[%dma_wait3A_208, %dma_wait3A_214] : memref<7x40xi32, #tpu.memory_space<vmem>> -> memref<1x40xi32, #tpu.memory_space<vmem>>
    %dma_wait3A_216 = tpu.memref_squeeze %dma_wait3A_215 : memref<1x40xi32, #tpu.memory_space<vmem>> -> memref<40xi32, #tpu.memory_space<vmem>>
    %dma_wait3A_217 = arith.constant 0 : i32
    %dma_wait3A_218 = tpu.memref_slice %arg3[%dma_wait3A_217] : memref<640000xi32, #tpu.memory_space<hbm>> -> memref<40xi32, #tpu.memory_space<hbm>>
    tpu.wait_dma2 semaphore(%arg30 : memref<!tpu.dma_semaphore, #tpu.memory_space<semaphore_mem>>) src(%dma_wait3A_218 : memref<40xi32, #tpu.memory_space<hbm>>) dst(%dma_wait3A_216 : memref<40xi32, #tpu.memory_space<vmem>>)
    %dma_start3A_219 = arith.constant 1 : i32
    %dma_start3A_220 = arith.constant 0 : i32
    %dma_start3A_221 = tpu.memref_slice %arg6[%dma_start3A_219, %dma_start3A_220] : memref<7x40xi32, #tpu.memory_space<vmem>> -> memref<1x40xi32, #tpu.memory_space<vmem>>
    %dma_start3A_222 = tpu.memref_squeeze %dma_start3A_221 : memref<1x40xi32, #tpu.memory_space<vmem>> -> memref<40xi32, #tpu.memory_space<vmem>>
    %dma_start3A_223 = arith.constant 0 : i32
    %dma_start3A_224 = arith.constant 0 : i32
    %dma_start3A_225 = tpu.memref_slice %arg14[%dma_start3A_223, %dma_start3A_224] : memref<10240x128xf32, #tpu.memory_space<vmem_shared>> -> memref<10240x128xf32, #tpu.memory_space<vmem_shared>>
    tpu.enqueue_indirect_dma source(%arg8 : memref<40x128xf32, #tpu.memory_space<vmem>>) target(%dma_start3A_225 : memref<10240x128xf32, #tpu.memory_space<vmem_shared>>) offsets(%dma_start3A_222 : memref<40xi32, #tpu.memory_space<vmem>>) semaphore(%arg23 : memref<!tpu.dma_semaphore, #tpu.memory_space<semaphore_mem>>) {add = true}
    %dma_wait3A_226 = arith.constant 0 : i32
    %dma_wait3A_227 = arith.constant 0 : i32
    %dma_wait3A_228 = tpu.memref_slice %arg6[%dma_wait3A_226, %dma_wait3A_227] : memref<7x40xi32, #tpu.memory_space<vmem>> -> memref<1x40xi32, #tpu.memory_space<vmem>>
    %dma_wait3A_229 = tpu.memref_squeeze %dma_wait3A_228 : memref<1x40xi32, #tpu.memory_space<vmem>> -> memref<40xi32, #tpu.memory_space<vmem>>
    %dma_wait3A_230 = arith.constant 0 : i32
    %dma_wait3A_231 = arith.constant 0 : i32
    %dma_wait3A_232 = tpu.memref_slice %arg14[%dma_wait3A_230, %dma_wait3A_231] : memref<10240x128xf32, #tpu.memory_space<vmem_shared>> -> memref<10240x128xf32, #tpu.memory_space<vmem_shared>>
    tpu.wait_indirect_dma semaphore(%arg22 : memref<!tpu.dma_semaphore, #tpu.memory_space<semaphore_mem>>) src(%arg7 : memref<40x128xf32, #tpu.memory_space<vmem>>) dst(%dma_wait3A_232 : memref<10240x128xf32, #tpu.memory_space<vmem_shared>>)
    %dma_wait3A_233 = arith.constant 0 : i32
    %dma_wait3A_234 = tpu.memref_slice %arg5[%dma_wait3A_233] : memref<10000xi32, #tpu.memory_space<vmem>> -> memref<40xi32, #tpu.memory_space<vmem>>
    %dma_wait3A_235 = arith.constant 0 : i32
    %dma_wait3A_236 = arith.constant 0 : i32
    %dma_wait3A_237 = tpu.memref_slice %arg2[%dma_wait3A_235, %dma_wait3A_236] : memref<10000x128xf32, #tpu.memory_space<hbm>> -> memref<10000x128xf32, #tpu.memory_space<hbm>>
    tpu.wait_indirect_dma semaphore(%arg17 : memref<!tpu.dma_semaphore, #tpu.memory_space<semaphore_mem>>) src(%dma_wait3A_237 : memref<10000x128xf32, #tpu.memory_space<hbm>>) dst(%arg9 : memref<40x128xf32, #tpu.memory_space<vmem>>)
    %dma_wait3A_238 = arith.constant 2 : i32
    %dma_wait3A_239 = arith.constant 0 : i32
    %dma_wait3A_240 = tpu.memref_slice %arg6[%dma_wait3A_238, %dma_wait3A_239] : memref<7x40xi32, #tpu.memory_space<vmem>> -> memref<1x40xi32, #tpu.memory_space<vmem>>
    %dma_wait3A_241 = tpu.memref_squeeze %dma_wait3A_240 : memref<1x40xi32, #tpu.memory_space<vmem>> -> memref<40xi32, #tpu.memory_space<vmem>>
    %dma_wait3A_242 = arith.constant 0 : i32
    %dma_wait3A_243 = tpu.memref_slice %arg3[%dma_wait3A_242] : memref<640000xi32, #tpu.memory_space<hbm>> -> memref<40xi32, #tpu.memory_space<hbm>>
    %dma_wait3A_244 = arith.constant 0 : i32
    %dma_wait3A_245 = tpu.memref_slice %arg6[%dma_wait3A_238, %dma_wait3A_244] : memref<7x40xi32, #tpu.memory_space<vmem>> -> memref<1x40xi32, #tpu.memory_space<vmem>>
    %dma_wait3A_246 = tpu.memref_squeeze %dma_wait3A_245 : memref<1x40xi32, #tpu.memory_space<vmem>> -> memref<40xi32, #tpu.memory_space<vmem>>
    %dma_wait3A_247 = arith.constant 0 : i32
    %dma_wait3A_248 = tpu.memref_slice %arg3[%dma_wait3A_247] : memref<640000xi32, #tpu.memory_space<hbm>> -> memref<40xi32, #tpu.memory_space<hbm>>
    tpu.wait_dma2 semaphore(%arg31 : memref<!tpu.dma_semaphore, #tpu.memory_space<semaphore_mem>>) src(%dma_wait3A_248 : memref<40xi32, #tpu.memory_space<hbm>>) dst(%dma_wait3A_246 : memref<40xi32, #tpu.memory_space<vmem>>)
    %dma_start3A_249 = arith.constant 2 : i32
    %dma_start3A_250 = arith.constant 0 : i32
    %dma_start3A_251 = tpu.memref_slice %arg6[%dma_start3A_249, %dma_start3A_250] : memref<7x40xi32, #tpu.memory_space<vmem>> -> memref<1x40xi32, #tpu.memory_space<vmem>>
    %dma_start3A_252 = tpu.memref_squeeze %dma_start3A_251 : memref<1x40xi32, #tpu.memory_space<vmem>> -> memref<40xi32, #tpu.memory_space<vmem>>
    %dma_start3A_253 = arith.constant 0 : i32
    %dma_start3A_254 = arith.constant 0 : i32
    %dma_start3A_255 = tpu.memref_slice %arg14[%dma_start3A_253, %dma_start3A_254] : memref<10240x128xf32, #tpu.memory_space<vmem_shared>> -> memref<10240x128xf32, #tpu.memory_space<vmem_shared>>
    tpu.enqueue_indirect_dma source(%arg9 : memref<40x128xf32, #tpu.memory_space<vmem>>) target(%dma_start3A_255 : memref<10240x128xf32, #tpu.memory_space<vmem_shared>>) offsets(%dma_start3A_252 : memref<40xi32, #tpu.memory_space<vmem>>) semaphore(%arg24 : memref<!tpu.dma_semaphore, #tpu.memory_space<semaphore_mem>>) {add = true}
    %dma_wait3A_256 = arith.constant 1 : i32
    %dma_wait3A_257 = arith.constant 0 : i32
    %dma_wait3A_258 = tpu.memref_slice %arg6[%dma_wait3A_256, %dma_wait3A_257] : memref<7x40xi32, #tpu.memory_space<vmem>> -> memref<1x40xi32, #tpu.memory_space<vmem>>
    %dma_wait3A_259 = tpu.memref_squeeze %dma_wait3A_258 : memref<1x40xi32, #tpu.memory_space<vmem>> -> memref<40xi32, #tpu.memory_space<vmem>>
    %dma_wait3A_260 = arith.constant 0 : i32
    %dma_wait3A_261 = arith.constant 0 : i32
    %dma_wait3A_262 = tpu.memref_slice %arg14[%dma_wait3A_260, %dma_wait3A_261] : memref<10240x128xf32, #tpu.memory_space<vmem_shared>> -> memref<10240x128xf32, #tpu.memory_space<vmem_shared>>
    tpu.wait_indirect_dma semaphore(%arg23 : memref<!tpu.dma_semaphore, #tpu.memory_space<semaphore_mem>>) src(%arg8 : memref<40x128xf32, #tpu.memory_space<vmem>>) dst(%dma_wait3A_262 : memref<10240x128xf32, #tpu.memory_space<vmem_shared>>)
    %dma_wait3A_263 = arith.constant 0 : i32
    %dma_wait3A_264 = tpu.memref_slice %arg5[%dma_wait3A_263] : memref<10000xi32, #tpu.memory_space<vmem>> -> memref<40xi32, #tpu.memory_space<vmem>>
    %dma_wait3A_265 = arith.constant 0 : i32
    %dma_wait3A_266 = arith.constant 0 : i32
    %dma_wait3A_267 = tpu.memref_slice %arg2[%dma_wait3A_265, %dma_wait3A_266] : memref<10000x128xf32, #tpu.memory_space<hbm>> -> memref<10000x128xf32, #tpu.memory_space<hbm>>
    tpu.wait_indirect_dma semaphore(%arg18 : memref<!tpu.dma_semaphore, #tpu.memory_space<semaphore_mem>>) src(%dma_wait3A_267 : memref<10000x128xf32, #tpu.memory_space<hbm>>) dst(%arg10 : memref<40x128xf32, #tpu.memory_space<vmem>>)
    %dma_wait3A_268 = arith.constant 3 : i32
    %dma_wait3A_269 = arith.constant 0 : i32
    %dma_wait3A_270 = tpu.memref_slice %arg6[%dma_wait3A_268, %dma_wait3A_269] : memref<7x40xi32, #tpu.memory_space<vmem>> -> memref<1x40xi32, #tpu.memory_space<vmem>>
    %dma_wait3A_271 = tpu.memref_squeeze %dma_wait3A_270 : memref<1x40xi32, #tpu.memory_space<vmem>> -> memref<40xi32, #tpu.memory_space<vmem>>
    %dma_wait3A_272 = arith.constant 0 : i32
    %dma_wait3A_273 = tpu.memref_slice %arg3[%dma_wait3A_272] : memref<640000xi32, #tpu.memory_space<hbm>> -> memref<40xi32, #tpu.memory_space<hbm>>
    %dma_wait3A_274 = arith.constant 0 : i32
    %dma_wait3A_275 = tpu.memref_slice %arg6[%dma_wait3A_268, %dma_wait3A_274] : memref<7x40xi32, #tpu.memory_space<vmem>> -> memref<1x40xi32, #tpu.memory_space<vmem>>
    %dma_wait3A_276 = tpu.memref_squeeze %dma_wait3A_275 : memref<1x40xi32, #tpu.memory_space<vmem>> -> memref<40xi32, #tpu.memory_space<vmem>>
    %dma_wait3A_277 = arith.constant 0 : i32
    %dma_wait3A_278 = tpu.memref_slice %arg3[%dma_wait3A_277] : memref<640000xi32, #tpu.memory_space<hbm>> -> memref<40xi32, #tpu.memory_space<hbm>>
    tpu.wait_dma2 semaphore(%arg32 : memref<!tpu.dma_semaphore, #tpu.memory_space<semaphore_mem>>) src(%dma_wait3A_278 : memref<40xi32, #tpu.memory_space<hbm>>) dst(%dma_wait3A_276 : memref<40xi32, #tpu.memory_space<vmem>>)
    %dma_start3A_279 = arith.constant 3 : i32
    %dma_start3A_280 = arith.constant 0 : i32
    %dma_start3A_281 = tpu.memref_slice %arg6[%dma_start3A_279, %dma_start3A_280] : memref<7x40xi32, #tpu.memory_space<vmem>> -> memref<1x40xi32, #tpu.memory_space<vmem>>
    %dma_start3A_282 = tpu.memref_squeeze %dma_start3A_281 : memref<1x40xi32, #tpu.memory_space<vmem>> -> memref<40xi32, #tpu.memory_space<vmem>>
    %dma_start3A_283 = arith.constant 0 : i32
    %dma_start3A_284 = arith.constant 0 : i32
    %dma_start3A_285 = tpu.memref_slice %arg14[%dma_start3A_283, %dma_start3A_284] : memref<10240x128xf32, #tpu.memory_space<vmem_shared>> -> memref<10240x128xf32, #tpu.memory_space<vmem_shared>>
    tpu.enqueue_indirect_dma source(%arg10 : memref<40x128xf32, #tpu.memory_space<vmem>>) target(%dma_start3A_285 : memref<10240x128xf32, #tpu.memory_space<vmem_shared>>) offsets(%dma_start3A_282 : memref<40xi32, #tpu.memory_space<vmem>>) semaphore(%arg25 : memref<!tpu.dma_semaphore, #tpu.memory_space<semaphore_mem>>) {add = true}
    %dma_wait3A_286 = arith.constant 2 : i32
    %dma_wait3A_287 = arith.constant 0 : i32
    %dma_wait3A_288 = tpu.memref_slice %arg6[%dma_wait3A_286, %dma_wait3A_287] : memref<7x40xi32, #tpu.memory_space<vmem>> -> memref<1x40xi32, #tpu.memory_space<vmem>>
    %dma_wait3A_289 = tpu.memref_squeeze %dma_wait3A_288 : memref<1x40xi32, #tpu.memory_space<vmem>> -> memref<40xi32, #tpu.memory_space<vmem>>
    %dma_wait3A_290 = arith.constant 0 : i32
    %dma_wait3A_291 = arith.constant 0 : i32
    %dma_wait3A_292 = tpu.memref_slice %arg14[%dma_wait3A_290, %dma_wait3A_291] : memref<10240x128xf32, #tpu.memory_space<vmem_shared>> -> memref<10240x128xf32, #tpu.memory_space<vmem_shared>>
    tpu.wait_indirect_dma semaphore(%arg24 : memref<!tpu.dma_semaphore, #tpu.memory_space<semaphore_mem>>) src(%arg9 : memref<40x128xf32, #tpu.memory_space<vmem>>) dst(%dma_wait3A_292 : memref<10240x128xf32, #tpu.memory_space<vmem_shared>>)
    %dma_wait3A_293 = arith.constant 0 : i32
    %dma_wait3A_294 = tpu.memref_slice %arg5[%dma_wait3A_293] : memref<10000xi32, #tpu.memory_space<vmem>> -> memref<40xi32, #tpu.memory_space<vmem>>
    %dma_wait3A_295 = arith.constant 0 : i32
    %dma_wait3A_296 = arith.constant 0 : i32
    %dma_wait3A_297 = tpu.memref_slice %arg2[%dma_wait3A_295, %dma_wait3A_296] : memref<10000x128xf32, #tpu.memory_space<hbm>> -> memref<10000x128xf32, #tpu.memory_space<hbm>>
    tpu.wait_indirect_dma semaphore(%arg19 : memref<!tpu.dma_semaphore, #tpu.memory_space<semaphore_mem>>) src(%dma_wait3A_297 : memref<10000x128xf32, #tpu.memory_space<hbm>>) dst(%arg11 : memref<40x128xf32, #tpu.memory_space<vmem>>)
    %dma_wait3A_298 = arith.constant 4 : i32
    %dma_wait3A_299 = arith.constant 0 : i32
    %dma_wait3A_300 = tpu.memref_slice %arg6[%dma_wait3A_298, %dma_wait3A_299] : memref<7x40xi32, #tpu.memory_space<vmem>> -> memref<1x40xi32, #tpu.memory_space<vmem>>
    %dma_wait3A_301 = tpu.memref_squeeze %dma_wait3A_300 : memref<1x40xi32, #tpu.memory_space<vmem>> -> memref<40xi32, #tpu.memory_space<vmem>>
    %dma_wait3A_302 = arith.constant 0 : i32
    %dma_wait3A_303 = tpu.memref_slice %arg3[%dma_wait3A_302] : memref<640000xi32, #tpu.memory_space<hbm>> -> memref<40xi32, #tpu.memory_space<hbm>>
    %dma_wait3A_304 = arith.constant 0 : i32
    %dma_wait3A_305 = tpu.memref_slice %arg6[%dma_wait3A_298, %dma_wait3A_304] : memref<7x40xi32, #tpu.memory_space<vmem>> -> memref<1x40xi32, #tpu.memory_space<vmem>>
    %dma_wait3A_306 = tpu.memref_squeeze %dma_wait3A_305 : memref<1x40xi32, #tpu.memory_space<vmem>> -> memref<40xi32, #tpu.memory_space<vmem>>
    %dma_wait3A_307 = arith.constant 0 : i32
    %dma_wait3A_308 = tpu.memref_slice %arg3[%dma_wait3A_307] : memref<640000xi32, #tpu.memory_space<hbm>> -> memref<40xi32, #tpu.memory_space<hbm>>
    tpu.wait_dma2 semaphore(%arg33 : memref<!tpu.dma_semaphore, #tpu.memory_space<semaphore_mem>>) src(%dma_wait3A_308 : memref<40xi32, #tpu.memory_space<hbm>>) dst(%dma_wait3A_306 : memref<40xi32, #tpu.memory_space<vmem>>)
    %dma_start3A_309 = arith.constant 4 : i32
    %dma_start3A_310 = arith.constant 0 : i32
    %dma_start3A_311 = tpu.memref_slice %arg6[%dma_start3A_309, %dma_start3A_310] : memref<7x40xi32, #tpu.memory_space<vmem>> -> memref<1x40xi32, #tpu.memory_space<vmem>>
    %dma_start3A_312 = tpu.memref_squeeze %dma_start3A_311 : memref<1x40xi32, #tpu.memory_space<vmem>> -> memref<40xi32, #tpu.memory_space<vmem>>
    %dma_start3A_313 = arith.constant 0 : i32
    %dma_start3A_314 = arith.constant 0 : i32
    %dma_start3A_315 = tpu.memref_slice %arg14[%dma_start3A_313, %dma_start3A_314] : memref<10240x128xf32, #tpu.memory_space<vmem_shared>> -> memref<10240x128xf32, #tpu.memory_space<vmem_shared>>
    tpu.enqueue_indirect_dma source(%arg11 : memref<40x128xf32, #tpu.memory_space<vmem>>) target(%dma_start3A_315 : memref<10240x128xf32, #tpu.memory_space<vmem_shared>>) offsets(%dma_start3A_312 : memref<40xi32, #tpu.memory_space<vmem>>) semaphore(%arg26 : memref<!tpu.dma_semaphore, #tpu.memory_space<semaphore_mem>>) {add = true}
    %dma_wait3A_316 = arith.constant 3 : i32
    %dma_wait3A_317 = arith.constant 0 : i32
    %dma_wait3A_318 = tpu.memref_slice %arg6[%dma_wait3A_316, %dma_wait3A_317] : memref<7x40xi32, #tpu.memory_space<vmem>> -> memref<1x40xi32, #tpu.memory_space<vmem>>
    %dma_wait3A_319 = tpu.memref_squeeze %dma_wait3A_318 : memref<1x40xi32, #tpu.memory_space<vmem>> -> memref<40xi32, #tpu.memory_space<vmem>>
    %dma_wait3A_320 = arith.constant 0 : i32
    %dma_wait3A_321 = arith.constant 0 : i32
    %dma_wait3A_322 = tpu.memref_slice %arg14[%dma_wait3A_320, %dma_wait3A_321] : memref<10240x128xf32, #tpu.memory_space<vmem_shared>> -> memref<10240x128xf32, #tpu.memory_space<vmem_shared>>
    tpu.wait_indirect_dma semaphore(%arg25 : memref<!tpu.dma_semaphore, #tpu.memory_space<semaphore_mem>>) src(%arg10 : memref<40x128xf32, #tpu.memory_space<vmem>>) dst(%dma_wait3A_322 : memref<10240x128xf32, #tpu.memory_space<vmem_shared>>)
    %dma_wait3A_323 = arith.constant 4 : i32
    %dma_wait3A_324 = arith.constant 0 : i32
    %dma_wait3A_325 = tpu.memref_slice %arg6[%dma_wait3A_323, %dma_wait3A_324] : memref<7x40xi32, #tpu.memory_space<vmem>> -> memref<1x40xi32, #tpu.memory_space<vmem>>
    %dma_wait3A_326 = tpu.memref_squeeze %dma_wait3A_325 : memref<1x40xi32, #tpu.memory_space<vmem>> -> memref<40xi32, #tpu.memory_space<vmem>>
    %dma_wait3A_327 = arith.constant 0 : i32
    %dma_wait3A_328 = arith.constant 0 : i32
    %dma_wait3A_329 = tpu.memref_slice %arg14[%dma_wait3A_327, %dma_wait3A_328] : memref<10240x128xf32, #tpu.memory_space<vmem_shared>> -> memref<10240x128xf32, #tpu.memory_space<vmem_shared>>
    tpu.wait_indirect_dma semaphore(%arg26 : memref<!tpu.dma_semaphore, #tpu.memory_space<semaphore_mem>>) src(%arg11 : memref<40x128xf32, #tpu.memory_space<vmem>>) dst(%dma_wait3A_329 : memref<10240x128xf32, #tpu.memory_space<vmem_shared>>)
    %barrier3A_330 = arith.constant 0 : index
    tpu.barrier barrier_id(%barrier3A_330)
    "tpu.region"() ({
      %run_scoped3A = tpu.sem_alloc : memref<!tpu.dma_semaphore, #tpu.memory_space<semaphore_mem>>
      %dma_start3A_331 = arith.constant 0 : i32
      %dma_start3A_332 = tpu.memref_slice %arg4[%arg0, %mul3A_10, %dma_start3A_331] : memref<2x10240x128xf32, #tpu.memory_space<hbm>> -> memref<1x640x128xf32, #tpu.memory_space<hbm>>
      %dma_start3A_333 = tpu.memref_squeeze %dma_start3A_332 : memref<1x640x128xf32, #tpu.memory_space<hbm>> -> memref<640x128xf32, #tpu.memory_space<hbm>>
      %dma_start3A_334 = arith.constant 0 : i32
      %dma_start3A_335 = tpu.memref_slice %arg14[%mul3A_10, %dma_start3A_334] : memref<10240x128xf32, #tpu.memory_space<vmem_shared>> -> memref<640x128xf32, #tpu.memory_space<vmem_shared>>
      tpu.enqueue_dma source(%dma_start3A_335 : memref<640x128xf32, #tpu.memory_space<vmem_shared>>) target(%dma_start3A_333 : memref<640x128xf32, #tpu.memory_space<hbm>>) target_semaphore(%run_scoped3A : memref<!tpu.dma_semaphore, #tpu.memory_space<semaphore_mem>>)
      %dma_wait3A_336 = arith.constant 0 : i32
      %dma_wait3A_337 = tpu.memref_slice %arg4[%arg0, %mul3A_10, %dma_wait3A_336] : memref<2x10240x128xf32, #tpu.memory_space<hbm>> -> memref<1x640x128xf32, #tpu.memory_space<hbm>>
      %dma_wait3A_338 = tpu.memref_squeeze %dma_wait3A_337 : memref<1x640x128xf32, #tpu.memory_space<hbm>> -> memref<640x128xf32, #tpu.memory_space<hbm>>
      %dma_wait3A_339 = arith.constant 0 : i32
      %dma_wait3A_340 = tpu.memref_slice %arg14[%mul3A_10, %dma_wait3A_339] : memref<10240x128xf32, #tpu.memory_space<vmem_shared>> -> memref<640x128xf32, #tpu.memory_space<vmem_shared>>
      tpu.wait_dma2 semaphore(%run_scoped3A : memref<!tpu.dma_semaphore, #tpu.memory_space<semaphore_mem>>) src(%dma_wait3A_340 : memref<640x128xf32, #tpu.memory_space<vmem_shared>>) dst(%dma_wait3A_338 : memref<640x128xf32, #tpu.memory_space<hbm>>)
      tpu.yield
    }) : () -> ()
    return
  }
}

module attributes {stable_mosaic.version = 14 : i64} {
  func.func @_mm1_body(%arg0: i32, %arg1: memref<1000x128xf32, #tpu.memory_space<vmem>>, %arg2: memref<128x128xf32, #tpu.memory_space<vmem>>, %arg3: memref<1000x128xf32, #tpu.memory_space<vmem>>, %arg4: memref<1000x128xf32, #tpu.memory_space<vmem>>) attributes {dimension_semantics = [#tpu.dimension_semantics<arbitrary>], iteration_bounds = array<i64: 10>, scalar_prefetch = 0 : i64, scratch_operands = 0 : i64, tpu.core_type = #tpu.core_type<tc>, window_params = [{transform_indices = @transform_0, window_bounds = array<i64: 1000, 128>}, {pipeline_mode = #tpu.pipeline_mode<synchronous>, transform_indices = @transform_1, window_bounds = array<i64: 128, 128>}, {transform_indices = @transform_2, window_bounds = array<i64: 1000, 128>}, {transform_indices = @transform_3, window_bounds = array<i64: 1000, 128>}]} {
    %get3A = arith.constant 0 : index
    %get3A_0 = arith.constant 0 : index
    %get3A_1 = vector.load %arg1[%get3A, %get3A_0] : memref<1000x128xf32, #tpu.memory_space<vmem>>, vector<1000x128xf32>
    %get3A_2 = arith.constant 0 : index
    %get3A_3 = arith.constant 0 : index
    %get3A_4 = vector.load %arg2[%get3A_2, %get3A_3] : memref<128x128xf32, #tpu.memory_space<vmem>>, vector<128x128xf32>
    %dot_general3A = arith.constant dense<0.000000e+00> : vector<1000x128xf32>
    %dot_general3A_5 = tpu.matmul %get3A_1, %get3A_4, %dot_general3A {dimension_numbers = #tpu.dot_dimension_numbers<[1], [0], [0], [1], [0, 0, 1, 1], [], []>, precision = #tpu.contract_precision<fp32>, transpose_lhs_hint = false} : vector<1000x128xf32>, vector<128x128xf32>, vector<1000x128xf32> -> vector<1000x128xf32>
    %get3A_6 = arith.constant 0 : index
    %get3A_7 = arith.constant 0 : index
    %get3A_8 = vector.load %arg3[%get3A_6, %get3A_7] : memref<1000x128xf32, #tpu.memory_space<vmem>>, vector<1000x128xf32>
    %mul3A = arith.mulf %get3A_8, %dot_general3A_5 : vector<1000x128xf32>
    %swap3A = arith.constant 0 : index
    %swap3A_9 = arith.constant 0 : index
    %swap3A_10 = vector.load %arg4[%swap3A, %swap3A_9] : memref<1000x128xf32, #tpu.memory_space<vmem>>, vector<1000x128xf32>
    tpu.vector_store %arg4[%swap3A, %swap3A_9], %mul3A {strides = array<i32>} : memref<1000x128xf32, #tpu.memory_space<vmem>>, vector<1000x128xf32>,
    return
  }
  func.func @transform_0(%arg0: i32) -> (i32, i32) {
    %c0_i32 = arith.constant 0 : i32
    %c0_i32_0 = arith.constant 0 : i32
    return %arg0, %c0_i32 : i32, i32
  }
  func.func @transform_1(%arg0: i32) -> (i32, i32) {
    %c0_i32 = arith.constant 0 : i32
    %c0_i32_0 = arith.constant 0 : i32
    %c0_i32_1 = arith.constant 0 : i32
    return %c0_i32, %c0_i32_0 : i32, i32
  }
  func.func @transform_2(%arg0: i32) -> (i32, i32) {
    %c0_i32 = arith.constant 0 : i32
    %c0_i32_0 = arith.constant 0 : i32
    return %arg0, %c0_i32 : i32, i32
  }
  func.func @transform_3(%arg0: i32) -> (i32, i32) {
    %c0_i32 = arith.constant 0 : i32
    %c0_i32_0 = arith.constant 0 : i32
    return %arg0, %c0_i32 : i32, i32
  }
}

module attributes {stable_mosaic.version = 14 : i64} {
  func.func @_mm2_body(%arg0: i32, %arg1: memref<2x1000x128xf32, #tpu.memory_space<vmem>>, %arg2: memref<1000x128xf32, #tpu.memory_space<vmem>>, %arg3: memref<1000x128xf32, #tpu.memory_space<vmem>>, %arg4: memref<1x128xf32, #tpu.memory_space<vmem>>, %arg5: memref<128x128xf32, #tpu.memory_space<vmem>>, %arg6: memref<1000x128xf32, #tpu.memory_space<vmem>>) attributes {dimension_semantics = [#tpu.dimension_semantics<arbitrary>], iteration_bounds = array<i64: 10>, scalar_prefetch = 0 : i64, scratch_operands = 0 : i64, tpu.core_type = #tpu.core_type<tc>, window_params = [{transform_indices = @transform_0, window_bounds = array<i64: 2, 1000, 128>}, {transform_indices = @transform_1, window_bounds = array<i64: 1000, 128>}, {transform_indices = @transform_2, window_bounds = array<i64: 1000, 128>}, {pipeline_mode = #tpu.pipeline_mode<synchronous>, transform_indices = @transform_3, window_bounds = array<i64: 1, 128>}, {pipeline_mode = #tpu.pipeline_mode<synchronous>, transform_indices = @transform_4, window_bounds = array<i64: 128, 128>}, {transform_indices = @transform_5, window_bounds = array<i64: 1000, 128>}]} {
    %get3A = arith.constant 0 : index
    %get3A_0 = arith.constant 0 : index
    %get3A_1 = vector.load %arg3[%get3A, %get3A_0] : memref<1000x128xf32, #tpu.memory_space<vmem>>, vector<1000x128xf32>
    %get3A_2 = arith.constant 0 : index
    %get3A_3 = arith.constant 0 : index
    %get3A_4 = arith.constant 0 : index
    %get3A_5 = vector.load %arg1[%get3A_2, %get3A_3, %get3A_4] : memref<2x1000x128xf32, #tpu.memory_space<vmem>>, vector<1x1000x128xf32>
    %get3A_6 = vector.shape_cast %get3A_5 : vector<1x1000x128xf32> to vector<1000x128xf32>
    %get3A_7 = arith.constant 1 : index
    %get3A_8 = arith.constant 0 : index
    %get3A_9 = arith.constant 0 : index
    %get3A_10 = vector.load %arg1[%get3A_7, %get3A_8, %get3A_9] : memref<2x1000x128xf32, #tpu.memory_space<vmem>>, vector<1x1000x128xf32>
    %get3A_11 = vector.shape_cast %get3A_10 : vector<1x1000x128xf32> to vector<1000x128xf32>
    %add3A = arith.addf %get3A_6, %get3A_11 : vector<1000x128xf32>
    %get3A_12 = arith.constant 0 : index
    %get3A_13 = arith.constant 0 : index
    %get3A_14 = vector.load %arg2[%get3A_12, %get3A_13] : memref<1000x128xf32, #tpu.memory_space<vmem>>, vector<1000x128xf32>
    %add3A_15 = arith.addf %add3A, %get3A_14 : vector<1000x128xf32>
    %mul3A = arith.mulf %get3A_1, %add3A_15 : vector<1000x128xf32>
    %get3A_16 = arith.constant 0 : index
    %get3A_17 = arith.constant 0 : index
    %get3A_18 = vector.load %arg4[%get3A_16, %get3A_17] : memref<1x128xf32, #tpu.memory_space<vmem>>, vector<1x128xf32>
    %add3A_19 = vector.broadcast %get3A_18 : vector<1x128xf32> to vector<1000x128xf32>
    %add3A_20 = arith.addf %mul3A, %add3A_19 : vector<1000x128xf32>
    %max3A = arith.constant 0.000000e+00 : f32
    %max3A_21 = vector.broadcast %max3A : f32 to vector<1000x128xf32>
    %max3A_22 = arith.maximumf %add3A_20, %max3A_21 : vector<1000x128xf32>
    %get3A_23 = arith.constant 0 : index
    %get3A_24 = arith.constant 0 : index
    %get3A_25 = vector.load %arg5[%get3A_23, %get3A_24] : memref<128x128xf32, #tpu.memory_space<vmem>>, vector<128x128xf32>
    %dot_general3A = arith.constant dense<0.000000e+00> : vector<1000x128xf32>
    %dot_general3A_26 = tpu.matmul %max3A_22, %get3A_25, %dot_general3A {dimension_numbers = #tpu.dot_dimension_numbers<[1], [0], [0], [1], [0, 0, 1, 1], [], []>, precision = #tpu.contract_precision<fp32>, transpose_lhs_hint = false} : vector<1000x128xf32>, vector<128x128xf32>, vector<1000x128xf32> -> vector<1000x128xf32>
    %mul3A_27 = arith.mulf %get3A_1, %dot_general3A_26 : vector<1000x128xf32>
    %swap3A = arith.constant 0 : index
    %swap3A_28 = arith.constant 0 : index
    %swap3A_29 = vector.load %arg6[%swap3A, %swap3A_28] : memref<1000x128xf32, #tpu.memory_space<vmem>>, vector<1000x128xf32>
    tpu.vector_store %arg6[%swap3A, %swap3A_28], %mul3A_27 {strides = array<i32>} : memref<1000x128xf32, #tpu.memory_space<vmem>>, vector<1000x128xf32>,
    return
  }
  func.func @transform_0(%arg0: i32) -> (i32, i32, i32) {
    %c0_i32 = arith.constant 0 : i32
    %c0_i32_0 = arith.constant 0 : i32
    %c0_i32_1 = arith.constant 0 : i32
    return %c0_i32, %arg0, %c0_i32_0 : i32, i32, i32
  }
  func.func @transform_1(%arg0: i32) -> (i32, i32) {
    %c0_i32 = arith.constant 0 : i32
    %c0_i32_0 = arith.constant 0 : i32
    return %arg0, %c0_i32 : i32, i32
  }
  func.func @transform_2(%arg0: i32) -> (i32, i32) {
    %c0_i32 = arith.constant 0 : i32
    %c0_i32_0 = arith.constant 0 : i32
    return %arg0, %c0_i32 : i32, i32
  }
  func.func @transform_3(%arg0: i32) -> (i32, i32) {
    %c0_i32 = arith.constant 0 : i32
    %c0_i32_0 = arith.constant 0 : i32
    %c0_i32_1 = arith.constant 0 : i32
    return %c0_i32, %c0_i32_0 : i32, i32
  }
  func.func @transform_4(%arg0: i32) -> (i32, i32) {
    %c0_i32 = arith.constant 0 : i32
    %c0_i32_0 = arith.constant 0 : i32
    %c0_i32_1 = arith.constant 0 : i32
    return %c0_i32, %c0_i32_0 : i32, i32
  }
  func.func @transform_5(%arg0: i32) -> (i32, i32) {
    %c0_i32 = arith.constant 0 : i32
    %c0_i32_0 = arith.constant 0 : i32
    return %arg0, %c0_i32 : i32, i32
  }
}

module attributes {stable_mosaic.version = 14 : i64} {
  func.func @_mm3_body(%arg0: i32, %arg1: memref<2x1000x128xf32, #tpu.memory_space<vmem>>, %arg2: memref<1000x128xf32, #tpu.memory_space<vmem>>, %arg3: memref<1000x128xf32, #tpu.memory_space<vmem>>, %arg4: memref<1x128xf32, #tpu.memory_space<vmem>>, %arg5: memref<1x1x1000xi32, #tpu.memory_space<vmem>>, %arg6: memref<128x128xf32, #tpu.memory_space<vmem>>, %arg7: memref<1x128xf32, #tpu.memory_space<vmem>>, %arg8: memref<64x128xf32, #tpu.memory_space<vmem>>, %arg9: memref<64x128xf32, #tpu.memory_space<vmem>>, %arg10: memref<64x128xf32, #tpu.memory_space<vmem>>) attributes {dimension_semantics = [#tpu.dimension_semantics<arbitrary>], iteration_bounds = array<i64: 10>, scalar_prefetch = 0 : i64, scratch_operands = 2 : i64, tpu.core_type = #tpu.core_type<tc>, window_params = [{transform_indices = @transform_0, window_bounds = array<i64: 2, 1000, 128>}, {transform_indices = @transform_1, window_bounds = array<i64: 1000, 128>}, {transform_indices = @transform_2, window_bounds = array<i64: 1000, 128>}, {pipeline_mode = #tpu.pipeline_mode<synchronous>, transform_indices = @transform_3, window_bounds = array<i64: 1, 128>}, {transform_indices = @transform_4, window_bounds = array<i64: 1, 1, 1000>}, {pipeline_mode = #tpu.pipeline_mode<synchronous>, transform_indices = @transform_5, window_bounds = array<i64: 128, 128>}, {pipeline_mode = #tpu.pipeline_mode<synchronous>, transform_indices = @transform_6, window_bounds = array<i64: 1, 128>}, {pipeline_mode = #tpu.pipeline_mode<synchronous>, transform_indices = @transform_7, window_bounds = array<i64: 64, 128>}]} {
    %eq3A = arith.constant 0 : i32
    %eq3A_0 = arith.cmpi eq, %arg0, %eq3A : i32
    %convert_element_type3A = arith.extui %eq3A_0 : i1 to i32
    %cond3A = arith.constant 0 : i32
    %cond3A_1 = arith.cmpi ne, %convert_element_type3A, %cond3A : i32
    scf.if %cond3A_1 {
      %broadcast_in_dim3A_57 = arith.constant 0.000000e+00 : f32
      %broadcast_in_dim3A_58 = vector.broadcast %broadcast_in_dim3A_57 : f32 to vector<64x128xf32>
      %swap3A_59 = arith.constant 0 : index
      %swap3A_60 = arith.constant 0 : index
      %swap3A_61 = vector.load %arg9[%swap3A_59, %swap3A_60] : memref<64x128xf32, #tpu.memory_space<vmem>>, vector<64x128xf32>
      tpu.vector_store %arg9[%swap3A_59, %swap3A_60], %broadcast_in_dim3A_58 {strides = array<i32>} : memref<64x128xf32, #tpu.memory_space<vmem>>, vector<64x128xf32>,
      %broadcast_in_dim3A_62 = arith.constant 0.000000e+00 : f32
      %broadcast_in_dim3A_63 = vector.broadcast %broadcast_in_dim3A_62 : f32 to vector<64x128xf32>
      %swap3A_64 = arith.constant 0 : index
      %swap3A_65 = arith.constant 0 : index
      %swap3A_66 = vector.load %arg10[%swap3A_64, %swap3A_65] : memref<64x128xf32, #tpu.memory_space<vmem>>, vector<64x128xf32>
      tpu.vector_store %arg10[%swap3A_64, %swap3A_65], %broadcast_in_dim3A_63 {strides = array<i32>} : memref<64x128xf32, #tpu.memory_space<vmem>>, vector<64x128xf32>,
    } else {
    }
    %get3A = arith.constant 0 : index
    %get3A_2 = arith.constant 0 : index
    %get3A_3 = vector.load %arg3[%get3A, %get3A_2] : memref<1000x128xf32, #tpu.memory_space<vmem>>, vector<1000x128xf32>
    %get3A_4 = arith.constant 0 : index
    %get3A_5 = arith.constant 0 : index
    %get3A_6 = arith.constant 0 : index
    %get3A_7 = vector.load %arg1[%get3A_4, %get3A_5, %get3A_6] : memref<2x1000x128xf32, #tpu.memory_space<vmem>>, vector<1x1000x128xf32>
    %get3A_8 = vector.shape_cast %get3A_7 : vector<1x1000x128xf32> to vector<1000x128xf32>
    %get3A_9 = arith.constant 1 : index
    %get3A_10 = arith.constant 0 : index
    %get3A_11 = arith.constant 0 : index
    %get3A_12 = vector.load %arg1[%get3A_9, %get3A_10, %get3A_11] : memref<2x1000x128xf32, #tpu.memory_space<vmem>>, vector<1x1000x128xf32>
    %get3A_13 = vector.shape_cast %get3A_12 : vector<1x1000x128xf32> to vector<1000x128xf32>
    %add3A = arith.addf %get3A_8, %get3A_13 : vector<1000x128xf32>
    %get3A_14 = arith.constant 0 : index
    %get3A_15 = arith.constant 0 : index
    %get3A_16 = vector.load %arg2[%get3A_14, %get3A_15] : memref<1000x128xf32, #tpu.memory_space<vmem>>, vector<1000x128xf32>
    %add3A_17 = arith.addf %add3A, %get3A_16 : vector<1000x128xf32>
    %mul3A = arith.mulf %get3A_3, %add3A_17 : vector<1000x128xf32>
    %get3A_18 = arith.constant 0 : index
    %get3A_19 = arith.constant 0 : index
    %get3A_20 = vector.load %arg4[%get3A_18, %get3A_19] : memref<1x128xf32, #tpu.memory_space<vmem>>, vector<1x128xf32>
    %add3A_21 = vector.broadcast %get3A_20 : vector<1x128xf32> to vector<1000x128xf32>
    %add3A_22 = arith.addf %mul3A, %add3A_21 : vector<1000x128xf32>
    %max3A = arith.constant 0.000000e+00 : f32
    %max3A_23 = vector.broadcast %max3A : f32 to vector<1000x128xf32>
    %max3A_24 = arith.maximumf %add3A_22, %max3A_23 : vector<1000x128xf32>
    %get3A_25 = arith.constant 0 : index
    %get3A_26 = arith.constant 0 : index
    %get3A_27 = arith.constant 0 : index
    %get3A_28 = vector.load %arg5[%get3A_25, %get3A_26, %get3A_27] : memref<1x1x1000xi32, #tpu.memory_space<vmem>>, vector<1x1x1000xi32>
    %get3A_29 = vector.shape_cast %get3A_28 : vector<1x1x1000xi32> to vector<1x1000xi32>
    %iota3A = tpu.iota {dimensions = array<i32: 0>} : vector<64x1xi32>
    %eq3A_30 = vector.broadcast %get3A_29 : vector<1x1000xi32> to vector<64x1000xi32>
    %eq3A_31 = vector.broadcast %iota3A : vector<64x1xi32> to vector<64x1000xi32>
    %eq3A_32 = arith.cmpi eq, %eq3A_30, %eq3A_31 : vector<64x1000xi32>
    %convert_element_type3A_33 = arith.extui %eq3A_32 : vector<64x1000xi1> to vector<64x1000xi32>
    %convert_element_type3A_34 = arith.sitofp %convert_element_type3A_33 : vector<64x1000xi32> to vector<64x1000xf32>
    %get3A_35 = arith.constant 0 : index
    %get3A_36 = arith.constant 0 : index
    %get3A_37 = vector.load %arg9[%get3A_35, %get3A_36] : memref<64x128xf32, #tpu.memory_space<vmem>>, vector<64x128xf32>
    %dot_general3A = arith.constant dense<0.000000e+00> : vector<64x128xf32>
    %dot_general3A_38 = tpu.matmul %convert_element_type3A_34, %max3A_24, %dot_general3A {dimension_numbers = #tpu.dot_dimension_numbers<[1], [0], [0], [1], [0, 0, 1, 1], [], []>, precision = #tpu.contract_precision<fp32>, transpose_lhs_hint = false} : vector<64x1000xf32>, vector<1000x128xf32>, vector<64x128xf32> -> vector<64x128xf32>
    %add3A_39 = arith.addf %get3A_37, %dot_general3A_38 : vector<64x128xf32>
    %swap3A = arith.constant 0 : index
    %swap3A_40 = arith.constant 0 : index
    %swap3A_41 = vector.load %arg9[%swap3A, %swap3A_40] : memref<64x128xf32, #tpu.memory_space<vmem>>, vector<64x128xf32>
    tpu.vector_store %arg9[%swap3A, %swap3A_40], %add3A_39 {strides = array<i32>} : memref<64x128xf32, #tpu.memory_space<vmem>>, vector<64x128xf32>,
    %get3A_42 = arith.constant 0 : index
    %get3A_43 = arith.constant 0 : index
    %get3A_44 = vector.load %arg10[%get3A_42, %get3A_43] : memref<64x128xf32, #tpu.memory_space<vmem>>, vector<64x128xf32>
    %broadcast_in_dim3A = arith.constant 1.000000e+00 : f32
    %broadcast_in_dim3A_45 = vector.broadcast %broadcast_in_dim3A : f32 to vector<1000x128xf32>
    %dot_general3A_46 = arith.constant dense<0.000000e+00> : vector<64x128xf32>
    %dot_general3A_47 = tpu.matmul %convert_element_type3A_34, %broadcast_in_dim3A_45, %dot_general3A_46 {dimension_numbers = #tpu.dot_dimension_numbers<[1], [0], [0], [1], [0, 0, 1, 1], [], []>, precision = #tpu.contract_precision<fp32>, transpose_lhs_hint = false} : vector<64x1000xf32>, vector<1000x128xf32>, vector<64x128xf32> -> vector<64x128xf32>
    %add3A_48 = arith.addf %get3A_44, %dot_general3A_47 : vector<64x128xf32>
    %swap3A_49 = arith.constant 0 : index
    %swap3A_50 = arith.constant 0 : index
    %swap3A_51 = vector.load %arg10[%swap3A_49, %swap3A_50] : memref<64x128xf32, #tpu.memory_space<vmem>>, vector<64x128xf32>
    tpu.vector_store %arg10[%swap3A_49, %swap3A_50], %add3A_48 {strides = array<i32>} : memref<64x128xf32, #tpu.memory_space<vmem>>, vector<64x128xf32>,
    %eq3A_52 = arith.constant 9 : i32
    %eq3A_53 = arith.cmpi eq, %arg0, %eq3A_52 : i32
    %convert_element_type3A_54 = arith.extui %eq3A_53 : i1 to i32
    %cond3A_55 = arith.constant 0 : i32
    %cond3A_56 = arith.cmpi ne, %convert_element_type3A_54, %cond3A_55 : i32
    scf.if %cond3A_56 {
      %get3A_57 = arith.constant 0 : index
      %get3A_58 = arith.constant 0 : index
      %get3A_59 = vector.load %arg9[%get3A_57, %get3A_58] : memref<64x128xf32, #tpu.memory_space<vmem>>, vector<64x128xf32>
      %get3A_60 = arith.constant 0 : index
      %get3A_61 = arith.constant 0 : index
      %get3A_62 = vector.load %arg10[%get3A_60, %get3A_61] : memref<64x128xf32, #tpu.memory_space<vmem>>, vector<64x128xf32>
      %max3A_63 = arith.constant 1.000000e+00 : f32
      %max3A_64 = vector.broadcast %max3A_63 : f32 to vector<64x128xf32>
      %max3A_65 = arith.maximumf %get3A_62, %max3A_64 : vector<64x128xf32>
      %div3A = arith.divf %get3A_59, %max3A_65 : vector<64x128xf32>
      %get3A_66 = arith.constant 0 : index
      %get3A_67 = arith.constant 0 : index
      %get3A_68 = vector.load %arg6[%get3A_66, %get3A_67] : memref<128x128xf32, #tpu.memory_space<vmem>>, vector<128x128xf32>
      %dot_general3A_69 = arith.constant dense<0.000000e+00> : vector<64x128xf32>
      %dot_general3A_70 = tpu.matmul %div3A, %get3A_68, %dot_general3A_69 {dimension_numbers = #tpu.dot_dimension_numbers<[1], [0], [0], [1], [0, 0, 1, 1], [], []>, precision = #tpu.contract_precision<fp32>, transpose_lhs_hint = false} : vector<64x128xf32>, vector<128x128xf32>, vector<64x128xf32> -> vector<64x128xf32>
      %get3A_71 = arith.constant 0 : index
      %get3A_72 = arith.constant 0 : index
      %get3A_73 = vector.load %arg7[%get3A_71, %get3A_72] : memref<1x128xf32, #tpu.memory_space<vmem>>, vector<1x128xf32>
      %add3A_74 = vector.broadcast %get3A_73 : vector<1x128xf32> to vector<64x128xf32>
      %add3A_75 = arith.addf %dot_general3A_70, %add3A_74 : vector<64x128xf32>
      %swap3A_76 = arith.constant 0 : index
      %swap3A_77 = arith.constant 0 : index
      %swap3A_78 = vector.load %arg8[%swap3A_76, %swap3A_77] : memref<64x128xf32, #tpu.memory_space<vmem>>, vector<64x128xf32>
      tpu.vector_store %arg8[%swap3A_76, %swap3A_77], %add3A_75 {strides = array<i32>} : memref<64x128xf32, #tpu.memory_space<vmem>>, vector<64x128xf32>,
    } else {
    }
    return
  }
  func.func @transform_0(%arg0: i32) -> (i32, i32, i32) {
    %c0_i32 = arith.constant 0 : i32
    %c0_i32_0 = arith.constant 0 : i32
    %c0_i32_1 = arith.constant 0 : i32
    return %c0_i32, %arg0, %c0_i32_0 : i32, i32, i32
  }
  func.func @transform_1(%arg0: i32) -> (i32, i32) {
    %c0_i32 = arith.constant 0 : i32
    %c0_i32_0 = arith.constant 0 : i32
    return %arg0, %c0_i32 : i32, i32
  }
  func.func @transform_2(%arg0: i32) -> (i32, i32) {
    %c0_i32 = arith.constant 0 : i32
    %c0_i32_0 = arith.constant 0 : i32
    return %arg0, %c0_i32 : i32, i32
  }
  func.func @transform_3(%arg0: i32) -> (i32, i32) {
    %c0_i32 = arith.constant 0 : i32
    %c0_i32_0 = arith.constant 0 : i32
    %c0_i32_1 = arith.constant 0 : i32
    return %c0_i32, %c0_i32_0 : i32, i32
  }
  func.func @transform_4(%arg0: i32) -> (i32, i32, i32) {
    %c0_i32 = arith.constant 0 : i32
    %c0_i32_0 = arith.constant 0 : i32
    %c0_i32_1 = arith.constant 0 : i32
    return %arg0, %c0_i32, %c0_i32_0 : i32, i32, i32
  }
  func.func @transform_5(%arg0: i32) -> (i32, i32) {
    %c0_i32 = arith.constant 0 : i32
    %c0_i32_0 = arith.constant 0 : i32
    %c0_i32_1 = arith.constant 0 : i32
    return %c0_i32, %c0_i32_0 : i32, i32
  }
  func.func @transform_6(%arg0: i32) -> (i32, i32) {
    %c0_i32 = arith.constant 0 : i32
    %c0_i32_0 = arith.constant 0 : i32
    %c0_i32_1 = arith.constant 0 : i32
    return %c0_i32, %c0_i32_0 : i32, i32
  }
  func.func @transform_7(%arg0: i32) -> (i32, i32) {
    %c0_i32 = arith.constant 0 : i32
    %c0_i32_0 = arith.constant 0 : i32
    %c0_i32_1 = arith.constant 0 : i32
    return %c0_i32, %c0_i32_0 : i32, i32
  }
}

</mosaic_0001>

<sc_bundles>
// kernel: kernel.11.cloned.1.call-start
scs
__scs_entry_jumppad:
0x0: {  	(pc) =	sbr.rel $0x88, $3  }
0x1: {  	(tag) =	ssettag $0x0;
	lr =	simm.s32 $0x1  }
0x2: {  	[smem:$0x3F98] =	sst lr;
	_ =	strace $0xD0000000  }
0x3: {  	_ = 	snop  }
0x4: {  	_ = 	snop  }
0x5: {  	_ = 	snop  }
0x6: {  	_ = 	snop  }
0x7: {  	_ = 	snop  }
__scs_overlays_trampoline_lowered:
0x8: {  	[smem:$0x3FA7] =	sst s0  }
0x9: {  	[smem:$0x3FA8] =	sst s1  }
0xa: {  	[smem:$0x3FA9] =	sst s2  }
0xb: {  	[smem:$0x3FAA] =	sst s3  }
0xc: {  	[smem:$0x3FAB] =	sst s4  }
0xd: {  	[smem:$0x3FAC] =	sst s5  }
0xe: {  	[smem:$0x3FAD] =	sst s6  }
0xf: {  	[smem:$0x3FAE] =	sst s7  }
0x10: {  	[smem:$0x3FAF] =	sst s8  }
0x11: {  	[smem:$0x3FB0] =	sst s9;
	s0 =	simm.s32 @!p0 $0x0  }
0x12: {  	s1 =	sld [smem:$0x3F96];
	s0 =	simm.s32 @p0 $0x1  }
0x13: {  	[smem:$0x3FB1] =	sst s0;
	s0 =	simm.s32 @!p1 $0x0  }
0x14: {  	s2 =	sld [smem:$0x3F95];
	s0 =	simm.s32 @p1 $0x1  }
0x15: {  	[smem:$0x3FB2] =	sst s0;
	s0 =	simm.s32 @!p2 $0x0  }
0x16: {  	s3 =	sld [smem:$0x3FDB];
	s0 =	simm.s32 @p2 $0x1  }
0x17: {  	s4 =	simm.s32 $0x1BF5;
	[smem:$0x3FB4] =	sst s0  }
0x18: {  	s0 =	sld [smem:$0x3F97];
	_ =	swait.ge [sflag:s4], $0x0  }
0x19: {  	s7 =	sld [smem:$0x3F98]  }
0x1a: {  	s8 =	sadd.s32 $0xFFFFE003, lr  }
0x1b: {  	s9 =	sadd.s32 $0xFFFFFEF7, lr;
	s5 =	simm.s32 $0xFFFFFFFF;
	p2 =	slt.u32 s8, $0xFFFFF086  }
0x1c: {  	p1 =	slt.u32 s9, $0xF7A;
	s5 =	simm.s32 @!p2 $0x0  }
0x1d: {  	s5 =	simm.s32 @p1 $0x1;
	p0 =	seq.s32 s7, s2  }
0x1e: {  	s7 =	smul.u32 @!p0 $0xF7A, s2;
	p2 =	seq.s32 @!p0 s5, $0x0  }
0x1f: {  	s9 =	smul.u32 $0xF7A, s1;
	s8 =	simm.s32 @!p0 $0x1BF5;
	p2 =	por !p2, p0  }
0x20: {  	[sflag:s8] =	ssyncset.s32 @!p0 $0xFFFFF086;
	s6 =	sadd.s32 @!p0 s3, s7;
	s7 =	simm.s32 @!p0 $0x108  }
0x21: {  	s3 =	sadd.s32 s3, s9;
	s6 =	sadd.s32 @!p0 $0x88, s6;
	s7 =	simm.s32 @p2 $0x1082  }
0x22: {  	[simem:s7], [sflag:s8] =	dma.local @!p0 [hbm:s6], $0xF7A  }
0x23: {  	s9 =	sor.u32 $0xD0000000, s2;
	s6 =	simm.s32 $0x108;
	_ =	swait.ge @!p0 [sflag:s8], $0x0  }
0x24: {  	s3 =	sadd.s32 $0x88, s3;
	s6 =	simm.s32 @!p1 $0x1082;
	[sflag:s4] =	ssyncset.s32 $0xFFFFF086  }
0x25: {  	[simem:s6], [sflag:s4] =	dma.local [hbm:s3], $0xF7A  }
0x26: {  	[smem:$0x3F98] =	sst s1;
	(tag) =	ssettag s2;
	_ =	strace s9  }
0x27: {  	s1 =	sld [smem:$0x3FA8]  }
0x28: {  	s2 =	sld [smem:$0x3FA9]  }
0x29: {  	s4 =	sld [smem:$0x3FAB]  }
0x2a: {  	p0 =	seq.s32 s5, $0x0;
	s5 =	sld [smem:$0x3FAC]  }
0x2b: {  	s6 =	sld [smem:$0x3FAD]  }
0x2c: {  	s7 =	sld [smem:$0x3FAE]  }
0x2d: {  	s3 =	simm.s32 $0x108;
	s8 =	sld [smem:$0x3FAF]  }
0x2e: {  	s3 =	simm.s32 @!p0 $0x1082;
	s9 =	sld [smem:$0x3FB0]  }
0x2f: {  	lr =	sadd.s32 s0, s3;
	s0 =	sld [smem:$0x3FA7]  }
0x30: {  	s3 =	sld [smem:$0x3FAA]  }
0x31: {  	[smem:$0x3FB3] =	sst s10  }
0x32: {  	s10 =	sld [smem:$0x3FB1];
	_ =	sdelay $0x3  }
0x33: {  	p0 =	seq.s32 s10, $0x1;
	s10 =	sld [smem:$0x3FB3];
	_ =	sdelay $0x3  }
0x34: {  	[smem:$0x3FB3] =	sst s10  }
0x35: {  	s10 =	sld [smem:$0x3FB2];
	_ =	sdelay $0x3  }
0x36: {  	p1 =	seq.s32 s10, $0x1;
	s10 =	sld [smem:$0x3FB3];
	_ =	sdelay $0x3  }
0x37: {  	[smem:$0x3FB3] =	sst s10  }
0x38: {  	s10 =	sld [smem:$0x3FB4]  }
0x39: {  	_ = 	snop;
	(pc) =	sbr.ind lr, $3  }
0x3a: {  	_ = 	snop  }
0x3b: {  	_ = 	snop  }
0x3c: {  	p2 =	seq.s32 s10, $0x1;
	s10 =	sld [smem:$0x3FB3]  }
0x3d: {  	_ =	shalt  }
0x3e: {  	_ =	shalt  }
0x3f: {  	_ =	shalt  }
0x40: {  	_ =	shalt  }
0x41: {  	_ =	shalt  }
0x42: {  	_ =	shalt  }
0x43: {  	_ =	shalt  }
0x44: {  	_ =	shalt  }
0x45: {  	_ =	shalt  }
0x46: {  	_ =	shalt  }
0x47: {  	_ =	shalt  }
0x48: {  	_ =	shalt  }
0x49: {  	_ =	shalt  }
0x4a: {  	_ =	shalt  }
0x4b: {  	_ =	shalt  }
0x4c: {  	_ =	shalt  }
0x4d: {  	_ =	shalt  }
0x4e: {  	_ =	shalt  }
0x4f: {  	_ =	shalt  }
0x50: {  	_ =	shalt  }
0x51: {  	_ =	shalt  }
0x52: {  	_ =	shalt  }
0x53: {  	_ =	shalt  }
0x54: {  	_ =	shalt  }
0x55: {  	_ =	shalt  }
0x56: {  	_ =	shalt  }
0x57: {  	_ =	shalt  }
0x58: {  	_ =	shalt  }
0x59: {  	_ =	shalt  }
0x5a: {  	_ =	shalt  }
0x5b: {  	_ =	shalt  }
0x5c: {  	_ =	shalt  }
0x5d: {  	_ =	shalt  }
0x5e: {  	_ =	shalt  }
0x5f: {  	_ =	shalt  }
0x60: {  	_ =	shalt  }
0x61: {  	_ =	shalt  }
0x62: {  	_ =	shalt  }
0x63: {  	_ =	shalt  }
0x64: {  	_ =	shalt  }
0x65: {  	_ =	shalt  }
0x66: {  	_ =	shalt  }
0x67: {  	_ =	shalt  }
0x68: {  	_ =	shalt  }
0x69: {  	_ =	shalt  }
0x6a: {  	_ =	shalt  }
0x6b: {  	_ =	shalt  }
0x6c: {  	_ =	shalt  }
0x6d: {  	_ =	shalt  }
0x6e: {  	_ =	shalt  }
0x6f: {  	_ =	shalt  }
0x70: {  	_ =	shalt  }
0x71: {  	_ =	shalt  }
0x72: {  	_ =	shalt  }
0x73: {  	_ =	shalt  }
0x74: {  	_ =	shalt  }
0x75: {  	_ =	shalt  }
0x76: {  	_ =	shalt  }
0x77: {  	_ =	shalt  }
0x78: {  	_ =	shalt  }
0x79: {  	_ =	shalt  }
0x7a: {  	_ =	shalt  }
0x7b: {  	_ =	shalt  }
0x7c: {  	_ =	shalt  }
0x7d: {  	_ =	shalt  }
0x7e: {  	_ =	shalt  }
0x7f: {  	_ =	shalt  }
0x80: {  	_ =	shalt  }
0x81: {  	_ =	shalt  }
0x82: {  	_ =	shalt  }
0x83: {  	_ =	shalt  }
0x84: {  	_ =	shalt  }
0x85: {  	_ =	shalt  }
0x86: {  	_ =	shalt  }
0x87: {  	_ =	shalt  }
.Lfunc_end0:
.L_simem_size_0:
called_computation.1_lowered:
.L_overlay_start_0:
0x88: {  	s2 =	sld [smem:$0x3FD9]  }
0x89: {  	s3 =	sld [smem:$0x3FFE];
	_ =	sdelay $0x1  }
0x8a: {  	s1 =	srdreg.scid  }
0x8b: {  	s0 =	sand.u32 $0x1, s1  }
0x8c: {  	s16 =	sshll.u32 s0, $0xA;
	s2 =	sadd.s32 s3, s2  }
0x8d: {  	s2 =	sadd.s32 s2, s16  }
0x8e: {  	[smem:$0x3FBF] =	sst s2  }
0x8f: {  	_ = 	snop  }
0x90: {  	(tm) =	ssettm $0x1  }
0x91: {  	s17 =	sld [smem:$0x3FFB];
	_ =	sdelay $0x3  }
0x92: {  	_ =	strace s17  }
0x93: {  	s2 =	sld [smem:$0x3FFC];
	_ =	sdelay $0x3  }
0x94: {  	_ =	strace s2  }
0x95: {  	s2 =	sld [smem:$0x3FFD];
	_ =	sdelay $0x3  }
0x96: {  	_ =	strace s2  }
0x97: {  	_ =	strace $0x8FFFFFFF  }
0x98: {  	s18 =	sld [smem:$0x3FDB];
	_ =	sdelay $0x1  }
0x99: {  	s19 =	simm.s32 $_scs_section_size  }
0x9a: {  	s4 =	simm.s32 $_size__tile_overlayer_lowered;
	s5 =	simm.s32 $_tile_overlayer_lowered  }
0x9b: {  	s22 =	simm.s32 $0x1BFF;
	s21 =	sshll.u32 s5, $0x1;
	s2 =	sadd.s32 s19, s18  }
0x9c: {  	s6 =	simm.s32 $0x0;
	s20 =	sshll.u32 s4, $0x1;
	s4 =	sadd.s32 s21, s2  }
0x9d: {  	[timem:s6], [sflag:s22] =	dma.local [hbm:s4], s20  }
0x9e: {  	_ =	swait.ge [sflag:s22], s20  }
0x9f: {  	s3 =	ssub.s32 $0x0, s20;
	[sflag:s22] =	ssyncset.done $0x0  }
0xa0: {  	[sflag:s22] =	ssyncadd.s32 s3;
	_ =	sdelay $0x1  }
0xa1: {  	s23 =	simm.s32 $0x1B8B  }
0xa2: {  	_ =	swait.ge [sflag:s23], $0x1  }
0xa3: {  	[sflag:s23] =	ssyncset.done $0x0  }
0xa4: {  	s25 =	simm.s32 $0x1B8E;
	s24 =	sld [smem:$0x3FFE];
	[sflag:s23] =	ssyncadd.s32 $0xFFFFFFFF  }
0xa5: {  	s26 =	simm.s32 $execute0_lowered;
	[smem:$0x3FD2] =	sst s25  }
0xa6: {  	s4 =	sshll.u32 s26, $0x1;
	_ =	strace $0x80000049;
	[dreg:$0x1] =	wrdreg $0xFFFFFFFF  }
0xa7: {  	s28 =	simm.s32 $_size_execute0_lowered;
	s2 =	sadd.s32 s2, s4;
	[dreg:$0x0] =	wrdreg $0x0  }
0xa8: {  	s4 =	sshll.u32 s28, $0x1;
	[dreg:$0x2] =	wrdreg s2  }
0xa9: {  	[dreg:$0x3] =	wrdreg s4  }
0xaa: {  	[dreg:$0x4] =	wrdreg $0xC0  }
0xab: {  	_ =	task [dreg:s6], $0x5FFFF  }
0xac: {  	[dreg:$0x1] =	wrdreg $0xFFFFFFFF  }
0xad: {  	[dreg:$0x0] =	wrdreg $0x60  }
0xae: {  	[dreg:$0x2] =	wrdreg s24  }
0xaf: {  	[dreg:$0x3] =	wrdreg $0xB7800  }
0xb0: {  	[dreg:$0x4] =	wrdreg $0x9  }
0xb1: {  	_ =	task.clear_ibuf [dreg:s6], $0x5FFFF;
	_ =	strace $0x90000049  }
0xb2: {  	s29 =	simm.s32 $0x9;
	_ =	strace $0x8000004B  }
0xb3: {  	_ =	swait.ge [sflag:s29], $0x1  }
0xb4: {  	[sflag:s29] =	ssyncadd.s32 $0xFFFFFFFF  }
0xb5: {  	_ =	strace $0x9000004B  }
0xb6: {  	_ =	sfence  }
0xb7: {  	s30 =	sld [smem:$0x0];
	_ =	sdelay $0x2  }
0xb8: {  	s31 =	sshll.u32 s1, $0xD;
	s1 =	sshrl.u32 s1, $0x2  }
0xb9: {  	s3 =	sand.u32 $0x4000, s31;
	s1 =	sadd.s32 s1, s30  }
0xba: {  	s0 =	sor.u32 s3, s0;
	s1 =	sshll.u32 s1, $0x11  }
0xbb: {  	s0 =	sor.u32 s1, s0  }
0xbc: {  	s0 =	sadd.s32 $0x8F2B, s0  }
0xbd: {  	[sflag:s0] =	ssyncadd.remote.s32 $0x1  }
0xbe: {  	_ =	sfence.sel $0xFFFF  }
0xbf: {  	[dreg:$0x0] =	wrdreg $0xFFFFFFFF;
	(pc) =	sbr.abs _section_cstart, $3  }
0xc0: {  	[dreg:$0x1] =	wrdreg $0xFFFFFFFF  }
0xc1: {  	_ =	task.clear_ibuf [dreg:s6], $0x2FFFF;
	_ =	strace $0x9FFFFFFF  }
0xc2: {  	(tm) =	ssettm $0x7FFFFFFF  }
0xc3: {  	_ =	shalt  }
tec
execute0_lowered:
.L_overlay_start_1:
0x0: {  	(tag) =	ssettag $0x1  }
0x1: {  	s0 =	rddreg [dreg:$0x0]  }
0x2: {  	s1 =	rddreg [dreg:$0x1]  }
0x3: {  	s3 =	simm.s32 $0x0;
	s2 =	srdreg.scid;
	s10 =	stileid.u32  }
0x4: {  	s30 =	simm.s32 $0x2880;
	s31 =	simm.s32 $0x6780;
	s28 =	simm.s32 $0x2B80  }
0x5: {  	[smem:$0x7FF] =	sst s3;
	s2 =	sand.u32 $0x1, s2;
	s7 =	smul.u32 $0x14000, s10  }
0x6: {  	s4 =	sadd.s32 $0x16200, s0;
	s5 =	sadd.s32 $0x2800, s0;
	s14 =	smul.u32 $0x50000, s10  }
0x7: {  	s6 =	smul.u32 $0x140000, s2;
	_ =	strace $0x8000004A;
	s8 =	sshll.u32 s2, $0x4  }
0x8: {  	s9 =	ssub.s32 $0x2, s2;
	s13 =	sor.u32 s10, s8;
	s8 =	sshrl.u32 s14, $0x2  }
0x9: {  	s2 =	smul.u32 $0x27100, s2;
	s15 =	sshrl.u32 s9, $0x1;
	s20 =	sadd.s32 s8, s1  }
0xa: {  	s10 =	smul.u32 $0x2710, s10;
	s8 =	sadd.s32 $0x1400, s20;
	[dreg:$0x3] =	wrdreg s20  }
0xb: {  	s6 =	sadd.s32 s7, s6;
	s17 =	sadd.s32 $0x2800, s20;
	[dreg:$0x5] =	wrdreg s8  }
0xc: {  	s7 =	smul.u32 $0x2710, s13;
	s18 =	sadd.s32 $0x3C00, s20;
	[dreg:$0x6] =	wrdreg s17  }
0xd: {  	s6 =	sshrl.u32 s6, $0x3;
	s19 =	sadd.s32 $0x5000, s20;
	[dreg:$0x7] =	wrdreg s18  }
0xe: {  	s21 =	sadd.s32 $0x6400, s20;
	s22 =	sadd.s32 $0x7800, s20;
	[dreg:$0x8] =	wrdreg s19  }
0xf: {  	s23 =	sadd.s32 $0x8C00, s20;
	s24 =	sadd.s32 $0xA000, s20;
	[dreg:$0x9] =	wrdreg s21  }
0x10: {  	s25 =	sadd.s32 $0xB400, s20;
	s12 =	sadd.s32 $0xC800, s20;
	[dreg:$0xa] =	wrdreg s22  }
0x11: {  	s2 =	sadd.s32 s10, s2;
	s0 =	sadd.s32 s6, s0;
	[dreg:$0xb] =	wrdreg s23  }
0x12: {  	s6 =	ssub.s32 s9, s15;
	s16 =	sshrl.u32 s7, $0x3;
	[dreg:$0xc] =	wrdreg s24  }
0x13: {  	[dreg:$0xd] =	wrdreg s25;
	s17 =	sadd.s32 $0x4E200, s7;
	s29 =	sadd.s32 $0x4E228, s7  }
0x14: {  	[dreg:$0xe] =	wrdreg s12;
	s14 =	sadd.s32 $0x4E278, s7;
	s7 =	sadd.s32 $0x4E2C8, s7  }
0x15: {  	s2 =	sadd.s32 $0x4E2F0, s2;
	s19 =	sadd.s32 $0xDC00, s20;
	s21 =	sadd.s32 $0xF000, s20  }
0x16: {  	s22 =	sadd.s32 $0x10400, s20;
	s23 =	sadd.s32 $0x11800, s20;
	s24 =	sadd.s32 $0x12C00, s20  }
0x17: {  	s12 =	simm.s32 $0x28;
	s9 =	simm.s32 $0x13;
	[dreg:$0x16] =	wrdreg s19  }
0x18: {  	s11 =	sadd.s32 s5, s16;
	s26 =	sshrl.u32 s17, $0x3;
	[dreg:$0x17] =	wrdreg s21  }
0x19: {  	s13 =	sshrl.u32 s29, $0x3;
	s15 =	sshrl.u32 s14, $0x3;
	[dreg:$0x18] =	wrdreg s22  }
0x1a: {  	s7 =	sshrl.u32 s7, $0x3;
	s0 =	sadd.s32 $0x3D400, s0;
	[dreg:$0x19] =	wrdreg s23  }
0x1b: {  	s16 =	smax.u32 s6, $0x1;
	s18 =	sshrl.u32 s2, $0x3;
	[dreg:$0x1a] =	wrdreg s24  }
0x1c: {  	s23 =	simm.s32 $0x5380;
	s2 =	simm.s32 $0x2A00;
	[dreg:$0x13] =	wrdreg s0  }
0x1d: {  	s6 =	simm.s32 $0x12;
	s24 =	simm.s32 $0xA;
	[dreg:$0x14] =	wrdreg s16  }
0x1e: {  	s22 =	simm.s32 $0xB;
	s8 =	sadd.s32 s5, s26;
	[dreg:$0x4] =	wrdreg s11  }
0x1f: {  	s14 =	simm.s32 $0xC;
	s7 =	sadd.s32 s5, s7;
	[dreg:$0xf] =	wrdreg s8  }
0x20: {  	s0 =	sadd.s32 s18, s5;
	s25 =	sadd.s32 $0x9C4A, s11;
	[dreg:$0x12] =	wrdreg s7  }
0x21: {  	s26 =	sadd.s32 $0x9C54, s11;
	s29 =	sadd.s32 $0x9C5E, s11;
	[dreg:$0x15] =	wrdreg s0  }
0x22: {  	s11 =	simm.s32 $0x16;
	s16 =	simm.s32 $0x2980;
	[dreg:$0x1b] =	wrdreg s25  }
.Ltmp0:
0x23: {  	s18 =	simm.s32 $0xD;
	[dreg:$0x1c] =	wrdreg s26;
	(pc) =	sbr.rel .LBB2_1-.Ltmp0, $4  }
0x24: {  	s8 =	sadd.s32 s5, s13;
	[dreg:$0x1d] =	wrdreg s29;
	s13 =	simm.s32 $0x2780  }
0x25: {  	s25 =	simm.s32 $0x2800;
	s7 =	simm.s32 $0x7B80;
	s26 =	simm.s32 $0x5  }
0x26: {  	s0 =	simm.s32 $0x0;
	[dreg:$0x10] =	wrdreg s8;
	s8 =	sadd.s32 s5, s15  }
0x27: {  	v0 =	vimm.f32 $0.0e+00;
	s15 =	simm.s32 $0x2900;
	[dreg:$0x11] =	wrdreg s8;
	s8 =	simm.s32 $0x2A00  }
.LBB2_6:
0x28: {  	s0 =	simm.s32 $0x1  }
0x29: {  	_ =	swait.ge [sflag:s0], $0x1400  }
0x2a: {  	[sflag:s0] =	ssyncset.done $0x0  }
0x2b: {  	s11 =	simm.s32 $0xF;
	[sflag:s0] =	ssyncadd.s32 $0xFFFFEC00  }
0x2c: {  	_ =	swait.ge [sflag:s11], $0x28  }
0x2d: {  	[sflag:s11] =	ssyncset.done $0x0  }
0x2e: {  	s19 =	simm.s32 $0xE;
	[sflag:s11] =	ssyncadd.s32 $0xFFFFFFD8  }
0x2f: {  	[spmem:s1] =	stream.indirect.scatter.add.f32 [tilespmem:s28], [sflag:$0x8], $0x80, s13, s12, $0xb8;
	[tilespmem:$0x1F780] =	vst v63  }
0x30: {  	_ =	swait.ge [sflag:s19], $0x1400  }
0x31: {  	[sflag:s19] =	ssyncset.done $0x0  }
0x32: {  	s20 =	simm.s32 $0x2;
	[sflag:s19] =	ssyncadd.s32 $0xFFFFEC00  }
0x33: {  	_ =	swait.ge [sflag:s20], $0x1400  }
0x34: {  	[sflag:s20] =	ssyncset.done $0x0  }
0x35: {  	s21 =	simm.s32 $0x10;
	[sflag:s20] =	ssyncadd.s32 $0xFFFFEC00  }
0x36: {  	_ =	swait.ge [sflag:s21], $0x28  }
0x37: {  	[sflag:s21] =	ssyncset.done $0x0  }
0x38: {  	s2 =	simm.s32 $0x8;
	[sflag:s21] =	ssyncadd.s32 $0xFFFFFFD8  }
0x39: {  	[spmem:s1] =	stream.indirect.scatter.add.f32 [tilespmem:s29], [sflag:$0x9], $0x80, s25, s12, $0xb8;
	[tilespmem:$0x1F780] =	vst v63  }
0x3a: {  	_ =	swait.ge [sflag:s2], $0x1400  }
0x3b: {  	[sflag:s2] =	ssyncset.done $0x0  }
0x3c: {  	s10 =	simm.s32 $0x3;
	[sflag:s2] =	ssyncadd.s32 $0xFFFFEC00  }
0x3d: {  	_ =	swait.ge [sflag:s10], $0x1400  }
0x3e: {  	[sflag:s10] =	ssyncset.done $0x0  }
0x3f: {  	s11 =	simm.s32 $0x11;
	[sflag:s10] =	ssyncadd.s32 $0xFFFFEC00  }
0x40: {  	_ =	swait.ge [sflag:s11], $0x28  }
0x41: {  	[sflag:s11] =	ssyncset.done $0x0  }
0x42: {  	s19 =	simm.s32 $0x9;
	[sflag:s11] =	ssyncadd.s32 $0xFFFFFFD8  }
0x43: {  	[spmem:s1] =	stream.indirect.scatter.add.f32 [tilespmem:s23], [sflag:$0xA], $0x80, s30, s12, $0xb8;
	[tilespmem:$0x1F780] =	vst v63  }
0x44: {  	_ =	swait.ge [sflag:s19], $0x1400  }
0x45: {  	[sflag:s19] =	ssyncset.done $0x0  }
0x46: {  	s20 =	simm.s32 $0x4;
	[sflag:s19] =	ssyncadd.s32 $0xFFFFEC00  }
0x47: {  	_ =	swait.ge [sflag:s20], $0x1400  }
0x48: {  	[sflag:s20] =	ssyncset.done $0x0  }
0x49: {  	[sflag:s20] =	ssyncadd.s32 $0xFFFFEC00  }
0x4a: {  	_ =	swait.ge [sflag:s6], $0x28  }
0x4b: {  	[sflag:s6] =	ssyncset.done $0x0  }
0x4c: {  	[sflag:s6] =	ssyncadd.s32 $0xFFFFFFD8  }
0x4d: {  	[spmem:s1] =	stream.indirect.scatter.add.f32 [tilespmem:s31], [sflag:$0xB], $0x80, s15, s12, $0xb8;
	[tilespmem:$0x1F780] =	vst v63  }
0x4e: {  	_ =	swait.ge [sflag:s24], $0x1400  }
0x4f: {  	[sflag:s24] =	ssyncset.done $0x0  }
0x50: {  	[sflag:s24] =	ssyncadd.s32 $0xFFFFEC00  }
0x51: {  	_ =	swait.ge [sflag:s26], $0x1400  }
0x52: {  	[sflag:s26] =	ssyncset.done $0x0  }
0x53: {  	[sflag:s26] =	ssyncadd.s32 $0xFFFFEC00  }
0x54: {  	_ =	swait.ge [sflag:s9], $0x28  }
0x55: {  	[sflag:s9] =	ssyncset.done $0x0  }
0x56: {  	[sflag:s9] =	ssyncadd.s32 $0xFFFFFFD8  }
0x57: {  	[spmem:s1] =	stream.indirect.scatter.add.f32 [tilespmem:s7], [sflag:$0xC], $0x80, s16, s12, $0xb8;
	[tilespmem:$0x1F780] =	vst v63  }
0x58: {  	_ =	swait.ge [sflag:s22], $0x1400  }
0x59: {  	[sflag:s22] =	ssyncset.done $0x0  }
0x5a: {  	[sflag:s22] =	ssyncadd.s32 $0xFFFFEC00  }
0x5b: {  	_ =	swait.ge [sflag:s14], $0x1400  }
0x5c: {  	[sflag:s14] =	ssyncset.done $0x0  }
0x5d: {  	[sflag:s14] =	ssyncadd.s32 $0xFFFFEC00  }
0x5e: {  	s10 =	stileid.u32;
	[bflag:$0x0] =	sbarrier.arrive $0xFFFF  }
0x5f: {  	s10 =	sshll.u32 s10, $0x6;
	s20 =	rddreg [dreg:$0x3]  }
0x60: {  	s10 =	sor.u32 $0x1C16, s10;
	s19 =	rddreg [dreg:$0x13];
	s11 =	sshrl.u32 s20, $0x3  }
0x61: {  	[hbm:s19], [sflag:s10] =	dma.local [spmem:s11], $0x2800  }
0x62: {  	s11 =	simm.s32 $0x16  }
0x63: {  	_ =	swait.ge [sflag:s11], $0x2800  }
0x64: {  	s21 =	rddreg [dreg:$0x1e]  }
0x65: {  	s29 =	rddreg [dreg:$0x14];
	s0 =	sadd.s32 $0x1, s21  }
0x66: {  	p0 =	sne.s32 s0, s29  }
.Ltmp1:
0x67: {  	_ = 	snop;
	(pc) =	sbr.rel @!p0 .LBB2_7-.Ltmp1, $3  }
0x68: {  	_ =	sdelay $0x1  }
0x69: {  	[sflag:s11] =	ssyncset.done $0x0  }
0x6a: {  	s2 =	simm.s32 $0x2A00;
	[sflag:s11] =	ssyncadd.s32 $0xFFFFD800  }
.LBB2_1:
0x6b: {  	[dreg:$0x1e] =	wrdreg s0  }
0x6c: {  	s10 =	rddreg [dreg:$0x4]  }
0x6d: {  	[tilespmem:s3], [sflag:$0x16] =	stream.linear.gather [hbm4b:s10+s3], $0x2710, $0x38;
	[tilespmem:$0x1F780] =	vst v63  }
0x6e: {  	_ =	swait.ge [sflag:s11], $0x2710  }
0x6f: {  	[sflag:s11] =	ssyncset.done $0x0  }
0x70: {  	s19 =	simm.s32 $0x200;
	s10 =	simm.s32 $0x0;
	[sflag:s11] =	ssyncadd.s32 $0xFFFFD8F0  }
.LBB2_2:
0x71: {  	p0 =	sne.s32 s19, $0x4E00;
	[tilespmem:s10+$0x3FF0] =	vst v0  }
0x72: {  	[tilespmem:s10+$0x2B80] =	vst v0  }
0x73: {  	[tilespmem:s10+$0x3F80] =	vst v0  }
0x74: {  	[tilespmem:s10+$0x2B90] =	vst v0  }
0x75: {  	[tilespmem:s10+$0x3F90] =	vst v0  }
0x76: {  	[tilespmem:s10+$0x2BA0] =	vst v0  }
0x77: {  	[tilespmem:s10+$0x3FA0] =	vst v0  }
0x78: {  	[tilespmem:s10+$0x2BB0] =	vst v0  }
0x79: {  	[tilespmem:s10+$0x3FB0] =	vst v0  }
0x7a: {  	[tilespmem:s10+$0x2BC0] =	vst v0  }
0x7b: {  	[tilespmem:s10+$0x3FC0] =	vst v0  }
.Ltmp2:
0x7c: {  	[tilespmem:s10+$0x2BD0] =	vst v0;
	(pc) =	sbr.rel @p0 .LBB2_2-.Ltmp2, $4  }
0x7d: {  	[tilespmem:s10+$0x3FD0] =	vst v0  }
0x7e: {  	[tilespmem:s10+$0x2BE0] =	vst v0  }
0x7f: {  	[tilespmem:s10+$0x3FE0] =	vst v0  }
0x80: {  	[tilespmem:s10+$0x2BF0] =	vst v0;
	s10 =	sshra.s32 s19, $0x2;
	s19 =	sadd.s32 $0x200, s19  }
0x81: {  	[tilespmem:s10+$0x3FF0] =	vst v0  }
0x82: {  	[tilespmem:s10+$0x2B80] =	vst v0  }
0x83: {  	[tilespmem:s10+$0x3F80] =	vst v0  }
0x84: {  	[tilespmem:s10+$0x2B90] =	vst v0  }
0x85: {  	[tilespmem:s10+$0x3F90] =	vst v0  }
0x86: {  	[tilespmem:s10+$0x2BA0] =	vst v0  }
0x87: {  	[tilespmem:s10+$0x3FA0] =	vst v0  }
0x88: {  	[tilespmem:s10+$0x2BB0] =	vst v0  }
0x89: {  	[tilespmem:s10+$0x3FB0] =	vst v0  }
0x8a: {  	[tilespmem:s10+$0x2BC0] =	vst v0  }
0x8b: {  	[tilespmem:s10+$0x3FC0] =	vst v0  }
0x8c: {  	[tilespmem:s10+$0x2BD0] =	vst v0  }
0x8d: {  	[tilespmem:s10+$0x3FD0] =	vst v0  }
0x8e: {  	[tilespmem:s10+$0x2BE0] =	vst v0  }
0x8f: {  	[tilespmem:s10+$0x3FE0] =	vst v0  }
0x90: {  	[tilespmem:s10+$0x2BF0] =	vst v0;
	s19 =	simm.s32 $0x2B80  }
0x91: {  	[spmem:s20] =	stream.linear.scatter [tilespmem:s19], [sflag:$0x16], $0x1400, $0x38;
	[tilespmem:$0x1F780] =	vst v63  }
0x92: {  	_ =	swait.ge [sflag:s11], $0x1400  }
0x93: {  	[sflag:s11] =	ssyncset.done $0x0  }
0x94: {  	s20 =	simm.s32 $0x3F80;
	s21 =	rddreg [dreg:$0x5];
	[sflag:s11] =	ssyncadd.s32 $0xFFFFEC00  }
0x95: {  	[spmem:s21] =	stream.linear.scatter [tilespmem:s20], [sflag:$0x16], $0x1400, $0x38;
	[tilespmem:$0x1F780] =	vst v63  }
0x96: {  	_ =	swait.ge [sflag:s11], $0x1400  }
0x97: {  	[sflag:s11] =	ssyncset.done $0x0  }
0x98: {  	s29 =	rddreg [dreg:$0x6];
	[sflag:s11] =	ssyncadd.s32 $0xFFFFEC00  }
0x99: {  	[spmem:s29] =	stream.linear.scatter [tilespmem:s19], [sflag:$0x16], $0x1400, $0x38;
	[tilespmem:$0x1F780] =	vst v63  }
0x9a: {  	_ =	swait.ge [sflag:s11], $0x1400  }
0x9b: {  	[sflag:s11] =	ssyncset.done $0x0  }
0x9c: {  	s0 =	rddreg [dreg:$0x7];
	[sflag:s11] =	ssyncadd.s32 $0xFFFFEC00  }
0x9d: {  	[spmem:s0] =	stream.linear.scatter [tilespmem:s20], [sflag:$0x16], $0x1400, $0x38;
	[tilespmem:$0x1F780] =	vst v63  }
0x9e: {  	_ =	swait.ge [sflag:s11], $0x1400  }
0x9f: {  	[sflag:s11] =	ssyncset.done $0x0  }
0xa0: {  	s21 =	rddreg [dreg:$0x8];
	[sflag:s11] =	ssyncadd.s32 $0xFFFFEC00  }
0xa1: {  	[spmem:s21] =	stream.linear.scatter [tilespmem:s19], [sflag:$0x16], $0x1400, $0x38;
	[tilespmem:$0x1F780] =	vst v63  }
0xa2: {  	_ =	swait.ge [sflag:s11], $0x1400  }
0xa3: {  	[sflag:s11] =	ssyncset.done $0x0  }
0xa4: {  	s29 =	rddreg [dreg:$0x9];
	[sflag:s11] =	ssyncadd.s32 $0xFFFFEC00  }
0xa5: {  	[spmem:s29] =	stream.linear.scatter [tilespmem:s20], [sflag:$0x16], $0x1400, $0x38;
	[tilespmem:$0x1F780] =	vst v63  }
0xa6: {  	_ =	swait.ge [sflag:s11], $0x1400  }
0xa7: {  	[sflag:s11] =	ssyncset.done $0x0  }
0xa8: {  	s0 =	rddreg [dreg:$0xa];
	[sflag:s11] =	ssyncadd.s32 $0xFFFFEC00  }
0xa9: {  	[spmem:s0] =	stream.linear.scatter [tilespmem:s19], [sflag:$0x16], $0x1400, $0x38;
	[tilespmem:$0x1F780] =	vst v63  }
0xaa: {  	_ =	swait.ge [sflag:s11], $0x1400  }
0xab: {  	[sflag:s11] =	ssyncset.done $0x0  }
0xac: {  	s21 =	rddreg [dreg:$0xb];
	[sflag:s11] =	ssyncadd.s32 $0xFFFFEC00  }
0xad: {  	[spmem:s21] =	stream.linear.scatter [tilespmem:s20], [sflag:$0x16], $0x1400, $0x38;
	[tilespmem:$0x1F780] =	vst v63  }
0xae: {  	_ =	swait.ge [sflag:s11], $0x1400  }
0xaf: {  	[sflag:s11] =	ssyncset.done $0x0  }
0xb0: {  	s29 =	rddreg [dreg:$0xc];
	[sflag:s11] =	ssyncadd.s32 $0xFFFFEC00  }
0xb1: {  	[spmem:s29] =	stream.linear.scatter [tilespmem:s19], [sflag:$0x16], $0x1400, $0x38;
	[tilespmem:$0x1F780] =	vst v63  }
0xb2: {  	_ =	swait.ge [sflag:s11], $0x1400  }
0xb3: {  	[sflag:s11] =	ssyncset.done $0x0  }
0xb4: {  	s0 =	rddreg [dreg:$0xd];
	[sflag:s11] =	ssyncadd.s32 $0xFFFFEC00  }
0xb5: {  	[spmem:s0] =	stream.linear.scatter [tilespmem:s20], [sflag:$0x16], $0x1400, $0x38;
	[tilespmem:$0x1F780] =	vst v63  }
0xb6: {  	_ =	swait.ge [sflag:s11], $0x1400  }
0xb7: {  	[sflag:s11] =	ssyncset.done $0x0  }
0xb8: {  	s21 =	rddreg [dreg:$0xe];
	[sflag:s11] =	ssyncadd.s32 $0xFFFFEC00  }
0xb9: {  	[spmem:s21] =	stream.linear.scatter [tilespmem:s19], [sflag:$0x16], $0x1400, $0x38;
	[tilespmem:$0x1F780] =	vst v63  }
0xba: {  	_ =	swait.ge [sflag:s11], $0x1400  }
0xbb: {  	[sflag:s11] =	ssyncset.done $0x0  }
0xbc: {  	s29 =	rddreg [dreg:$0x16];
	[sflag:s11] =	ssyncadd.s32 $0xFFFFEC00  }
0xbd: {  	[spmem:s29] =	stream.linear.scatter [tilespmem:s20], [sflag:$0x16], $0x1400, $0x38;
	[tilespmem:$0x1F780] =	vst v63  }
0xbe: {  	_ =	swait.ge [sflag:s11], $0x1400  }
0xbf: {  	[sflag:s11] =	ssyncset.done $0x0  }
0xc0: {  	s0 =	rddreg [dreg:$0x17];
	[sflag:s11] =	ssyncadd.s32 $0xFFFFEC00  }
0xc1: {  	[spmem:s0] =	stream.linear.scatter [tilespmem:s19], [sflag:$0x16], $0x1400, $0x38;
	[tilespmem:$0x1F780] =	vst v63  }
0xc2: {  	_ =	swait.ge [sflag:s11], $0x1400  }
0xc3: {  	[sflag:s11] =	ssyncset.done $0x0  }
0xc4: {  	s21 =	rddreg [dreg:$0x18];
	[sflag:s11] =	ssyncadd.s32 $0xFFFFEC00  }
0xc5: {  	[spmem:s21] =	stream.linear.scatter [tilespmem:s20], [sflag:$0x16], $0x1400, $0x38;
	[tilespmem:$0x1F780] =	vst v63  }
0xc6: {  	_ =	swait.ge [sflag:s11], $0x1400  }
0xc7: {  	[sflag:s11] =	ssyncset.done $0x0  }
0xc8: {  	s29 =	rddreg [dreg:$0x19];
	[sflag:s11] =	ssyncadd.s32 $0xFFFFEC00  }
0xc9: {  	[spmem:s29] =	stream.linear.scatter [tilespmem:s19], [sflag:$0x16], $0x1400, $0x38;
	[tilespmem:$0x1F780] =	vst v63  }
0xca: {  	_ =	swait.ge [sflag:s11], $0x1400  }
0xcb: {  	[sflag:s11] =	ssyncset.done $0x0  }
0xcc: {  	s0 =	rddreg [dreg:$0x1a];
	[sflag:s11] =	ssyncadd.s32 $0xFFFFEC00  }
0xcd: {  	[spmem:s0] =	stream.linear.scatter [tilespmem:s20], [sflag:$0x16], $0x1400, $0x38;
	[tilespmem:$0x1F780] =	vst v63  }
0xce: {  	_ =	swait.ge [sflag:s11], $0x1400  }
0xcf: {  	[sflag:s11] =	ssyncset.done $0x0  }
0xd0: {  	s10 =	simm.s32 $0x0;
	[sflag:s11] =	ssyncadd.s32 $0xFFFFEC00  }
0xd1: {  	[tilespmem:s19], [sflag:$0x1] =	stream.indirect.gather [hbm4b:s4+s12], $0x80, s10, s12, $0xb8;
	[tilespmem:$0x1F780] =	vst v63  }
0xd2: {  	s21 =	rddreg [dreg:$0xf]  }
0xd3: {  	[tilespmem:s13], [sflag:$0xF] =	stream.linear.gather [hbm4b:s21+s10], $0x28, $0x38;
	[tilespmem:$0x1F780] =	vst v63  }
0xd4: {  	_ = 	snop  }
0xd5: {  	[tilespmem:s20], [sflag:$0x2] =	stream.indirect.gather [hbm4b:s4+s12], $0x80, s12, s12, $0xb8;
	[tilespmem:$0x1F780] =	vst v63  }
0xd6: {  	s29 =	rddreg [dreg:$0x10]  }
0xd7: {  	[tilespmem:s25], [sflag:$0x10] =	stream.linear.gather [hbm4b:s29+s10], $0x28, $0x38;
	[tilespmem:$0x1F780] =	vst v63  }
0xd8: {  	s0 =	simm.s32 $0x50  }
0xd9: {  	[tilespmem:s23], [sflag:$0x3] =	stream.indirect.gather [hbm4b:s4+s12], $0x80, s0, s12, $0xb8;
	[tilespmem:$0x1F780] =	vst v63  }
0xda: {  	s13 =	rddreg [dreg:$0x1b]  }
0xdb: {  	[tilespmem:s30], [sflag:$0x11] =	stream.linear.gather [hbm4b:s13+s10], $0x28, $0x38;
	[tilespmem:$0x1F780] =	vst v63  }
0xdc: {  	s0 =	simm.s32 $0x78  }
0xdd: {  	[tilespmem:s31], [sflag:$0x4] =	stream.indirect.gather [hbm4b:s4+s12], $0x80, s0, s12, $0xb8;
	[tilespmem:$0x1F780] =	vst v63  }
0xde: {  	s19 =	rddreg [dreg:$0x11]  }
0xdf: {  	[tilespmem:s15], [sflag:$0x12] =	stream.linear.gather [hbm4b:s19+s10], $0x28, $0x38;
	[tilespmem:$0x1F780] =	vst v63  }
0xe0: {  	s20 =	simm.s32 $0xA0  }
0xe1: {  	[tilespmem:s7], [sflag:$0x5] =	stream.indirect.gather [hbm4b:s4+s12], $0x80, s20, s12, $0xb8;
	[tilespmem:$0x1F780] =	vst v63  }
0xe2: {  	s21 =	rddreg [dreg:$0x1c]  }
0xe3: {  	[tilespmem:s16], [sflag:$0x13] =	stream.linear.gather [hbm4b:s21+s10], $0x28, $0x38;
	[tilespmem:$0x1F780] =	vst v63  }
0xe4: {  	s23 =	simm.s32 $0xC8;
	s16 =	simm.s32 $0x8F80  }
0xe5: {  	[tilespmem:s16], [sflag:$0x6] =	stream.indirect.gather [hbm4b:s4+s12], $0x80, s23, s12, $0xb8;
	[tilespmem:$0x1F780] =	vst v63  }
0xe6: {  	s25 =	rddreg [dreg:$0x12]  }
0xe7: {  	[tilespmem:s2], [sflag:$0x14] =	stream.linear.gather [hbm4b:s25+s10], $0x28, $0x38;
	[tilespmem:$0x1F780] =	vst v63  }
0xe8: {  	s29 =	simm.s32 $0xA380;
	s20 =	simm.s32 $0xF0  }
0xe9: {  	[tilespmem:s29], [sflag:$0x7] =	stream.indirect.gather [hbm4b:s4+s12], $0x80, s20, s12, $0xb8;
	[tilespmem:$0x1F780] =	vst v63  }
0xea: {  	s30 =	rddreg [dreg:$0x1d];
	s31 =	simm.s32 $0x2A80  }
0xeb: {  	[tilespmem:s31], [sflag:$0x15] =	stream.linear.gather [hbm4b:s30+s10], $0x28, $0x38;
	[tilespmem:$0x1F780] =	vst v63  }
0xec: {  	[bflag:$0x0] =	sbarrier.arrive $0xFFFF  }
0xed: {  	s21 =	rddreg [dreg:$0x15]  }
.LBB2_4:
0xee: {  	s0 =	simm.s32 $0x1  }
0xef: {  	_ =	swait.ge [sflag:s0], $0x1400  }
0xf0: {  	[sflag:s0] =	ssyncset.done $0x0  }
0xf1: {  	s7 =	simm.s32 $0xF;
	[sflag:s0] =	ssyncadd.s32 $0xFFFFEC00  }
0xf2: {  	_ =	swait.ge [sflag:s7], $0x28  }
0xf3: {  	s29 =	simm.s32 $0x2B80;
	p0 =	seq.s32 s10, $0x0;
	[sflag:s7] =	ssyncset.done $0x0  }
0xf4: {  	s25 =	simm.s32 $0x2780;
	s19 =	simm.s32 @!p0 $0xE;
	[sflag:s7] =	ssyncadd.s32 $0xFFFFFFD8  }
0xf5: {  	[spmem:s1] =	stream.indirect.scatter.add.f32 [tilespmem:s29], [sflag:$0x8], $0x80, s25, s12, $0xb8;
	[tilespmem:$0x1F780] =	vst v63  }
0xf6: {  	_ =	swait.ge @!p0 [sflag:s19], $0x1400  }
0xf7: {  	[sflag:s19] =	ssyncset.done @!p0 $0x0  }
0xf8: {  	s11 =	simm.s32 @!p0 $0xA380;
	[sflag:s19] =	ssyncadd.s32 @!p0 $0xFFFFEC00;
	s19 =	simm.s32 @!p0 $0x28  }
0xf9: {  	[tilespmem:s11], [sflag:$0x7] =	stream.indirect.gather @!p0 [hbm4b:s4+s19], $0x80, s20, s19, $0xb8;
	[tilespmem:$0x1F780] =	vst v63  }
0xfa: {  	s11 =	simm.s32 @!p0 $0x0;
	s19 =	simm.s32 @!p0 $0x2A80  }
0xfb: {  	[tilespmem:s19], [sflag:$0x15] =	stream.linear.gather @!p0 [hbm4b:s21+s11], $0x28, $0x38;
	[tilespmem:$0x1F780] =	vst v63  }
0xfc: {  	s11 =	simm.s32 $0x2  }
0xfd: {  	_ =	swait.ge [sflag:s11], $0x1400  }
0xfe: {  	[sflag:s11] =	ssyncset.done $0x0  }
0xff: {  	s13 =	simm.s32 $0x10;
	[sflag:s11] =	ssyncadd.s32 $0xFFFFEC00  }
0x100: {  	s30 =	simm.s32 $0x3F80;
	_ =	swait.ge [sflag:s13], $0x28  }
0x101: {  	s23 =	simm.s32 $0x2800;
	s19 =	smov.u32 s10;
	[sflag:s13] =	ssyncset.done $0x0  }
0x102: {  	s15 =	simm.s32 $0x8;
	s19 =	simm.s32 @p0 $0x0;
	[sflag:s13] =	ssyncadd.s32 $0xFFFFFFD8  }
0x103: {  	[spmem:s1] =	stream.indirect.scatter.add.f32 [tilespmem:s30], [sflag:$0x9], $0x80, s23, s12, $0xb8;
	[tilespmem:$0x1F780] =	vst v63  }
0x104: {  	s2 =	sadd.s32 $0x118, s19;
	_ =	swait.ge [sflag:s15], $0x1400  }
0x105: {  	s11 =	sadd.s32 s17, s2;
	[sflag:s15] =	ssyncset.done $0x0  }
0x106: {  	s11 =	sshrl.u32 s11, $0x3;
	[sflag:s15] =	ssyncadd.s32 $0xFFFFEC00  }
0x107: {  	[tilespmem:s29], [sflag:$0x1] =	stream.indirect.gather [hbm4b:s4+s12], $0x80, s2, s12, $0xb8;
	[tilespmem:$0x1F780] =	vst v63  }
0x108: {  	s7 =	simm.s32 $0x3;
	s11 =	sadd.s32 s5, s11  }
0x109: {  	[tilespmem:s25], [sflag:$0xF] =	stream.linear.gather [hbm4b:s11+s3], $0x28, $0x38;
	[tilespmem:$0x1F780] =	vst v63  }
0x10a: {  	_ =	swait.ge [sflag:s7], $0x1400  }
0x10b: {  	[sflag:s7] =	ssyncset.done $0x0  }
0x10c: {  	s11 =	simm.s32 $0x11;
	[sflag:s7] =	ssyncadd.s32 $0xFFFFEC00  }
0x10d: {  	_ =	swait.ge [sflag:s11], $0x28  }
0x10e: {  	s31 =	simm.s32 $0x5380;
	[sflag:s11] =	ssyncset.done $0x0  }
0x10f: {  	s0 =	simm.s32 $0x2880;
	s2 =	simm.s32 $0x9;
	[sflag:s11] =	ssyncadd.s32 $0xFFFFFFD8  }
0x110: {  	[spmem:s1] =	stream.indirect.scatter.add.f32 [tilespmem:s31], [sflag:$0xA], $0x80, s0, s12, $0xb8;
	[tilespmem:$0x1F780] =	vst v63  }
0x111: {  	s15 =	sadd.s32 $0x140, s19;
	_ =	swait.ge [sflag:s2], $0x1400  }
0x112: {  	s11 =	sadd.s32 s17, s15;
	[sflag:s2] =	ssyncset.done $0x0  }
0x113: {  	s11 =	sshrl.u32 s11, $0x3;
	[sflag:s2] =	ssyncadd.s32 $0xFFFFEC00  }
0x114: {  	[tilespmem:s30], [sflag:$0x2] =	stream.indirect.gather [hbm4b:s4+s12], $0x80, s15, s12, $0xb8;
	[tilespmem:$0x1F780] =	vst v63  }
0x115: {  	s11 =	sadd.s32 s5, s11  }
0x116: {  	[tilespmem:s23], [sflag:$0x10] =	stream.linear.gather [hbm4b:s11+s3], $0x28, $0x38;
	[tilespmem:$0x1F780] =	vst v63  }
0x117: {  	s23 =	simm.s32 $0x4  }
0x118: {  	_ =	swait.ge [sflag:s23], $0x1400  }
0x119: {  	[sflag:s23] =	ssyncset.done $0x0  }
0x11a: {  	[sflag:s23] =	ssyncadd.s32 $0xFFFFEC00  }
0x11b: {  	_ =	swait.ge [sflag:s6], $0x28  }
0x11c: {  	[sflag:s6] =	ssyncset.done $0x0  }
0x11d: {  	s7 =	simm.s32 $0x2900;
	s15 =	simm.s32 $0x6780;
	[sflag:s6] =	ssyncadd.s32 $0xFFFFFFD8  }
0x11e: {  	[spmem:s1] =	stream.indirect.scatter.add.f32 [tilespmem:s15], [sflag:$0xB], $0x80, s7, s12, $0xb8;
	[tilespmem:$0x1F780] =	vst v63  }
0x11f: {  	s2 =	sadd.s32 $0x168, s19;
	_ =	swait.ge [sflag:s24], $0x1400  }
0x120: {  	s11 =	sadd.s32 s17, s2;
	[sflag:s24] =	ssyncset.done $0x0  }
0x121: {  	s11 =	sshrl.u32 s11, $0x3;
	[sflag:s24] =	ssyncadd.s32 $0xFFFFEC00  }
0x122: {  	[tilespmem:s31], [sflag:$0x3] =	stream.indirect.gather [hbm4b:s4+s12], $0x80, s2, s12, $0xb8;
	[tilespmem:$0x1F780] =	vst v63  }
0x123: {  	s11 =	sadd.s32 s5, s11  }
0x124: {  	[tilespmem:s0], [sflag:$0x11] =	stream.linear.gather [hbm4b:s11+s3], $0x28, $0x38;
	[tilespmem:$0x1F780] =	vst v63  }
0x125: {  	_ =	swait.ge [sflag:s26], $0x1400  }
0x126: {  	[sflag:s26] =	ssyncset.done $0x0  }
0x127: {  	[sflag:s26] =	ssyncadd.s32 $0xFFFFEC00  }
0x128: {  	_ =	swait.ge [sflag:s9], $0x28  }
0x129: {  	[sflag:s9] =	ssyncset.done $0x0  }
0x12a: {  	s2 =	simm.s32 $0x2980;
	s0 =	simm.s32 $0x7B80;
	[sflag:s9] =	ssyncadd.s32 $0xFFFFFFD8  }
0x12b: {  	[spmem:s1] =	stream.indirect.scatter.add.f32 [tilespmem:s0], [sflag:$0xC], $0x80, s2, s12, $0xb8;
	[tilespmem:$0x1F780] =	vst v63  }
0x12c: {  	_ =	swait.ge [sflag:s22], $0x1400  }
0x12d: {  	[sflag:s22] =	ssyncset.done $0x0  }
0x12e: {  	s11 =	sadd.s32 $0x190, s19;
	[sflag:s22] =	ssyncadd.s32 $0xFFFFEC00  }
0x12f: {  	[tilespmem:s15], [sflag:$0x4] =	stream.indirect.gather [hbm4b:s4+s12], $0x80, s11, s12, $0xb8;
	[tilespmem:$0x1F780] =	vst v63  }
0x130: {  	s11 =	sadd.s32 s17, s11  }
0x131: {  	s11 =	sshrl.u32 s11, $0x3  }
0x132: {  	s11 =	sadd.s32 s5, s11  }
0x133: {  	[tilespmem:s7], [sflag:$0x12] =	stream.linear.gather [hbm4b:s11+s3], $0x28, $0x38;
	[tilespmem:$0x1F780] =	vst v63  }
0x134: {  	s11 =	simm.s32 $0x6  }
0x135: {  	_ =	swait.ge [sflag:s11], $0x1400  }
0x136: {  	[sflag:s11] =	ssyncset.done $0x0  }
0x137: {  	[sflag:s11] =	ssyncadd.s32 $0xFFFFEC00;
	s11 =	simm.s32 $0x14  }
0x138: {  	_ =	swait.ge [sflag:s11], $0x28  }
0x139: {  	[sflag:s11] =	ssyncset.done $0x0  }
0x13a: {  	[sflag:s11] =	ssyncadd.s32 $0xFFFFFFD8  }
0x13b: {  	[spmem:s1] =	stream.indirect.scatter.add.f32 [tilespmem:s16], [sflag:$0xD], $0x80, s8, s12, $0xb8;
	[tilespmem:$0x1F780] =	vst v63  }
0x13c: {  	s16 =	sadd.s32 $0x1B8, s19;
	_ =	swait.ge [sflag:s14], $0x1400  }
0x13d: {  	s11 =	sadd.s32 s17, s16;
	[sflag:s14] =	ssyncset.done $0x0  }
0x13e: {  	s11 =	sshrl.u32 s11, $0x3;
	[sflag:s14] =	ssyncadd.s32 $0xFFFFEC00  }
0x13f: {  	[tilespmem:s0], [sflag:$0x5] =	stream.indirect.gather [hbm4b:s4+s12], $0x80, s16, s12, $0xb8;
	[tilespmem:$0x1F780] =	vst v63  }
0x140: {  	s11 =	sadd.s32 s5, s11  }
0x141: {  	[tilespmem:s2], [sflag:$0x13] =	stream.linear.gather [hbm4b:s11+s3], $0x28, $0x38;
	[tilespmem:$0x1F780] =	vst v63  }
0x142: {  	s11 =	simm.s32 $0x7  }
0x143: {  	_ =	swait.ge [sflag:s11], $0x1400  }
0x144: {  	p0 =	seq.s32 s10, $0x2530;
	[sflag:s11] =	ssyncset.done $0x0  }
0x145: {  	s13 =	simm.s32 $0x2780;
	[sflag:s11] =	ssyncadd.s32 $0xFFFFEC00;
	s11 =	simm.s32 $0x15  }
0x146: {  	s29 =	simm.s32 $0x3F80;
	s25 =	simm.s32 $0x2800;
	_ =	swait.ge [sflag:s11], $0x28  }
0x147: {  	s30 =	simm.s32 $0x2880;
	s2 =	simm.s32 $0xA380;
	[sflag:s11] =	ssyncset.done $0x0  }
.Ltmp3:
0x148: {  	[sflag:s11] =	ssyncadd.s32 $0xFFFFFFD8;
	s11 =	simm.s32 $0x2A80;
	(pc) =	sbr.rel @p0 .LBB2_6-.Ltmp3, $4  }
0x149: {  	[spmem:s1] =	stream.indirect.scatter.add.f32 [tilespmem:s2], [sflag:$0xE], $0x80, s11, s12, $0xb8;
	[tilespmem:$0x1F780] =	vst v63  }
0x14a: {  	s23 =	simm.s32 $0x5380;
	s31 =	simm.s32 $0x6780;
	_ =	swait.ge [sflag:s18], $0x1400  }
0x14b: {  	s15 =	simm.s32 $0x2900;
	s7 =	simm.s32 $0x7B80;
	[sflag:s18] =	ssyncset.done $0x0  }
0x14c: {  	s0 =	simm.s32 $0x8F80;
	s16 =	simm.s32 $0x2980;
	[sflag:s18] =	ssyncadd.s32 $0xFFFFEC00  }
0x14d: {  	s11 =	sadd.s32 $0x1E0, s19  }
0x14e: {  	[tilespmem:s0], [sflag:$0x6] =	stream.indirect.gather [hbm4b:s4+s12], $0x80, s11, s12, $0xb8;
	[tilespmem:$0x1F780] =	vst v63  }
.Ltmp4:
0x14f: {  	_ = 	snop;
	(pc) =	sbr.rel .LBB2_4-.Ltmp4, $4  }
0x150: {  	s11 =	sadd.s32 s17, s11  }
0x151: {  	s10 =	sadd.s32 $0x118, s10;
	s21 =	sadd.s32 $0x23, s21;
	s11 =	sshrl.u32 s11, $0x3  }
0x152: {  	s20 =	sadd.s32 $0x118, s20;
	s16 =	simm.s32 $0x8F80;
	s11 =	sadd.s32 s5, s11  }
0x153: {  	[tilespmem:s8], [sflag:$0x14] =	stream.linear.gather [hbm4b:s11+s3], $0x28, $0x38;
	[tilespmem:$0x1F780] =	vst v63  }
.LBB2_7:
0x154: {  	_ =	sfence.sel $0x180000  }
0x155: {  	[bflag:$0x0] =	sbarrier.arrive $0xFFFF  }
0x156: {  	_ =	strace $0x9000004A  }
0x157: {  	s0 =	stileid.u32;
	[bflag:$0x2] =	sbarrier.arrive $0xFFFF  }
0x158: {  	p0 =	sne.s32 s0, $0x0;
	s0 =	rddreg [dreg:$0x2]  }
0x159: {  	s0 =	sadd.s32 @!p0 $0x100000, s0  }
0x15a: {  	[sflag:s0] =	ssyncadd.tile.s32 @!p0 $0x1;
	_ =	shalt  }
.Lfunc_end2:
_tile_overlayer_lowered:
.L_overlay_start_2:
0x15b: {  	(tag) =	ssettag $0x2  }
0x15c: {  	s0 =	rddreg [dreg:$0x0];
	s2 =	stileid.u32  }
0x15d: {  	s1 =	rddreg [dreg:$0x1];
	p0 =	sne.s32 s2, $0x0  }
0x15e: {  	s3 =	rddreg [dreg:$0x2];
	[bflag:$0x3] =	sbarrier.arrive $0xFFFF;
	s2 =	simm.s32 @!p0 $0x1C16  }
0x15f: {  	[timem:s3], [sflag:s2] =	dma.local @!p0 [hbm:s0], s1  }
0x160: {  	s0 =	simm.s32 @!p0 $0x16  }
0x161: {  	_ =	swait.ge @!p0 [sflag:s0], s1  }
0x162: {  	s1 =	ssub.s32 @!p0 $0x0, s1;
	[sflag:s0] =	ssyncset.done @!p0 $0x0  }
0x163: {  	[sflag:s0] =	ssyncadd.s32 @!p0 s1  }
0x164: {  	[bflag:$0x3] =	sbarrier.arrive $0xFFFF  }
0x165: {  	_ =	shalt  }

// kernel: kernel.14.cloned.1.call-start
scs
__scs_entry_jumppad:
0x0: {  	(pc) =	sbr.rel $0x88, $3  }
0x1: {  	(tag) =	ssettag $0x0;
	lr =	simm.s32 $0x1  }
0x2: {  	[smem:$0x3F98] =	sst lr;
	_ =	strace $0xD0000000  }
0x3: {  	_ = 	snop  }
0x4: {  	_ = 	snop  }
0x5: {  	_ = 	snop  }
0x6: {  	_ = 	snop  }
0x7: {  	_ = 	snop  }
__scs_overlays_trampoline_lowered:
0x8: {  	[smem:$0x3FA7] =	sst s0  }
0x9: {  	[smem:$0x3FA8] =	sst s1  }
0xa: {  	[smem:$0x3FA9] =	sst s2  }
0xb: {  	[smem:$0x3FAA] =	sst s3  }
0xc: {  	[smem:$0x3FAB] =	sst s4  }
0xd: {  	[smem:$0x3FAC] =	sst s5  }
0xe: {  	[smem:$0x3FAD] =	sst s6  }
0xf: {  	[smem:$0x3FAE] =	sst s7  }
0x10: {  	[smem:$0x3FAF] =	sst s8  }
0x11: {  	[smem:$0x3FB0] =	sst s9;
	s0 =	simm.s32 @!p0 $0x0  }
0x12: {  	s1 =	sld [smem:$0x3F96];
	s0 =	simm.s32 @p0 $0x1  }
0x13: {  	[smem:$0x3FB1] =	sst s0;
	s0 =	simm.s32 @!p1 $0x0  }
0x14: {  	s2 =	sld [smem:$0x3F95];
	s0 =	simm.s32 @p1 $0x1  }
0x15: {  	[smem:$0x3FB2] =	sst s0;
	s0 =	simm.s32 @!p2 $0x0  }
0x16: {  	s3 =	sld [smem:$0x3FDB];
	s0 =	simm.s32 @p2 $0x1  }
0x17: {  	s4 =	simm.s32 $0x1BF5;
	[smem:$0x3FB4] =	sst s0  }
0x18: {  	s0 =	sld [smem:$0x3F97];
	_ =	swait.ge [sflag:s4], $0x0  }
0x19: {  	s7 =	sld [smem:$0x3F98]  }
0x1a: {  	s8 =	sadd.s32 $0xFFFFE003, lr  }
0x1b: {  	s9 =	sadd.s32 $0xFFFFFEF7, lr;
	s5 =	simm.s32 $0xFFFFFFFF;
	p2 =	slt.u32 s8, $0xFFFFF086  }
0x1c: {  	p1 =	slt.u32 s9, $0xF7A;
	s5 =	simm.s32 @!p2 $0x0  }
0x1d: {  	s5 =	simm.s32 @p1 $0x1;
	p0 =	seq.s32 s7, s2  }
0x1e: {  	s7 =	smul.u32 @!p0 $0xF7A, s2;
	p2 =	seq.s32 @!p0 s5, $0x0  }
0x1f: {  	s9 =	smul.u32 $0xF7A, s1;
	s8 =	simm.s32 @!p0 $0x1BF5;
	p2 =	por !p2, p0  }
0x20: {  	[sflag:s8] =	ssyncset.s32 @!p0 $0xFFFFF086;
	s6 =	sadd.s32 @!p0 s3, s7;
	s7 =	simm.s32 @!p0 $0x108  }
0x21: {  	s3 =	sadd.s32 s3, s9;
	s6 =	sadd.s32 @!p0 $0x88, s6;
	s7 =	simm.s32 @p2 $0x1082  }
0x22: {  	[simem:s7], [sflag:s8] =	dma.local @!p0 [hbm:s6], $0xF7A  }
0x23: {  	s9 =	sor.u32 $0xD0000000, s2;
	s6 =	simm.s32 $0x108;
	_ =	swait.ge @!p0 [sflag:s8], $0x0  }
0x24: {  	s3 =	sadd.s32 $0x88, s3;
	s6 =	simm.s32 @!p1 $0x1082;
	[sflag:s4] =	ssyncset.s32 $0xFFFFF086  }
0x25: {  	[simem:s6], [sflag:s4] =	dma.local [hbm:s3], $0xF7A  }
0x26: {  	[smem:$0x3F98] =	sst s1;
	(tag) =	ssettag s2;
	_ =	strace s9  }
0x27: {  	s1 =	sld [smem:$0x3FA8]  }
0x28: {  	s2 =	sld [smem:$0x3FA9]  }
0x29: {  	s4 =	sld [smem:$0x3FAB]  }
0x2a: {  	p0 =	seq.s32 s5, $0x0;
	s5 =	sld [smem:$0x3FAC]  }
0x2b: {  	s6 =	sld [smem:$0x3FAD]  }
0x2c: {  	s7 =	sld [smem:$0x3FAE]  }
0x2d: {  	s3 =	simm.s32 $0x108;
	s8 =	sld [smem:$0x3FAF]  }
0x2e: {  	s3 =	simm.s32 @!p0 $0x1082;
	s9 =	sld [smem:$0x3FB0]  }
0x2f: {  	lr =	sadd.s32 s0, s3;
	s0 =	sld [smem:$0x3FA7]  }
0x30: {  	s3 =	sld [smem:$0x3FAA]  }
0x31: {  	[smem:$0x3FB3] =	sst s10  }
0x32: {  	s10 =	sld [smem:$0x3FB1];
	_ =	sdelay $0x3  }
0x33: {  	p0 =	seq.s32 s10, $0x1;
	s10 =	sld [smem:$0x3FB3];
	_ =	sdelay $0x3  }
0x34: {  	[smem:$0x3FB3] =	sst s10  }
0x35: {  	s10 =	sld [smem:$0x3FB2];
	_ =	sdelay $0x3  }
0x36: {  	p1 =	seq.s32 s10, $0x1;
	s10 =	sld [smem:$0x3FB3];
	_ =	sdelay $0x3  }
0x37: {  	[smem:$0x3FB3] =	sst s10  }
0x38: {  	s10 =	sld [smem:$0x3FB4]  }
0x39: {  	_ = 	snop;
	(pc) =	sbr.ind lr, $3  }
0x3a: {  	_ = 	snop  }
0x3b: {  	_ = 	snop  }
0x3c: {  	p2 =	seq.s32 s10, $0x1;
	s10 =	sld [smem:$0x3FB3]  }
0x3d: {  	_ =	shalt  }
0x3e: {  	_ =	shalt  }
0x3f: {  	_ =	shalt  }
0x40: {  	_ =	shalt  }
0x41: {  	_ =	shalt  }
0x42: {  	_ =	shalt  }
0x43: {  	_ =	shalt  }
0x44: {  	_ =	shalt  }
0x45: {  	_ =	shalt  }
0x46: {  	_ =	shalt  }
0x47: {  	_ =	shalt  }
0x48: {  	_ =	shalt  }
0x49: {  	_ =	shalt  }
0x4a: {  	_ =	shalt  }
0x4b: {  	_ =	shalt  }
0x4c: {  	_ =	shalt  }
0x4d: {  	_ =	shalt  }
0x4e: {  	_ =	shalt  }
0x4f: {  	_ =	shalt  }
0x50: {  	_ =	shalt  }
0x51: {  	_ =	shalt  }
0x52: {  	_ =	shalt  }
0x53: {  	_ =	shalt  }
0x54: {  	_ =	shalt  }
0x55: {  	_ =	shalt  }
0x56: {  	_ =	shalt  }
0x57: {  	_ =	shalt  }
0x58: {  	_ =	shalt  }
0x59: {  	_ =	shalt  }
0x5a: {  	_ =	shalt  }
0x5b: {  	_ =	shalt  }
0x5c: {  	_ =	shalt  }
0x5d: {  	_ =	shalt  }
0x5e: {  	_ =	shalt  }
0x5f: {  	_ =	shalt  }
0x60: {  	_ =	shalt  }
0x61: {  	_ =	shalt  }
0x62: {  	_ =	shalt  }
0x63: {  	_ =	shalt  }
0x64: {  	_ =	shalt  }
0x65: {  	_ =	shalt  }
0x66: {  	_ =	shalt  }
0x67: {  	_ =	shalt  }
0x68: {  	_ =	shalt  }
0x69: {  	_ =	shalt  }
0x6a: {  	_ =	shalt  }
0x6b: {  	_ =	shalt  }
0x6c: {  	_ =	shalt  }
0x6d: {  	_ =	shalt  }
0x6e: {  	_ =	shalt  }
0x6f: {  	_ =	shalt  }
0x70: {  	_ =	shalt  }
0x71: {  	_ =	shalt  }
0x72: {  	_ =	shalt  }
0x73: {  	_ =	shalt  }
0x74: {  	_ =	shalt  }
0x75: {  	_ =	shalt  }
0x76: {  	_ =	shalt  }
0x77: {  	_ =	shalt  }
0x78: {  	_ =	shalt  }
0x79: {  	_ =	shalt  }
0x7a: {  	_ =	shalt  }
0x7b: {  	_ =	shalt  }
0x7c: {  	_ =	shalt  }
0x7d: {  	_ =	shalt  }
0x7e: {  	_ =	shalt  }
0x7f: {  	_ =	shalt  }
0x80: {  	_ =	shalt  }
0x81: {  	_ =	shalt  }
0x82: {  	_ =	shalt  }
0x83: {  	_ =	shalt  }
0x84: {  	_ =	shalt  }
0x85: {  	_ =	shalt  }
0x86: {  	_ =	shalt  }
0x87: {  	_ =	shalt  }
.Lfunc_end0:
.L_simem_size_0:
called_computation.2_lowered:
.L_overlay_start_0:
0x88: {  	s2 =	sld [smem:$0x3FD9]  }
0x89: {  	s3 =	sld [smem:$0x3FFE];
	_ =	sdelay $0x1  }
0x8a: {  	s1 =	srdreg.scid  }
0x8b: {  	s0 =	sand.u32 $0x1, s1  }
0x8c: {  	s16 =	sshll.u32 s0, $0xA;
	s2 =	sadd.s32 s3, s2  }
0x8d: {  	s2 =	sadd.s32 s2, s16  }
0x8e: {  	[smem:$0x3FBF] =	sst s2  }
0x8f: {  	_ = 	snop  }
0x90: {  	(tm) =	ssettm $0x1  }
0x91: {  	s17 =	sld [smem:$0x3FFB];
	_ =	sdelay $0x3  }
0x92: {  	_ =	strace s17  }
0x93: {  	s2 =	sld [smem:$0x3FFC];
	_ =	sdelay $0x3  }
0x94: {  	_ =	strace s2  }
0x95: {  	s2 =	sld [smem:$0x3FFD];
	_ =	sdelay $0x3  }
0x96: {  	_ =	strace s2  }
0x97: {  	_ =	strace $0x8FFFFFFF  }
0x98: {  	s18 =	sld [smem:$0x3FDB];
	_ =	sdelay $0x1  }
0x99: {  	s19 =	simm.s32 $_scs_section_size  }
0x9a: {  	s4 =	simm.s32 $_size__tile_overlayer_lowered;
	s5 =	simm.s32 $_tile_overlayer_lowered  }
0x9b: {  	s22 =	simm.s32 $0x1BFF;
	s21 =	sshll.u32 s5, $0x1;
	s2 =	sadd.s32 s19, s18  }
0x9c: {  	s6 =	simm.s32 $0x0;
	s20 =	sshll.u32 s4, $0x1;
	s4 =	sadd.s32 s21, s2  }
0x9d: {  	[timem:s6], [sflag:s22] =	dma.local [hbm:s4], s20  }
0x9e: {  	_ =	swait.ge [sflag:s22], s20  }
0x9f: {  	s3 =	ssub.s32 $0x0, s20;
	[sflag:s22] =	ssyncset.done $0x0  }
0xa0: {  	[sflag:s22] =	ssyncadd.s32 s3;
	_ =	sdelay $0x1  }
0xa1: {  	s23 =	simm.s32 $0x1B8B  }
0xa2: {  	_ =	swait.ge [sflag:s23], $0x1  }
0xa3: {  	[sflag:s23] =	ssyncset.done $0x0  }
0xa4: {  	s25 =	simm.s32 $0x1B8E;
	s24 =	sld [smem:$0x3FFE];
	[sflag:s23] =	ssyncadd.s32 $0xFFFFFFFF  }
0xa5: {  	s26 =	simm.s32 $execute0_lowered;
	[smem:$0x3FD2] =	sst s25  }
0xa6: {  	s4 =	sshll.u32 s26, $0x1;
	_ =	strace $0x8000004C;
	[dreg:$0x1] =	wrdreg $0xFFFFFFFF  }
0xa7: {  	s28 =	simm.s32 $_size_execute0_lowered;
	s2 =	sadd.s32 s2, s4;
	[dreg:$0x0] =	wrdreg $0x0  }
0xa8: {  	s4 =	sshll.u32 s28, $0x1;
	[dreg:$0x2] =	wrdreg s2  }
0xa9: {  	[dreg:$0x3] =	wrdreg s4  }
0xaa: {  	[dreg:$0x4] =	wrdreg $0xC0  }
0xab: {  	_ =	task [dreg:s6], $0x5FFFF  }
0xac: {  	[dreg:$0x1] =	wrdreg $0xFFFFFFFF  }
0xad: {  	[dreg:$0x0] =	wrdreg $0x60  }
0xae: {  	[dreg:$0x2] =	wrdreg s24  }
0xaf: {  	[dreg:$0x3] =	wrdreg $0xB7800  }
0xb0: {  	[dreg:$0x4] =	wrdreg $0x9  }
0xb1: {  	_ =	task.clear_ibuf [dreg:s6], $0x5FFFF;
	_ =	strace $0x9000004C  }
0xb2: {  	s29 =	simm.s32 $0x9;
	_ =	strace $0x8000004E  }
0xb3: {  	_ =	swait.ge [sflag:s29], $0x1  }
0xb4: {  	[sflag:s29] =	ssyncadd.s32 $0xFFFFFFFF  }
0xb5: {  	_ =	strace $0x9000004E  }
0xb6: {  	_ =	sfence  }
0xb7: {  	s30 =	sld [smem:$0x0];
	_ =	sdelay $0x2  }
0xb8: {  	s31 =	sshll.u32 s1, $0xD;
	s1 =	sshrl.u32 s1, $0x2  }
0xb9: {  	s3 =	sand.u32 $0x4000, s31;
	s1 =	sadd.s32 s1, s30  }
0xba: {  	s0 =	sor.u32 s3, s0;
	s1 =	sshll.u32 s1, $0x11  }
0xbb: {  	s0 =	sor.u32 s1, s0  }
0xbc: {  	s0 =	sadd.s32 $0x8F2B, s0  }
0xbd: {  	[sflag:s0] =	ssyncadd.remote.s32 $0x1  }
0xbe: {  	_ =	sfence.sel $0xFFFF  }
0xbf: {  	[dreg:$0x0] =	wrdreg $0xFFFFFFFF;
	(pc) =	sbr.abs _section_cstart, $3  }
0xc0: {  	[dreg:$0x1] =	wrdreg $0xFFFFFFFF  }
0xc1: {  	_ =	task.clear_ibuf [dreg:s6], $0x2FFFF;
	_ =	strace $0x9FFFFFFF  }
0xc2: {  	(tm) =	ssettm $0x7FFFFFFF  }
0xc3: {  	_ =	shalt  }
tec
execute0_lowered:
.L_overlay_start_1:
0x0: {  	(tag) =	ssettag $0x1  }
0x1: {  	s0 =	rddreg [dreg:$0x0]  }
0x2: {  	s1 =	rddreg [dreg:$0x1]  }
0x3: {  	s3 =	simm.s32 $0x0;
	s2 =	srdreg.scid;
	s10 =	stileid.u32  }
0x4: {  	s30 =	simm.s32 $0x2880;
	s31 =	simm.s32 $0x6780;
	s28 =	simm.s32 $0x2B80  }
0x5: {  	[smem:$0x7FF] =	sst s3;
	s2 =	sand.u32 $0x1, s2;
	s7 =	smul.u32 $0x14000, s10  }
0x6: {  	s4 =	sadd.s32 $0x16200, s0;
	s5 =	sadd.s32 $0x2800, s0;
	s14 =	smul.u32 $0x50000, s10  }
0x7: {  	s6 =	smul.u32 $0x140000, s2;
	_ =	strace $0x8000004D;
	s8 =	sshll.u32 s2, $0x4  }
0x8: {  	s9 =	ssub.s32 $0x2, s2;
	s13 =	sor.u32 s10, s8;
	s8 =	sshrl.u32 s14, $0x2  }
0x9: {  	s2 =	smul.u32 $0x27100, s2;
	s15 =	sshrl.u32 s9, $0x1;
	s20 =	sadd.s32 s8, s1  }
0xa: {  	s10 =	smul.u32 $0x2710, s10;
	s8 =	sadd.s32 $0x1400, s20;
	[dreg:$0x3] =	wrdreg s20  }
0xb: {  	s6 =	sadd.s32 s7, s6;
	s17 =	sadd.s32 $0x2800, s20;
	[dreg:$0x5] =	wrdreg s8  }
0xc: {  	s7 =	smul.u32 $0x2710, s13;
	s18 =	sadd.s32 $0x3C00, s20;
	[dreg:$0x6] =	wrdreg s17  }
0xd: {  	s6 =	sshrl.u32 s6, $0x3;
	s19 =	sadd.s32 $0x5000, s20;
	[dreg:$0x7] =	wrdreg s18  }
0xe: {  	s21 =	sadd.s32 $0x6400, s20;
	s22 =	sadd.s32 $0x7800, s20;
	[dreg:$0x8] =	wrdreg s19  }
0xf: {  	s23 =	sadd.s32 $0x8C00, s20;
	s24 =	sadd.s32 $0xA000, s20;
	[dreg:$0x9] =	wrdreg s21  }
0x10: {  	s25 =	sadd.s32 $0xB400, s20;
	s12 =	sadd.s32 $0xC800, s20;
	[dreg:$0xa] =	wrdreg s22  }
0x11: {  	s2 =	sadd.s32 s10, s2;
	s0 =	sadd.s32 s6, s0;
	[dreg:$0xb] =	wrdreg s23  }
0x12: {  	s6 =	ssub.s32 s9, s15;
	s16 =	sshrl.u32 s7, $0x3;
	[dreg:$0xc] =	wrdreg s24  }
0x13: {  	[dreg:$0xd] =	wrdreg s25;
	s17 =	sadd.s32 $0x4E200, s7;
	s29 =	sadd.s32 $0x4E228, s7  }
0x14: {  	[dreg:$0xe] =	wrdreg s12;
	s14 =	sadd.s32 $0x4E278, s7;
	s7 =	sadd.s32 $0x4E2C8, s7  }
0x15: {  	s2 =	sadd.s32 $0x4E2F0, s2;
	s19 =	sadd.s32 $0xDC00, s20;
	s21 =	sadd.s32 $0xF000, s20  }
0x16: {  	s22 =	sadd.s32 $0x10400, s20;
	s23 =	sadd.s32 $0x11800, s20;
	s24 =	sadd.s32 $0x12C00, s20  }
0x17: {  	s12 =	simm.s32 $0x28;
	s9 =	simm.s32 $0x13;
	[dreg:$0x16] =	wrdreg s19  }
0x18: {  	s11 =	sadd.s32 s5, s16;
	s26 =	sshrl.u32 s17, $0x3;
	[dreg:$0x17] =	wrdreg s21  }
0x19: {  	s13 =	sshrl.u32 s29, $0x3;
	s15 =	sshrl.u32 s14, $0x3;
	[dreg:$0x18] =	wrdreg s22  }
0x1a: {  	s7 =	sshrl.u32 s7, $0x3;
	s0 =	sadd.s32 $0x3D400, s0;
	[dreg:$0x19] =	wrdreg s23  }
0x1b: {  	s16 =	smax.u32 s6, $0x1;
	s18 =	sshrl.u32 s2, $0x3;
	[dreg:$0x1a] =	wrdreg s24  }
0x1c: {  	s23 =	simm.s32 $0x5380;
	s2 =	simm.s32 $0x2A00;
	[dreg:$0x13] =	wrdreg s0  }
0x1d: {  	s6 =	simm.s32 $0x12;
	s24 =	simm.s32 $0xA;
	[dreg:$0x14] =	wrdreg s16  }
0x1e: {  	s22 =	simm.s32 $0xB;
	s8 =	sadd.s32 s5, s26;
	[dreg:$0x4] =	wrdreg s11  }
0x1f: {  	s14 =	simm.s32 $0xC;
	s7 =	sadd.s32 s5, s7;
	[dreg:$0xf] =	wrdreg s8  }
0x20: {  	s0 =	sadd.s32 s18, s5;
	s25 =	sadd.s32 $0x9C4A, s11;
	[dreg:$0x12] =	wrdreg s7  }
0x21: {  	s26 =	sadd.s32 $0x9C54, s11;
	s29 =	sadd.s32 $0x9C5E, s11;
	[dreg:$0x15] =	wrdreg s0  }
0x22: {  	s11 =	simm.s32 $0x16;
	s16 =	simm.s32 $0x2980;
	[dreg:$0x1b] =	wrdreg s25  }
.Ltmp0:
0x23: {  	s18 =	simm.s32 $0xD;
	[dreg:$0x1c] =	wrdreg s26;
	(pc) =	sbr.rel .LBB2_1-.Ltmp0, $4  }
0x24: {  	s8 =	sadd.s32 s5, s13;
	[dreg:$0x1d] =	wrdreg s29;
	s13 =	simm.s32 $0x2780  }
0x25: {  	s25 =	simm.s32 $0x2800;
	s7 =	simm.s32 $0x7B80;
	s26 =	simm.s32 $0x5  }
0x26: {  	s0 =	simm.s32 $0x0;
	[dreg:$0x10] =	wrdreg s8;
	s8 =	sadd.s32 s5, s15  }
0x27: {  	v0 =	vimm.f32 $0.0e+00;
	s15 =	simm.s32 $0x2900;
	[dreg:$0x11] =	wrdreg s8;
	s8 =	simm.s32 $0x2A00  }
.LBB2_6:
0x28: {  	s0 =	simm.s32 $0x1  }
0x29: {  	_ =	swait.ge [sflag:s0], $0x1400  }
0x2a: {  	[sflag:s0] =	ssyncset.done $0x0  }
0x2b: {  	s11 =	simm.s32 $0xF;
	[sflag:s0] =	ssyncadd.s32 $0xFFFFEC00  }
0x2c: {  	_ =	swait.ge [sflag:s11], $0x28  }
0x2d: {  	[sflag:s11] =	ssyncset.done $0x0  }
0x2e: {  	s19 =	simm.s32 $0xE;
	[sflag:s11] =	ssyncadd.s32 $0xFFFFFFD8  }
0x2f: {  	[spmem:s1] =	stream.indirect.scatter.add.f32 [tilespmem:s28], [sflag:$0x8], $0x80, s13, s12, $0xb8;
	[tilespmem:$0x1F780] =	vst v63  }
0x30: {  	_ =	swait.ge [sflag:s19], $0x1400  }
0x31: {  	[sflag:s19] =	ssyncset.done $0x0  }
0x32: {  	s20 =	simm.s32 $0x2;
	[sflag:s19] =	ssyncadd.s32 $0xFFFFEC00  }
0x33: {  	_ =	swait.ge [sflag:s20], $0x1400  }
0x34: {  	[sflag:s20] =	ssyncset.done $0x0  }
0x35: {  	s21 =	simm.s32 $0x10;
	[sflag:s20] =	ssyncadd.s32 $0xFFFFEC00  }
0x36: {  	_ =	swait.ge [sflag:s21], $0x28  }
0x37: {  	[sflag:s21] =	ssyncset.done $0x0  }
0x38: {  	s2 =	simm.s32 $0x8;
	[sflag:s21] =	ssyncadd.s32 $0xFFFFFFD8  }
0x39: {  	[spmem:s1] =	stream.indirect.scatter.add.f32 [tilespmem:s29], [sflag:$0x9], $0x80, s25, s12, $0xb8;
	[tilespmem:$0x1F780] =	vst v63  }
0x3a: {  	_ =	swait.ge [sflag:s2], $0x1400  }
0x3b: {  	[sflag:s2] =	ssyncset.done $0x0  }
0x3c: {  	s10 =	simm.s32 $0x3;
	[sflag:s2] =	ssyncadd.s32 $0xFFFFEC00  }
0x3d: {  	_ =	swait.ge [sflag:s10], $0x1400  }
0x3e: {  	[sflag:s10] =	ssyncset.done $0x0  }
0x3f: {  	s11 =	simm.s32 $0x11;
	[sflag:s10] =	ssyncadd.s32 $0xFFFFEC00  }
0x40: {  	_ =	swait.ge [sflag:s11], $0x28  }
0x41: {  	[sflag:s11] =	ssyncset.done $0x0  }
0x42: {  	s19 =	simm.s32 $0x9;
	[sflag:s11] =	ssyncadd.s32 $0xFFFFFFD8  }
0x43: {  	[spmem:s1] =	stream.indirect.scatter.add.f32 [tilespmem:s23], [sflag:$0xA], $0x80, s30, s12, $0xb8;
	[tilespmem:$0x1F780] =	vst v63  }
0x44: {  	_ =	swait.ge [sflag:s19], $0x1400  }
0x45: {  	[sflag:s19] =	ssyncset.done $0x0  }
0x46: {  	s20 =	simm.s32 $0x4;
	[sflag:s19] =	ssyncadd.s32 $0xFFFFEC00  }
0x47: {  	_ =	swait.ge [sflag:s20], $0x1400  }
0x48: {  	[sflag:s20] =	ssyncset.done $0x0  }
0x49: {  	[sflag:s20] =	ssyncadd.s32 $0xFFFFEC00  }
0x4a: {  	_ =	swait.ge [sflag:s6], $0x28  }
0x4b: {  	[sflag:s6] =	ssyncset.done $0x0  }
0x4c: {  	[sflag:s6] =	ssyncadd.s32 $0xFFFFFFD8  }
0x4d: {  	[spmem:s1] =	stream.indirect.scatter.add.f32 [tilespmem:s31], [sflag:$0xB], $0x80, s15, s12, $0xb8;
	[tilespmem:$0x1F780] =	vst v63  }
0x4e: {  	_ =	swait.ge [sflag:s24], $0x1400  }
0x4f: {  	[sflag:s24] =	ssyncset.done $0x0  }
0x50: {  	[sflag:s24] =	ssyncadd.s32 $0xFFFFEC00  }
0x51: {  	_ =	swait.ge [sflag:s26], $0x1400  }
0x52: {  	[sflag:s26] =	ssyncset.done $0x0  }
0x53: {  	[sflag:s26] =	ssyncadd.s32 $0xFFFFEC00  }
0x54: {  	_ =	swait.ge [sflag:s9], $0x28  }
0x55: {  	[sflag:s9] =	ssyncset.done $0x0  }
0x56: {  	[sflag:s9] =	ssyncadd.s32 $0xFFFFFFD8  }
0x57: {  	[spmem:s1] =	stream.indirect.scatter.add.f32 [tilespmem:s7], [sflag:$0xC], $0x80, s16, s12, $0xb8;
	[tilespmem:$0x1F780] =	vst v63  }
0x58: {  	_ =	swait.ge [sflag:s22], $0x1400  }
0x59: {  	[sflag:s22] =	ssyncset.done $0x0  }
0x5a: {  	[sflag:s22] =	ssyncadd.s32 $0xFFFFEC00  }
0x5b: {  	_ =	swait.ge [sflag:s14], $0x1400  }
0x5c: {  	[sflag:s14] =	ssyncset.done $0x0  }
0x5d: {  	[sflag:s14] =	ssyncadd.s32 $0xFFFFEC00  }
0x5e: {  	s10 =	stileid.u32;
	[bflag:$0x0] =	sbarrier.arrive $0xFFFF  }
0x5f: {  	s10 =	sshll.u32 s10, $0x6;
	s20 =	rddreg [dreg:$0x3]  }
0x60: {  	s10 =	sor.u32 $0x1C16, s10;
	s19 =	rddreg [dreg:$0x13];
	s11 =	sshrl.u32 s20, $0x3  }
0x61: {  	[hbm:s19], [sflag:s10] =	dma.local [spmem:s11], $0x2800  }
0x62: {  	s11 =	simm.s32 $0x16  }
0x63: {  	_ =	swait.ge [sflag:s11], $0x2800  }
0x64: {  	s21 =	rddreg [dreg:$0x1e]  }
0x65: {  	s29 =	rddreg [dreg:$0x14];
	s0 =	sadd.s32 $0x1, s21  }
0x66: {  	p0 =	sne.s32 s0, s29  }
.Ltmp1:
0x67: {  	_ = 	snop;
	(pc) =	sbr.rel @!p0 .LBB2_7-.Ltmp1, $3  }
0x68: {  	_ =	sdelay $0x1  }
0x69: {  	[sflag:s11] =	ssyncset.done $0x0  }
0x6a: {  	s2 =	simm.s32 $0x2A00;
	[sflag:s11] =	ssyncadd.s32 $0xFFFFD800  }
.LBB2_1:
0x6b: {  	[dreg:$0x1e] =	wrdreg s0  }
0x6c: {  	s10 =	rddreg [dreg:$0x4]  }
0x6d: {  	[tilespmem:s3], [sflag:$0x16] =	stream.linear.gather [hbm4b:s10+s3], $0x2710, $0x38;
	[tilespmem:$0x1F780] =	vst v63  }
0x6e: {  	_ =	swait.ge [sflag:s11], $0x2710  }
0x6f: {  	[sflag:s11] =	ssyncset.done $0x0  }
0x70: {  	s19 =	simm.s32 $0x200;
	s10 =	simm.s32 $0x0;
	[sflag:s11] =	ssyncadd.s32 $0xFFFFD8F0  }
.LBB2_2:
0x71: {  	p0 =	sne.s32 s19, $0x4E00;
	[tilespmem:s10+$0x3FF0] =	vst v0  }
0x72: {  	[tilespmem:s10+$0x2B80] =	vst v0  }
0x73: {  	[tilespmem:s10+$0x3F80] =	vst v0  }
0x74: {  	[tilespmem:s10+$0x2B90] =	vst v0  }
0x75: {  	[tilespmem:s10+$0x3F90] =	vst v0  }
0x76: {  	[tilespmem:s10+$0x2BA0] =	vst v0  }
0x77: {  	[tilespmem:s10+$0x3FA0] =	vst v0  }
0x78: {  	[tilespmem:s10+$0x2BB0] =	vst v0  }
0x79: {  	[tilespmem:s10+$0x3FB0] =	vst v0  }
0x7a: {  	[tilespmem:s10+$0x2BC0] =	vst v0  }
0x7b: {  	[tilespmem:s10+$0x3FC0] =	vst v0  }
.Ltmp2:
0x7c: {  	[tilespmem:s10+$0x2BD0] =	vst v0;
	(pc) =	sbr.rel @p0 .LBB2_2-.Ltmp2, $4  }
0x7d: {  	[tilespmem:s10+$0x3FD0] =	vst v0  }
0x7e: {  	[tilespmem:s10+$0x2BE0] =	vst v0  }
0x7f: {  	[tilespmem:s10+$0x3FE0] =	vst v0  }
0x80: {  	[tilespmem:s10+$0x2BF0] =	vst v0;
	s10 =	sshra.s32 s19, $0x2;
	s19 =	sadd.s32 $0x200, s19  }
0x81: {  	[tilespmem:s10+$0x3FF0] =	vst v0  }
0x82: {  	[tilespmem:s10+$0x2B80] =	vst v0  }
0x83: {  	[tilespmem:s10+$0x3F80] =	vst v0  }
0x84: {  	[tilespmem:s10+$0x2B90] =	vst v0  }
0x85: {  	[tilespmem:s10+$0x3F90] =	vst v0  }
0x86: {  	[tilespmem:s10+$0x2BA0] =	vst v0  }
0x87: {  	[tilespmem:s10+$0x3FA0] =	vst v0  }
0x88: {  	[tilespmem:s10+$0x2BB0] =	vst v0  }
0x89: {  	[tilespmem:s10+$0x3FB0] =	vst v0  }
0x8a: {  	[tilespmem:s10+$0x2BC0] =	vst v0  }
0x8b: {  	[tilespmem:s10+$0x3FC0] =	vst v0  }
0x8c: {  	[tilespmem:s10+$0x2BD0] =	vst v0  }
0x8d: {  	[tilespmem:s10+$0x3FD0] =	vst v0  }
0x8e: {  	[tilespmem:s10+$0x2BE0] =	vst v0  }
0x8f: {  	[tilespmem:s10+$0x3FE0] =	vst v0  }
0x90: {  	[tilespmem:s10+$0x2BF0] =	vst v0;
	s19 =	simm.s32 $0x2B80  }
0x91: {  	[spmem:s20] =	stream.linear.scatter [tilespmem:s19], [sflag:$0x16], $0x1400, $0x38;
	[tilespmem:$0x1F780] =	vst v63  }
0x92: {  	_ =	swait.ge [sflag:s11], $0x1400  }
0x93: {  	[sflag:s11] =	ssyncset.done $0x0  }
0x94: {  	s20 =	simm.s32 $0x3F80;
	s21 =	rddreg [dreg:$0x5];
	[sflag:s11] =	ssyncadd.s32 $0xFFFFEC00  }
0x95: {  	[spmem:s21] =	stream.linear.scatter [tilespmem:s20], [sflag:$0x16], $0x1400, $0x38;
	[tilespmem:$0x1F780] =	vst v63  }
0x96: {  	_ =	swait.ge [sflag:s11], $0x1400  }
0x97: {  	[sflag:s11] =	ssyncset.done $0x0  }
0x98: {  	s29 =	rddreg [dreg:$0x6];
	[sflag:s11] =	ssyncadd.s32 $0xFFFFEC00  }
0x99: {  	[spmem:s29] =	stream.linear.scatter [tilespmem:s19], [sflag:$0x16], $0x1400, $0x38;
	[tilespmem:$0x1F780] =	vst v63  }
0x9a: {  	_ =	swait.ge [sflag:s11], $0x1400  }
0x9b: {  	[sflag:s11] =	ssyncset.done $0x0  }
0x9c: {  	s0 =	rddreg [dreg:$0x7];
	[sflag:s11] =	ssyncadd.s32 $0xFFFFEC00  }
0x9d: {  	[spmem:s0] =	stream.linear.scatter [tilespmem:s20], [sflag:$0x16], $0x1400, $0x38;
	[tilespmem:$0x1F780] =	vst v63  }
0x9e: {  	_ =	swait.ge [sflag:s11], $0x1400  }
0x9f: {  	[sflag:s11] =	ssyncset.done $0x0  }
0xa0: {  	s21 =	rddreg [dreg:$0x8];
	[sflag:s11] =	ssyncadd.s32 $0xFFFFEC00  }
0xa1: {  	[spmem:s21] =	stream.linear.scatter [tilespmem:s19], [sflag:$0x16], $0x1400, $0x38;
	[tilespmem:$0x1F780] =	vst v63  }
0xa2: {  	_ =	swait.ge [sflag:s11], $0x1400  }
0xa3: {  	[sflag:s11] =	ssyncset.done $0x0  }
0xa4: {  	s29 =	rddreg [dreg:$0x9];
	[sflag:s11] =	ssyncadd.s32 $0xFFFFEC00  }
0xa5: {  	[spmem:s29] =	stream.linear.scatter [tilespmem:s20], [sflag:$0x16], $0x1400, $0x38;
	[tilespmem:$0x1F780] =	vst v63  }
0xa6: {  	_ =	swait.ge [sflag:s11], $0x1400  }
0xa7: {  	[sflag:s11] =	ssyncset.done $0x0  }
0xa8: {  	s0 =	rddreg [dreg:$0xa];
	[sflag:s11] =	ssyncadd.s32 $0xFFFFEC00  }
0xa9: {  	[spmem:s0] =	stream.linear.scatter [tilespmem:s19], [sflag:$0x16], $0x1400, $0x38;
	[tilespmem:$0x1F780] =	vst v63  }
0xaa: {  	_ =	swait.ge [sflag:s11], $0x1400  }
0xab: {  	[sflag:s11] =	ssyncset.done $0x0  }
0xac: {  	s21 =	rddreg [dreg:$0xb];
	[sflag:s11] =	ssyncadd.s32 $0xFFFFEC00  }
0xad: {  	[spmem:s21] =	stream.linear.scatter [tilespmem:s20], [sflag:$0x16], $0x1400, $0x38;
	[tilespmem:$0x1F780] =	vst v63  }
0xae: {  	_ =	swait.ge [sflag:s11], $0x1400  }
0xaf: {  	[sflag:s11] =	ssyncset.done $0x0  }
0xb0: {  	s29 =	rddreg [dreg:$0xc];
	[sflag:s11] =	ssyncadd.s32 $0xFFFFEC00  }
0xb1: {  	[spmem:s29] =	stream.linear.scatter [tilespmem:s19], [sflag:$0x16], $0x1400, $0x38;
	[tilespmem:$0x1F780] =	vst v63  }
0xb2: {  	_ =	swait.ge [sflag:s11], $0x1400  }
0xb3: {  	[sflag:s11] =	ssyncset.done $0x0  }
0xb4: {  	s0 =	rddreg [dreg:$0xd];
	[sflag:s11] =	ssyncadd.s32 $0xFFFFEC00  }
0xb5: {  	[spmem:s0] =	stream.linear.scatter [tilespmem:s20], [sflag:$0x16], $0x1400, $0x38;
	[tilespmem:$0x1F780] =	vst v63  }
0xb6: {  	_ =	swait.ge [sflag:s11], $0x1400  }
0xb7: {  	[sflag:s11] =	ssyncset.done $0x0  }
0xb8: {  	s21 =	rddreg [dreg:$0xe];
	[sflag:s11] =	ssyncadd.s32 $0xFFFFEC00  }
0xb9: {  	[spmem:s21] =	stream.linear.scatter [tilespmem:s19], [sflag:$0x16], $0x1400, $0x38;
	[tilespmem:$0x1F780] =	vst v63  }
0xba: {  	_ =	swait.ge [sflag:s11], $0x1400  }
0xbb: {  	[sflag:s11] =	ssyncset.done $0x0  }
0xbc: {  	s29 =	rddreg [dreg:$0x16];
	[sflag:s11] =	ssyncadd.s32 $0xFFFFEC00  }
0xbd: {  	[spmem:s29] =	stream.linear.scatter [tilespmem:s20], [sflag:$0x16], $0x1400, $0x38;
	[tilespmem:$0x1F780] =	vst v63  }
0xbe: {  	_ =	swait.ge [sflag:s11], $0x1400  }
0xbf: {  	[sflag:s11] =	ssyncset.done $0x0  }
0xc0: {  	s0 =	rddreg [dreg:$0x17];
	[sflag:s11] =	ssyncadd.s32 $0xFFFFEC00  }
0xc1: {  	[spmem:s0] =	stream.linear.scatter [tilespmem:s19], [sflag:$0x16], $0x1400, $0x38;
	[tilespmem:$0x1F780] =	vst v63  }
0xc2: {  	_ =	swait.ge [sflag:s11], $0x1400  }
0xc3: {  	[sflag:s11] =	ssyncset.done $0x0  }
0xc4: {  	s21 =	rddreg [dreg:$0x18];
	[sflag:s11] =	ssyncadd.s32 $0xFFFFEC00  }
0xc5: {  	[spmem:s21] =	stream.linear.scatter [tilespmem:s20], [sflag:$0x16], $0x1400, $0x38;
	[tilespmem:$0x1F780] =	vst v63  }
0xc6: {  	_ =	swait.ge [sflag:s11], $0x1400  }
0xc7: {  	[sflag:s11] =	ssyncset.done $0x0  }
0xc8: {  	s29 =	rddreg [dreg:$0x19];
	[sflag:s11] =	ssyncadd.s32 $0xFFFFEC00  }
0xc9: {  	[spmem:s29] =	stream.linear.scatter [tilespmem:s19], [sflag:$0x16], $0x1400, $0x38;
	[tilespmem:$0x1F780] =	vst v63  }
0xca: {  	_ =	swait.ge [sflag:s11], $0x1400  }
0xcb: {  	[sflag:s11] =	ssyncset.done $0x0  }
0xcc: {  	s0 =	rddreg [dreg:$0x1a];
	[sflag:s11] =	ssyncadd.s32 $0xFFFFEC00  }
0xcd: {  	[spmem:s0] =	stream.linear.scatter [tilespmem:s20], [sflag:$0x16], $0x1400, $0x38;
	[tilespmem:$0x1F780] =	vst v63  }
0xce: {  	_ =	swait.ge [sflag:s11], $0x1400  }
0xcf: {  	[sflag:s11] =	ssyncset.done $0x0  }
0xd0: {  	s10 =	simm.s32 $0x0;
	[sflag:s11] =	ssyncadd.s32 $0xFFFFEC00  }
0xd1: {  	[tilespmem:s19], [sflag:$0x1] =	stream.indirect.gather [hbm4b:s4+s12], $0x80, s10, s12, $0xb8;
	[tilespmem:$0x1F780] =	vst v63  }
0xd2: {  	s21 =	rddreg [dreg:$0xf]  }
0xd3: {  	[tilespmem:s13], [sflag:$0xF] =	stream.linear.gather [hbm4b:s21+s10], $0x28, $0x38;
	[tilespmem:$0x1F780] =	vst v63  }
0xd4: {  	_ = 	snop  }
0xd5: {  	[tilespmem:s20], [sflag:$0x2] =	stream.indirect.gather [hbm4b:s4+s12], $0x80, s12, s12, $0xb8;
	[tilespmem:$0x1F780] =	vst v63  }
0xd6: {  	s29 =	rddreg [dreg:$0x10]  }
0xd7: {  	[tilespmem:s25], [sflag:$0x10] =	stream.linear.gather [hbm4b:s29+s10], $0x28, $0x38;
	[tilespmem:$0x1F780] =	vst v63  }
0xd8: {  	s0 =	simm.s32 $0x50  }
0xd9: {  	[tilespmem:s23], [sflag:$0x3] =	stream.indirect.gather [hbm4b:s4+s12], $0x80, s0, s12, $0xb8;
	[tilespmem:$0x1F780] =	vst v63  }
0xda: {  	s13 =	rddreg [dreg:$0x1b]  }
0xdb: {  	[tilespmem:s30], [sflag:$0x11] =	stream.linear.gather [hbm4b:s13+s10], $0x28, $0x38;
	[tilespmem:$0x1F780] =	vst v63  }
0xdc: {  	s0 =	simm.s32 $0x78  }
0xdd: {  	[tilespmem:s31], [sflag:$0x4] =	stream.indirect.gather [hbm4b:s4+s12], $0x80, s0, s12, $0xb8;
	[tilespmem:$0x1F780] =	vst v63  }
0xde: {  	s19 =	rddreg [dreg:$0x11]  }
0xdf: {  	[tilespmem:s15], [sflag:$0x12] =	stream.linear.gather [hbm4b:s19+s10], $0x28, $0x38;
	[tilespmem:$0x1F780] =	vst v63  }
0xe0: {  	s20 =	simm.s32 $0xA0  }
0xe1: {  	[tilespmem:s7], [sflag:$0x5] =	stream.indirect.gather [hbm4b:s4+s12], $0x80, s20, s12, $0xb8;
	[tilespmem:$0x1F780] =	vst v63  }
0xe2: {  	s21 =	rddreg [dreg:$0x1c]  }
0xe3: {  	[tilespmem:s16], [sflag:$0x13] =	stream.linear.gather [hbm4b:s21+s10], $0x28, $0x38;
	[tilespmem:$0x1F780] =	vst v63  }
0xe4: {  	s23 =	simm.s32 $0xC8;
	s16 =	simm.s32 $0x8F80  }
0xe5: {  	[tilespmem:s16], [sflag:$0x6] =	stream.indirect.gather [hbm4b:s4+s12], $0x80, s23, s12, $0xb8;
	[tilespmem:$0x1F780] =	vst v63  }
0xe6: {  	s25 =	rddreg [dreg:$0x12]  }
0xe7: {  	[tilespmem:s2], [sflag:$0x14] =	stream.linear.gather [hbm4b:s25+s10], $0x28, $0x38;
	[tilespmem:$0x1F780] =	vst v63  }
0xe8: {  	s29 =	simm.s32 $0xA380;
	s20 =	simm.s32 $0xF0  }
0xe9: {  	[tilespmem:s29], [sflag:$0x7] =	stream.indirect.gather [hbm4b:s4+s12], $0x80, s20, s12, $0xb8;
	[tilespmem:$0x1F780] =	vst v63  }
0xea: {  	s30 =	rddreg [dreg:$0x1d];
	s31 =	simm.s32 $0x2A80  }
0xeb: {  	[tilespmem:s31], [sflag:$0x15] =	stream.linear.gather [hbm4b:s30+s10], $0x28, $0x38;
	[tilespmem:$0x1F780] =	vst v63  }
0xec: {  	[bflag:$0x0] =	sbarrier.arrive $0xFFFF  }
0xed: {  	s21 =	rddreg [dreg:$0x15]  }
.LBB2_4:
0xee: {  	s0 =	simm.s32 $0x1  }
0xef: {  	_ =	swait.ge [sflag:s0], $0x1400  }
0xf0: {  	[sflag:s0] =	ssyncset.done $0x0  }
0xf1: {  	s7 =	simm.s32 $0xF;
	[sflag:s0] =	ssyncadd.s32 $0xFFFFEC00  }
0xf2: {  	_ =	swait.ge [sflag:s7], $0x28  }
0xf3: {  	s29 =	simm.s32 $0x2B80;
	p0 =	seq.s32 s10, $0x0;
	[sflag:s7] =	ssyncset.done $0x0  }
0xf4: {  	s25 =	simm.s32 $0x2780;
	s19 =	simm.s32 @!p0 $0xE;
	[sflag:s7] =	ssyncadd.s32 $0xFFFFFFD8  }
0xf5: {  	[spmem:s1] =	stream.indirect.scatter.add.f32 [tilespmem:s29], [sflag:$0x8], $0x80, s25, s12, $0xb8;
	[tilespmem:$0x1F780] =	vst v63  }
0xf6: {  	_ =	swait.ge @!p0 [sflag:s19], $0x1400  }
0xf7: {  	[sflag:s19] =	ssyncset.done @!p0 $0x0  }
0xf8: {  	s11 =	simm.s32 @!p0 $0xA380;
	[sflag:s19] =	ssyncadd.s32 @!p0 $0xFFFFEC00;
	s19 =	simm.s32 @!p0 $0x28  }
0xf9: {  	[tilespmem:s11], [sflag:$0x7] =	stream.indirect.gather @!p0 [hbm4b:s4+s19], $0x80, s20, s19, $0xb8;
	[tilespmem:$0x1F780] =	vst v63  }
0xfa: {  	s11 =	simm.s32 @!p0 $0x0;
	s19 =	simm.s32 @!p0 $0x2A80  }
0xfb: {  	[tilespmem:s19], [sflag:$0x15] =	stream.linear.gather @!p0 [hbm4b:s21+s11], $0x28, $0x38;
	[tilespmem:$0x1F780] =	vst v63  }
0xfc: {  	s11 =	simm.s32 $0x2  }
0xfd: {  	_ =	swait.ge [sflag:s11], $0x1400  }
0xfe: {  	[sflag:s11] =	ssyncset.done $0x0  }
0xff: {  	s13 =	simm.s32 $0x10;
	[sflag:s11] =	ssyncadd.s32 $0xFFFFEC00  }
0x100: {  	s30 =	simm.s32 $0x3F80;
	_ =	swait.ge [sflag:s13], $0x28  }
0x101: {  	s23 =	simm.s32 $0x2800;
	s19 =	smov.u32 s10;
	[sflag:s13] =	ssyncset.done $0x0  }
0x102: {  	s15 =	simm.s32 $0x8;
	s19 =	simm.s32 @p0 $0x0;
	[sflag:s13] =	ssyncadd.s32 $0xFFFFFFD8  }
0x103: {  	[spmem:s1] =	stream.indirect.scatter.add.f32 [tilespmem:s30], [sflag:$0x9], $0x80, s23, s12, $0xb8;
	[tilespmem:$0x1F780] =	vst v63  }
0x104: {  	s2 =	sadd.s32 $0x118, s19;
	_ =	swait.ge [sflag:s15], $0x1400  }
0x105: {  	s11 =	sadd.s32 s17, s2;
	[sflag:s15] =	ssyncset.done $0x0  }
0x106: {  	s11 =	sshrl.u32 s11, $0x3;
	[sflag:s15] =	ssyncadd.s32 $0xFFFFEC00  }
0x107: {  	[tilespmem:s29], [sflag:$0x1] =	stream.indirect.gather [hbm4b:s4+s12], $0x80, s2, s12, $0xb8;
	[tilespmem:$0x1F780] =	vst v63  }
0x108: {  	s7 =	simm.s32 $0x3;
	s11 =	sadd.s32 s5, s11  }
0x109: {  	[tilespmem:s25], [sflag:$0xF] =	stream.linear.gather [hbm4b:s11+s3], $0x28, $0x38;
	[tilespmem:$0x1F780] =	vst v63  }
0x10a: {  	_ =	swait.ge [sflag:s7], $0x1400  }
0x10b: {  	[sflag:s7] =	ssyncset.done $0x0  }
0x10c: {  	s11 =	simm.s32 $0x11;
	[sflag:s7] =	ssyncadd.s32 $0xFFFFEC00  }
0x10d: {  	_ =	swait.ge [sflag:s11], $0x28  }
0x10e: {  	s31 =	simm.s32 $0x5380;
	[sflag:s11] =	ssyncset.done $0x0  }
0x10f: {  	s0 =	simm.s32 $0x2880;
	s2 =	simm.s32 $0x9;
	[sflag:s11] =	ssyncadd.s32 $0xFFFFFFD8  }
0x110: {  	[spmem:s1] =	stream.indirect.scatter.add.f32 [tilespmem:s31], [sflag:$0xA], $0x80, s0, s12, $0xb8;
	[tilespmem:$0x1F780] =	vst v63  }
0x111: {  	s15 =	sadd.s32 $0x140, s19;
	_ =	swait.ge [sflag:s2], $0x1400  }
0x112: {  	s11 =	sadd.s32 s17, s15;
	[sflag:s2] =	ssyncset.done $0x0  }
0x113: {  	s11 =	sshrl.u32 s11, $0x3;
	[sflag:s2] =	ssyncadd.s32 $0xFFFFEC00  }
0x114: {  	[tilespmem:s30], [sflag:$0x2] =	stream.indirect.gather [hbm4b:s4+s12], $0x80, s15, s12, $0xb8;
	[tilespmem:$0x1F780] =	vst v63  }
0x115: {  	s11 =	sadd.s32 s5, s11  }
0x116: {  	[tilespmem:s23], [sflag:$0x10] =	stream.linear.gather [hbm4b:s11+s3], $0x28, $0x38;
	[tilespmem:$0x1F780] =	vst v63  }
0x117: {  	s23 =	simm.s32 $0x4  }
0x118: {  	_ =	swait.ge [sflag:s23], $0x1400  }
0x119: {  	[sflag:s23] =	ssyncset.done $0x0  }
0x11a: {  	[sflag:s23] =	ssyncadd.s32 $0xFFFFEC00  }
0x11b: {  	_ =	swait.ge [sflag:s6], $0x28  }
0x11c: {  	[sflag:s6] =	ssyncset.done $0x0  }
0x11d: {  	s7 =	simm.s32 $0x2900;
	s15 =	simm.s32 $0x6780;
	[sflag:s6] =	ssyncadd.s32 $0xFFFFFFD8  }
0x11e: {  	[spmem:s1] =	stream.indirect.scatter.add.f32 [tilespmem:s15], [sflag:$0xB], $0x80, s7, s12, $0xb8;
	[tilespmem:$0x1F780] =	vst v63  }
0x11f: {  	s2 =	sadd.s32 $0x168, s19;
	_ =	swait.ge [sflag:s24], $0x1400  }
0x120: {  	s11 =	sadd.s32 s17, s2;
	[sflag:s24] =	ssyncset.done $0x0  }
0x121: {  	s11 =	sshrl.u32 s11, $0x3;
	[sflag:s24] =	ssyncadd.s32 $0xFFFFEC00  }
0x122: {  	[tilespmem:s31], [sflag:$0x3] =	stream.indirect.gather [hbm4b:s4+s12], $0x80, s2, s12, $0xb8;
	[tilespmem:$0x1F780] =	vst v63  }
0x123: {  	s11 =	sadd.s32 s5, s11  }
0x124: {  	[tilespmem:s0], [sflag:$0x11] =	stream.linear.gather [hbm4b:s11+s3], $0x28, $0x38;
	[tilespmem:$0x1F780] =	vst v63  }
0x125: {  	_ =	swait.ge [sflag:s26], $0x1400  }
0x126: {  	[sflag:s26] =	ssyncset.done $0x0  }
0x127: {  	[sflag:s26] =	ssyncadd.s32 $0xFFFFEC00  }
0x128: {  	_ =	swait.ge [sflag:s9], $0x28  }
0x129: {  	[sflag:s9] =	ssyncset.done $0x0  }
0x12a: {  	s2 =	simm.s32 $0x2980;
	s0 =	simm.s32 $0x7B80;
	[sflag:s9] =	ssyncadd.s32 $0xFFFFFFD8  }
0x12b: {  	[spmem:s1] =	stream.indirect.scatter.add.f32 [tilespmem:s0], [sflag:$0xC], $0x80, s2, s12, $0xb8;
	[tilespmem:$0x1F780] =	vst v63  }
0x12c: {  	_ =	swait.ge [sflag:s22], $0x1400  }
0x12d: {  	[sflag:s22] =	ssyncset.done $0x0  }
0x12e: {  	s11 =	sadd.s32 $0x190, s19;
	[sflag:s22] =	ssyncadd.s32 $0xFFFFEC00  }
0x12f: {  	[tilespmem:s15], [sflag:$0x4] =	stream.indirect.gather [hbm4b:s4+s12], $0x80, s11, s12, $0xb8;
	[tilespmem:$0x1F780] =	vst v63  }
0x130: {  	s11 =	sadd.s32 s17, s11  }
0x131: {  	s11 =	sshrl.u32 s11, $0x3  }
0x132: {  	s11 =	sadd.s32 s5, s11  }
0x133: {  	[tilespmem:s7], [sflag:$0x12] =	stream.linear.gather [hbm4b:s11+s3], $0x28, $0x38;
	[tilespmem:$0x1F780] =	vst v63  }
0x134: {  	s11 =	simm.s32 $0x6  }
0x135: {  	_ =	swait.ge [sflag:s11], $0x1400  }
0x136: {  	[sflag:s11] =	ssyncset.done $0x0  }
0x137: {  	[sflag:s11] =	ssyncadd.s32 $0xFFFFEC00;
	s11 =	simm.s32 $0x14  }
0x138: {  	_ =	swait.ge [sflag:s11], $0x28  }
0x139: {  	[sflag:s11] =	ssyncset.done $0x0  }
0x13a: {  	[sflag:s11] =	ssyncadd.s32 $0xFFFFFFD8  }
0x13b: {  	[spmem:s1] =	stream.indirect.scatter.add.f32 [tilespmem:s16], [sflag:$0xD], $0x80, s8, s12, $0xb8;
	[tilespmem:$0x1F780] =	vst v63  }
0x13c: {  	s16 =	sadd.s32 $0x1B8, s19;
	_ =	swait.ge [sflag:s14], $0x1400  }
0x13d: {  	s11 =	sadd.s32 s17, s16;
	[sflag:s14] =	ssyncset.done $0x0  }
0x13e: {  	s11 =	sshrl.u32 s11, $0x3;
	[sflag:s14] =	ssyncadd.s32 $0xFFFFEC00  }
0x13f: {  	[tilespmem:s0], [sflag:$0x5] =	stream.indirect.gather [hbm4b:s4+s12], $0x80, s16, s12, $0xb8;
	[tilespmem:$0x1F780] =	vst v63  }
0x140: {  	s11 =	sadd.s32 s5, s11  }
0x141: {  	[tilespmem:s2], [sflag:$0x13] =	stream.linear.gather [hbm4b:s11+s3], $0x28, $0x38;
	[tilespmem:$0x1F780] =	vst v63  }
0x142: {  	s11 =	simm.s32 $0x7  }
0x143: {  	_ =	swait.ge [sflag:s11], $0x1400  }
0x144: {  	p0 =	seq.s32 s10, $0x2530;
	[sflag:s11] =	ssyncset.done $0x0  }
0x145: {  	s13 =	simm.s32 $0x2780;
	[sflag:s11] =	ssyncadd.s32 $0xFFFFEC00;
	s11 =	simm.s32 $0x15  }
0x146: {  	s29 =	simm.s32 $0x3F80;
	s25 =	simm.s32 $0x2800;
	_ =	swait.ge [sflag:s11], $0x28  }
0x147: {  	s30 =	simm.s32 $0x2880;
	s2 =	simm.s32 $0xA380;
	[sflag:s11] =	ssyncset.done $0x0  }
.Ltmp3:
0x148: {  	[sflag:s11] =	ssyncadd.s32 $0xFFFFFFD8;
	s11 =	simm.s32 $0x2A80;
	(pc) =	sbr.rel @p0 .LBB2_6-.Ltmp3, $4  }
0x149: {  	[spmem:s1] =	stream.indirect.scatter.add.f32 [tilespmem:s2], [sflag:$0xE], $0x80, s11, s12, $0xb8;
	[tilespmem:$0x1F780] =	vst v63  }
0x14a: {  	s23 =	simm.s32 $0x5380;
	s31 =	simm.s32 $0x6780;
	_ =	swait.ge [sflag:s18], $0x1400  }
0x14b: {  	s15 =	simm.s32 $0x2900;
	s7 =	simm.s32 $0x7B80;
	[sflag:s18] =	ssyncset.done $0x0  }
0x14c: {  	s0 =	simm.s32 $0x8F80;
	s16 =	simm.s32 $0x2980;
	[sflag:s18] =	ssyncadd.s32 $0xFFFFEC00  }
0x14d: {  	s11 =	sadd.s32 $0x1E0, s19  }
0x14e: {  	[tilespmem:s0], [sflag:$0x6] =	stream.indirect.gather [hbm4b:s4+s12], $0x80, s11, s12, $0xb8;
	[tilespmem:$0x1F780] =	vst v63  }
.Ltmp4:
0x14f: {  	_ = 	snop;
	(pc) =	sbr.rel .LBB2_4-.Ltmp4, $4  }
0x150: {  	s11 =	sadd.s32 s17, s11  }
0x151: {  	s10 =	sadd.s32 $0x118, s10;
	s21 =	sadd.s32 $0x23, s21;
	s11 =	sshrl.u32 s11, $0x3  }
0x152: {  	s20 =	sadd.s32 $0x118, s20;
	s16 =	simm.s32 $0x8F80;
	s11 =	sadd.s32 s5, s11  }
0x153: {  	[tilespmem:s8], [sflag:$0x14] =	stream.linear.gather [hbm4b:s11+s3], $0x28, $0x38;
	[tilespmem:$0x1F780] =	vst v63  }
.LBB2_7:
0x154: {  	_ =	sfence.sel $0x180000  }
0x155: {  	[bflag:$0x0] =	sbarrier.arrive $0xFFFF  }
0x156: {  	_ =	strace $0x9000004D  }
0x157: {  	s0 =	stileid.u32;
	[bflag:$0x2] =	sbarrier.arrive $0xFFFF  }
0x158: {  	p0 =	sne.s32 s0, $0x0;
	s0 =	rddreg [dreg:$0x2]  }
0x159: {  	s0 =	sadd.s32 @!p0 $0x100000, s0  }
0x15a: {  	[sflag:s0] =	ssyncadd.tile.s32 @!p0 $0x1;
	_ =	shalt  }
.Lfunc_end2:
_tile_overlayer_lowered:
.L_overlay_start_2:
0x15b: {  	(tag) =	ssettag $0x2  }
0x15c: {  	s0 =	rddreg [dreg:$0x0];
	s2 =	stileid.u32  }
0x15d: {  	s1 =	rddreg [dreg:$0x1];
	p0 =	sne.s32 s2, $0x0  }
0x15e: {  	s3 =	rddreg [dreg:$0x2];
	[bflag:$0x3] =	sbarrier.arrive $0xFFFF;
	s2 =	simm.s32 @!p0 $0x1C16  }
0x15f: {  	[timem:s3], [sflag:s2] =	dma.local @!p0 [hbm:s0], s1  }
0x160: {  	s0 =	simm.s32 @!p0 $0x16  }
0x161: {  	_ =	swait.ge @!p0 [sflag:s0], s1  }
0x162: {  	s1 =	ssub.s32 @!p0 $0x0, s1;
	[sflag:s0] =	ssyncset.done @!p0 $0x0  }
0x163: {  	[sflag:s0] =	ssyncadd.s32 @!p0 s1  }
0x164: {  	[bflag:$0x3] =	sbarrier.arrive $0xFFFF  }
0x165: {  	_ =	shalt  }

// kernel: kernel.8.cloned.1.call-start
scs
__scs_entry_jumppad:
0x0: {  	(pc) =	sbr.rel $0x88, $3  }
0x1: {  	(tag) =	ssettag $0x0;
	lr =	simm.s32 $0x1  }
0x2: {  	[smem:$0x3F98] =	sst lr;
	_ =	strace $0xD0000000  }
0x3: {  	_ = 	snop  }
0x4: {  	_ = 	snop  }
0x5: {  	_ = 	snop  }
0x6: {  	_ = 	snop  }
0x7: {  	_ = 	snop  }
__scs_overlays_trampoline_lowered:
0x8: {  	[smem:$0x3FA7] =	sst s0  }
0x9: {  	[smem:$0x3FA8] =	sst s1  }
0xa: {  	[smem:$0x3FA9] =	sst s2  }
0xb: {  	[smem:$0x3FAA] =	sst s3  }
0xc: {  	[smem:$0x3FAB] =	sst s4  }
0xd: {  	[smem:$0x3FAC] =	sst s5  }
0xe: {  	[smem:$0x3FAD] =	sst s6  }
0xf: {  	[smem:$0x3FAE] =	sst s7  }
0x10: {  	[smem:$0x3FAF] =	sst s8  }
0x11: {  	[smem:$0x3FB0] =	sst s9;
	s0 =	simm.s32 @!p0 $0x0  }
0x12: {  	s1 =	sld [smem:$0x3F96];
	s0 =	simm.s32 @p0 $0x1  }
0x13: {  	[smem:$0x3FB1] =	sst s0;
	s0 =	simm.s32 @!p1 $0x0  }
0x14: {  	s2 =	sld [smem:$0x3F95];
	s0 =	simm.s32 @p1 $0x1  }
0x15: {  	[smem:$0x3FB2] =	sst s0;
	s0 =	simm.s32 @!p2 $0x0  }
0x16: {  	s3 =	sld [smem:$0x3FDB];
	s0 =	simm.s32 @p2 $0x1  }
0x17: {  	s4 =	simm.s32 $0x1BF5;
	[smem:$0x3FB4] =	sst s0  }
0x18: {  	s0 =	sld [smem:$0x3F97];
	_ =	swait.ge [sflag:s4], $0x0  }
0x19: {  	s7 =	sld [smem:$0x3F98]  }
0x1a: {  	s8 =	sadd.s32 $0xFFFFE003, lr  }
0x1b: {  	s9 =	sadd.s32 $0xFFFFFEF7, lr;
	s5 =	simm.s32 $0xFFFFFFFF;
	p2 =	slt.u32 s8, $0xFFFFF086  }
0x1c: {  	p1 =	slt.u32 s9, $0xF7A;
	s5 =	simm.s32 @!p2 $0x0  }
0x1d: {  	s5 =	simm.s32 @p1 $0x1;
	p0 =	seq.s32 s7, s2  }
0x1e: {  	s7 =	smul.u32 @!p0 $0xF7A, s2;
	p2 =	seq.s32 @!p0 s5, $0x0  }
0x1f: {  	s9 =	smul.u32 $0xF7A, s1;
	s8 =	simm.s32 @!p0 $0x1BF5;
	p2 =	por !p2, p0  }
0x20: {  	[sflag:s8] =	ssyncset.s32 @!p0 $0xFFFFF086;
	s6 =	sadd.s32 @!p0 s3, s7;
	s7 =	simm.s32 @!p0 $0x108  }
0x21: {  	s3 =	sadd.s32 s3, s9;
	s6 =	sadd.s32 @!p0 $0x88, s6;
	s7 =	simm.s32 @p2 $0x1082  }
0x22: {  	[simem:s7], [sflag:s8] =	dma.local @!p0 [hbm:s6], $0xF7A  }
0x23: {  	s9 =	sor.u32 $0xD0000000, s2;
	s6 =	simm.s32 $0x108;
	_ =	swait.ge @!p0 [sflag:s8], $0x0  }
0x24: {  	s3 =	sadd.s32 $0x88, s3;
	s6 =	simm.s32 @!p1 $0x1082;
	[sflag:s4] =	ssyncset.s32 $0xFFFFF086  }
0x25: {  	[simem:s6], [sflag:s4] =	dma.local [hbm:s3], $0xF7A  }
0x26: {  	[smem:$0x3F98] =	sst s1;
	(tag) =	ssettag s2;
	_ =	strace s9  }
0x27: {  	s1 =	sld [smem:$0x3FA8]  }
0x28: {  	s2 =	sld [smem:$0x3FA9]  }
0x29: {  	s4 =	sld [smem:$0x3FAB]  }
0x2a: {  	p0 =	seq.s32 s5, $0x0;
	s5 =	sld [smem:$0x3FAC]  }
0x2b: {  	s6 =	sld [smem:$0x3FAD]  }
0x2c: {  	s7 =	sld [smem:$0x3FAE]  }
0x2d: {  	s3 =	simm.s32 $0x108;
	s8 =	sld [smem:$0x3FAF]  }
0x2e: {  	s3 =	simm.s32 @!p0 $0x1082;
	s9 =	sld [smem:$0x3FB0]  }
0x2f: {  	lr =	sadd.s32 s0, s3;
	s0 =	sld [smem:$0x3FA7]  }
0x30: {  	s3 =	sld [smem:$0x3FAA]  }
0x31: {  	[smem:$0x3FB3] =	sst s10  }
0x32: {  	s10 =	sld [smem:$0x3FB1];
	_ =	sdelay $0x3  }
0x33: {  	p0 =	seq.s32 s10, $0x1;
	s10 =	sld [smem:$0x3FB3];
	_ =	sdelay $0x3  }
0x34: {  	[smem:$0x3FB3] =	sst s10  }
0x35: {  	s10 =	sld [smem:$0x3FB2];
	_ =	sdelay $0x3  }
0x36: {  	p1 =	seq.s32 s10, $0x1;
	s10 =	sld [smem:$0x3FB3];
	_ =	sdelay $0x3  }
0x37: {  	[smem:$0x3FB3] =	sst s10  }
0x38: {  	s10 =	sld [smem:$0x3FB4]  }
0x39: {  	_ = 	snop;
	(pc) =	sbr.ind lr, $3  }
0x3a: {  	_ = 	snop  }
0x3b: {  	_ = 	snop  }
0x3c: {  	p2 =	seq.s32 s10, $0x1;
	s10 =	sld [smem:$0x3FB3]  }
0x3d: {  	_ =	shalt  }
0x3e: {  	_ =	shalt  }
0x3f: {  	_ =	shalt  }
0x40: {  	_ =	shalt  }
0x41: {  	_ =	shalt  }
0x42: {  	_ =	shalt  }
0x43: {  	_ =	shalt  }
0x44: {  	_ =	shalt  }
0x45: {  	_ =	shalt  }
0x46: {  	_ =	shalt  }
0x47: {  	_ =	shalt  }
0x48: {  	_ =	shalt  }
0x49: {  	_ =	shalt  }
0x4a: {  	_ =	shalt  }
0x4b: {  	_ =	shalt  }
0x4c: {  	_ =	shalt  }
0x4d: {  	_ =	shalt  }
0x4e: {  	_ =	shalt  }
0x4f: {  	_ =	shalt  }
0x50: {  	_ =	shalt  }
0x51: {  	_ =	shalt  }
0x52: {  	_ =	shalt  }
0x53: {  	_ =	shalt  }
0x54: {  	_ =	shalt  }
0x55: {  	_ =	shalt  }
0x56: {  	_ =	shalt  }
0x57: {  	_ =	shalt  }
0x58: {  	_ =	shalt  }
0x59: {  	_ =	shalt  }
0x5a: {  	_ =	shalt  }
0x5b: {  	_ =	shalt  }
0x5c: {  	_ =	shalt  }
0x5d: {  	_ =	shalt  }
0x5e: {  	_ =	shalt  }
0x5f: {  	_ =	shalt  }
0x60: {  	_ =	shalt  }
0x61: {  	_ =	shalt  }
0x62: {  	_ =	shalt  }
0x63: {  	_ =	shalt  }
0x64: {  	_ =	shalt  }
0x65: {  	_ =	shalt  }
0x66: {  	_ =	shalt  }
0x67: {  	_ =	shalt  }
0x68: {  	_ =	shalt  }
0x69: {  	_ =	shalt  }
0x6a: {  	_ =	shalt  }
0x6b: {  	_ =	shalt  }
0x6c: {  	_ =	shalt  }
0x6d: {  	_ =	shalt  }
0x6e: {  	_ =	shalt  }
0x6f: {  	_ =	shalt  }
0x70: {  	_ =	shalt  }
0x71: {  	_ =	shalt  }
0x72: {  	_ =	shalt  }
0x73: {  	_ =	shalt  }
0x74: {  	_ =	shalt  }
0x75: {  	_ =	shalt  }
0x76: {  	_ =	shalt  }
0x77: {  	_ =	shalt  }
0x78: {  	_ =	shalt  }
0x79: {  	_ =	shalt  }
0x7a: {  	_ =	shalt  }
0x7b: {  	_ =	shalt  }
0x7c: {  	_ =	shalt  }
0x7d: {  	_ =	shalt  }
0x7e: {  	_ =	shalt  }
0x7f: {  	_ =	shalt  }
0x80: {  	_ =	shalt  }
0x81: {  	_ =	shalt  }
0x82: {  	_ =	shalt  }
0x83: {  	_ =	shalt  }
0x84: {  	_ =	shalt  }
0x85: {  	_ =	shalt  }
0x86: {  	_ =	shalt  }
0x87: {  	_ =	shalt  }
.Lfunc_end0:
.L_simem_size_0:
called_computation_lowered:
.L_overlay_start_0:
0x88: {  	s2 =	sld [smem:$0x3FD9]  }
0x89: {  	s3 =	sld [smem:$0x3FFE];
	_ =	sdelay $0x1  }
0x8a: {  	s1 =	srdreg.scid  }
0x8b: {  	s0 =	sand.u32 $0x1, s1  }
0x8c: {  	s16 =	sshll.u32 s0, $0xA;
	s2 =	sadd.s32 s3, s2  }
0x8d: {  	s2 =	sadd.s32 s2, s16  }
0x8e: {  	[smem:$0x3FBF] =	sst s2  }
0x8f: {  	_ = 	snop  }
0x90: {  	(tm) =	ssettm $0x1  }
0x91: {  	s17 =	sld [smem:$0x3FFB];
	_ =	sdelay $0x3  }
0x92: {  	_ =	strace s17  }
0x93: {  	s2 =	sld [smem:$0x3FFC];
	_ =	sdelay $0x3  }
0x94: {  	_ =	strace s2  }
0x95: {  	s2 =	sld [smem:$0x3FFD];
	_ =	sdelay $0x3  }
0x96: {  	_ =	strace s2  }
0x97: {  	_ =	strace $0x8FFFFFFF  }
0x98: {  	s18 =	sld [smem:$0x3FDB];
	_ =	sdelay $0x1  }
0x99: {  	s19 =	simm.s32 $_scs_section_size  }
0x9a: {  	s4 =	simm.s32 $_size__tile_overlayer_lowered;
	s5 =	simm.s32 $_tile_overlayer_lowered  }
0x9b: {  	s22 =	simm.s32 $0x1BFF;
	s21 =	sshll.u32 s5, $0x1;
	s2 =	sadd.s32 s19, s18  }
0x9c: {  	s6 =	simm.s32 $0x0;
	s20 =	sshll.u32 s4, $0x1;
	s4 =	sadd.s32 s21, s2  }
0x9d: {  	[timem:s6], [sflag:s22] =	dma.local [hbm:s4], s20  }
0x9e: {  	_ =	swait.ge [sflag:s22], s20  }
0x9f: {  	s3 =	ssub.s32 $0x0, s20;
	[sflag:s22] =	ssyncset.done $0x0  }
0xa0: {  	[sflag:s22] =	ssyncadd.s32 s3;
	_ =	sdelay $0x1  }
0xa1: {  	s23 =	simm.s32 $0x1B8B  }
0xa2: {  	_ =	swait.ge [sflag:s23], $0x1  }
0xa3: {  	[sflag:s23] =	ssyncset.done $0x0  }
0xa4: {  	s25 =	simm.s32 $0x1B8E;
	s24 =	sld [smem:$0x3FFE];
	[sflag:s23] =	ssyncadd.s32 $0xFFFFFFFF  }
0xa5: {  	s26 =	simm.s32 $execute0_lowered;
	[smem:$0x3FD2] =	sst s25  }
0xa6: {  	s4 =	sshll.u32 s26, $0x1;
	_ =	strace $0x80000046;
	[dreg:$0x1] =	wrdreg $0xFFFFFFFF  }
0xa7: {  	s28 =	simm.s32 $_size_execute0_lowered;
	s2 =	sadd.s32 s2, s4;
	[dreg:$0x0] =	wrdreg $0x0  }
0xa8: {  	s4 =	sshll.u32 s28, $0x1;
	[dreg:$0x2] =	wrdreg s2  }
0xa9: {  	[dreg:$0x3] =	wrdreg s4  }
0xaa: {  	[dreg:$0x4] =	wrdreg $0xC0  }
0xab: {  	_ =	task [dreg:s6], $0x5FFFF  }
0xac: {  	[dreg:$0x1] =	wrdreg $0xFFFFFFFF  }
0xad: {  	[dreg:$0x0] =	wrdreg $0x60  }
0xae: {  	[dreg:$0x2] =	wrdreg s24  }
0xaf: {  	[dreg:$0x3] =	wrdreg $0x9  }
0xb0: {  	_ =	task.clear_ibuf [dreg:s6], $0x4FFFF;
	_ =	strace $0x90000046  }
0xb1: {  	s29 =	simm.s32 $0x9;
	_ =	strace $0x80000048  }
0xb2: {  	_ =	swait.ge [sflag:s29], $0x1  }
0xb3: {  	[sflag:s29] =	ssyncadd.s32 $0xFFFFFFFF  }
0xb4: {  	_ =	strace $0x90000048  }
0xb5: {  	_ =	sfence  }
0xb6: {  	s30 =	sld [smem:$0x0];
	_ =	sdelay $0x2  }
0xb7: {  	s31 =	sshll.u32 s1, $0xD;
	s1 =	sshrl.u32 s1, $0x2  }
0xb8: {  	s3 =	sand.u32 $0x4000, s31;
	s1 =	sadd.s32 s1, s30  }
0xb9: {  	s0 =	sor.u32 s3, s0;
	s1 =	sshll.u32 s1, $0x11  }
0xba: {  	s0 =	sor.u32 s1, s0  }
0xbb: {  	s0 =	sadd.s32 $0x8F2B, s0  }
0xbc: {  	[sflag:s0] =	ssyncadd.remote.s32 $0x1  }
0xbd: {  	_ =	sfence.sel $0xFFFF  }
0xbe: {  	[dreg:$0x0] =	wrdreg $0xFFFFFFFF;
	(pc) =	sbr.abs _section_cstart, $3  }
0xbf: {  	[dreg:$0x1] =	wrdreg $0xFFFFFFFF  }
0xc0: {  	_ =	task.clear_ibuf [dreg:s6], $0x2FFFF;
	_ =	strace $0x9FFFFFFF  }
0xc1: {  	(tm) =	ssettm $0x7FFFFFFF  }
tec
execute0_lowered:
.L_overlay_start_1:
0x0: {  	(tag) =	ssettag $0x1  }
0x1: {  	s0 =	srdreg.scid  }
0x2: {  	s4 =	rddreg [dreg:$0x0];
	s2 =	simm.s32 $0x0;
	s3 =	sand.u32 $0x1, s0  }
0x3: {  	s8 =	simm.s32 $0x80;
	s0 =	stileid.u32;
	s1 =	sshll.u32 s3, $0x4  }
0x4: {  	s9 =	simm.s32 $0x400;
	s10 =	simm.s32 $0x0;
	s5 =	sor.u32 s0, s1  }
0x5: {  	[smem:$0x7FF] =	sst s2;
	s7 =	sshll.u32 s0, $0x7;
	s6 =	sshrl.u32 s5, $0x3  }
0x6: {  	s3 =	ssub.s32 $0x2, s3;
	s1 =	rddreg [dreg:$0x1];
	s6 =	smul.u32 $0x13C00, s6  }
0x7: {  	s7 =	sand.u32 $0x380, s7;
	s30 =	sshrl.u32 s3, $0x1;
	s5 =	smul.u32 $0x2710, s5  }
0x8: {  	_ =	strace $0x80000047;
	s31 =	ssub.s32 s3, s30;
	s6 =	sor.u32 s7, s6  }
0x9: {  	s5 =	sshrl.u32 s5, $0x3;
	s7 =	simm.s32 $0x2780;
	s6 =	sshrl.u32 s6, $0x3  }
0xa: {  	s6 =	sadd.s32 s6, s4;
	s4 =	sadd.s32 s4, s5;
	s5 =	smax.u32 s31, $0x1  }
0xb: {  	v0 =	vimm.f32 $0.0e+00;
	v1 =	vimm.f32 $1.000000000e+00;
	s3 =	sadd.s32 $0xC440, s4;
	s4 =	sadd.s32 $0x16200, s6;
	s6 =	simm.s32 $0x1  }
.LBB2_1:
0xc: {  	[tilespmem:s2], [sflag:$0x1] =	stream.linear.gather [hbm4b:s3+s2], $0x2710, $0x38;
	[tilespmem:$0x4F00] =	vst v63  }
0xd: {  	_ =	swait.ge [sflag:s6], $0x2710  }
0xe: {  	[sflag:s6] =	ssyncset.done $0x0  }
0xf: {  	s11 =	simm.s32 $0x0;
	[sflag:s6] =	ssyncadd.s32 $0xFFFFD8F0  }
.LBB2_2:
0x10: {  	p0 =	sne.s32 s11, $0x9C00  }
.Ltmp0:
0x11: {  	_ = 	snop;
	(pc) =	sbr.rel @p0 .LBB2_2-.Ltmp0, $3  }
0x12: {  	_ =	sdelay $0x1  }
0x13: {  	s12 =	sshra.s32 s11, $0x2  }
0x14: {  	s11 =	sadd.s32 $0x40, s11;
	[tilespmem:s12+$0x2780] =	vst v0  }
0x15: {  	s12 =	simm.s32 $0x0;
	s11 =	simm.s32 $0x40  }
.LBB2_4:
0x16: {  	p0 =	sne.s32 s11, $0x9C00;
	v2 =	vld [tilespmem:s12+$0x0];
	_ =	sdelay $0x3  }
.Ltmp1:
0x17: {  	(pc) =	sbr.rel @p0 .LBB2_4-.Ltmp1, $2  }
0x18: {  	_ =	sdelay $0x2  }
0x19: {  	s12 =	sshra.s32 s11, $0x2;
	s11 =	sadd.s32 $0x40, s11;
	[tilespmem:v2+s7+$0x0] =	vst.idx.add.f32.msk $0xffff, v1  }
0x1a: {  	v2 =	vld [tilespmem:s12+$0x0];
	_ =	sdelay $0x5  }
0x1b: {  	s10 =	sadd.s32 $0x1, s10  }
0x1c: {  	p0 =	sne.s32 s10, s5  }
.Ltmp2:
0x1d: {  	[tilespmem:v2+s7+$0x0] =	vst.idx.add.f32.msk $0xffff, v1;
	(pc) =	sbr.rel @p0 .LBB2_1-.Ltmp2, $4  }
0x1e: {  	[hbm4b:s4+s8] =	stream.strided.scatter [tilespmem:s7], [sflag:$0x1], $0x2780, s9, s8, $0x38;
	[tilespmem:$0x4F00] =	vst v63  }
0x1f: {  	_ =	swait.ge [sflag:s6], $0x2780  }
0x20: {  	[sflag:s6] =	ssyncset.done $0x0  }
0x21: {  	[sflag:s6] =	ssyncadd.s32 $0xFFFFD880  }
0x22: {  	_ =	sfence.sel $0x180000  }
0x23: {  	[bflag:$0x0] =	sbarrier.arrive $0xFFFF  }
0x24: {  	p0 =	sne.s32 s0, $0x0;
	_ =	strace $0x90000047  }
0x25: {  	s0 =	sadd.s32 @!p0 $0x100000, s1;
	[bflag:$0x2] =	sbarrier.arrive $0xFFFF  }
0x26: {  	[sflag:s0] =	ssyncadd.tile.s32 @!p0 $0x1;
	_ =	shalt  }
.Lfunc_end2:
_tile_overlayer_lowered:
.L_overlay_start_2:
0x27: {  	(tag) =	ssettag $0x2  }
0x28: {  	s0 =	rddreg [dreg:$0x0];
	s2 =	stileid.u32  }
0x29: {  	s1 =	rddreg [dreg:$0x1];
	p0 =	sne.s32 s2, $0x0  }
0x2a: {  	s3 =	rddreg [dreg:$0x2];
	[bflag:$0x3] =	sbarrier.arrive $0xFFFF;
	s2 =	simm.s32 @!p0 $0x1C01  }
0x2b: {  	[timem:s3], [sflag:s2] =	dma.local @!p0 [hbm:s0], s1  }
0x2c: {  	s0 =	simm.s32 @!p0 $0x1  }
0x2d: {  	_ =	swait.ge @!p0 [sflag:s0], s1  }
0x2e: {  	s1 =	ssub.s32 @!p0 $0x0, s1;
	[sflag:s0] =	ssyncset.done @!p0 $0x0  }
0x2f: {  	[sflag:s0] =	ssyncadd.s32 @!p0 s1  }
0x30: {  	[bflag:$0x3] =	sbarrier.arrive $0xFFFF  }
0x31: {  	_ =	shalt  }

</sc_bundles>
